<compile_context>
chip_gen: v7x
topology: tpu7x:2x2x1
jax: 0.10.2.dev20260603
libtpu: 0.0.44.dev20260713+nightly
codegen_flags: <defaults>
</compile_context>

<pallas_src>
import functools

import jax
import jax.numpy as jnp
from jax import lax
from jax.experimental import pallas as pl
from jax.experimental.pallas import tpu as pltpu
from jax.experimental.pallas import tpu_sc as plsc

B = 16384
DIM = 64
OUT_DIM = 4 * DIM
TEMPO_MIN = 60.0
TEMPO_MAX = 200.0
TEMPO_BINS = 100
DUR_MAX = 120.0
MOOD_V = 1000

NC = 2
NS = 16
NW = NC * NS
BPW = B // NW
CH = 128
HALF = BPW // 4
NH = BPW // HALF
LANES = 16
PDIM = DIM + 1


def _sc_gather_body(gids, mids, bins_hbm, gt, mt, tt,
                    cat_out,
                    gidx, midx, tbin, grow, mrow, trow,
                    mood_v, tempo_v, mood_s, tempo_s, sem):
    sid = lax.axis_index("s")
    wid = sid * NC + lax.axis_index("c")
    base = wid * BPW

    @pl.when(sid == 0)
    def _():
        pltpu.sync_copy(mt, mood_s)
        pltpu.sync_copy(tt, tempo_s)

    plsc.subcore_barrier()
    pltpu.sync_copy(mood_s, mood_v.at[:, pl.ds(0, DIM)])
    pltpu.sync_copy(tempo_s, tempo_v.at[:, pl.ds(0, DIM)])

    pltpu.sync_copy(gids.at[pl.ds(base, BPW)], gidx)
    pltpu.sync_copy(mids.at[pl.ds(base, BPW)], midx)
    pltpu.sync_copy(bins_hbm.at[pl.ds(base, BPW)], tbin)

    row_iota = jax.lax.iota(jnp.int32, LANES)
    out_handles = []

    for h in range(NH):
        for c in out_handles:
            c.wait()
        out_handles = []

        g_handles = []
        for i in range(HALF // CH):
            idx_slice = gidx.at[pl.ds(h * HALF + i * CH, CH)]
            g_handles.append(
                pltpu.async_copy(gt.at[idx_slice], grow.at[pl.ds(i * CH, CH)], sem))

        def group_body(g, carry):
            mids16 = midx[pl.ds(h * HALF + g * LANES, LANES)]
            tids16 = tbin[pl.ds(h * HALF + g * LANES, LANES)]
            rows16 = row_iota + g * LANES
            for f in range(DIM):
                fv = jnp.full((LANES,), f, jnp.int32)
                mv = plsc.load_gather(mood_v, [mids16, fv])
                plsc.store_scatter(mrow, [rows16, fv], mv)
                tv = plsc.load_gather(tempo_v, [tids16, fv])
                plsc.store_scatter(trow, [rows16, fv], tv)
            return carry

        lax.fori_loop(0, HALF // LANES, group_body, 0)

        for c in g_handles:
            c.wait()

        hb = base + h * HALF
        out_handles.append(pltpu.async_copy(
            grow, cat_out.at[pl.ds(hb, HALF), pl.ds(0, DIM)], sem))
        out_handles.append(pltpu.async_copy(
            mrow.at[:, pl.ds(0, DIM)],
            cat_out.at[pl.ds(hb, HALF), pl.ds(DIM, DIM)], sem))
        out_handles.append(pltpu.async_copy(
            trow.at[:, pl.ds(0, DIM)],
            cat_out.at[pl.ds(hb, HALF), pl.ds(2 * DIM, DIM)], sem))

    for c in out_handles:
        c.wait()


@jax.jit
def _sc_gather(gids, mids, bins, gt, mt, tt):
    mesh = plsc.VectorSubcoreMesh(core_axis_name="c", subcore_axis_name="s")
    f = functools.partial(
        pl.kernel,
        mesh=mesh,
        compiler_params=pltpu.CompilerParams(
            use_tc_tiling_on_sc=False, needs_layout_passes=False),
        out_type=jax.ShapeDtypeStruct((B, OUT_DIM), jnp.float32),
        scratch_types=[
            pltpu.VMEM((BPW,), jnp.int32),
            pltpu.VMEM((BPW,), jnp.int32),
            pltpu.VMEM((BPW,), jnp.int32),
            pltpu.VMEM((HALF, DIM), jnp.float32),
            pltpu.VMEM((HALF, PDIM), jnp.float32),
            pltpu.VMEM((HALF, PDIM), jnp.float32),
            pltpu.VMEM((MOOD_V, PDIM), jnp.float32),
            pltpu.VMEM((TEMPO_BINS, PDIM), jnp.float32),
            pltpu.VMEM_SHARED((MOOD_V, DIM), jnp.float32),
            pltpu.VMEM_SHARED((TEMPO_BINS, DIM), jnp.float32),
            pltpu.SemaphoreType.DMA,
        ],
    )(_sc_gather_body)
    return f(gids, mids, bins, gt, mt, tt)


def _tc_fuse_body(cat, d, w, bias, gam, bet, o):
    dn = jnp.clip(d[:] / DUR_MAX, 0.0, 1.0)
    dur = dn * w[:] + bias[:]
    cond = jnp.concatenate([cat[:, :3 * DIM], dur], axis=1)
    mu = jnp.mean(cond, axis=1, keepdims=True)
    var = jnp.mean(jnp.square(cond - mu), axis=1, keepdims=True)
    o[:] = (cond - mu) * lax.rsqrt(var + 1e-5) * gam[:] + bet[:]


@jax.jit
def _tc_fuse(cat, dur, w_row, b_row, gamma_row, beta_row):
    BLK = 4096
    grid = (B // BLK,)
    vec_spec = pl.BlockSpec((1, DIM), lambda i: (0, 0))
    out_spec = pl.BlockSpec((BLK, OUT_DIM), lambda i: (i, 0))
    return pl.pallas_call(
        _tc_fuse_body,
        grid=grid,
        in_specs=[
            pl.BlockSpec((BLK, OUT_DIM), lambda i: (i, 0)),
            pl.BlockSpec((BLK, 1), lambda i: (i, 0)),
            vec_spec, vec_spec,
            pl.BlockSpec((1, OUT_DIM), lambda i: (0, 0)),
            pl.BlockSpec((1, OUT_DIM), lambda i: (0, 0)),
        ],
        out_specs=out_spec,
        out_shape=jax.ShapeDtypeStruct((B, OUT_DIM), jnp.float32),
    )(cat, dur, w_row, b_row, gamma_row, beta_row)


def kernel(genre_ids, mood_ids, tempo, duration, genre_table, mood_table,
           tempo_table, dur_W, dur_b, gamma, beta):
    t = jnp.clip(tempo, TEMPO_MIN, TEMPO_MAX)
    normalized = (t - TEMPO_MIN) / (TEMPO_MAX - TEMPO_MIN)
    bins = (normalized * (TEMPO_BINS - 1)).astype(jnp.int32)
    cat = _sc_gather(genre_ids, mood_ids, bins,
                     genre_table, mood_table, tempo_table)
    return _tc_fuse(cat,
                    duration.reshape(B, 1),
                    dur_W.reshape(1, DIM),
                    dur_b.reshape(1, DIM),
                    gamma.reshape(1, OUT_DIM),
                    beta.reshape(1, OUT_DIM))

# --- scband reference (transcript-rebuilt; emitter-appended) ---
"""Pipeline reference for scband-conditioning-encoder-29283087024936 (READ-ONLY COPY).

The authoritative reference and input builder live on the scoring server;
editing this copy changes nothing except your own understanding.
"""

import jax, jax.numpy as jnp
import numpy as np

B = 16384
GENRE_V = 100000
MOOD_V = 1000
TEMPO_BINS = 100
DIM = 64
TEMPO_MIN = 60.0
TEMPO_MAX = 200.0
DUR_MAX = 120.0
OUT_DIM = 4 * DIM


def setup_inputs(seed: int = 0) -> dict:
    key = jax.random.key(seed)
    ks = jax.random.split(key, 9)
    genre_ids = jax.random.randint(ks[0], (B,), 0, GENRE_V, dtype=jnp.int32)
    mood_ids = jax.random.randint(ks[1], (B,), 0, MOOD_V, dtype=jnp.int32)
    tempo = jax.random.uniform(ks[2], (B,), jnp.float32, 0.0, 200.0)
    duration = jax.random.uniform(ks[3], (B,), jnp.float32, 0.0, 150.0)
    genre_table = jax.random.normal(ks[4], (GENRE_V, DIM), jnp.float32)
    mood_table = jax.random.normal(ks[5], (MOOD_V, DIM), jnp.float32)
    tempo_table = jax.random.normal(ks[6], (TEMPO_BINS, DIM), jnp.float32)
    dur_W = jax.random.normal(ks[7], (DIM, 1), jnp.float32) * 0.1
    dur_b = jnp.zeros((DIM,), jnp.float32)
    gamma = jnp.ones((OUT_DIM,), jnp.float32)
    beta = jnp.zeros((OUT_DIM,), jnp.float32)
    return {
        'genre_ids': genre_ids,
        'mood_ids': mood_ids,
        'tempo': tempo,
        'duration': duration,
        'genre_table': genre_table,
        'mood_table': mood_table,
        'tempo_table': tempo_table,
        'dur_W': dur_W,
        'dur_b': dur_b,
        'gamma': gamma,
        'beta': beta,
    }


def reference(genre_ids, mood_ids, tempo, duration, genre_table, mood_table, tempo_table, dur_W, dur_b, gamma, beta):
    # genre / mood embedding lookups (gather)
    genre_emb = jnp.take(genre_table, genre_ids, axis=0)
    mood_emb = jnp.take(mood_table, mood_ids, axis=0)
    # tempo -> bin -> embedding lookup
    t = jnp.clip(tempo, TEMPO_MIN, TEMPO_MAX)
    normalized = (t - TEMPO_MIN) / (TEMPO_MAX - TEMPO_MIN)
    bins = (normalized * (TEMPO_BINS - 1)).astype(jnp.int32)
    tempo_emb = jnp.take(tempo_table, bins, axis=0)
    # duration -> normalized scalar -> linear projection
    dur_norm = jnp.clip(duration / DUR_MAX, 0.0, 1.0)[:, None]
    dur_emb = dur_norm @ dur_W.T + dur_b
    # concat fusion
    cond = jnp.concatenate([genre_emb, mood_emb, tempo_emb, dur_emb], axis=-1)
    # dropout p=0.0 (eval): identity
    # LayerNorm over last dim
    mu = jnp.mean(cond, axis=-1, keepdims=True)
    var = jnp.var(cond, axis=-1, keepdims=True)
    out = (cond - mu) / jnp.sqrt(var + 1e-5) * gamma + beta
    return out

if __name__ == "__main__":
    import jax
    _d = setup_inputs()
    print(jax.jit(kernel)(*tuple(_d.values())))

</pallas_src>

<mosaic_0001>
#map = affine_map<(d0, d1) -> (0)>
#map1 = affine_map<(d0, d1) -> (0, 0)>
module attributes {stable_mosaic.version = 14 : i64} {
  func.func @_sc_gather_body(%arg0: i32, %arg1: i32, %arg2: memref<16384xi32, #tpu.memory_space<hbm>>, %arg3: memref<16384xi32, #tpu.memory_space<hbm>>, %arg4: memref<16384xi32, #tpu.memory_space<hbm>>, %arg5: memref<100000x64xf32, #tpu.memory_space<hbm>>, %arg6: memref<1000x64xf32, #tpu.memory_space<hbm>>, %arg7: memref<100x64xf32, #tpu.memory_space<hbm>>, %arg8: memref<16384x256xf32, #tpu.memory_space<hbm>>, %arg9: memref<512xi32, #tpu.memory_space<vmem>>, %arg10: memref<512xi32, #tpu.memory_space<vmem>>, %arg11: memref<512xi32, #tpu.memory_space<vmem>>, %arg12: memref<128x64xf32, #tpu.memory_space<vmem>>, %arg13: memref<128x65xf32, #tpu.memory_space<vmem>>, %arg14: memref<128x65xf32, #tpu.memory_space<vmem>>, %arg15: memref<1000x65xf32, #tpu.memory_space<vmem>>, %arg16: memref<100x65xf32, #tpu.memory_space<vmem>>, %arg17: memref<1000x64xf32, #tpu.memory_space<vmem_shared>>, %arg18: memref<100x64xf32, #tpu.memory_space<vmem_shared>>, %arg19: memref<!tpu.dma_semaphore, #tpu.memory_space<semaphore_mem>>) attributes {dimension_semantics = [#tpu.dimension_semantics<core_parallel>, #tpu.dimension_semantics<subcore_parallel>], iteration_bounds = array<i64: 2, 16>, scalar_prefetch = 0 : i64, scratch_operands = 11 : i64, tpu.core_type = #tpu.core_type<sc_vector_subcore>, window_params = [{transform_indices = #map}, {transform_indices = #map}, {transform_indices = #map}, {transform_indices = #map1}, {transform_indices = #map1}, {transform_indices = #map1}, {transform_indices = #map1}]} {
    %mul3A = arith.constant 2 : i32
    %mul3A_0 = arith.muli %arg1, %mul3A : i32
    %add3A = arith.addi %mul3A_0, %arg0 : i32
    %mul3A_1 = arith.constant 512 : i32
    %mul3A_2 = arith.muli %add3A, %mul3A_1 : i32
    %eq3A = arith.constant 0 : i32
    %eq3A_3 = arith.cmpi eq, %arg1, %eq3A : i32
    %convert_element_type3A = arith.extui %eq3A_3 : i1 to i32
    %cond3A = arith.constant 0 : i32
    %cond3A_4 = arith.cmpi ne, %convert_element_type3A, %cond3A : i32
    scf.if %cond3A_4 {
      "tpu.region"() ({
        %run_scoped3A = tpu.sem_alloc : memref<!tpu.dma_semaphore, #tpu.memory_space<semaphore_mem>>
        tpu.enqueue_dma source(%arg6 : memref<1000x64xf32, #tpu.memory_space<hbm>>) target(%arg17 : memref<1000x64xf32, #tpu.memory_space<vmem_shared>>) target_semaphore(%run_scoped3A : memref<!tpu.dma_semaphore, #tpu.memory_space<semaphore_mem>>)
        tpu.wait_dma2 semaphore(%run_scoped3A : memref<!tpu.dma_semaphore, #tpu.memory_space<semaphore_mem>>) src(%arg6 : memref<1000x64xf32, #tpu.memory_space<hbm>>) dst(%arg17 : memref<1000x64xf32, #tpu.memory_space<vmem_shared>>)
        tpu.yield
      }) : () -> ()
      "tpu.region"() ({
        %run_scoped3A = tpu.sem_alloc : memref<!tpu.dma_semaphore, #tpu.memory_space<semaphore_mem>>
        tpu.enqueue_dma source(%arg7 : memref<100x64xf32, #tpu.memory_space<hbm>>) target(%arg18 : memref<100x64xf32, #tpu.memory_space<vmem_shared>>) target_semaphore(%run_scoped3A : memref<!tpu.dma_semaphore, #tpu.memory_space<semaphore_mem>>)
        tpu.wait_dma2 semaphore(%run_scoped3A : memref<!tpu.dma_semaphore, #tpu.memory_space<semaphore_mem>>) src(%arg7 : memref<100x64xf32, #tpu.memory_space<hbm>>) dst(%arg18 : memref<100x64xf32, #tpu.memory_space<vmem_shared>>)
        tpu.yield
      }) : () -> ()
    } else {
    }
    %barrier3A = arith.constant 0 : index
    tpu.barrier barrier_id(%barrier3A)
    "tpu.region"() ({
      %run_scoped3A = tpu.sem_alloc : memref<!tpu.dma_semaphore, #tpu.memory_space<semaphore_mem>>
      %dma_start3A_290 = arith.constant 0 : i32
      %dma_start3A_291 = arith.constant 0 : i32
      %dma_start3A_292 = tpu.memref_slice %arg15[%dma_start3A_290, %dma_start3A_291] : memref<1000x65xf32, #tpu.memory_space<vmem>> -> memref<1000x64xf32, #tpu.memory_space<vmem>>
      %dma_start3A_293 = arith.constant 0 : i32
      %dma_start3A_294 = arith.constant 0 : i32
      %dma_start3A_295 = tpu.memref_slice %arg15[%dma_start3A_293, %dma_start3A_294] : memref<1000x65xf32, #tpu.memory_space<vmem>> -> memref<1000x64xf32, #tpu.memory_space<vmem>>
      tpu.enqueue_dma source(%arg17 : memref<1000x64xf32, #tpu.memory_space<vmem_shared>>) target(%dma_start3A_295 : memref<1000x64xf32, #tpu.memory_space<vmem>>) target_semaphore(%run_scoped3A : memref<!tpu.dma_semaphore, #tpu.memory_space<semaphore_mem>>)
      %dma_wait3A_296 = arith.constant 0 : i32
      %dma_wait3A_297 = arith.constant 0 : i32
      %dma_wait3A_298 = tpu.memref_slice %arg15[%dma_wait3A_296, %dma_wait3A_297] : memref<1000x65xf32, #tpu.memory_space<vmem>> -> memref<1000x64xf32, #tpu.memory_space<vmem>>
      %dma_wait3A_299 = arith.constant 0 : i32
      %dma_wait3A_300 = arith.constant 0 : i32
      %dma_wait3A_301 = tpu.memref_slice %arg15[%dma_wait3A_299, %dma_wait3A_300] : memref<1000x65xf32, #tpu.memory_space<vmem>> -> memref<1000x64xf32, #tpu.memory_space<vmem>>
      tpu.wait_dma2 semaphore(%run_scoped3A : memref<!tpu.dma_semaphore, #tpu.memory_space<semaphore_mem>>) src(%arg17 : memref<1000x64xf32, #tpu.memory_space<vmem_shared>>) dst(%dma_wait3A_301 : memref<1000x64xf32, #tpu.memory_space<vmem>>)
      tpu.yield
    }) : () -> ()
    "tpu.region"() ({
      %run_scoped3A = tpu.sem_alloc : memref<!tpu.dma_semaphore, #tpu.memory_space<semaphore_mem>>
      %dma_start3A_290 = arith.constant 0 : i32
      %dma_start3A_291 = arith.constant 0 : i32
      %dma_start3A_292 = tpu.memref_slice %arg16[%dma_start3A_290, %dma_start3A_291] : memref<100x65xf32, #tpu.memory_space<vmem>> -> memref<100x64xf32, #tpu.memory_space<vmem>>
      %dma_start3A_293 = arith.constant 0 : i32
      %dma_start3A_294 = arith.constant 0 : i32
      %dma_start3A_295 = tpu.memref_slice %arg16[%dma_start3A_293, %dma_start3A_294] : memref<100x65xf32, #tpu.memory_space<vmem>> -> memref<100x64xf32, #tpu.memory_space<vmem>>
      tpu.enqueue_dma source(%arg18 : memref<100x64xf32, #tpu.memory_space<vmem_shared>>) target(%dma_start3A_295 : memref<100x64xf32, #tpu.memory_space<vmem>>) target_semaphore(%run_scoped3A : memref<!tpu.dma_semaphore, #tpu.memory_space<semaphore_mem>>)
      %dma_wait3A_296 = arith.constant 0 : i32
      %dma_wait3A_297 = arith.constant 0 : i32
      %dma_wait3A_298 = tpu.memref_slice %arg16[%dma_wait3A_296, %dma_wait3A_297] : memref<100x65xf32, #tpu.memory_space<vmem>> -> memref<100x64xf32, #tpu.memory_space<vmem>>
      %dma_wait3A_299 = arith.constant 0 : i32
      %dma_wait3A_300 = arith.constant 0 : i32
      %dma_wait3A_301 = tpu.memref_slice %arg16[%dma_wait3A_299, %dma_wait3A_300] : memref<100x65xf32, #tpu.memory_space<vmem>> -> memref<100x64xf32, #tpu.memory_space<vmem>>
      tpu.wait_dma2 semaphore(%run_scoped3A : memref<!tpu.dma_semaphore, #tpu.memory_space<semaphore_mem>>) src(%arg18 : memref<100x64xf32, #tpu.memory_space<vmem_shared>>) dst(%dma_wait3A_301 : memref<100x64xf32, #tpu.memory_space<vmem>>)
      tpu.yield
    }) : () -> ()
    "tpu.region"() ({
      %run_scoped3A = tpu.sem_alloc : memref<!tpu.dma_semaphore, #tpu.memory_space<semaphore_mem>>
      %dma_start3A_290 = tpu.memref_slice %arg2[%mul3A_2] : memref<16384xi32, #tpu.memory_space<hbm>> -> memref<512xi32, #tpu.memory_space<hbm>>
      %dma_start3A_291 = tpu.memref_slice %arg2[%mul3A_2] : memref<16384xi32, #tpu.memory_space<hbm>> -> memref<512xi32, #tpu.memory_space<hbm>>
      tpu.enqueue_dma source(%dma_start3A_291 : memref<512xi32, #tpu.memory_space<hbm>>) target(%arg9 : memref<512xi32, #tpu.memory_space<vmem>>) target_semaphore(%run_scoped3A : memref<!tpu.dma_semaphore, #tpu.memory_space<semaphore_mem>>)
      %dma_wait3A_292 = tpu.memref_slice %arg2[%mul3A_2] : memref<16384xi32, #tpu.memory_space<hbm>> -> memref<512xi32, #tpu.memory_space<hbm>>
      %dma_wait3A_293 = tpu.memref_slice %arg2[%mul3A_2] : memref<16384xi32, #tpu.memory_space<hbm>> -> memref<512xi32, #tpu.memory_space<hbm>>
      tpu.wait_dma2 semaphore(%run_scoped3A : memref<!tpu.dma_semaphore, #tpu.memory_space<semaphore_mem>>) src(%dma_wait3A_293 : memref<512xi32, #tpu.memory_space<hbm>>) dst(%arg9 : memref<512xi32, #tpu.memory_space<vmem>>)
      tpu.yield
    }) : () -> ()
    "tpu.region"() ({
      %run_scoped3A = tpu.sem_alloc : memref<!tpu.dma_semaphore, #tpu.memory_space<semaphore_mem>>
      %dma_start3A_290 = tpu.memref_slice %arg3[%mul3A_2] : memref<16384xi32, #tpu.memory_space<hbm>> -> memref<512xi32, #tpu.memory_space<hbm>>
      %dma_start3A_291 = tpu.memref_slice %arg3[%mul3A_2] : memref<16384xi32, #tpu.memory_space<hbm>> -> memref<512xi32, #tpu.memory_space<hbm>>
      tpu.enqueue_dma source(%dma_start3A_291 : memref<512xi32, #tpu.memory_space<hbm>>) target(%arg10 : memref<512xi32, #tpu.memory_space<vmem>>) target_semaphore(%run_scoped3A : memref<!tpu.dma_semaphore, #tpu.memory_space<semaphore_mem>>)
      %dma_wait3A_292 = tpu.memref_slice %arg3[%mul3A_2] : memref<16384xi32, #tpu.memory_space<hbm>> -> memref<512xi32, #tpu.memory_space<hbm>>
      %dma_wait3A_293 = tpu.memref_slice %arg3[%mul3A_2] : memref<16384xi32, #tpu.memory_space<hbm>> -> memref<512xi32, #tpu.memory_space<hbm>>
      tpu.wait_dma2 semaphore(%run_scoped3A : memref<!tpu.dma_semaphore, #tpu.memory_space<semaphore_mem>>) src(%dma_wait3A_293 : memref<512xi32, #tpu.memory_space<hbm>>) dst(%arg10 : memref<512xi32, #tpu.memory_space<vmem>>)
      tpu.yield
    }) : () -> ()
    "tpu.region"() ({
      %run_scoped3A = tpu.sem_alloc : memref<!tpu.dma_semaphore, #tpu.memory_space<semaphore_mem>>
      %dma_start3A_290 = tpu.memref_slice %arg4[%mul3A_2] : memref<16384xi32, #tpu.memory_space<hbm>> -> memref<512xi32, #tpu.memory_space<hbm>>
      %dma_start3A_291 = tpu.memref_slice %arg4[%mul3A_2] : memref<16384xi32, #tpu.memory_space<hbm>> -> memref<512xi32, #tpu.memory_space<hbm>>
      tpu.enqueue_dma source(%dma_start3A_291 : memref<512xi32, #tpu.memory_space<hbm>>) target(%arg11 : memref<512xi32, #tpu.memory_space<vmem>>) target_semaphore(%run_scoped3A : memref<!tpu.dma_semaphore, #tpu.memory_space<semaphore_mem>>)
      %dma_wait3A_292 = tpu.memref_slice %arg4[%mul3A_2] : memref<16384xi32, #tpu.memory_space<hbm>> -> memref<512xi32, #tpu.memory_space<hbm>>
      %dma_wait3A_293 = tpu.memref_slice %arg4[%mul3A_2] : memref<16384xi32, #tpu.memory_space<hbm>> -> memref<512xi32, #tpu.memory_space<hbm>>
      tpu.wait_dma2 semaphore(%run_scoped3A : memref<!tpu.dma_semaphore, #tpu.memory_space<semaphore_mem>>) src(%dma_wait3A_293 : memref<512xi32, #tpu.memory_space<hbm>>) dst(%arg11 : memref<512xi32, #tpu.memory_space<vmem>>)
      tpu.yield
    }) : () -> ()
    %iota3A = tpu.iota {dimensions = array<i32: 0>} : vector<16xi32>
    %dma_start3A = arith.constant 0 : i32
    %dma_start3A_5 = arith.constant 0 : i32
    %dma_start3A_6 = tpu.memref_slice %arg12[%dma_start3A, %dma_start3A_5] : memref<128x64xf32, #tpu.memory_space<vmem>> -> memref<128x64xf32, #tpu.memory_space<vmem>>
    %dma_start3A_7 = arith.constant 0 : i32
    %dma_start3A_8 = tpu.memref_slice %arg9[%dma_start3A_7] : memref<512xi32, #tpu.memory_space<vmem>> -> memref<128xi32, #tpu.memory_space<vmem>>
    %dma_start3A_9 = arith.constant 0 : i32
    %dma_start3A_10 = arith.constant 0 : i32
    %dma_start3A_11 = tpu.memref_slice %arg5[%dma_start3A_9, %dma_start3A_10] : memref<100000x64xf32, #tpu.memory_space<hbm>> -> memref<100000x64xf32, #tpu.memory_space<hbm>>
    tpu.enqueue_indirect_dma source(%dma_start3A_11 : memref<100000x64xf32, #tpu.memory_space<hbm>>) target(%dma_start3A_6 : memref<128x64xf32, #tpu.memory_space<vmem>>) offsets(%dma_start3A_8 : memref<128xi32, #tpu.memory_space<vmem>>) semaphore(%arg19 : memref<!tpu.dma_semaphore, #tpu.memory_space<semaphore_mem>>)
    %scan3A = arith.constant 0 : i32
    %scan3A_12 = arith.constant 0 : i32
    %scan3A_13 = arith.constant 8 : i32
    %scan3A_14 = arith.addi %scan3A_12, %scan3A_13 : i32
    %scan3A_15 = arith.constant 1 : i32
    scf.for %scan3A_290 = %scan3A_12 to %scan3A_14 step %scan3A_15  : i32 {
      %mul3A_291 = arith.constant 16 : i32
      %mul3A_292 = arith.muli %scan3A_290, %mul3A_291 : i32
      %add3A_293 = arith.constant 0 : i32
      %add3A_294 = arith.addi %add3A_293, %mul3A_292 : i32
      %get3A = arith.index_cast %add3A_294 : i32 to index
      %get3A_295 = tpu.vector_load %arg10[%get3A] {strides = array<i32>} : memref<512xi32, #tpu.memory_space<vmem>>, vector<16xi32>,
      %mul3A_296 = arith.constant 16 : i32
      %mul3A_297 = arith.muli %scan3A_290, %mul3A_296 : i32
      %add3A_298 = arith.constant 0 : i32
      %add3A_299 = arith.addi %add3A_298, %mul3A_297 : i32
      %get3A_300 = arith.index_cast %add3A_299 : i32 to index
      %get3A_301 = tpu.vector_load %arg11[%get3A_300] {strides = array<i32>} : memref<512xi32, #tpu.memory_space<vmem>>, vector<16xi32>,
      %mul3A_302 = arith.constant 16 : i32
      %mul3A_303 = arith.muli %scan3A_290, %mul3A_302 : i32
      %add3A_304 = vector.broadcast %mul3A_303 : i32 to vector<16xi32>
      %add3A_305 = arith.addi %iota3A, %add3A_304 : vector<16xi32>
      %broadcast_in_dim3A = arith.constant 0 : i32
      %broadcast_in_dim3A_306 = vector.broadcast %broadcast_in_dim3A : i32 to vector<16xi32>
      %gather3A = tpu.vector_load_idx %arg15[%get3A_295, %broadcast_in_dim3A_306] : memref<1000x65xf32, #tpu.memory_space<vmem>>[vector<16xi32>, vector<16xi32>], vector<16xf32>,
      tpu.vector_store_idx %arg13[%add3A_305, %broadcast_in_dim3A_306], %gather3A : memref<128x65xf32, #tpu.memory_space<vmem>>[vector<16xi32>, vector<16xi32>], vector<16xf32>,
      %gather3A_307 = tpu.vector_load_idx %arg16[%get3A_301, %broadcast_in_dim3A_306] : memref<100x65xf32, #tpu.memory_space<vmem>>[vector<16xi32>, vector<16xi32>], vector<16xf32>,
      tpu.vector_store_idx %arg14[%add3A_305, %broadcast_in_dim3A_306], %gather3A_307 : memref<128x65xf32, #tpu.memory_space<vmem>>[vector<16xi32>, vector<16xi32>], vector<16xf32>,
      %broadcast_in_dim3A_308 = arith.constant 1 : i32
      %broadcast_in_dim3A_309 = vector.broadcast %broadcast_in_dim3A_308 : i32 to vector<16xi32>
      %gather3A_310 = tpu.vector_load_idx %arg15[%get3A_295, %broadcast_in_dim3A_309] : memref<1000x65xf32, #tpu.memory_space<vmem>>[vector<16xi32>, vector<16xi32>], vector<16xf32>,
      tpu.vector_store_idx %arg13[%add3A_305, %broadcast_in_dim3A_309], %gather3A_310 : memref<128x65xf32, #tpu.memory_space<vmem>>[vector<16xi32>, vector<16xi32>], vector<16xf32>,
      %gather3A_311 = tpu.vector_load_idx %arg16[%get3A_301, %broadcast_in_dim3A_309] : memref<100x65xf32, #tpu.memory_space<vmem>>[vector<16xi32>, vector<16xi32>], vector<16xf32>,
      tpu.vector_store_idx %arg14[%add3A_305, %broadcast_in_dim3A_309], %gather3A_311 : memref<128x65xf32, #tpu.memory_space<vmem>>[vector<16xi32>, vector<16xi32>], vector<16xf32>,
      %broadcast_in_dim3A_312 = arith.constant 2 : i32
      %broadcast_in_dim3A_313 = vector.broadcast %broadcast_in_dim3A_312 : i32 to vector<16xi32>
      %gather3A_314 = tpu.vector_load_idx %arg15[%get3A_295, %broadcast_in_dim3A_313] : memref<1000x65xf32, #tpu.memory_space<vmem>>[vector<16xi32>, vector<16xi32>], vector<16xf32>,
      tpu.vector_store_idx %arg13[%add3A_305, %broadcast_in_dim3A_313], %gather3A_314 : memref<128x65xf32, #tpu.memory_space<vmem>>[vector<16xi32>, vector<16xi32>], vector<16xf32>,
      %gather3A_315 = tpu.vector_load_idx %arg16[%get3A_301, %broadcast_in_dim3A_313] : memref<100x65xf32, #tpu.memory_space<vmem>>[vector<16xi32>, vector<16xi32>], vector<16xf32>,
      tpu.vector_store_idx %arg14[%add3A_305, %broadcast_in_dim3A_313], %gather3A_315 : memref<128x65xf32, #tpu.memory_space<vmem>>[vector<16xi32>, vector<16xi32>], vector<16xf32>,
      %broadcast_in_dim3A_316 = arith.constant 3 : i32
      %broadcast_in_dim3A_317 = vector.broadcast %broadcast_in_dim3A_316 : i32 to vector<16xi32>
      %gather3A_318 = tpu.vector_load_idx %arg15[%get3A_295, %broadcast_in_dim3A_317] : memref<1000x65xf32, #tpu.memory_space<vmem>>[vector<16xi32>, vector<16xi32>], vector<16xf32>,
      tpu.vector_store_idx %arg13[%add3A_305, %broadcast_in_dim3A_317], %gather3A_318 : memref<128x65xf32, #tpu.memory_space<vmem>>[vector<16xi32>, vector<16xi32>], vector<16xf32>,
      %gather3A_319 = tpu.vector_load_idx %arg16[%get3A_301, %broadcast_in_dim3A_317] : memref<100x65xf32, #tpu.memory_space<vmem>>[vector<16xi32>, vector<16xi32>], vector<16xf32>,
      tpu.vector_store_idx %arg14[%add3A_305, %broadcast_in_dim3A_317], %gather3A_319 : memref<128x65xf32, #tpu.memory_space<vmem>>[vector<16xi32>, vector<16xi32>], vector<16xf32>,
      %broadcast_in_dim3A_320 = arith.constant 4 : i32
      %broadcast_in_dim3A_321 = vector.broadcast %broadcast_in_dim3A_320 : i32 to vector<16xi32>
      %gather3A_322 = tpu.vector_load_idx %arg15[%get3A_295, %broadcast_in_dim3A_321] : memref<1000x65xf32, #tpu.memory_space<vmem>>[vector<16xi32>, vector<16xi32>], vector<16xf32>,
      tpu.vector_store_idx %arg13[%add3A_305, %broadcast_in_dim3A_321], %gather3A_322 : memref<128x65xf32, #tpu.memory_space<vmem>>[vector<16xi32>, vector<16xi32>], vector<16xf32>,
      %gather3A_323 = tpu.vector_load_idx %arg16[%get3A_301, %broadcast_in_dim3A_321] : memref<100x65xf32, #tpu.memory_space<vmem>>[vector<16xi32>, vector<16xi32>], vector<16xf32>,
      tpu.vector_store_idx %arg14[%add3A_305, %broadcast_in_dim3A_321], %gather3A_323 : memref<128x65xf32, #tpu.memory_space<vmem>>[vector<16xi32>, vector<16xi32>], vector<16xf32>,
      %broadcast_in_dim3A_324 = arith.constant 5 : i32
      %broadcast_in_dim3A_325 = vector.broadcast %broadcast_in_dim3A_324 : i32 to vector<16xi32>
      %gather3A_326 = tpu.vector_load_idx %arg15[%get3A_295, %broadcast_in_dim3A_325] : memref<1000x65xf32, #tpu.memory_space<vmem>>[vector<16xi32>, vector<16xi32>], vector<16xf32>,
      tpu.vector_store_idx %arg13[%add3A_305, %broadcast_in_dim3A_325], %gather3A_326 : memref<128x65xf32, #tpu.memory_space<vmem>>[vector<16xi32>, vector<16xi32>], vector<16xf32>,
      %gather3A_327 = tpu.vector_load_idx %arg16[%get3A_301, %broadcast_in_dim3A_325] : memref<100x65xf32, #tpu.memory_space<vmem>>[vector<16xi32>, vector<16xi32>], vector<16xf32>,
      tpu.vector_store_idx %arg14[%add3A_305, %broadcast_in_dim3A_325], %gather3A_327 : memref<128x65xf32, #tpu.memory_space<vmem>>[vector<16xi32>, vector<16xi32>], vector<16xf32>,
      %broadcast_in_dim3A_328 = arith.constant 6 : i32
      %broadcast_in_dim3A_329 = vector.broadcast %broadcast_in_dim3A_328 : i32 to vector<16xi32>
      %gather3A_330 = tpu.vector_load_idx %arg15[%get3A_295, %broadcast_in_dim3A_329] : memref<1000x65xf32, #tpu.memory_space<vmem>>[vector<16xi32>, vector<16xi32>], vector<16xf32>,
      tpu.vector_store_idx %arg13[%add3A_305, %broadcast_in_dim3A_329], %gather3A_330 : memref<128x65xf32, #tpu.memory_space<vmem>>[vector<16xi32>, vector<16xi32>], vector<16xf32>,
      %gather3A_331 = tpu.vector_load_idx %arg16[%get3A_301, %broadcast_in_dim3A_329] : memref<100x65xf32, #tpu.memory_space<vmem>>[vector<16xi32>, vector<16xi32>], vector<16xf32>,
      tpu.vector_store_idx %arg14[%add3A_305, %broadcast_in_dim3A_329], %gather3A_331 : memref<128x65xf32, #tpu.memory_space<vmem>>[vector<16xi32>, vector<16xi32>], vector<16xf32>,
      %broadcast_in_dim3A_332 = arith.constant 7 : i32
      %broadcast_in_dim3A_333 = vector.broadcast %broadcast_in_dim3A_332 : i32 to vector<16xi32>
      %gather3A_334 = tpu.vector_load_idx %arg15[%get3A_295, %broadcast_in_dim3A_333] : memref<1000x65xf32, #tpu.memory_space<vmem>>[vector<16xi32>, vector<16xi32>], vector<16xf32>,
      tpu.vector_store_idx %arg13[%add3A_305, %broadcast_in_dim3A_333], %gather3A_334 : memref<128x65xf32, #tpu.memory_space<vmem>>[vector<16xi32>, vector<16xi32>], vector<16xf32>,
      %gather3A_335 = tpu.vector_load_idx %arg16[%get3A_301, %broadcast_in_dim3A_333] : memref<100x65xf32, #tpu.memory_space<vmem>>[vector<16xi32>, vector<16xi32>], vector<16xf32>,
      tpu.vector_store_idx %arg14[%add3A_305, %broadcast_in_dim3A_333], %gather3A_335 : memref<128x65xf32, #tpu.memory_space<vmem>>[vector<16xi32>, vector<16xi32>], vector<16xf32>,
      %broadcast_in_dim3A_336 = arith.constant 8 : i32
      %broadcast_in_dim3A_337 = vector.broadcast %broadcast_in_dim3A_336 : i32 to vector<16xi32>
      %gather3A_338 = tpu.vector_load_idx %arg15[%get3A_295, %broadcast_in_dim3A_337] : memref<1000x65xf32, #tpu.memory_space<vmem>>[vector<16xi32>, vector<16xi32>], vector<16xf32>,
      tpu.vector_store_idx %arg13[%add3A_305, %broadcast_in_dim3A_337], %gather3A_338 : memref<128x65xf32, #tpu.memory_space<vmem>>[vector<16xi32>, vector<16xi32>], vector<16xf32>,
      %gather3A_339 = tpu.vector_load_idx %arg16[%get3A_301, %broadcast_in_dim3A_337] : memref<100x65xf32, #tpu.memory_space<vmem>>[vector<16xi32>, vector<16xi32>], vector<16xf32>,
      tpu.vector_store_idx %arg14[%add3A_305, %broadcast_in_dim3A_337], %gather3A_339 : memref<128x65xf32, #tpu.memory_space<vmem>>[vector<16xi32>, vector<16xi32>], vector<16xf32>,
      %broadcast_in_dim3A_340 = arith.constant 9 : i32
      %broadcast_in_dim3A_341 = vector.broadcast %broadcast_in_dim3A_340 : i32 to vector<16xi32>
      %gather3A_342 = tpu.vector_load_idx %arg15[%get3A_295, %broadcast_in_dim3A_341] : memref<1000x65xf32, #tpu.memory_space<vmem>>[vector<16xi32>, vector<16xi32>], vector<16xf32>,
      tpu.vector_store_idx %arg13[%add3A_305, %broadcast_in_dim3A_341], %gather3A_342 : memref<128x65xf32, #tpu.memory_space<vmem>>[vector<16xi32>, vector<16xi32>], vector<16xf32>,
      %gather3A_343 = tpu.vector_load_idx %arg16[%get3A_301, %broadcast_in_dim3A_341] : memref<100x65xf32, #tpu.memory_space<vmem>>[vector<16xi32>, vector<16xi32>], vector<16xf32>,
      tpu.vector_store_idx %arg14[%add3A_305, %broadcast_in_dim3A_341], %gather3A_343 : memref<128x65xf32, #tpu.memory_space<vmem>>[vector<16xi32>, vector<16xi32>], vector<16xf32>,
      %broadcast_in_dim3A_344 = arith.constant 10 : i32
      %broadcast_in_dim3A_345 = vector.broadcast %broadcast_in_dim3A_344 : i32 to vector<16xi32>
      %gather3A_346 = tpu.vector_load_idx %arg15[%get3A_295, %broadcast_in_dim3A_345] : memref<1000x65xf32, #tpu.memory_space<vmem>>[vector<16xi32>, vector<16xi32>], vector<16xf32>,
      tpu.vector_store_idx %arg13[%add3A_305, %broadcast_in_dim3A_345], %gather3A_346 : memref<128x65xf32, #tpu.memory_space<vmem>>[vector<16xi32>, vector<16xi32>], vector<16xf32>,
      %gather3A_347 = tpu.vector_load_idx %arg16[%get3A_301, %broadcast_in_dim3A_345] : memref<100x65xf32, #tpu.memory_space<vmem>>[vector<16xi32>, vector<16xi32>], vector<16xf32>,
      tpu.vector_store_idx %arg14[%add3A_305, %broadcast_in_dim3A_345], %gather3A_347 : memref<128x65xf32, #tpu.memory_space<vmem>>[vector<16xi32>, vector<16xi32>], vector<16xf32>,
      %broadcast_in_dim3A_348 = arith.constant 11 : i32
      %broadcast_in_dim3A_349 = vector.broadcast %broadcast_in_dim3A_348 : i32 to vector<16xi32>
      %gather3A_350 = tpu.vector_load_idx %arg15[%get3A_295, %broadcast_in_dim3A_349] : memref<1000x65xf32, #tpu.memory_space<vmem>>[vector<16xi32>, vector<16xi32>], vector<16xf32>,
      tpu.vector_store_idx %arg13[%add3A_305, %broadcast_in_dim3A_349], %gather3A_350 : memref<128x65xf32, #tpu.memory_space<vmem>>[vector<16xi32>, vector<16xi32>], vector<16xf32>,
      %gather3A_351 = tpu.vector_load_idx %arg16[%get3A_301, %broadcast_in_dim3A_349] : memref<100x65xf32, #tpu.memory_space<vmem>>[vector<16xi32>, vector<16xi32>], vector<16xf32>,
      tpu.vector_store_idx %arg14[%add3A_305, %broadcast_in_dim3A_349], %gather3A_351 : memref<128x65xf32, #tpu.memory_space<vmem>>[vector<16xi32>, vector<16xi32>], vector<16xf32>,
      %broadcast_in_dim3A_352 = arith.constant 12 : i32
      %broadcast_in_dim3A_353 = vector.broadcast %broadcast_in_dim3A_352 : i32 to vector<16xi32>
      %gather3A_354 = tpu.vector_load_idx %arg15[%get3A_295, %broadcast_in_dim3A_353] : memref<1000x65xf32, #tpu.memory_space<vmem>>[vector<16xi32>, vector<16xi32>], vector<16xf32>,
      tpu.vector_store_idx %arg13[%add3A_305, %broadcast_in_dim3A_353], %gather3A_354 : memref<128x65xf32, #tpu.memory_space<vmem>>[vector<16xi32>, vector<16xi32>], vector<16xf32>,
      %gather3A_355 = tpu.vector_load_idx %arg16[%get3A_301, %broadcast_in_dim3A_353] : memref<100x65xf32, #tpu.memory_space<vmem>>[vector<16xi32>, vector<16xi32>], vector<16xf32>,
      tpu.vector_store_idx %arg14[%add3A_305, %broadcast_in_dim3A_353], %gather3A_355 : memref<128x65xf32, #tpu.memory_space<vmem>>[vector<16xi32>, vector<16xi32>], vector<16xf32>,
      %broadcast_in_dim3A_356 = arith.constant 13 : i32
      %broadcast_in_dim3A_357 = vector.broadcast %broadcast_in_dim3A_356 : i32 to vector<16xi32>
      %gather3A_358 = tpu.vector_load_idx %arg15[%get3A_295, %broadcast_in_dim3A_357] : memref<1000x65xf32, #tpu.memory_space<vmem>>[vector<16xi32>, vector<16xi32>], vector<16xf32>,
      tpu.vector_store_idx %arg13[%add3A_305, %broadcast_in_dim3A_357], %gather3A_358 : memref<128x65xf32, #tpu.memory_space<vmem>>[vector<16xi32>, vector<16xi32>], vector<16xf32>,
      %gather3A_359 = tpu.vector_load_idx %arg16[%get3A_301, %broadcast_in_dim3A_357] : memref<100x65xf32, #tpu.memory_space<vmem>>[vector<16xi32>, vector<16xi32>], vector<16xf32>,
      tpu.vector_store_idx %arg14[%add3A_305, %broadcast_in_dim3A_357], %gather3A_359 : memref<128x65xf32, #tpu.memory_space<vmem>>[vector<16xi32>, vector<16xi32>], vector<16xf32>,
      %broadcast_in_dim3A_360 = arith.constant 14 : i32
      %broadcast_in_dim3A_361 = vector.broadcast %broadcast_in_dim3A_360 : i32 to vector<16xi32>
      %gather3A_362 = tpu.vector_load_idx %arg15[%get3A_295, %broadcast_in_dim3A_361] : memref<1000x65xf32, #tpu.memory_space<vmem>>[vector<16xi32>, vector<16xi32>], vector<16xf32>,
      tpu.vector_store_idx %arg13[%add3A_305, %broadcast_in_dim3A_361], %gather3A_362 : memref<128x65xf32, #tpu.memory_space<vmem>>[vector<16xi32>, vector<16xi32>], vector<16xf32>,
      %gather3A_363 = tpu.vector_load_idx %arg16[%get3A_301, %broadcast_in_dim3A_361] : memref<100x65xf32, #tpu.memory_space<vmem>>[vector<16xi32>, vector<16xi32>], vector<16xf32>,
      tpu.vector_store_idx %arg14[%add3A_305, %broadcast_in_dim3A_361], %gather3A_363 : memref<128x65xf32, #tpu.memory_space<vmem>>[vector<16xi32>, vector<16xi32>], vector<16xf32>,
      %broadcast_in_dim3A_364 = arith.constant 15 : i32
      %broadcast_in_dim3A_365 = vector.broadcast %broadcast_in_dim3A_364 : i32 to vector<16xi32>
      %gather3A_366 = tpu.vector_load_idx %arg15[%get3A_295, %broadcast_in_dim3A_365] : memref<1000x65xf32, #tpu.memory_space<vmem>>[vector<16xi32>, vector<16xi32>], vector<16xf32>,
      tpu.vector_store_idx %arg13[%add3A_305, %broadcast_in_dim3A_365], %gather3A_366 : memref<128x65xf32, #tpu.memory_space<vmem>>[vector<16xi32>, vector<16xi32>], vector<16xf32>,
      %gather3A_367 = tpu.vector_load_idx %arg16[%get3A_301, %broadcast_in_dim3A_365] : memref<100x65xf32, #tpu.memory_space<vmem>>[vector<16xi32>, vector<16xi32>], vector<16xf32>,
      tpu.vector_store_idx %arg14[%add3A_305, %broadcast_in_dim3A_365], %gather3A_367 : memref<128x65xf32, #tpu.memory_space<vmem>>[vector<16xi32>, vector<16xi32>], vector<16xf32>,
      %broadcast_in_dim3A_368 = arith.constant 16 : i32
      %broadcast_in_dim3A_369 = vector.broadcast %broadcast_in_dim3A_368 : i32 to vector<16xi32>
      %gather3A_370 = tpu.vector_load_idx %arg15[%get3A_295, %broadcast_in_dim3A_369] : memref<1000x65xf32, #tpu.memory_space<vmem>>[vector<16xi32>, vector<16xi32>], vector<16xf32>,
      tpu.vector_store_idx %arg13[%add3A_305, %broadcast_in_dim3A_369], %gather3A_370 : memref<128x65xf32, #tpu.memory_space<vmem>>[vector<16xi32>, vector<16xi32>], vector<16xf32>,
      %gather3A_371 = tpu.vector_load_idx %arg16[%get3A_301, %broadcast_in_dim3A_369] : memref<100x65xf32, #tpu.memory_space<vmem>>[vector<16xi32>, vector<16xi32>], vector<16xf32>,
      tpu.vector_store_idx %arg14[%add3A_305, %broadcast_in_dim3A_369], %gather3A_371 : memref<128x65xf32, #tpu.memory_space<vmem>>[vector<16xi32>, vector<16xi32>], vector<16xf32>,
      %broadcast_in_dim3A_372 = arith.constant 17 : i32
      %broadcast_in_dim3A_373 = vector.broadcast %broadcast_in_dim3A_372 : i32 to vector<16xi32>
      %gather3A_374 = tpu.vector_load_idx %arg15[%get3A_295, %broadcast_in_dim3A_373] : memref<1000x65xf32, #tpu.memory_space<vmem>>[vector<16xi32>, vector<16xi32>], vector<16xf32>,
      tpu.vector_store_idx %arg13[%add3A_305, %broadcast_in_dim3A_373], %gather3A_374 : memref<128x65xf32, #tpu.memory_space<vmem>>[vector<16xi32>, vector<16xi32>], vector<16xf32>,
      %gather3A_375 = tpu.vector_load_idx %arg16[%get3A_301, %broadcast_in_dim3A_373] : memref<100x65xf32, #tpu.memory_space<vmem>>[vector<16xi32>, vector<16xi32>], vector<16xf32>,
      tpu.vector_store_idx %arg14[%add3A_305, %broadcast_in_dim3A_373], %gather3A_375 : memref<128x65xf32, #tpu.memory_space<vmem>>[vector<16xi32>, vector<16xi32>], vector<16xf32>,
      %broadcast_in_dim3A_376 = arith.constant 18 : i32
      %broadcast_in_dim3A_377 = vector.broadcast %broadcast_in_dim3A_376 : i32 to vector<16xi32>
      %gather3A_378 = tpu.vector_load_idx %arg15[%get3A_295, %broadcast_in_dim3A_377] : memref<1000x65xf32, #tpu.memory_space<vmem>>[vector<16xi32>, vector<16xi32>], vector<16xf32>,
      tpu.vector_store_idx %arg13[%add3A_305, %broadcast_in_dim3A_377], %gather3A_378 : memref<128x65xf32, #tpu.memory_space<vmem>>[vector<16xi32>, vector<16xi32>], vector<16xf32>,
      %gather3A_379 = tpu.vector_load_idx %arg16[%get3A_301, %broadcast_in_dim3A_377] : memref<100x65xf32, #tpu.memory_space<vmem>>[vector<16xi32>, vector<16xi32>], vector<16xf32>,
      tpu.vector_store_idx %arg14[%add3A_305, %broadcast_in_dim3A_377], %gather3A_379 : memref<128x65xf32, #tpu.memory_space<vmem>>[vector<16xi32>, vector<16xi32>], vector<16xf32>,
      %broadcast_in_dim3A_380 = arith.constant 19 : i32
      %broadcast_in_dim3A_381 = vector.broadcast %broadcast_in_dim3A_380 : i32 to vector<16xi32>
      %gather3A_382 = tpu.vector_load_idx %arg15[%get3A_295, %broadcast_in_dim3A_381] : memref<1000x65xf32, #tpu.memory_space<vmem>>[vector<16xi32>, vector<16xi32>], vector<16xf32>,
      tpu.vector_store_idx %arg13[%add3A_305, %broadcast_in_dim3A_381], %gather3A_382 : memref<128x65xf32, #tpu.memory_space<vmem>>[vector<16xi32>, vector<16xi32>], vector<16xf32>,
      %gather3A_383 = tpu.vector_load_idx %arg16[%get3A_301, %broadcast_in_dim3A_381] : memref<100x65xf32, #tpu.memory_space<vmem>>[vector<16xi32>, vector<16xi32>], vector<16xf32>,
      tpu.vector_store_idx %arg14[%add3A_305, %broadcast_in_dim3A_381], %gather3A_383 : memref<128x65xf32, #tpu.memory_space<vmem>>[vector<16xi32>, vector<16xi32>], vector<16xf32>,
      %broadcast_in_dim3A_384 = arith.constant 20 : i32
      %broadcast_in_dim3A_385 = vector.broadcast %broadcast_in_dim3A_384 : i32 to vector<16xi32>
      %gather3A_386 = tpu.vector_load_idx %arg15[%get3A_295, %broadcast_in_dim3A_385] : memref<1000x65xf32, #tpu.memory_space<vmem>>[vector<16xi32>, vector<16xi32>], vector<16xf32>,
      tpu.vector_store_idx %arg13[%add3A_305, %broadcast_in_dim3A_385], %gather3A_386 : memref<128x65xf32, #tpu.memory_space<vmem>>[vector<16xi32>, vector<16xi32>], vector<16xf32>,
      %gather3A_387 = tpu.vector_load_idx %arg16[%get3A_301, %broadcast_in_dim3A_385] : memref<100x65xf32, #tpu.memory_space<vmem>>[vector<16xi32>, vector<16xi32>], vector<16xf32>,
      tpu.vector_store_idx %arg14[%add3A_305, %broadcast_in_dim3A_385], %gather3A_387 : memref<128x65xf32, #tpu.memory_space<vmem>>[vector<16xi32>, vector<16xi32>], vector<16xf32>,
      %broadcast_in_dim3A_388 = arith.constant 21 : i32
      %broadcast_in_dim3A_389 = vector.broadcast %broadcast_in_dim3A_388 : i32 to vector<16xi32>
      %gather3A_390 = tpu.vector_load_idx %arg15[%get3A_295, %broadcast_in_dim3A_389] : memref<1000x65xf32, #tpu.memory_space<vmem>>[vector<16xi32>, vector<16xi32>], vector<16xf32>,
      tpu.vector_store_idx %arg13[%add3A_305, %broadcast_in_dim3A_389], %gather3A_390 : memref<128x65xf32, #tpu.memory_space<vmem>>[vector<16xi32>, vector<16xi32>], vector<16xf32>,
      %gather3A_391 = tpu.vector_load_idx %arg16[%get3A_301, %broadcast_in_dim3A_389] : memref<100x65xf32, #tpu.memory_space<vmem>>[vector<16xi32>, vector<16xi32>], vector<16xf32>,
      tpu.vector_store_idx %arg14[%add3A_305, %broadcast_in_dim3A_389], %gather3A_391 : memref<128x65xf32, #tpu.memory_space<vmem>>[vector<16xi32>, vector<16xi32>], vector<16xf32>,
      %broadcast_in_dim3A_392 = arith.constant 22 : i32
      %broadcast_in_dim3A_393 = vector.broadcast %broadcast_in_dim3A_392 : i32 to vector<16xi32>
      %gather3A_394 = tpu.vector_load_idx %arg15[%get3A_295, %broadcast_in_dim3A_393] : memref<1000x65xf32, #tpu.memory_space<vmem>>[vector<16xi32>, vector<16xi32>], vector<16xf32>,
      tpu.vector_store_idx %arg13[%add3A_305, %broadcast_in_dim3A_393], %gather3A_394 : memref<128x65xf32, #tpu.memory_space<vmem>>[vector<16xi32>, vector<16xi32>], vector<16xf32>,
      %gather3A_395 = tpu.vector_load_idx %arg16[%get3A_301, %broadcast_in_dim3A_393] : memref<100x65xf32, #tpu.memory_space<vmem>>[vector<16xi32>, vector<16xi32>], vector<16xf32>,
      tpu.vector_store_idx %arg14[%add3A_305, %broadcast_in_dim3A_393], %gather3A_395 : memref<128x65xf32, #tpu.memory_space<vmem>>[vector<16xi32>, vector<16xi32>], vector<16xf32>,
      %broadcast_in_dim3A_396 = arith.constant 23 : i32
      %broadcast_in_dim3A_397 = vector.broadcast %broadcast_in_dim3A_396 : i32 to vector<16xi32>
      %gather3A_398 = tpu.vector_load_idx %arg15[%get3A_295, %broadcast_in_dim3A_397] : memref<1000x65xf32, #tpu.memory_space<vmem>>[vector<16xi32>, vector<16xi32>], vector<16xf32>,
      tpu.vector_store_idx %arg13[%add3A_305, %broadcast_in_dim3A_397], %gather3A_398 : memref<128x65xf32, #tpu.memory_space<vmem>>[vector<16xi32>, vector<16xi32>], vector<16xf32>,
      %gather3A_399 = tpu.vector_load_idx %arg16[%get3A_301, %broadcast_in_dim3A_397] : memref<100x65xf32, #tpu.memory_space<vmem>>[vector<16xi32>, vector<16xi32>], vector<16xf32>,
      tpu.vector_store_idx %arg14[%add3A_305, %broadcast_in_dim3A_397], %gather3A_399 : memref<128x65xf32, #tpu.memory_space<vmem>>[vector<16xi32>, vector<16xi32>], vector<16xf32>,
      %broadcast_in_dim3A_400 = arith.constant 24 : i32
      %broadcast_in_dim3A_401 = vector.broadcast %broadcast_in_dim3A_400 : i32 to vector<16xi32>
      %gather3A_402 = tpu.vector_load_idx %arg15[%get3A_295, %broadcast_in_dim3A_401] : memref<1000x65xf32, #tpu.memory_space<vmem>>[vector<16xi32>, vector<16xi32>], vector<16xf32>,
      tpu.vector_store_idx %arg13[%add3A_305, %broadcast_in_dim3A_401], %gather3A_402 : memref<128x65xf32, #tpu.memory_space<vmem>>[vector<16xi32>, vector<16xi32>], vector<16xf32>,
      %gather3A_403 = tpu.vector_load_idx %arg16[%get3A_301, %broadcast_in_dim3A_401] : memref<100x65xf32, #tpu.memory_space<vmem>>[vector<16xi32>, vector<16xi32>], vector<16xf32>,
      tpu.vector_store_idx %arg14[%add3A_305, %broadcast_in_dim3A_401], %gather3A_403 : memref<128x65xf32, #tpu.memory_space<vmem>>[vector<16xi32>, vector<16xi32>], vector<16xf32>,
      %broadcast_in_dim3A_404 = arith.constant 25 : i32
      %broadcast_in_dim3A_405 = vector.broadcast %broadcast_in_dim3A_404 : i32 to vector<16xi32>
      %gather3A_406 = tpu.vector_load_idx %arg15[%get3A_295, %broadcast_in_dim3A_405] : memref<1000x65xf32, #tpu.memory_space<vmem>>[vector<16xi32>, vector<16xi32>], vector<16xf32>,
      tpu.vector_store_idx %arg13[%add3A_305, %broadcast_in_dim3A_405], %gather3A_406 : memref<128x65xf32, #tpu.memory_space<vmem>>[vector<16xi32>, vector<16xi32>], vector<16xf32>,
      %gather3A_407 = tpu.vector_load_idx %arg16[%get3A_301, %broadcast_in_dim3A_405] : memref<100x65xf32, #tpu.memory_space<vmem>>[vector<16xi32>, vector<16xi32>], vector<16xf32>,
      tpu.vector_store_idx %arg14[%add3A_305, %broadcast_in_dim3A_405], %gather3A_407 : memref<128x65xf32, #tpu.memory_space<vmem>>[vector<16xi32>, vector<16xi32>], vector<16xf32>,
      %broadcast_in_dim3A_408 = arith.constant 26 : i32
      %broadcast_in_dim3A_409 = vector.broadcast %broadcast_in_dim3A_408 : i32 to vector<16xi32>
      %gather3A_410 = tpu.vector_load_idx %arg15[%get3A_295, %broadcast_in_dim3A_409] : memref<1000x65xf32, #tpu.memory_space<vmem>>[vector<16xi32>, vector<16xi32>], vector<16xf32>,
      tpu.vector_store_idx %arg13[%add3A_305, %broadcast_in_dim3A_409], %gather3A_410 : memref<128x65xf32, #tpu.memory_space<vmem>>[vector<16xi32>, vector<16xi32>], vector<16xf32>,
      %gather3A_411 = tpu.vector_load_idx %arg16[%get3A_301, %broadcast_in_dim3A_409] : memref<100x65xf32, #tpu.memory_space<vmem>>[vector<16xi32>, vector<16xi32>], vector<16xf32>,
      tpu.vector_store_idx %arg14[%add3A_305, %broadcast_in_dim3A_409], %gather3A_411 : memref<128x65xf32, #tpu.memory_space<vmem>>[vector<16xi32>, vector<16xi32>], vector<16xf32>,
      %broadcast_in_dim3A_412 = arith.constant 27 : i32
      %broadcast_in_dim3A_413 = vector.broadcast %broadcast_in_dim3A_412 : i32 to vector<16xi32>
      %gather3A_414 = tpu.vector_load_idx %arg15[%get3A_295, %broadcast_in_dim3A_413] : memref<1000x65xf32, #tpu.memory_space<vmem>>[vector<16xi32>, vector<16xi32>], vector<16xf32>,
      tpu.vector_store_idx %arg13[%add3A_305, %broadcast_in_dim3A_413], %gather3A_414 : memref<128x65xf32, #tpu.memory_space<vmem>>[vector<16xi32>, vector<16xi32>], vector<16xf32>,
      %gather3A_415 = tpu.vector_load_idx %arg16[%get3A_301, %broadcast_in_dim3A_413] : memref<100x65xf32, #tpu.memory_space<vmem>>[vector<16xi32>, vector<16xi32>], vector<16xf32>,
      tpu.vector_store_idx %arg14[%add3A_305, %broadcast_in_dim3A_413], %gather3A_415 : memref<128x65xf32, #tpu.memory_space<vmem>>[vector<16xi32>, vector<16xi32>], vector<16xf32>,
      %broadcast_in_dim3A_416 = arith.constant 28 : i32
      %broadcast_in_dim3A_417 = vector.broadcast %broadcast_in_dim3A_416 : i32 to vector<16xi32>
      %gather3A_418 = tpu.vector_load_idx %arg15[%get3A_295, %broadcast_in_dim3A_417] : memref<1000x65xf32, #tpu.memory_space<vmem>>[vector<16xi32>, vector<16xi32>], vector<16xf32>,
      tpu.vector_store_idx %arg13[%add3A_305, %broadcast_in_dim3A_417], %gather3A_418 : memref<128x65xf32, #tpu.memory_space<vmem>>[vector<16xi32>, vector<16xi32>], vector<16xf32>,
      %gather3A_419 = tpu.vector_load_idx %arg16[%get3A_301, %broadcast_in_dim3A_417] : memref<100x65xf32, #tpu.memory_space<vmem>>[vector<16xi32>, vector<16xi32>], vector<16xf32>,
      tpu.vector_store_idx %arg14[%add3A_305, %broadcast_in_dim3A_417], %gather3A_419 : memref<128x65xf32, #tpu.memory_space<vmem>>[vector<16xi32>, vector<16xi32>], vector<16xf32>,
      %broadcast_in_dim3A_420 = arith.constant 29 : i32
      %broadcast_in_dim3A_421 = vector.broadcast %broadcast_in_dim3A_420 : i32 to vector<16xi32>
      %gather3A_422 = tpu.vector_load_idx %arg15[%get3A_295, %broadcast_in_dim3A_421] : memref<1000x65xf32, #tpu.memory_space<vmem>>[vector<16xi32>, vector<16xi32>], vector<16xf32>,
      tpu.vector_store_idx %arg13[%add3A_305, %broadcast_in_dim3A_421], %gather3A_422 : memref<128x65xf32, #tpu.memory_space<vmem>>[vector<16xi32>, vector<16xi32>], vector<16xf32>,
      %gather3A_423 = tpu.vector_load_idx %arg16[%get3A_301, %broadcast_in_dim3A_421] : memref<100x65xf32, #tpu.memory_space<vmem>>[vector<16xi32>, vector<16xi32>], vector<16xf32>,
      tpu.vector_store_idx %arg14[%add3A_305, %broadcast_in_dim3A_421], %gather3A_423 : memref<128x65xf32, #tpu.memory_space<vmem>>[vector<16xi32>, vector<16xi32>], vector<16xf32>,
      %broadcast_in_dim3A_424 = arith.constant 30 : i32
      %broadcast_in_dim3A_425 = vector.broadcast %broadcast_in_dim3A_424 : i32 to vector<16xi32>
      %gather3A_426 = tpu.vector_load_idx %arg15[%get3A_295, %broadcast_in_dim3A_425] : memref<1000x65xf32, #tpu.memory_space<vmem>>[vector<16xi32>, vector<16xi32>], vector<16xf32>,
      tpu.vector_store_idx %arg13[%add3A_305, %broadcast_in_dim3A_425], %gather3A_426 : memref<128x65xf32, #tpu.memory_space<vmem>>[vector<16xi32>, vector<16xi32>], vector<16xf32>,
      %gather3A_427 = tpu.vector_load_idx %arg16[%get3A_301, %broadcast_in_dim3A_425] : memref<100x65xf32, #tpu.memory_space<vmem>>[vector<16xi32>, vector<16xi32>], vector<16xf32>,
      tpu.vector_store_idx %arg14[%add3A_305, %broadcast_in_dim3A_425], %gather3A_427 : memref<128x65xf32, #tpu.memory_space<vmem>>[vector<16xi32>, vector<16xi32>], vector<16xf32>,
      %broadcast_in_dim3A_428 = arith.constant 31 : i32
      %broadcast_in_dim3A_429 = vector.broadcast %broadcast_in_dim3A_428 : i32 to vector<16xi32>
      %gather3A_430 = tpu.vector_load_idx %arg15[%get3A_295, %broadcast_in_dim3A_429] : memref<1000x65xf32, #tpu.memory_space<vmem>>[vector<16xi32>, vector<16xi32>], vector<16xf32>,
      tpu.vector_store_idx %arg13[%add3A_305, %broadcast_in_dim3A_429], %gather3A_430 : memref<128x65xf32, #tpu.memory_space<vmem>>[vector<16xi32>, vector<16xi32>], vector<16xf32>,
      %gather3A_431 = tpu.vector_load_idx %arg16[%get3A_301, %broadcast_in_dim3A_429] : memref<100x65xf32, #tpu.memory_space<vmem>>[vector<16xi32>, vector<16xi32>], vector<16xf32>,
      tpu.vector_store_idx %arg14[%add3A_305, %broadcast_in_dim3A_429], %gather3A_431 : memref<128x65xf32, #tpu.memory_space<vmem>>[vector<16xi32>, vector<16xi32>], vector<16xf32>,
      %broadcast_in_dim3A_432 = arith.constant 32 : i32
      %broadcast_in_dim3A_433 = vector.broadcast %broadcast_in_dim3A_432 : i32 to vector<16xi32>
      %gather3A_434 = tpu.vector_load_idx %arg15[%get3A_295, %broadcast_in_dim3A_433] : memref<1000x65xf32, #tpu.memory_space<vmem>>[vector<16xi32>, vector<16xi32>], vector<16xf32>,
      tpu.vector_store_idx %arg13[%add3A_305, %broadcast_in_dim3A_433], %gather3A_434 : memref<128x65xf32, #tpu.memory_space<vmem>>[vector<16xi32>, vector<16xi32>], vector<16xf32>,
      %gather3A_435 = tpu.vector_load_idx %arg16[%get3A_301, %broadcast_in_dim3A_433] : memref<100x65xf32, #tpu.memory_space<vmem>>[vector<16xi32>, vector<16xi32>], vector<16xf32>,
      tpu.vector_store_idx %arg14[%add3A_305, %broadcast_in_dim3A_433], %gather3A_435 : memref<128x65xf32, #tpu.memory_space<vmem>>[vector<16xi32>, vector<16xi32>], vector<16xf32>,
      %broadcast_in_dim3A_436 = arith.constant 33 : i32
      %broadcast_in_dim3A_437 = vector.broadcast %broadcast_in_dim3A_436 : i32 to vector<16xi32>
      %gather3A_438 = tpu.vector_load_idx %arg15[%get3A_295, %broadcast_in_dim3A_437] : memref<1000x65xf32, #tpu.memory_space<vmem>>[vector<16xi32>, vector<16xi32>], vector<16xf32>,
      tpu.vector_store_idx %arg13[%add3A_305, %broadcast_in_dim3A_437], %gather3A_438 : memref<128x65xf32, #tpu.memory_space<vmem>>[vector<16xi32>, vector<16xi32>], vector<16xf32>,
      %gather3A_439 = tpu.vector_load_idx %arg16[%get3A_301, %broadcast_in_dim3A_437] : memref<100x65xf32, #tpu.memory_space<vmem>>[vector<16xi32>, vector<16xi32>], vector<16xf32>,
      tpu.vector_store_idx %arg14[%add3A_305, %broadcast_in_dim3A_437], %gather3A_439 : memref<128x65xf32, #tpu.memory_space<vmem>>[vector<16xi32>, vector<16xi32>], vector<16xf32>,
      %broadcast_in_dim3A_440 = arith.constant 34 : i32
      %broadcast_in_dim3A_441 = vector.broadcast %broadcast_in_dim3A_440 : i32 to vector<16xi32>
      %gather3A_442 = tpu.vector_load_idx %arg15[%get3A_295, %broadcast_in_dim3A_441] : memref<1000x65xf32, #tpu.memory_space<vmem>>[vector<16xi32>, vector<16xi32>], vector<16xf32>,
      tpu.vector_store_idx %arg13[%add3A_305, %broadcast_in_dim3A_441], %gather3A_442 : memref<128x65xf32, #tpu.memory_space<vmem>>[vector<16xi32>, vector<16xi32>], vector<16xf32>,
      %gather3A_443 = tpu.vector_load_idx %arg16[%get3A_301, %broadcast_in_dim3A_441] : memref<100x65xf32, #tpu.memory_space<vmem>>[vector<16xi32>, vector<16xi32>], vector<16xf32>,
      tpu.vector_store_idx %arg14[%add3A_305, %broadcast_in_dim3A_441], %gather3A_443 : memref<128x65xf32, #tpu.memory_space<vmem>>[vector<16xi32>, vector<16xi32>], vector<16xf32>,
      %broadcast_in_dim3A_444 = arith.constant 35 : i32
      %broadcast_in_dim3A_445 = vector.broadcast %broadcast_in_dim3A_444 : i32 to vector<16xi32>
      %gather3A_446 = tpu.vector_load_idx %arg15[%get3A_295, %broadcast_in_dim3A_445] : memref<1000x65xf32, #tpu.memory_space<vmem>>[vector<16xi32>, vector<16xi32>], vector<16xf32>,
      tpu.vector_store_idx %arg13[%add3A_305, %broadcast_in_dim3A_445], %gather3A_446 : memref<128x65xf32, #tpu.memory_space<vmem>>[vector<16xi32>, vector<16xi32>], vector<16xf32>,
      %gather3A_447 = tpu.vector_load_idx %arg16[%get3A_301, %broadcast_in_dim3A_445] : memref<100x65xf32, #tpu.memory_space<vmem>>[vector<16xi32>, vector<16xi32>], vector<16xf32>,
      tpu.vector_store_idx %arg14[%add3A_305, %broadcast_in_dim3A_445], %gather3A_447 : memref<128x65xf32, #tpu.memory_space<vmem>>[vector<16xi32>, vector<16xi32>], vector<16xf32>,
      %broadcast_in_dim3A_448 = arith.constant 36 : i32
      %broadcast_in_dim3A_449 = vector.broadcast %broadcast_in_dim3A_448 : i32 to vector<16xi32>
      %gather3A_450 = tpu.vector_load_idx %arg15[%get3A_295, %broadcast_in_dim3A_449] : memref<1000x65xf32, #tpu.memory_space<vmem>>[vector<16xi32>, vector<16xi32>], vector<16xf32>,
      tpu.vector_store_idx %arg13[%add3A_305, %broadcast_in_dim3A_449], %gather3A_450 : memref<128x65xf32, #tpu.memory_space<vmem>>[vector<16xi32>, vector<16xi32>], vector<16xf32>,
      %gather3A_451 = tpu.vector_load_idx %arg16[%get3A_301, %broadcast_in_dim3A_449] : memref<100x65xf32, #tpu.memory_space<vmem>>[vector<16xi32>, vector<16xi32>], vector<16xf32>,
      tpu.vector_store_idx %arg14[%add3A_305, %broadcast_in_dim3A_449], %gather3A_451 : memref<128x65xf32, #tpu.memory_space<vmem>>[vector<16xi32>, vector<16xi32>], vector<16xf32>,
      %broadcast_in_dim3A_452 = arith.constant 37 : i32
      %broadcast_in_dim3A_453 = vector.broadcast %broadcast_in_dim3A_452 : i32 to vector<16xi32>
      %gather3A_454 = tpu.vector_load_idx %arg15[%get3A_295, %broadcast_in_dim3A_453] : memref<1000x65xf32, #tpu.memory_space<vmem>>[vector<16xi32>, vector<16xi32>], vector<16xf32>,
      tpu.vector_store_idx %arg13[%add3A_305, %broadcast_in_dim3A_453], %gather3A_454 : memref<128x65xf32, #tpu.memory_space<vmem>>[vector<16xi32>, vector<16xi32>], vector<16xf32>,
      %gather3A_455 = tpu.vector_load_idx %arg16[%get3A_301, %broadcast_in_dim3A_453] : memref<100x65xf32, #tpu.memory_space<vmem>>[vector<16xi32>, vector<16xi32>], vector<16xf32>,
      tpu.vector_store_idx %arg14[%add3A_305, %broadcast_in_dim3A_453], %gather3A_455 : memref<128x65xf32, #tpu.memory_space<vmem>>[vector<16xi32>, vector<16xi32>], vector<16xf32>,
      %broadcast_in_dim3A_456 = arith.constant 38 : i32
      %broadcast_in_dim3A_457 = vector.broadcast %broadcast_in_dim3A_456 : i32 to vector<16xi32>
      %gather3A_458 = tpu.vector_load_idx %arg15[%get3A_295, %broadcast_in_dim3A_457] : memref<1000x65xf32, #tpu.memory_space<vmem>>[vector<16xi32>, vector<16xi32>], vector<16xf32>,
      tpu.vector_store_idx %arg13[%add3A_305, %broadcast_in_dim3A_457], %gather3A_458 : memref<128x65xf32, #tpu.memory_space<vmem>>[vector<16xi32>, vector<16xi32>], vector<16xf32>,
      %gather3A_459 = tpu.vector_load_idx %arg16[%get3A_301, %broadcast_in_dim3A_457] : memref<100x65xf32, #tpu.memory_space<vmem>>[vector<16xi32>, vector<16xi32>], vector<16xf32>,
      tpu.vector_store_idx %arg14[%add3A_305, %broadcast_in_dim3A_457], %gather3A_459 : memref<128x65xf32, #tpu.memory_space<vmem>>[vector<16xi32>, vector<16xi32>], vector<16xf32>,
      %broadcast_in_dim3A_460 = arith.constant 39 : i32
      %broadcast_in_dim3A_461 = vector.broadcast %broadcast_in_dim3A_460 : i32 to vector<16xi32>
      %gather3A_462 = tpu.vector_load_idx %arg15[%get3A_295, %broadcast_in_dim3A_461] : memref<1000x65xf32, #tpu.memory_space<vmem>>[vector<16xi32>, vector<16xi32>], vector<16xf32>,
      tpu.vector_store_idx %arg13[%add3A_305, %broadcast_in_dim3A_461], %gather3A_462 : memref<128x65xf32, #tpu.memory_space<vmem>>[vector<16xi32>, vector<16xi32>], vector<16xf32>,
      %gather3A_463 = tpu.vector_load_idx %arg16[%get3A_301, %broadcast_in_dim3A_461] : memref<100x65xf32, #tpu.memory_space<vmem>>[vector<16xi32>, vector<16xi32>], vector<16xf32>,
      tpu.vector_store_idx %arg14[%add3A_305, %broadcast_in_dim3A_461], %gather3A_463 : memref<128x65xf32, #tpu.memory_space<vmem>>[vector<16xi32>, vector<16xi32>], vector<16xf32>,
      %broadcast_in_dim3A_464 = arith.constant 40 : i32
      %broadcast_in_dim3A_465 = vector.broadcast %broadcast_in_dim3A_464 : i32 to vector<16xi32>
      %gather3A_466 = tpu.vector_load_idx %arg15[%get3A_295, %broadcast_in_dim3A_465] : memref<1000x65xf32, #tpu.memory_space<vmem>>[vector<16xi32>, vector<16xi32>], vector<16xf32>,
      tpu.vector_store_idx %arg13[%add3A_305, %broadcast_in_dim3A_465], %gather3A_466 : memref<128x65xf32, #tpu.memory_space<vmem>>[vector<16xi32>, vector<16xi32>], vector<16xf32>,
      %gather3A_467 = tpu.vector_load_idx %arg16[%get3A_301, %broadcast_in_dim3A_465] : memref<100x65xf32, #tpu.memory_space<vmem>>[vector<16xi32>, vector<16xi32>], vector<16xf32>,
      tpu.vector_store_idx %arg14[%add3A_305, %broadcast_in_dim3A_465], %gather3A_467 : memref<128x65xf32, #tpu.memory_space<vmem>>[vector<16xi32>, vector<16xi32>], vector<16xf32>,
      %broadcast_in_dim3A_468 = arith.constant 41 : i32
      %broadcast_in_dim3A_469 = vector.broadcast %broadcast_in_dim3A_468 : i32 to vector<16xi32>
      %gather3A_470 = tpu.vector_load_idx %arg15[%get3A_295, %broadcast_in_dim3A_469] : memref<1000x65xf32, #tpu.memory_space<vmem>>[vector<16xi32>, vector<16xi32>], vector<16xf32>,
      tpu.vector_store_idx %arg13[%add3A_305, %broadcast_in_dim3A_469], %gather3A_470 : memref<128x65xf32, #tpu.memory_space<vmem>>[vector<16xi32>, vector<16xi32>], vector<16xf32>,
      %gather3A_471 = tpu.vector_load_idx %arg16[%get3A_301, %broadcast_in_dim3A_469] : memref<100x65xf32, #tpu.memory_space<vmem>>[vector<16xi32>, vector<16xi32>], vector<16xf32>,
      tpu.vector_store_idx %arg14[%add3A_305, %broadcast_in_dim3A_469], %gather3A_471 : memref<128x65xf32, #tpu.memory_space<vmem>>[vector<16xi32>, vector<16xi32>], vector<16xf32>,
      %broadcast_in_dim3A_472 = arith.constant 42 : i32
      %broadcast_in_dim3A_473 = vector.broadcast %broadcast_in_dim3A_472 : i32 to vector<16xi32>
      %gather3A_474 = tpu.vector_load_idx %arg15[%get3A_295, %broadcast_in_dim3A_473] : memref<1000x65xf32, #tpu.memory_space<vmem>>[vector<16xi32>, vector<16xi32>], vector<16xf32>,
      tpu.vector_store_idx %arg13[%add3A_305, %broadcast_in_dim3A_473], %gather3A_474 : memref<128x65xf32, #tpu.memory_space<vmem>>[vector<16xi32>, vector<16xi32>], vector<16xf32>,
      %gather3A_475 = tpu.vector_load_idx %arg16[%get3A_301, %broadcast_in_dim3A_473] : memref<100x65xf32, #tpu.memory_space<vmem>>[vector<16xi32>, vector<16xi32>], vector<16xf32>,
      tpu.vector_store_idx %arg14[%add3A_305, %broadcast_in_dim3A_473], %gather3A_475 : memref<128x65xf32, #tpu.memory_space<vmem>>[vector<16xi32>, vector<16xi32>], vector<16xf32>,
      %broadcast_in_dim3A_476 = arith.constant 43 : i32
      %broadcast_in_dim3A_477 = vector.broadcast %broadcast_in_dim3A_476 : i32 to vector<16xi32>
      %gather3A_478 = tpu.vector_load_idx %arg15[%get3A_295, %broadcast_in_dim3A_477] : memref<1000x65xf32, #tpu.memory_space<vmem>>[vector<16xi32>, vector<16xi32>], vector<16xf32>,
      tpu.vector_store_idx %arg13[%add3A_305, %broadcast_in_dim3A_477], %gather3A_478 : memref<128x65xf32, #tpu.memory_space<vmem>>[vector<16xi32>, vector<16xi32>], vector<16xf32>,
      %gather3A_479 = tpu.vector_load_idx %arg16[%get3A_301, %broadcast_in_dim3A_477] : memref<100x65xf32, #tpu.memory_space<vmem>>[vector<16xi32>, vector<16xi32>], vector<16xf32>,
      tpu.vector_store_idx %arg14[%add3A_305, %broadcast_in_dim3A_477], %gather3A_479 : memref<128x65xf32, #tpu.memory_space<vmem>>[vector<16xi32>, vector<16xi32>], vector<16xf32>,
      %broadcast_in_dim3A_480 = arith.constant 44 : i32
      %broadcast_in_dim3A_481 = vector.broadcast %broadcast_in_dim3A_480 : i32 to vector<16xi32>
      %gather3A_482 = tpu.vector_load_idx %arg15[%get3A_295, %broadcast_in_dim3A_481] : memref<1000x65xf32, #tpu.memory_space<vmem>>[vector<16xi32>, vector<16xi32>], vector<16xf32>,
      tpu.vector_store_idx %arg13[%add3A_305, %broadcast_in_dim3A_481], %gather3A_482 : memref<128x65xf32, #tpu.memory_space<vmem>>[vector<16xi32>, vector<16xi32>], vector<16xf32>,
      %gather3A_483 = tpu.vector_load_idx %arg16[%get3A_301, %broadcast_in_dim3A_481] : memref<100x65xf32, #tpu.memory_space<vmem>>[vector<16xi32>, vector<16xi32>], vector<16xf32>,
      tpu.vector_store_idx %arg14[%add3A_305, %broadcast_in_dim3A_481], %gather3A_483 : memref<128x65xf32, #tpu.memory_space<vmem>>[vector<16xi32>, vector<16xi32>], vector<16xf32>,
      %broadcast_in_dim3A_484 = arith.constant 45 : i32
      %broadcast_in_dim3A_485 = vector.broadcast %broadcast_in_dim3A_484 : i32 to vector<16xi32>
      %gather3A_486 = tpu.vector_load_idx %arg15[%get3A_295, %broadcast_in_dim3A_485] : memref<1000x65xf32, #tpu.memory_space<vmem>>[vector<16xi32>, vector<16xi32>], vector<16xf32>,
      tpu.vector_store_idx %arg13[%add3A_305, %broadcast_in_dim3A_485], %gather3A_486 : memref<128x65xf32, #tpu.memory_space<vmem>>[vector<16xi32>, vector<16xi32>], vector<16xf32>,
      %gather3A_487 = tpu.vector_load_idx %arg16[%get3A_301, %broadcast_in_dim3A_485] : memref<100x65xf32, #tpu.memory_space<vmem>>[vector<16xi32>, vector<16xi32>], vector<16xf32>,
      tpu.vector_store_idx %arg14[%add3A_305, %broadcast_in_dim3A_485], %gather3A_487 : memref<128x65xf32, #tpu.memory_space<vmem>>[vector<16xi32>, vector<16xi32>], vector<16xf32>,
      %broadcast_in_dim3A_488 = arith.constant 46 : i32
      %broadcast_in_dim3A_489 = vector.broadcast %broadcast_in_dim3A_488 : i32 to vector<16xi32>
      %gather3A_490 = tpu.vector_load_idx %arg15[%get3A_295, %broadcast_in_dim3A_489] : memref<1000x65xf32, #tpu.memory_space<vmem>>[vector<16xi32>, vector<16xi32>], vector<16xf32>,
      tpu.vector_store_idx %arg13[%add3A_305, %broadcast_in_dim3A_489], %gather3A_490 : memref<128x65xf32, #tpu.memory_space<vmem>>[vector<16xi32>, vector<16xi32>], vector<16xf32>,
      %gather3A_491 = tpu.vector_load_idx %arg16[%get3A_301, %broadcast_in_dim3A_489] : memref<100x65xf32, #tpu.memory_space<vmem>>[vector<16xi32>, vector<16xi32>], vector<16xf32>,
      tpu.vector_store_idx %arg14[%add3A_305, %broadcast_in_dim3A_489], %gather3A_491 : memref<128x65xf32, #tpu.memory_space<vmem>>[vector<16xi32>, vector<16xi32>], vector<16xf32>,
      %broadcast_in_dim3A_492 = arith.constant 47 : i32
      %broadcast_in_dim3A_493 = vector.broadcast %broadcast_in_dim3A_492 : i32 to vector<16xi32>
      %gather3A_494 = tpu.vector_load_idx %arg15[%get3A_295, %broadcast_in_dim3A_493] : memref<1000x65xf32, #tpu.memory_space<vmem>>[vector<16xi32>, vector<16xi32>], vector<16xf32>,
      tpu.vector_store_idx %arg13[%add3A_305, %broadcast_in_dim3A_493], %gather3A_494 : memref<128x65xf32, #tpu.memory_space<vmem>>[vector<16xi32>, vector<16xi32>], vector<16xf32>,
      %gather3A_495 = tpu.vector_load_idx %arg16[%get3A_301, %broadcast_in_dim3A_493] : memref<100x65xf32, #tpu.memory_space<vmem>>[vector<16xi32>, vector<16xi32>], vector<16xf32>,
      tpu.vector_store_idx %arg14[%add3A_305, %broadcast_in_dim3A_493], %gather3A_495 : memref<128x65xf32, #tpu.memory_space<vmem>>[vector<16xi32>, vector<16xi32>], vector<16xf32>,
      %broadcast_in_dim3A_496 = arith.constant 48 : i32
      %broadcast_in_dim3A_497 = vector.broadcast %broadcast_in_dim3A_496 : i32 to vector<16xi32>
      %gather3A_498 = tpu.vector_load_idx %arg15[%get3A_295, %broadcast_in_dim3A_497] : memref<1000x65xf32, #tpu.memory_space<vmem>>[vector<16xi32>, vector<16xi32>], vector<16xf32>,
      tpu.vector_store_idx %arg13[%add3A_305, %broadcast_in_dim3A_497], %gather3A_498 : memref<128x65xf32, #tpu.memory_space<vmem>>[vector<16xi32>, vector<16xi32>], vector<16xf32>,
      %gather3A_499 = tpu.vector_load_idx %arg16[%get3A_301, %broadcast_in_dim3A_497] : memref<100x65xf32, #tpu.memory_space<vmem>>[vector<16xi32>, vector<16xi32>], vector<16xf32>,
      tpu.vector_store_idx %arg14[%add3A_305, %broadcast_in_dim3A_497], %gather3A_499 : memref<128x65xf32, #tpu.memory_space<vmem>>[vector<16xi32>, vector<16xi32>], vector<16xf32>,
      %broadcast_in_dim3A_500 = arith.constant 49 : i32
      %broadcast_in_dim3A_501 = vector.broadcast %broadcast_in_dim3A_500 : i32 to vector<16xi32>
      %gather3A_502 = tpu.vector_load_idx %arg15[%get3A_295, %broadcast_in_dim3A_501] : memref<1000x65xf32, #tpu.memory_space<vmem>>[vector<16xi32>, vector<16xi32>], vector<16xf32>,
      tpu.vector_store_idx %arg13[%add3A_305, %broadcast_in_dim3A_501], %gather3A_502 : memref<128x65xf32, #tpu.memory_space<vmem>>[vector<16xi32>, vector<16xi32>], vector<16xf32>,
      %gather3A_503 = tpu.vector_load_idx %arg16[%get3A_301, %broadcast_in_dim3A_501] : memref<100x65xf32, #tpu.memory_space<vmem>>[vector<16xi32>, vector<16xi32>], vector<16xf32>,
      tpu.vector_store_idx %arg14[%add3A_305, %broadcast_in_dim3A_501], %gather3A_503 : memref<128x65xf32, #tpu.memory_space<vmem>>[vector<16xi32>, vector<16xi32>], vector<16xf32>,
      %broadcast_in_dim3A_504 = arith.constant 50 : i32
      %broadcast_in_dim3A_505 = vector.broadcast %broadcast_in_dim3A_504 : i32 to vector<16xi32>
      %gather3A_506 = tpu.vector_load_idx %arg15[%get3A_295, %broadcast_in_dim3A_505] : memref<1000x65xf32, #tpu.memory_space<vmem>>[vector<16xi32>, vector<16xi32>], vector<16xf32>,
      tpu.vector_store_idx %arg13[%add3A_305, %broadcast_in_dim3A_505], %gather3A_506 : memref<128x65xf32, #tpu.memory_space<vmem>>[vector<16xi32>, vector<16xi32>], vector<16xf32>,
      %gather3A_507 = tpu.vector_load_idx %arg16[%get3A_301, %broadcast_in_dim3A_505] : memref<100x65xf32, #tpu.memory_space<vmem>>[vector<16xi32>, vector<16xi32>], vector<16xf32>,
      tpu.vector_store_idx %arg14[%add3A_305, %broadcast_in_dim3A_505], %gather3A_507 : memref<128x65xf32, #tpu.memory_space<vmem>>[vector<16xi32>, vector<16xi32>], vector<16xf32>,
      %broadcast_in_dim3A_508 = arith.constant 51 : i32
      %broadcast_in_dim3A_509 = vector.broadcast %broadcast_in_dim3A_508 : i32 to vector<16xi32>
      %gather3A_510 = tpu.vector_load_idx %arg15[%get3A_295, %broadcast_in_dim3A_509] : memref<1000x65xf32, #tpu.memory_space<vmem>>[vector<16xi32>, vector<16xi32>], vector<16xf32>,
      tpu.vector_store_idx %arg13[%add3A_305, %broadcast_in_dim3A_509], %gather3A_510 : memref<128x65xf32, #tpu.memory_space<vmem>>[vector<16xi32>, vector<16xi32>], vector<16xf32>,
      %gather3A_511 = tpu.vector_load_idx %arg16[%get3A_301, %broadcast_in_dim3A_509] : memref<100x65xf32, #tpu.memory_space<vmem>>[vector<16xi32>, vector<16xi32>], vector<16xf32>,
      tpu.vector_store_idx %arg14[%add3A_305, %broadcast_in_dim3A_509], %gather3A_511 : memref<128x65xf32, #tpu.memory_space<vmem>>[vector<16xi32>, vector<16xi32>], vector<16xf32>,
      %broadcast_in_dim3A_512 = arith.constant 52 : i32
      %broadcast_in_dim3A_513 = vector.broadcast %broadcast_in_dim3A_512 : i32 to vector<16xi32>
      %gather3A_514 = tpu.vector_load_idx %arg15[%get3A_295, %broadcast_in_dim3A_513] : memref<1000x65xf32, #tpu.memory_space<vmem>>[vector<16xi32>, vector<16xi32>], vector<16xf32>,
      tpu.vector_store_idx %arg13[%add3A_305, %broadcast_in_dim3A_513], %gather3A_514 : memref<128x65xf32, #tpu.memory_space<vmem>>[vector<16xi32>, vector<16xi32>], vector<16xf32>,
      %gather3A_515 = tpu.vector_load_idx %arg16[%get3A_301, %broadcast_in_dim3A_513] : memref<100x65xf32, #tpu.memory_space<vmem>>[vector<16xi32>, vector<16xi32>], vector<16xf32>,
      tpu.vector_store_idx %arg14[%add3A_305, %broadcast_in_dim3A_513], %gather3A_515 : memref<128x65xf32, #tpu.memory_space<vmem>>[vector<16xi32>, vector<16xi32>], vector<16xf32>,
      %broadcast_in_dim3A_516 = arith.constant 53 : i32
      %broadcast_in_dim3A_517 = vector.broadcast %broadcast_in_dim3A_516 : i32 to vector<16xi32>
      %gather3A_518 = tpu.vector_load_idx %arg15[%get3A_295, %broadcast_in_dim3A_517] : memref<1000x65xf32, #tpu.memory_space<vmem>>[vector<16xi32>, vector<16xi32>], vector<16xf32>,
      tpu.vector_store_idx %arg13[%add3A_305, %broadcast_in_dim3A_517], %gather3A_518 : memref<128x65xf32, #tpu.memory_space<vmem>>[vector<16xi32>, vector<16xi32>], vector<16xf32>,
      %gather3A_519 = tpu.vector_load_idx %arg16[%get3A_301, %broadcast_in_dim3A_517] : memref<100x65xf32, #tpu.memory_space<vmem>>[vector<16xi32>, vector<16xi32>], vector<16xf32>,
      tpu.vector_store_idx %arg14[%add3A_305, %broadcast_in_dim3A_517], %gather3A_519 : memref<128x65xf32, #tpu.memory_space<vmem>>[vector<16xi32>, vector<16xi32>], vector<16xf32>,
      %broadcast_in_dim3A_520 = arith.constant 54 : i32
      %broadcast_in_dim3A_521 = vector.broadcast %broadcast_in_dim3A_520 : i32 to vector<16xi32>
      %gather3A_522 = tpu.vector_load_idx %arg15[%get3A_295, %broadcast_in_dim3A_521] : memref<1000x65xf32, #tpu.memory_space<vmem>>[vector<16xi32>, vector<16xi32>], vector<16xf32>,
      tpu.vector_store_idx %arg13[%add3A_305, %broadcast_in_dim3A_521], %gather3A_522 : memref<128x65xf32, #tpu.memory_space<vmem>>[vector<16xi32>, vector<16xi32>], vector<16xf32>,
      %gather3A_523 = tpu.vector_load_idx %arg16[%get3A_301, %broadcast_in_dim3A_521] : memref<100x65xf32, #tpu.memory_space<vmem>>[vector<16xi32>, vector<16xi32>], vector<16xf32>,
      tpu.vector_store_idx %arg14[%add3A_305, %broadcast_in_dim3A_521], %gather3A_523 : memref<128x65xf32, #tpu.memory_space<vmem>>[vector<16xi32>, vector<16xi32>], vector<16xf32>,
      %broadcast_in_dim3A_524 = arith.constant 55 : i32
      %broadcast_in_dim3A_525 = vector.broadcast %broadcast_in_dim3A_524 : i32 to vector<16xi32>
      %gather3A_526 = tpu.vector_load_idx %arg15[%get3A_295, %broadcast_in_dim3A_525] : memref<1000x65xf32, #tpu.memory_space<vmem>>[vector<16xi32>, vector<16xi32>], vector<16xf32>,
      tpu.vector_store_idx %arg13[%add3A_305, %broadcast_in_dim3A_525], %gather3A_526 : memref<128x65xf32, #tpu.memory_space<vmem>>[vector<16xi32>, vector<16xi32>], vector<16xf32>,
      %gather3A_527 = tpu.vector_load_idx %arg16[%get3A_301, %broadcast_in_dim3A_525] : memref<100x65xf32, #tpu.memory_space<vmem>>[vector<16xi32>, vector<16xi32>], vector<16xf32>,
      tpu.vector_store_idx %arg14[%add3A_305, %broadcast_in_dim3A_525], %gather3A_527 : memref<128x65xf32, #tpu.memory_space<vmem>>[vector<16xi32>, vector<16xi32>], vector<16xf32>,
      %broadcast_in_dim3A_528 = arith.constant 56 : i32
      %broadcast_in_dim3A_529 = vector.broadcast %broadcast_in_dim3A_528 : i32 to vector<16xi32>
      %gather3A_530 = tpu.vector_load_idx %arg15[%get3A_295, %broadcast_in_dim3A_529] : memref<1000x65xf32, #tpu.memory_space<vmem>>[vector<16xi32>, vector<16xi32>], vector<16xf32>,
      tpu.vector_store_idx %arg13[%add3A_305, %broadcast_in_dim3A_529], %gather3A_530 : memref<128x65xf32, #tpu.memory_space<vmem>>[vector<16xi32>, vector<16xi32>], vector<16xf32>,
      %gather3A_531 = tpu.vector_load_idx %arg16[%get3A_301, %broadcast_in_dim3A_529] : memref<100x65xf32, #tpu.memory_space<vmem>>[vector<16xi32>, vector<16xi32>], vector<16xf32>,
      tpu.vector_store_idx %arg14[%add3A_305, %broadcast_in_dim3A_529], %gather3A_531 : memref<128x65xf32, #tpu.memory_space<vmem>>[vector<16xi32>, vector<16xi32>], vector<16xf32>,
      %broadcast_in_dim3A_532 = arith.constant 57 : i32
      %broadcast_in_dim3A_533 = vector.broadcast %broadcast_in_dim3A_532 : i32 to vector<16xi32>
      %gather3A_534 = tpu.vector_load_idx %arg15[%get3A_295, %broadcast_in_dim3A_533] : memref<1000x65xf32, #tpu.memory_space<vmem>>[vector<16xi32>, vector<16xi32>], vector<16xf32>,
      tpu.vector_store_idx %arg13[%add3A_305, %broadcast_in_dim3A_533], %gather3A_534 : memref<128x65xf32, #tpu.memory_space<vmem>>[vector<16xi32>, vector<16xi32>], vector<16xf32>,
      %gather3A_535 = tpu.vector_load_idx %arg16[%get3A_301, %broadcast_in_dim3A_533] : memref<100x65xf32, #tpu.memory_space<vmem>>[vector<16xi32>, vector<16xi32>], vector<16xf32>,
      tpu.vector_store_idx %arg14[%add3A_305, %broadcast_in_dim3A_533], %gather3A_535 : memref<128x65xf32, #tpu.memory_space<vmem>>[vector<16xi32>, vector<16xi32>], vector<16xf32>,
      %broadcast_in_dim3A_536 = arith.constant 58 : i32
      %broadcast_in_dim3A_537 = vector.broadcast %broadcast_in_dim3A_536 : i32 to vector<16xi32>
      %gather3A_538 = tpu.vector_load_idx %arg15[%get3A_295, %broadcast_in_dim3A_537] : memref<1000x65xf32, #tpu.memory_space<vmem>>[vector<16xi32>, vector<16xi32>], vector<16xf32>,
      tpu.vector_store_idx %arg13[%add3A_305, %broadcast_in_dim3A_537], %gather3A_538 : memref<128x65xf32, #tpu.memory_space<vmem>>[vector<16xi32>, vector<16xi32>], vector<16xf32>,
      %gather3A_539 = tpu.vector_load_idx %arg16[%get3A_301, %broadcast_in_dim3A_537] : memref<100x65xf32, #tpu.memory_space<vmem>>[vector<16xi32>, vector<16xi32>], vector<16xf32>,
      tpu.vector_store_idx %arg14[%add3A_305, %broadcast_in_dim3A_537], %gather3A_539 : memref<128x65xf32, #tpu.memory_space<vmem>>[vector<16xi32>, vector<16xi32>], vector<16xf32>,
      %broadcast_in_dim3A_540 = arith.constant 59 : i32
      %broadcast_in_dim3A_541 = vector.broadcast %broadcast_in_dim3A_540 : i32 to vector<16xi32>
      %gather3A_542 = tpu.vector_load_idx %arg15[%get3A_295, %broadcast_in_dim3A_541] : memref<1000x65xf32, #tpu.memory_space<vmem>>[vector<16xi32>, vector<16xi32>], vector<16xf32>,
      tpu.vector_store_idx %arg13[%add3A_305, %broadcast_in_dim3A_541], %gather3A_542 : memref<128x65xf32, #tpu.memory_space<vmem>>[vector<16xi32>, vector<16xi32>], vector<16xf32>,
      %gather3A_543 = tpu.vector_load_idx %arg16[%get3A_301, %broadcast_in_dim3A_541] : memref<100x65xf32, #tpu.memory_space<vmem>>[vector<16xi32>, vector<16xi32>], vector<16xf32>,
      tpu.vector_store_idx %arg14[%add3A_305, %broadcast_in_dim3A_541], %gather3A_543 : memref<128x65xf32, #tpu.memory_space<vmem>>[vector<16xi32>, vector<16xi32>], vector<16xf32>,
      %broadcast_in_dim3A_544 = arith.constant 60 : i32
      %broadcast_in_dim3A_545 = vector.broadcast %broadcast_in_dim3A_544 : i32 to vector<16xi32>
      %gather3A_546 = tpu.vector_load_idx %arg15[%get3A_295, %broadcast_in_dim3A_545] : memref<1000x65xf32, #tpu.memory_space<vmem>>[vector<16xi32>, vector<16xi32>], vector<16xf32>,
      tpu.vector_store_idx %arg13[%add3A_305, %broadcast_in_dim3A_545], %gather3A_546 : memref<128x65xf32, #tpu.memory_space<vmem>>[vector<16xi32>, vector<16xi32>], vector<16xf32>,
      %gather3A_547 = tpu.vector_load_idx %arg16[%get3A_301, %broadcast_in_dim3A_545] : memref<100x65xf32, #tpu.memory_space<vmem>>[vector<16xi32>, vector<16xi32>], vector<16xf32>,
      tpu.vector_store_idx %arg14[%add3A_305, %broadcast_in_dim3A_545], %gather3A_547 : memref<128x65xf32, #tpu.memory_space<vmem>>[vector<16xi32>, vector<16xi32>], vector<16xf32>,
      %broadcast_in_dim3A_548 = arith.constant 61 : i32
      %broadcast_in_dim3A_549 = vector.broadcast %broadcast_in_dim3A_548 : i32 to vector<16xi32>
      %gather3A_550 = tpu.vector_load_idx %arg15[%get3A_295, %broadcast_in_dim3A_549] : memref<1000x65xf32, #tpu.memory_space<vmem>>[vector<16xi32>, vector<16xi32>], vector<16xf32>,
      tpu.vector_store_idx %arg13[%add3A_305, %broadcast_in_dim3A_549], %gather3A_550 : memref<128x65xf32, #tpu.memory_space<vmem>>[vector<16xi32>, vector<16xi32>], vector<16xf32>,
      %gather3A_551 = tpu.vector_load_idx %arg16[%get3A_301, %broadcast_in_dim3A_549] : memref<100x65xf32, #tpu.memory_space<vmem>>[vector<16xi32>, vector<16xi32>], vector<16xf32>,
      tpu.vector_store_idx %arg14[%add3A_305, %broadcast_in_dim3A_549], %gather3A_551 : memref<128x65xf32, #tpu.memory_space<vmem>>[vector<16xi32>, vector<16xi32>], vector<16xf32>,
      %broadcast_in_dim3A_552 = arith.constant 62 : i32
      %broadcast_in_dim3A_553 = vector.broadcast %broadcast_in_dim3A_552 : i32 to vector<16xi32>
      %gather3A_554 = tpu.vector_load_idx %arg15[%get3A_295, %broadcast_in_dim3A_553] : memref<1000x65xf32, #tpu.memory_space<vmem>>[vector<16xi32>, vector<16xi32>], vector<16xf32>,
      tpu.vector_store_idx %arg13[%add3A_305, %broadcast_in_dim3A_553], %gather3A_554 : memref<128x65xf32, #tpu.memory_space<vmem>>[vector<16xi32>, vector<16xi32>], vector<16xf32>,
      %gather3A_555 = tpu.vector_load_idx %arg16[%get3A_301, %broadcast_in_dim3A_553] : memref<100x65xf32, #tpu.memory_space<vmem>>[vector<16xi32>, vector<16xi32>], vector<16xf32>,
      tpu.vector_store_idx %arg14[%add3A_305, %broadcast_in_dim3A_553], %gather3A_555 : memref<128x65xf32, #tpu.memory_space<vmem>>[vector<16xi32>, vector<16xi32>], vector<16xf32>,
      %broadcast_in_dim3A_556 = arith.constant 63 : i32
      %broadcast_in_dim3A_557 = vector.broadcast %broadcast_in_dim3A_556 : i32 to vector<16xi32>
      %gather3A_558 = tpu.vector_load_idx %arg15[%get3A_295, %broadcast_in_dim3A_557] : memref<1000x65xf32, #tpu.memory_space<vmem>>[vector<16xi32>, vector<16xi32>], vector<16xf32>,
      tpu.vector_store_idx %arg13[%add3A_305, %broadcast_in_dim3A_557], %gather3A_558 : memref<128x65xf32, #tpu.memory_space<vmem>>[vector<16xi32>, vector<16xi32>], vector<16xf32>,
      %gather3A_559 = tpu.vector_load_idx %arg16[%get3A_301, %broadcast_in_dim3A_557] : memref<100x65xf32, #tpu.memory_space<vmem>>[vector<16xi32>, vector<16xi32>], vector<16xf32>,
      tpu.vector_store_idx %arg14[%add3A_305, %broadcast_in_dim3A_557], %gather3A_559 : memref<128x65xf32, #tpu.memory_space<vmem>>[vector<16xi32>, vector<16xi32>], vector<16xf32>,
    }
    %scan3A_16 = arith.constant 8 : i32
    %dma_wait3A = arith.constant 0 : i32
    %dma_wait3A_17 = arith.constant 0 : i32
    %dma_wait3A_18 = tpu.memref_slice %arg12[%dma_wait3A, %dma_wait3A_17] : memref<128x64xf32, #tpu.memory_space<vmem>> -> memref<128x64xf32, #tpu.memory_space<vmem>>
    %dma_wait3A_19 = arith.constant 0 : i32
    %dma_wait3A_20 = tpu.memref_slice %arg9[%dma_wait3A_19] : memref<512xi32, #tpu.memory_space<vmem>> -> memref<128xi32, #tpu.memory_space<vmem>>
    %dma_wait3A_21 = arith.constant 0 : i32
    %dma_wait3A_22 = arith.constant 0 : i32
    %dma_wait3A_23 = tpu.memref_slice %arg5[%dma_wait3A_21, %dma_wait3A_22] : memref<100000x64xf32, #tpu.memory_space<hbm>> -> memref<100000x64xf32, #tpu.memory_space<hbm>>
    tpu.wait_indirect_dma semaphore(%arg19 : memref<!tpu.dma_semaphore, #tpu.memory_space<semaphore_mem>>) src(%dma_wait3A_23 : memref<100000x64xf32, #tpu.memory_space<hbm>>) dst(%dma_wait3A_18 : memref<128x64xf32, #tpu.memory_space<vmem>>)
    %add3A_24 = arith.constant 0 : i32
    %add3A_25 = arith.addi %mul3A_2, %add3A_24 : i32
    %dma_start3A_26 = arith.constant 0 : i32
    %dma_start3A_27 = tpu.memref_slice %arg8[%add3A_25, %dma_start3A_26] : memref<16384x256xf32, #tpu.memory_space<hbm>> -> memref<128x64xf32, #tpu.memory_space<hbm>>
    %dma_start3A_28 = arith.constant 0 : i32
    %dma_start3A_29 = tpu.memref_slice %arg8[%add3A_25, %dma_start3A_28] : memref<16384x256xf32, #tpu.memory_space<hbm>> -> memref<128x64xf32, #tpu.memory_space<hbm>>
    tpu.enqueue_dma source(%arg12 : memref<128x64xf32, #tpu.memory_space<vmem>>) target(%dma_start3A_29 : memref<128x64xf32, #tpu.memory_space<hbm>>) target_semaphore(%arg19 : memref<!tpu.dma_semaphore, #tpu.memory_space<semaphore_mem>>)
    %dma_start3A_30 = arith.constant 0 : i32
    %dma_start3A_31 = arith.constant 0 : i32
    %dma_start3A_32 = tpu.memref_slice %arg13[%dma_start3A_30, %dma_start3A_31] : memref<128x65xf32, #tpu.memory_space<vmem>> -> memref<128x64xf32, #tpu.memory_space<vmem>>
    %dma_start3A_33 = arith.constant 64 : i32
    %dma_start3A_34 = tpu.memref_slice %arg8[%add3A_25, %dma_start3A_33] : memref<16384x256xf32, #tpu.memory_space<hbm>> -> memref<128x64xf32, #tpu.memory_space<hbm>>
    %dma_start3A_35 = arith.constant 64 : i32
    %dma_start3A_36 = tpu.memref_slice %arg8[%add3A_25, %dma_start3A_35] : memref<16384x256xf32, #tpu.memory_space<hbm>> -> memref<128x64xf32, #tpu.memory_space<hbm>>
    %dma_start3A_37 = arith.constant 0 : i32
    %dma_start3A_38 = arith.constant 0 : i32
    %dma_start3A_39 = tpu.memref_slice %arg13[%dma_start3A_37, %dma_start3A_38] : memref<128x65xf32, #tpu.memory_space<vmem>> -> memref<128x64xf32, #tpu.memory_space<vmem>>
    tpu.enqueue_dma source(%dma_start3A_39 : memref<128x64xf32, #tpu.memory_space<vmem>>) target(%dma_start3A_36 : memref<128x64xf32, #tpu.memory_space<hbm>>) target_semaphore(%arg19 : memref<!tpu.dma_semaphore, #tpu.memory_space<semaphore_mem>>)
    %dma_start3A_40 = arith.constant 0 : i32
    %dma_start3A_41 = arith.constant 0 : i32
    %dma_start3A_42 = tpu.memref_slice %arg14[%dma_start3A_40, %dma_start3A_41] : memref<128x65xf32, #tpu.memory_space<vmem>> -> memref<128x64xf32, #tpu.memory_space<vmem>>
    %dma_start3A_43 = arith.constant 128 : i32
    %dma_start3A_44 = tpu.memref_slice %arg8[%add3A_25, %dma_start3A_43] : memref<16384x256xf32, #tpu.memory_space<hbm>> -> memref<128x64xf32, #tpu.memory_space<hbm>>
    %dma_start3A_45 = arith.constant 128 : i32
    %dma_start3A_46 = tpu.memref_slice %arg8[%add3A_25, %dma_start3A_45] : memref<16384x256xf32, #tpu.memory_space<hbm>> -> memref<128x64xf32, #tpu.memory_space<hbm>>
    %dma_start3A_47 = arith.constant 0 : i32
    %dma_start3A_48 = arith.constant 0 : i32
    %dma_start3A_49 = tpu.memref_slice %arg14[%dma_start3A_47, %dma_start3A_48] : memref<128x65xf32, #tpu.memory_space<vmem>> -> memref<128x64xf32, #tpu.memory_space<vmem>>
    tpu.enqueue_dma source(%dma_start3A_49 : memref<128x64xf32, #tpu.memory_space<vmem>>) target(%dma_start3A_46 : memref<128x64xf32, #tpu.memory_space<hbm>>) target_semaphore(%arg19 : memref<!tpu.dma_semaphore, #tpu.memory_space<semaphore_mem>>)
    %dma_wait3A_50 = arith.constant 0 : i32
    %dma_wait3A_51 = tpu.memref_slice %arg8[%add3A_25, %dma_wait3A_50] : memref<16384x256xf32, #tpu.memory_space<hbm>> -> memref<128x64xf32, #tpu.memory_space<hbm>>
    %dma_wait3A_52 = arith.constant 0 : i32
    %dma_wait3A_53 = tpu.memref_slice %arg8[%add3A_25, %dma_wait3A_52] : memref<16384x256xf32, #tpu.memory_space<hbm>> -> memref<128x64xf32, #tpu.memory_space<hbm>>
    tpu.wait_dma2 semaphore(%arg19 : memref<!tpu.dma_semaphore, #tpu.memory_space<semaphore_mem>>) src(%arg12 : memref<128x64xf32, #tpu.memory_space<vmem>>) dst(%dma_wait3A_53 : memref<128x64xf32, #tpu.memory_space<hbm>>)
    %dma_wait3A_54 = arith.constant 0 : i32
    %dma_wait3A_55 = arith.constant 0 : i32
    %dma_wait3A_56 = tpu.memref_slice %arg13[%dma_wait3A_54, %dma_wait3A_55] : memref<128x65xf32, #tpu.memory_space<vmem>> -> memref<128x64xf32, #tpu.memory_space<vmem>>
    %dma_wait3A_57 = arith.constant 64 : i32
    %dma_wait3A_58 = tpu.memref_slice %arg8[%add3A_25, %dma_wait3A_57] : memref<16384x256xf32, #tpu.memory_space<hbm>> -> memref<128x64xf32, #tpu.memory_space<hbm>>
    %dma_wait3A_59 = arith.constant 64 : i32
    %dma_wait3A_60 = tpu.memref_slice %arg8[%add3A_25, %dma_wait3A_59] : memref<16384x256xf32, #tpu.memory_space<hbm>> -> memref<128x64xf32, #tpu.memory_space<hbm>>
    %dma_wait3A_61 = arith.constant 0 : i32
    %dma_wait3A_62 = arith.constant 0 : i32
    %dma_wait3A_63 = tpu.memref_slice %arg13[%dma_wait3A_61, %dma_wait3A_62] : memref<128x65xf32, #tpu.memory_space<vmem>> -> memref<128x64xf32, #tpu.memory_space<vmem>>
    tpu.wait_dma2 semaphore(%arg19 : memref<!tpu.dma_semaphore, #tpu.memory_space<semaphore_mem>>) src(%dma_wait3A_63 : memref<128x64xf32, #tpu.memory_space<vmem>>) dst(%dma_wait3A_60 : memref<128x64xf32, #tpu.memory_space<hbm>>)
    %dma_wait3A_64 = arith.constant 0 : i32
    %dma_wait3A_65 = arith.constant 0 : i32
    %dma_wait3A_66 = tpu.memref_slice %arg14[%dma_wait3A_64, %dma_wait3A_65] : memref<128x65xf32, #tpu.memory_space<vmem>> -> memref<128x64xf32, #tpu.memory_space<vmem>>
    %dma_wait3A_67 = arith.constant 128 : i32
    %dma_wait3A_68 = tpu.memref_slice %arg8[%add3A_25, %dma_wait3A_67] : memref<16384x256xf32, #tpu.memory_space<hbm>> -> memref<128x64xf32, #tpu.memory_space<hbm>>
    %dma_wait3A_69 = arith.constant 128 : i32
    %dma_wait3A_70 = tpu.memref_slice %arg8[%add3A_25, %dma_wait3A_69] : memref<16384x256xf32, #tpu.memory_space<hbm>> -> memref<128x64xf32, #tpu.memory_space<hbm>>
    %dma_wait3A_71 = arith.constant 0 : i32
    %dma_wait3A_72 = arith.constant 0 : i32
    %dma_wait3A_73 = tpu.memref_slice %arg14[%dma_wait3A_71, %dma_wait3A_72] : memref<128x65xf32, #tpu.memory_space<vmem>> -> memref<128x64xf32, #tpu.memory_space<vmem>>
    tpu.wait_dma2 semaphore(%arg19 : memref<!tpu.dma_semaphore, #tpu.memory_space<semaphore_mem>>) src(%dma_wait3A_73 : memref<128x64xf32, #tpu.memory_space<vmem>>) dst(%dma_wait3A_70 : memref<128x64xf32, #tpu.memory_space<hbm>>)
    %dma_start3A_74 = arith.constant 0 : i32
    %dma_start3A_75 = arith.constant 0 : i32
    %dma_start3A_76 = tpu.memref_slice %arg12[%dma_start3A_74, %dma_start3A_75] : memref<128x64xf32, #tpu.memory_space<vmem>> -> memref<128x64xf32, #tpu.memory_space<vmem>>
    %dma_start3A_77 = arith.constant 128 : i32
    %dma_start3A_78 = tpu.memref_slice %arg9[%dma_start3A_77] : memref<512xi32, #tpu.memory_space<vmem>> -> memref<128xi32, #tpu.memory_space<vmem>>
    %dma_start3A_79 = arith.constant 0 : i32
    %dma_start3A_80 = arith.constant 0 : i32
    %dma_start3A_81 = tpu.memref_slice %arg5[%dma_start3A_79, %dma_start3A_80] : memref<100000x64xf32, #tpu.memory_space<hbm>> -> memref<100000x64xf32, #tpu.memory_space<hbm>>
    tpu.enqueue_indirect_dma source(%dma_start3A_81 : memref<100000x64xf32, #tpu.memory_space<hbm>>) target(%dma_start3A_76 : memref<128x64xf32, #tpu.memory_space<vmem>>) offsets(%dma_start3A_78 : memref<128xi32, #tpu.memory_space<vmem>>) semaphore(%arg19 : memref<!tpu.dma_semaphore, #tpu.memory_space<semaphore_mem>>)
    %scan3A_82 = arith.constant 0 : i32
    %scan3A_83 = arith.constant 0 : i32
    %scan3A_84 = arith.constant 8 : i32
    %scan3A_85 = arith.addi %scan3A_83, %scan3A_84 : i32
    %scan3A_86 = arith.constant 1 : i32
    scf.for %scan3A_290 = %scan3A_83 to %scan3A_85 step %scan3A_86  : i32 {
      %mul3A_291 = arith.constant 16 : i32
      %mul3A_292 = arith.muli %scan3A_290, %mul3A_291 : i32
      %add3A_293 = arith.constant 128 : i32
      %add3A_294 = arith.addi %add3A_293, %mul3A_292 : i32
      %get3A = arith.index_cast %add3A_294 : i32 to index
      %get3A_295 = tpu.vector_load %arg10[%get3A] {strides = array<i32>} : memref<512xi32, #tpu.memory_space<vmem>>, vector<16xi32>,
      %mul3A_296 = arith.constant 16 : i32
      %mul3A_297 = arith.muli %scan3A_290, %mul3A_296 : i32
      %add3A_298 = arith.constant 128 : i32
      %add3A_299 = arith.addi %add3A_298, %mul3A_297 : i32
      %get3A_300 = arith.index_cast %add3A_299 : i32 to index
      %get3A_301 = tpu.vector_load %arg11[%get3A_300] {strides = array<i32>} : memref<512xi32, #tpu.memory_space<vmem>>, vector<16xi32>,
      %mul3A_302 = arith.constant 16 : i32
      %mul3A_303 = arith.muli %scan3A_290, %mul3A_302 : i32
      %add3A_304 = vector.broadcast %mul3A_303 : i32 to vector<16xi32>
      %add3A_305 = arith.addi %iota3A, %add3A_304 : vector<16xi32>
      %broadcast_in_dim3A = arith.constant 0 : i32
      %broadcast_in_dim3A_306 = vector.broadcast %broadcast_in_dim3A : i32 to vector<16xi32>
      %gather3A = tpu.vector_load_idx %arg15[%get3A_295, %broadcast_in_dim3A_306] : memref<1000x65xf32, #tpu.memory_space<vmem>>[vector<16xi32>, vector<16xi32>], vector<16xf32>,
      tpu.vector_store_idx %arg13[%add3A_305, %broadcast_in_dim3A_306], %gather3A : memref<128x65xf32, #tpu.memory_space<vmem>>[vector<16xi32>, vector<16xi32>], vector<16xf32>,
      %gather3A_307 = tpu.vector_load_idx %arg16[%get3A_301, %broadcast_in_dim3A_306] : memref<100x65xf32, #tpu.memory_space<vmem>>[vector<16xi32>, vector<16xi32>], vector<16xf32>,
      tpu.vector_store_idx %arg14[%add3A_305, %broadcast_in_dim3A_306], %gather3A_307 : memref<128x65xf32, #tpu.memory_space<vmem>>[vector<16xi32>, vector<16xi32>], vector<16xf32>,
      %broadcast_in_dim3A_308 = arith.constant 1 : i32
      %broadcast_in_dim3A_309 = vector.broadcast %broadcast_in_dim3A_308 : i32 to vector<16xi32>
      %gather3A_310 = tpu.vector_load_idx %arg15[%get3A_295, %broadcast_in_dim3A_309] : memref<1000x65xf32, #tpu.memory_space<vmem>>[vector<16xi32>, vector<16xi32>], vector<16xf32>,
      tpu.vector_store_idx %arg13[%add3A_305, %broadcast_in_dim3A_309], %gather3A_310 : memref<128x65xf32, #tpu.memory_space<vmem>>[vector<16xi32>, vector<16xi32>], vector<16xf32>,
      %gather3A_311 = tpu.vector_load_idx %arg16[%get3A_301, %broadcast_in_dim3A_309] : memref<100x65xf32, #tpu.memory_space<vmem>>[vector<16xi32>, vector<16xi32>], vector<16xf32>,
      tpu.vector_store_idx %arg14[%add3A_305, %broadcast_in_dim3A_309], %gather3A_311 : memref<128x65xf32, #tpu.memory_space<vmem>>[vector<16xi32>, vector<16xi32>], vector<16xf32>,
      %broadcast_in_dim3A_312 = arith.constant 2 : i32
      %broadcast_in_dim3A_313 = vector.broadcast %broadcast_in_dim3A_312 : i32 to vector<16xi32>
      %gather3A_314 = tpu.vector_load_idx %arg15[%get3A_295, %broadcast_in_dim3A_313] : memref<1000x65xf32, #tpu.memory_space<vmem>>[vector<16xi32>, vector<16xi32>], vector<16xf32>,
      tpu.vector_store_idx %arg13[%add3A_305, %broadcast_in_dim3A_313], %gather3A_314 : memref<128x65xf32, #tpu.memory_space<vmem>>[vector<16xi32>, vector<16xi32>], vector<16xf32>,
      %gather3A_315 = tpu.vector_load_idx %arg16[%get3A_301, %broadcast_in_dim3A_313] : memref<100x65xf32, #tpu.memory_space<vmem>>[vector<16xi32>, vector<16xi32>], vector<16xf32>,
      tpu.vector_store_idx %arg14[%add3A_305, %broadcast_in_dim3A_313], %gather3A_315 : memref<128x65xf32, #tpu.memory_space<vmem>>[vector<16xi32>, vector<16xi32>], vector<16xf32>,
      %broadcast_in_dim3A_316 = arith.constant 3 : i32
      %broadcast_in_dim3A_317 = vector.broadcast %broadcast_in_dim3A_316 : i32 to vector<16xi32>
      %gather3A_318 = tpu.vector_load_idx %arg15[%get3A_295, %broadcast_in_dim3A_317] : memref<1000x65xf32, #tpu.memory_space<vmem>>[vector<16xi32>, vector<16xi32>], vector<16xf32>,
      tpu.vector_store_idx %arg13[%add3A_305, %broadcast_in_dim3A_317], %gather3A_318 : memref<128x65xf32, #tpu.memory_space<vmem>>[vector<16xi32>, vector<16xi32>], vector<16xf32>,
      %gather3A_319 = tpu.vector_load_idx %arg16[%get3A_301, %broadcast_in_dim3A_317] : memref<100x65xf32, #tpu.memory_space<vmem>>[vector<16xi32>, vector<16xi32>], vector<16xf32>,
      tpu.vector_store_idx %arg14[%add3A_305, %broadcast_in_dim3A_317], %gather3A_319 : memref<128x65xf32, #tpu.memory_space<vmem>>[vector<16xi32>, vector<16xi32>], vector<16xf32>,
      %broadcast_in_dim3A_320 = arith.constant 4 : i32
      %broadcast_in_dim3A_321 = vector.broadcast %broadcast_in_dim3A_320 : i32 to vector<16xi32>
      %gather3A_322 = tpu.vector_load_idx %arg15[%get3A_295, %broadcast_in_dim3A_321] : memref<1000x65xf32, #tpu.memory_space<vmem>>[vector<16xi32>, vector<16xi32>], vector<16xf32>,
      tpu.vector_store_idx %arg13[%add3A_305, %broadcast_in_dim3A_321], %gather3A_322 : memref<128x65xf32, #tpu.memory_space<vmem>>[vector<16xi32>, vector<16xi32>], vector<16xf32>,
      %gather3A_323 = tpu.vector_load_idx %arg16[%get3A_301, %broadcast_in_dim3A_321] : memref<100x65xf32, #tpu.memory_space<vmem>>[vector<16xi32>, vector<16xi32>], vector<16xf32>,
      tpu.vector_store_idx %arg14[%add3A_305, %broadcast_in_dim3A_321], %gather3A_323 : memref<128x65xf32, #tpu.memory_space<vmem>>[vector<16xi32>, vector<16xi32>], vector<16xf32>,
      %broadcast_in_dim3A_324 = arith.constant 5 : i32
      %broadcast_in_dim3A_325 = vector.broadcast %broadcast_in_dim3A_324 : i32 to vector<16xi32>
      %gather3A_326 = tpu.vector_load_idx %arg15[%get3A_295, %broadcast_in_dim3A_325] : memref<1000x65xf32, #tpu.memory_space<vmem>>[vector<16xi32>, vector<16xi32>], vector<16xf32>,
      tpu.vector_store_idx %arg13[%add3A_305, %broadcast_in_dim3A_325], %gather3A_326 : memref<128x65xf32, #tpu.memory_space<vmem>>[vector<16xi32>, vector<16xi32>], vector<16xf32>,
      %gather3A_327 = tpu.vector_load_idx %arg16[%get3A_301, %broadcast_in_dim3A_325] : memref<100x65xf32, #tpu.memory_space<vmem>>[vector<16xi32>, vector<16xi32>], vector<16xf32>,
      tpu.vector_store_idx %arg14[%add3A_305, %broadcast_in_dim3A_325], %gather3A_327 : memref<128x65xf32, #tpu.memory_space<vmem>>[vector<16xi32>, vector<16xi32>], vector<16xf32>,
      %broadcast_in_dim3A_328 = arith.constant 6 : i32
      %broadcast_in_dim3A_329 = vector.broadcast %broadcast_in_dim3A_328 : i32 to vector<16xi32>
      %gather3A_330 = tpu.vector_load_idx %arg15[%get3A_295, %broadcast_in_dim3A_329] : memref<1000x65xf32, #tpu.memory_space<vmem>>[vector<16xi32>, vector<16xi32>], vector<16xf32>,
      tpu.vector_store_idx %arg13[%add3A_305, %broadcast_in_dim3A_329], %gather3A_330 : memref<128x65xf32, #tpu.memory_space<vmem>>[vector<16xi32>, vector<16xi32>], vector<16xf32>,
      %gather3A_331 = tpu.vector_load_idx %arg16[%get3A_301, %broadcast_in_dim3A_329] : memref<100x65xf32, #tpu.memory_space<vmem>>[vector<16xi32>, vector<16xi32>], vector<16xf32>,
      tpu.vector_store_idx %arg14[%add3A_305, %broadcast_in_dim3A_329], %gather3A_331 : memref<128x65xf32, #tpu.memory_space<vmem>>[vector<16xi32>, vector<16xi32>], vector<16xf32>,
      %broadcast_in_dim3A_332 = arith.constant 7 : i32
      %broadcast_in_dim3A_333 = vector.broadcast %broadcast_in_dim3A_332 : i32 to vector<16xi32>
      %gather3A_334 = tpu.vector_load_idx %arg15[%get3A_295, %broadcast_in_dim3A_333] : memref<1000x65xf32, #tpu.memory_space<vmem>>[vector<16xi32>, vector<16xi32>], vector<16xf32>,
      tpu.vector_store_idx %arg13[%add3A_305, %broadcast_in_dim3A_333], %gather3A_334 : memref<128x65xf32, #tpu.memory_space<vmem>>[vector<16xi32>, vector<16xi32>], vector<16xf32>,
      %gather3A_335 = tpu.vector_load_idx %arg16[%get3A_301, %broadcast_in_dim3A_333] : memref<100x65xf32, #tpu.memory_space<vmem>>[vector<16xi32>, vector<16xi32>], vector<16xf32>,
      tpu.vector_store_idx %arg14[%add3A_305, %broadcast_in_dim3A_333], %gather3A_335 : memref<128x65xf32, #tpu.memory_space<vmem>>[vector<16xi32>, vector<16xi32>], vector<16xf32>,
      %broadcast_in_dim3A_336 = arith.constant 8 : i32
      %broadcast_in_dim3A_337 = vector.broadcast %broadcast_in_dim3A_336 : i32 to vector<16xi32>
      %gather3A_338 = tpu.vector_load_idx %arg15[%get3A_295, %broadcast_in_dim3A_337] : memref<1000x65xf32, #tpu.memory_space<vmem>>[vector<16xi32>, vector<16xi32>], vector<16xf32>,
      tpu.vector_store_idx %arg13[%add3A_305, %broadcast_in_dim3A_337], %gather3A_338 : memref<128x65xf32, #tpu.memory_space<vmem>>[vector<16xi32>, vector<16xi32>], vector<16xf32>,
      %gather3A_339 = tpu.vector_load_idx %arg16[%get3A_301, %broadcast_in_dim3A_337] : memref<100x65xf32, #tpu.memory_space<vmem>>[vector<16xi32>, vector<16xi32>], vector<16xf32>,
      tpu.vector_store_idx %arg14[%add3A_305, %broadcast_in_dim3A_337], %gather3A_339 : memref<128x65xf32, #tpu.memory_space<vmem>>[vector<16xi32>, vector<16xi32>], vector<16xf32>,
      %broadcast_in_dim3A_340 = arith.constant 9 : i32
      %broadcast_in_dim3A_341 = vector.broadcast %broadcast_in_dim3A_340 : i32 to vector<16xi32>
      %gather3A_342 = tpu.vector_load_idx %arg15[%get3A_295, %broadcast_in_dim3A_341] : memref<1000x65xf32, #tpu.memory_space<vmem>>[vector<16xi32>, vector<16xi32>], vector<16xf32>,
      tpu.vector_store_idx %arg13[%add3A_305, %broadcast_in_dim3A_341], %gather3A_342 : memref<128x65xf32, #tpu.memory_space<vmem>>[vector<16xi32>, vector<16xi32>], vector<16xf32>,
      %gather3A_343 = tpu.vector_load_idx %arg16[%get3A_301, %broadcast_in_dim3A_341] : memref<100x65xf32, #tpu.memory_space<vmem>>[vector<16xi32>, vector<16xi32>], vector<16xf32>,
      tpu.vector_store_idx %arg14[%add3A_305, %broadcast_in_dim3A_341], %gather3A_343 : memref<128x65xf32, #tpu.memory_space<vmem>>[vector<16xi32>, vector<16xi32>], vector<16xf32>,
      %broadcast_in_dim3A_344 = arith.constant 10 : i32
      %broadcast_in_dim3A_345 = vector.broadcast %broadcast_in_dim3A_344 : i32 to vector<16xi32>
      %gather3A_346 = tpu.vector_load_idx %arg15[%get3A_295, %broadcast_in_dim3A_345] : memref<1000x65xf32, #tpu.memory_space<vmem>>[vector<16xi32>, vector<16xi32>], vector<16xf32>,
      tpu.vector_store_idx %arg13[%add3A_305, %broadcast_in_dim3A_345], %gather3A_346 : memref<128x65xf32, #tpu.memory_space<vmem>>[vector<16xi32>, vector<16xi32>], vector<16xf32>,
      %gather3A_347 = tpu.vector_load_idx %arg16[%get3A_301, %broadcast_in_dim3A_345] : memref<100x65xf32, #tpu.memory_space<vmem>>[vector<16xi32>, vector<16xi32>], vector<16xf32>,
      tpu.vector_store_idx %arg14[%add3A_305, %broadcast_in_dim3A_345], %gather3A_347 : memref<128x65xf32, #tpu.memory_space<vmem>>[vector<16xi32>, vector<16xi32>], vector<16xf32>,
      %broadcast_in_dim3A_348 = arith.constant 11 : i32
      %broadcast_in_dim3A_349 = vector.broadcast %broadcast_in_dim3A_348 : i32 to vector<16xi32>
      %gather3A_350 = tpu.vector_load_idx %arg15[%get3A_295, %broadcast_in_dim3A_349] : memref<1000x65xf32, #tpu.memory_space<vmem>>[vector<16xi32>, vector<16xi32>], vector<16xf32>,
      tpu.vector_store_idx %arg13[%add3A_305, %broadcast_in_dim3A_349], %gather3A_350 : memref<128x65xf32, #tpu.memory_space<vmem>>[vector<16xi32>, vector<16xi32>], vector<16xf32>,
      %gather3A_351 = tpu.vector_load_idx %arg16[%get3A_301, %broadcast_in_dim3A_349] : memref<100x65xf32, #tpu.memory_space<vmem>>[vector<16xi32>, vector<16xi32>], vector<16xf32>,
      tpu.vector_store_idx %arg14[%add3A_305, %broadcast_in_dim3A_349], %gather3A_351 : memref<128x65xf32, #tpu.memory_space<vmem>>[vector<16xi32>, vector<16xi32>], vector<16xf32>,
      %broadcast_in_dim3A_352 = arith.constant 12 : i32
      %broadcast_in_dim3A_353 = vector.broadcast %broadcast_in_dim3A_352 : i32 to vector<16xi32>
      %gather3A_354 = tpu.vector_load_idx %arg15[%get3A_295, %broadcast_in_dim3A_353] : memref<1000x65xf32, #tpu.memory_space<vmem>>[vector<16xi32>, vector<16xi32>], vector<16xf32>,
      tpu.vector_store_idx %arg13[%add3A_305, %broadcast_in_dim3A_353], %gather3A_354 : memref<128x65xf32, #tpu.memory_space<vmem>>[vector<16xi32>, vector<16xi32>], vector<16xf32>,
      %gather3A_355 = tpu.vector_load_idx %arg16[%get3A_301, %broadcast_in_dim3A_353] : memref<100x65xf32, #tpu.memory_space<vmem>>[vector<16xi32>, vector<16xi32>], vector<16xf32>,
      tpu.vector_store_idx %arg14[%add3A_305, %broadcast_in_dim3A_353], %gather3A_355 : memref<128x65xf32, #tpu.memory_space<vmem>>[vector<16xi32>, vector<16xi32>], vector<16xf32>,
      %broadcast_in_dim3A_356 = arith.constant 13 : i32
      %broadcast_in_dim3A_357 = vector.broadcast %broadcast_in_dim3A_356 : i32 to vector<16xi32>
      %gather3A_358 = tpu.vector_load_idx %arg15[%get3A_295, %broadcast_in_dim3A_357] : memref<1000x65xf32, #tpu.memory_space<vmem>>[vector<16xi32>, vector<16xi32>], vector<16xf32>,
      tpu.vector_store_idx %arg13[%add3A_305, %broadcast_in_dim3A_357], %gather3A_358 : memref<128x65xf32, #tpu.memory_space<vmem>>[vector<16xi32>, vector<16xi32>], vector<16xf32>,
      %gather3A_359 = tpu.vector_load_idx %arg16[%get3A_301, %broadcast_in_dim3A_357] : memref<100x65xf32, #tpu.memory_space<vmem>>[vector<16xi32>, vector<16xi32>], vector<16xf32>,
      tpu.vector_store_idx %arg14[%add3A_305, %broadcast_in_dim3A_357], %gather3A_359 : memref<128x65xf32, #tpu.memory_space<vmem>>[vector<16xi32>, vector<16xi32>], vector<16xf32>,
      %broadcast_in_dim3A_360 = arith.constant 14 : i32
      %broadcast_in_dim3A_361 = vector.broadcast %broadcast_in_dim3A_360 : i32 to vector<16xi32>
      %gather3A_362 = tpu.vector_load_idx %arg15[%get3A_295, %broadcast_in_dim3A_361] : memref<1000x65xf32, #tpu.memory_space<vmem>>[vector<16xi32>, vector<16xi32>], vector<16xf32>,
      tpu.vector_store_idx %arg13[%add3A_305, %broadcast_in_dim3A_361], %gather3A_362 : memref<128x65xf32, #tpu.memory_space<vmem>>[vector<16xi32>, vector<16xi32>], vector<16xf32>,
      %gather3A_363 = tpu.vector_load_idx %arg16[%get3A_301, %broadcast_in_dim3A_361] : memref<100x65xf32, #tpu.memory_space<vmem>>[vector<16xi32>, vector<16xi32>], vector<16xf32>,
      tpu.vector_store_idx %arg14[%add3A_305, %broadcast_in_dim3A_361], %gather3A_363 : memref<128x65xf32, #tpu.memory_space<vmem>>[vector<16xi32>, vector<16xi32>], vector<16xf32>,
      %broadcast_in_dim3A_364 = arith.constant 15 : i32
      %broadcast_in_dim3A_365 = vector.broadcast %broadcast_in_dim3A_364 : i32 to vector<16xi32>
      %gather3A_366 = tpu.vector_load_idx %arg15[%get3A_295, %broadcast_in_dim3A_365] : memref<1000x65xf32, #tpu.memory_space<vmem>>[vector<16xi32>, vector<16xi32>], vector<16xf32>,
      tpu.vector_store_idx %arg13[%add3A_305, %broadcast_in_dim3A_365], %gather3A_366 : memref<128x65xf32, #tpu.memory_space<vmem>>[vector<16xi32>, vector<16xi32>], vector<16xf32>,
      %gather3A_367 = tpu.vector_load_idx %arg16[%get3A_301, %broadcast_in_dim3A_365] : memref<100x65xf32, #tpu.memory_space<vmem>>[vector<16xi32>, vector<16xi32>], vector<16xf32>,
      tpu.vector_store_idx %arg14[%add3A_305, %broadcast_in_dim3A_365], %gather3A_367 : memref<128x65xf32, #tpu.memory_space<vmem>>[vector<16xi32>, vector<16xi32>], vector<16xf32>,
      %broadcast_in_dim3A_368 = arith.constant 16 : i32
      %broadcast_in_dim3A_369 = vector.broadcast %broadcast_in_dim3A_368 : i32 to vector<16xi32>
      %gather3A_370 = tpu.vector_load_idx %arg15[%get3A_295, %broadcast_in_dim3A_369] : memref<1000x65xf32, #tpu.memory_space<vmem>>[vector<16xi32>, vector<16xi32>], vector<16xf32>,
      tpu.vector_store_idx %arg13[%add3A_305, %broadcast_in_dim3A_369], %gather3A_370 : memref<128x65xf32, #tpu.memory_space<vmem>>[vector<16xi32>, vector<16xi32>], vector<16xf32>,
      %gather3A_371 = tpu.vector_load_idx %arg16[%get3A_301, %broadcast_in_dim3A_369] : memref<100x65xf32, #tpu.memory_space<vmem>>[vector<16xi32>, vector<16xi32>], vector<16xf32>,
      tpu.vector_store_idx %arg14[%add3A_305, %broadcast_in_dim3A_369], %gather3A_371 : memref<128x65xf32, #tpu.memory_space<vmem>>[vector<16xi32>, vector<16xi32>], vector<16xf32>,
      %broadcast_in_dim3A_372 = arith.constant 17 : i32
      %broadcast_in_dim3A_373 = vector.broadcast %broadcast_in_dim3A_372 : i32 to vector<16xi32>
      %gather3A_374 = tpu.vector_load_idx %arg15[%get3A_295, %broadcast_in_dim3A_373] : memref<1000x65xf32, #tpu.memory_space<vmem>>[vector<16xi32>, vector<16xi32>], vector<16xf32>,
      tpu.vector_store_idx %arg13[%add3A_305, %broadcast_in_dim3A_373], %gather3A_374 : memref<128x65xf32, #tpu.memory_space<vmem>>[vector<16xi32>, vector<16xi32>], vector<16xf32>,
      %gather3A_375 = tpu.vector_load_idx %arg16[%get3A_301, %broadcast_in_dim3A_373] : memref<100x65xf32, #tpu.memory_space<vmem>>[vector<16xi32>, vector<16xi32>], vector<16xf32>,
      tpu.vector_store_idx %arg14[%add3A_305, %broadcast_in_dim3A_373], %gather3A_375 : memref<128x65xf32, #tpu.memory_space<vmem>>[vector<16xi32>, vector<16xi32>], vector<16xf32>,
      %broadcast_in_dim3A_376 = arith.constant 18 : i32
      %broadcast_in_dim3A_377 = vector.broadcast %broadcast_in_dim3A_376 : i32 to vector<16xi32>
      %gather3A_378 = tpu.vector_load_idx %arg15[%get3A_295, %broadcast_in_dim3A_377] : memref<1000x65xf32, #tpu.memory_space<vmem>>[vector<16xi32>, vector<16xi32>], vector<16xf32>,
      tpu.vector_store_idx %arg13[%add3A_305, %broadcast_in_dim3A_377], %gather3A_378 : memref<128x65xf32, #tpu.memory_space<vmem>>[vector<16xi32>, vector<16xi32>], vector<16xf32>,
      %gather3A_379 = tpu.vector_load_idx %arg16[%get3A_301, %broadcast_in_dim3A_377] : memref<100x65xf32, #tpu.memory_space<vmem>>[vector<16xi32>, vector<16xi32>], vector<16xf32>,
      tpu.vector_store_idx %arg14[%add3A_305, %broadcast_in_dim3A_377], %gather3A_379 : memref<128x65xf32, #tpu.memory_space<vmem>>[vector<16xi32>, vector<16xi32>], vector<16xf32>,
      %broadcast_in_dim3A_380 = arith.constant 19 : i32
      %broadcast_in_dim3A_381 = vector.broadcast %broadcast_in_dim3A_380 : i32 to vector<16xi32>
      %gather3A_382 = tpu.vector_load_idx %arg15[%get3A_295, %broadcast_in_dim3A_381] : memref<1000x65xf32, #tpu.memory_space<vmem>>[vector<16xi32>, vector<16xi32>], vector<16xf32>,
      tpu.vector_store_idx %arg13[%add3A_305, %broadcast_in_dim3A_381], %gather3A_382 : memref<128x65xf32, #tpu.memory_space<vmem>>[vector<16xi32>, vector<16xi32>], vector<16xf32>,
      %gather3A_383 = tpu.vector_load_idx %arg16[%get3A_301, %broadcast_in_dim3A_381] : memref<100x65xf32, #tpu.memory_space<vmem>>[vector<16xi32>, vector<16xi32>], vector<16xf32>,
      tpu.vector_store_idx %arg14[%add3A_305, %broadcast_in_dim3A_381], %gather3A_383 : memref<128x65xf32, #tpu.memory_space<vmem>>[vector<16xi32>, vector<16xi32>], vector<16xf32>,
      %broadcast_in_dim3A_384 = arith.constant 20 : i32
      %broadcast_in_dim3A_385 = vector.broadcast %broadcast_in_dim3A_384 : i32 to vector<16xi32>
      %gather3A_386 = tpu.vector_load_idx %arg15[%get3A_295, %broadcast_in_dim3A_385] : memref<1000x65xf32, #tpu.memory_space<vmem>>[vector<16xi32>, vector<16xi32>], vector<16xf32>,
      tpu.vector_store_idx %arg13[%add3A_305, %broadcast_in_dim3A_385], %gather3A_386 : memref<128x65xf32, #tpu.memory_space<vmem>>[vector<16xi32>, vector<16xi32>], vector<16xf32>,
      %gather3A_387 = tpu.vector_load_idx %arg16[%get3A_301, %broadcast_in_dim3A_385] : memref<100x65xf32, #tpu.memory_space<vmem>>[vector<16xi32>, vector<16xi32>], vector<16xf32>,
      tpu.vector_store_idx %arg14[%add3A_305, %broadcast_in_dim3A_385], %gather3A_387 : memref<128x65xf32, #tpu.memory_space<vmem>>[vector<16xi32>, vector<16xi32>], vector<16xf32>,
      %broadcast_in_dim3A_388 = arith.constant 21 : i32
      %broadcast_in_dim3A_389 = vector.broadcast %broadcast_in_dim3A_388 : i32 to vector<16xi32>
      %gather3A_390 = tpu.vector_load_idx %arg15[%get3A_295, %broadcast_in_dim3A_389] : memref<1000x65xf32, #tpu.memory_space<vmem>>[vector<16xi32>, vector<16xi32>], vector<16xf32>,
      tpu.vector_store_idx %arg13[%add3A_305, %broadcast_in_dim3A_389], %gather3A_390 : memref<128x65xf32, #tpu.memory_space<vmem>>[vector<16xi32>, vector<16xi32>], vector<16xf32>,
      %gather3A_391 = tpu.vector_load_idx %arg16[%get3A_301, %broadcast_in_dim3A_389] : memref<100x65xf32, #tpu.memory_space<vmem>>[vector<16xi32>, vector<16xi32>], vector<16xf32>,
      tpu.vector_store_idx %arg14[%add3A_305, %broadcast_in_dim3A_389], %gather3A_391 : memref<128x65xf32, #tpu.memory_space<vmem>>[vector<16xi32>, vector<16xi32>], vector<16xf32>,
      %broadcast_in_dim3A_392 = arith.constant 22 : i32
      %broadcast_in_dim3A_393 = vector.broadcast %broadcast_in_dim3A_392 : i32 to vector<16xi32>
      %gather3A_394 = tpu.vector_load_idx %arg15[%get3A_295, %broadcast_in_dim3A_393] : memref<1000x65xf32, #tpu.memory_space<vmem>>[vector<16xi32>, vector<16xi32>], vector<16xf32>,
      tpu.vector_store_idx %arg13[%add3A_305, %broadcast_in_dim3A_393], %gather3A_394 : memref<128x65xf32, #tpu.memory_space<vmem>>[vector<16xi32>, vector<16xi32>], vector<16xf32>,
      %gather3A_395 = tpu.vector_load_idx %arg16[%get3A_301, %broadcast_in_dim3A_393] : memref<100x65xf32, #tpu.memory_space<vmem>>[vector<16xi32>, vector<16xi32>], vector<16xf32>,
      tpu.vector_store_idx %arg14[%add3A_305, %broadcast_in_dim3A_393], %gather3A_395 : memref<128x65xf32, #tpu.memory_space<vmem>>[vector<16xi32>, vector<16xi32>], vector<16xf32>,
      %broadcast_in_dim3A_396 = arith.constant 23 : i32
      %broadcast_in_dim3A_397 = vector.broadcast %broadcast_in_dim3A_396 : i32 to vector<16xi32>
      %gather3A_398 = tpu.vector_load_idx %arg15[%get3A_295, %broadcast_in_dim3A_397] : memref<1000x65xf32, #tpu.memory_space<vmem>>[vector<16xi32>, vector<16xi32>], vector<16xf32>,
      tpu.vector_store_idx %arg13[%add3A_305, %broadcast_in_dim3A_397], %gather3A_398 : memref<128x65xf32, #tpu.memory_space<vmem>>[vector<16xi32>, vector<16xi32>], vector<16xf32>,
      %gather3A_399 = tpu.vector_load_idx %arg16[%get3A_301, %broadcast_in_dim3A_397] : memref<100x65xf32, #tpu.memory_space<vmem>>[vector<16xi32>, vector<16xi32>], vector<16xf32>,
      tpu.vector_store_idx %arg14[%add3A_305, %broadcast_in_dim3A_397], %gather3A_399 : memref<128x65xf32, #tpu.memory_space<vmem>>[vector<16xi32>, vector<16xi32>], vector<16xf32>,
      %broadcast_in_dim3A_400 = arith.constant 24 : i32
      %broadcast_in_dim3A_401 = vector.broadcast %broadcast_in_dim3A_400 : i32 to vector<16xi32>
      %gather3A_402 = tpu.vector_load_idx %arg15[%get3A_295, %broadcast_in_dim3A_401] : memref<1000x65xf32, #tpu.memory_space<vmem>>[vector<16xi32>, vector<16xi32>], vector<16xf32>,
      tpu.vector_store_idx %arg13[%add3A_305, %broadcast_in_dim3A_401], %gather3A_402 : memref<128x65xf32, #tpu.memory_space<vmem>>[vector<16xi32>, vector<16xi32>], vector<16xf32>,
      %gather3A_403 = tpu.vector_load_idx %arg16[%get3A_301, %broadcast_in_dim3A_401] : memref<100x65xf32, #tpu.memory_space<vmem>>[vector<16xi32>, vector<16xi32>], vector<16xf32>,
      tpu.vector_store_idx %arg14[%add3A_305, %broadcast_in_dim3A_401], %gather3A_403 : memref<128x65xf32, #tpu.memory_space<vmem>>[vector<16xi32>, vector<16xi32>], vector<16xf32>,
      %broadcast_in_dim3A_404 = arith.constant 25 : i32
      %broadcast_in_dim3A_405 = vector.broadcast %broadcast_in_dim3A_404 : i32 to vector<16xi32>
      %gather3A_406 = tpu.vector_load_idx %arg15[%get3A_295, %broadcast_in_dim3A_405] : memref<1000x65xf32, #tpu.memory_space<vmem>>[vector<16xi32>, vector<16xi32>], vector<16xf32>,
      tpu.vector_store_idx %arg13[%add3A_305, %broadcast_in_dim3A_405], %gather3A_406 : memref<128x65xf32, #tpu.memory_space<vmem>>[vector<16xi32>, vector<16xi32>], vector<16xf32>,
      %gather3A_407 = tpu.vector_load_idx %arg16[%get3A_301, %broadcast_in_dim3A_405] : memref<100x65xf32, #tpu.memory_space<vmem>>[vector<16xi32>, vector<16xi32>], vector<16xf32>,
      tpu.vector_store_idx %arg14[%add3A_305, %broadcast_in_dim3A_405], %gather3A_407 : memref<128x65xf32, #tpu.memory_space<vmem>>[vector<16xi32>, vector<16xi32>], vector<16xf32>,
      %broadcast_in_dim3A_408 = arith.constant 26 : i32
      %broadcast_in_dim3A_409 = vector.broadcast %broadcast_in_dim3A_408 : i32 to vector<16xi32>
      %gather3A_410 = tpu.vector_load_idx %arg15[%get3A_295, %broadcast_in_dim3A_409] : memref<1000x65xf32, #tpu.memory_space<vmem>>[vector<16xi32>, vector<16xi32>], vector<16xf32>,
      tpu.vector_store_idx %arg13[%add3A_305, %broadcast_in_dim3A_409], %gather3A_410 : memref<128x65xf32, #tpu.memory_space<vmem>>[vector<16xi32>, vector<16xi32>], vector<16xf32>,
      %gather3A_411 = tpu.vector_load_idx %arg16[%get3A_301, %broadcast_in_dim3A_409] : memref<100x65xf32, #tpu.memory_space<vmem>>[vector<16xi32>, vector<16xi32>], vector<16xf32>,
      tpu.vector_store_idx %arg14[%add3A_305, %broadcast_in_dim3A_409], %gather3A_411 : memref<128x65xf32, #tpu.memory_space<vmem>>[vector<16xi32>, vector<16xi32>], vector<16xf32>,
      %broadcast_in_dim3A_412 = arith.constant 27 : i32
      %broadcast_in_dim3A_413 = vector.broadcast %broadcast_in_dim3A_412 : i32 to vector<16xi32>
      %gather3A_414 = tpu.vector_load_idx %arg15[%get3A_295, %broadcast_in_dim3A_413] : memref<1000x65xf32, #tpu.memory_space<vmem>>[vector<16xi32>, vector<16xi32>], vector<16xf32>,
      tpu.vector_store_idx %arg13[%add3A_305, %broadcast_in_dim3A_413], %gather3A_414 : memref<128x65xf32, #tpu.memory_space<vmem>>[vector<16xi32>, vector<16xi32>], vector<16xf32>,
      %gather3A_415 = tpu.vector_load_idx %arg16[%get3A_301, %broadcast_in_dim3A_413] : memref<100x65xf32, #tpu.memory_space<vmem>>[vector<16xi32>, vector<16xi32>], vector<16xf32>,
      tpu.vector_store_idx %arg14[%add3A_305, %broadcast_in_dim3A_413], %gather3A_415 : memref<128x65xf32, #tpu.memory_space<vmem>>[vector<16xi32>, vector<16xi32>], vector<16xf32>,
      %broadcast_in_dim3A_416 = arith.constant 28 : i32
      %broadcast_in_dim3A_417 = vector.broadcast %broadcast_in_dim3A_416 : i32 to vector<16xi32>
      %gather3A_418 = tpu.vector_load_idx %arg15[%get3A_295, %broadcast_in_dim3A_417] : memref<1000x65xf32, #tpu.memory_space<vmem>>[vector<16xi32>, vector<16xi32>], vector<16xf32>,
      tpu.vector_store_idx %arg13[%add3A_305, %broadcast_in_dim3A_417], %gather3A_418 : memref<128x65xf32, #tpu.memory_space<vmem>>[vector<16xi32>, vector<16xi32>], vector<16xf32>,
      %gather3A_419 = tpu.vector_load_idx %arg16[%get3A_301, %broadcast_in_dim3A_417] : memref<100x65xf32, #tpu.memory_space<vmem>>[vector<16xi32>, vector<16xi32>], vector<16xf32>,
      tpu.vector_store_idx %arg14[%add3A_305, %broadcast_in_dim3A_417], %gather3A_419 : memref<128x65xf32, #tpu.memory_space<vmem>>[vector<16xi32>, vector<16xi32>], vector<16xf32>,
      %broadcast_in_dim3A_420 = arith.constant 29 : i32
      %broadcast_in_dim3A_421 = vector.broadcast %broadcast_in_dim3A_420 : i32 to vector<16xi32>
      %gather3A_422 = tpu.vector_load_idx %arg15[%get3A_295, %broadcast_in_dim3A_421] : memref<1000x65xf32, #tpu.memory_space<vmem>>[vector<16xi32>, vector<16xi32>], vector<16xf32>,
      tpu.vector_store_idx %arg13[%add3A_305, %broadcast_in_dim3A_421], %gather3A_422 : memref<128x65xf32, #tpu.memory_space<vmem>>[vector<16xi32>, vector<16xi32>], vector<16xf32>,
      %gather3A_423 = tpu.vector_load_idx %arg16[%get3A_301, %broadcast_in_dim3A_421] : memref<100x65xf32, #tpu.memory_space<vmem>>[vector<16xi32>, vector<16xi32>], vector<16xf32>,
      tpu.vector_store_idx %arg14[%add3A_305, %broadcast_in_dim3A_421], %gather3A_423 : memref<128x65xf32, #tpu.memory_space<vmem>>[vector<16xi32>, vector<16xi32>], vector<16xf32>,
      %broadcast_in_dim3A_424 = arith.constant 30 : i32
      %broadcast_in_dim3A_425 = vector.broadcast %broadcast_in_dim3A_424 : i32 to vector<16xi32>
      %gather3A_426 = tpu.vector_load_idx %arg15[%get3A_295, %broadcast_in_dim3A_425] : memref<1000x65xf32, #tpu.memory_space<vmem>>[vector<16xi32>, vector<16xi32>], vector<16xf32>,
      tpu.vector_store_idx %arg13[%add3A_305, %broadcast_in_dim3A_425], %gather3A_426 : memref<128x65xf32, #tpu.memory_space<vmem>>[vector<16xi32>, vector<16xi32>], vector<16xf32>,
      %gather3A_427 = tpu.vector_load_idx %arg16[%get3A_301, %broadcast_in_dim3A_425] : memref<100x65xf32, #tpu.memory_space<vmem>>[vector<16xi32>, vector<16xi32>], vector<16xf32>,
      tpu.vector_store_idx %arg14[%add3A_305, %broadcast_in_dim3A_425], %gather3A_427 : memref<128x65xf32, #tpu.memory_space<vmem>>[vector<16xi32>, vector<16xi32>], vector<16xf32>,
      %broadcast_in_dim3A_428 = arith.constant 31 : i32
      %broadcast_in_dim3A_429 = vector.broadcast %broadcast_in_dim3A_428 : i32 to vector<16xi32>
      %gather3A_430 = tpu.vector_load_idx %arg15[%get3A_295, %broadcast_in_dim3A_429] : memref<1000x65xf32, #tpu.memory_space<vmem>>[vector<16xi32>, vector<16xi32>], vector<16xf32>,
      tpu.vector_store_idx %arg13[%add3A_305, %broadcast_in_dim3A_429], %gather3A_430 : memref<128x65xf32, #tpu.memory_space<vmem>>[vector<16xi32>, vector<16xi32>], vector<16xf32>,
      %gather3A_431 = tpu.vector_load_idx %arg16[%get3A_301, %broadcast_in_dim3A_429] : memref<100x65xf32, #tpu.memory_space<vmem>>[vector<16xi32>, vector<16xi32>], vector<16xf32>,
      tpu.vector_store_idx %arg14[%add3A_305, %broadcast_in_dim3A_429], %gather3A_431 : memref<128x65xf32, #tpu.memory_space<vmem>>[vector<16xi32>, vector<16xi32>], vector<16xf32>,
      %broadcast_in_dim3A_432 = arith.constant 32 : i32
      %broadcast_in_dim3A_433 = vector.broadcast %broadcast_in_dim3A_432 : i32 to vector<16xi32>
      %gather3A_434 = tpu.vector_load_idx %arg15[%get3A_295, %broadcast_in_dim3A_433] : memref<1000x65xf32, #tpu.memory_space<vmem>>[vector<16xi32>, vector<16xi32>], vector<16xf32>,
      tpu.vector_store_idx %arg13[%add3A_305, %broadcast_in_dim3A_433], %gather3A_434 : memref<128x65xf32, #tpu.memory_space<vmem>>[vector<16xi32>, vector<16xi32>], vector<16xf32>,
      %gather3A_435 = tpu.vector_load_idx %arg16[%get3A_301, %broadcast_in_dim3A_433] : memref<100x65xf32, #tpu.memory_space<vmem>>[vector<16xi32>, vector<16xi32>], vector<16xf32>,
      tpu.vector_store_idx %arg14[%add3A_305, %broadcast_in_dim3A_433], %gather3A_435 : memref<128x65xf32, #tpu.memory_space<vmem>>[vector<16xi32>, vector<16xi32>], vector<16xf32>,
      %broadcast_in_dim3A_436 = arith.constant 33 : i32
      %broadcast_in_dim3A_437 = vector.broadcast %broadcast_in_dim3A_436 : i32 to vector<16xi32>
      %gather3A_438 = tpu.vector_load_idx %arg15[%get3A_295, %broadcast_in_dim3A_437] : memref<1000x65xf32, #tpu.memory_space<vmem>>[vector<16xi32>, vector<16xi32>], vector<16xf32>,
      tpu.vector_store_idx %arg13[%add3A_305, %broadcast_in_dim3A_437], %gather3A_438 : memref<128x65xf32, #tpu.memory_space<vmem>>[vector<16xi32>, vector<16xi32>], vector<16xf32>,
      %gather3A_439 = tpu.vector_load_idx %arg16[%get3A_301, %broadcast_in_dim3A_437] : memref<100x65xf32, #tpu.memory_space<vmem>>[vector<16xi32>, vector<16xi32>], vector<16xf32>,
      tpu.vector_store_idx %arg14[%add3A_305, %broadcast_in_dim3A_437], %gather3A_439 : memref<128x65xf32, #tpu.memory_space<vmem>>[vector<16xi32>, vector<16xi32>], vector<16xf32>,
      %broadcast_in_dim3A_440 = arith.constant 34 : i32
      %broadcast_in_dim3A_441 = vector.broadcast %broadcast_in_dim3A_440 : i32 to vector<16xi32>
      %gather3A_442 = tpu.vector_load_idx %arg15[%get3A_295, %broadcast_in_dim3A_441] : memref<1000x65xf32, #tpu.memory_space<vmem>>[vector<16xi32>, vector<16xi32>], vector<16xf32>,
      tpu.vector_store_idx %arg13[%add3A_305, %broadcast_in_dim3A_441], %gather3A_442 : memref<128x65xf32, #tpu.memory_space<vmem>>[vector<16xi32>, vector<16xi32>], vector<16xf32>,
      %gather3A_443 = tpu.vector_load_idx %arg16[%get3A_301, %broadcast_in_dim3A_441] : memref<100x65xf32, #tpu.memory_space<vmem>>[vector<16xi32>, vector<16xi32>], vector<16xf32>,
      tpu.vector_store_idx %arg14[%add3A_305, %broadcast_in_dim3A_441], %gather3A_443 : memref<128x65xf32, #tpu.memory_space<vmem>>[vector<16xi32>, vector<16xi32>], vector<16xf32>,
      %broadcast_in_dim3A_444 = arith.constant 35 : i32
      %broadcast_in_dim3A_445 = vector.broadcast %broadcast_in_dim3A_444 : i32 to vector<16xi32>
      %gather3A_446 = tpu.vector_load_idx %arg15[%get3A_295, %broadcast_in_dim3A_445] : memref<1000x65xf32, #tpu.memory_space<vmem>>[vector<16xi32>, vector<16xi32>], vector<16xf32>,
      tpu.vector_store_idx %arg13[%add3A_305, %broadcast_in_dim3A_445], %gather3A_446 : memref<128x65xf32, #tpu.memory_space<vmem>>[vector<16xi32>, vector<16xi32>], vector<16xf32>,
      %gather3A_447 = tpu.vector_load_idx %arg16[%get3A_301, %broadcast_in_dim3A_445] : memref<100x65xf32, #tpu.memory_space<vmem>>[vector<16xi32>, vector<16xi32>], vector<16xf32>,
      tpu.vector_store_idx %arg14[%add3A_305, %broadcast_in_dim3A_445], %gather3A_447 : memref<128x65xf32, #tpu.memory_space<vmem>>[vector<16xi32>, vector<16xi32>], vector<16xf32>,
      %broadcast_in_dim3A_448 = arith.constant 36 : i32
      %broadcast_in_dim3A_449 = vector.broadcast %broadcast_in_dim3A_448 : i32 to vector<16xi32>
      %gather3A_450 = tpu.vector_load_idx %arg15[%get3A_295, %broadcast_in_dim3A_449] : memref<1000x65xf32, #tpu.memory_space<vmem>>[vector<16xi32>, vector<16xi32>], vector<16xf32>,
      tpu.vector_store_idx %arg13[%add3A_305, %broadcast_in_dim3A_449], %gather3A_450 : memref<128x65xf32, #tpu.memory_space<vmem>>[vector<16xi32>, vector<16xi32>], vector<16xf32>,
      %gather3A_451 = tpu.vector_load_idx %arg16[%get3A_301, %broadcast_in_dim3A_449] : memref<100x65xf32, #tpu.memory_space<vmem>>[vector<16xi32>, vector<16xi32>], vector<16xf32>,
      tpu.vector_store_idx %arg14[%add3A_305, %broadcast_in_dim3A_449], %gather3A_451 : memref<128x65xf32, #tpu.memory_space<vmem>>[vector<16xi32>, vector<16xi32>], vector<16xf32>,
      %broadcast_in_dim3A_452 = arith.constant 37 : i32
      %broadcast_in_dim3A_453 = vector.broadcast %broadcast_in_dim3A_452 : i32 to vector<16xi32>
      %gather3A_454 = tpu.vector_load_idx %arg15[%get3A_295, %broadcast_in_dim3A_453] : memref<1000x65xf32, #tpu.memory_space<vmem>>[vector<16xi32>, vector<16xi32>], vector<16xf32>,
      tpu.vector_store_idx %arg13[%add3A_305, %broadcast_in_dim3A_453], %gather3A_454 : memref<128x65xf32, #tpu.memory_space<vmem>>[vector<16xi32>, vector<16xi32>], vector<16xf32>,
      %gather3A_455 = tpu.vector_load_idx %arg16[%get3A_301, %broadcast_in_dim3A_453] : memref<100x65xf32, #tpu.memory_space<vmem>>[vector<16xi32>, vector<16xi32>], vector<16xf32>,
      tpu.vector_store_idx %arg14[%add3A_305, %broadcast_in_dim3A_453], %gather3A_455 : memref<128x65xf32, #tpu.memory_space<vmem>>[vector<16xi32>, vector<16xi32>], vector<16xf32>,
      %broadcast_in_dim3A_456 = arith.constant 38 : i32
      %broadcast_in_dim3A_457 = vector.broadcast %broadcast_in_dim3A_456 : i32 to vector<16xi32>
      %gather3A_458 = tpu.vector_load_idx %arg15[%get3A_295, %broadcast_in_dim3A_457] : memref<1000x65xf32, #tpu.memory_space<vmem>>[vector<16xi32>, vector<16xi32>], vector<16xf32>,
      tpu.vector_store_idx %arg13[%add3A_305, %broadcast_in_dim3A_457], %gather3A_458 : memref<128x65xf32, #tpu.memory_space<vmem>>[vector<16xi32>, vector<16xi32>], vector<16xf32>,
      %gather3A_459 = tpu.vector_load_idx %arg16[%get3A_301, %broadcast_in_dim3A_457] : memref<100x65xf32, #tpu.memory_space<vmem>>[vector<16xi32>, vector<16xi32>], vector<16xf32>,
      tpu.vector_store_idx %arg14[%add3A_305, %broadcast_in_dim3A_457], %gather3A_459 : memref<128x65xf32, #tpu.memory_space<vmem>>[vector<16xi32>, vector<16xi32>], vector<16xf32>,
      %broadcast_in_dim3A_460 = arith.constant 39 : i32
      %broadcast_in_dim3A_461 = vector.broadcast %broadcast_in_dim3A_460 : i32 to vector<16xi32>
      %gather3A_462 = tpu.vector_load_idx %arg15[%get3A_295, %broadcast_in_dim3A_461] : memref<1000x65xf32, #tpu.memory_space<vmem>>[vector<16xi32>, vector<16xi32>], vector<16xf32>,
      tpu.vector_store_idx %arg13[%add3A_305, %broadcast_in_dim3A_461], %gather3A_462 : memref<128x65xf32, #tpu.memory_space<vmem>>[vector<16xi32>, vector<16xi32>], vector<16xf32>,
      %gather3A_463 = tpu.vector_load_idx %arg16[%get3A_301, %broadcast_in_dim3A_461] : memref<100x65xf32, #tpu.memory_space<vmem>>[vector<16xi32>, vector<16xi32>], vector<16xf32>,
      tpu.vector_store_idx %arg14[%add3A_305, %broadcast_in_dim3A_461], %gather3A_463 : memref<128x65xf32, #tpu.memory_space<vmem>>[vector<16xi32>, vector<16xi32>], vector<16xf32>,
      %broadcast_in_dim3A_464 = arith.constant 40 : i32
      %broadcast_in_dim3A_465 = vector.broadcast %broadcast_in_dim3A_464 : i32 to vector<16xi32>
      %gather3A_466 = tpu.vector_load_idx %arg15[%get3A_295, %broadcast_in_dim3A_465] : memref<1000x65xf32, #tpu.memory_space<vmem>>[vector<16xi32>, vector<16xi32>], vector<16xf32>,
      tpu.vector_store_idx %arg13[%add3A_305, %broadcast_in_dim3A_465], %gather3A_466 : memref<128x65xf32, #tpu.memory_space<vmem>>[vector<16xi32>, vector<16xi32>], vector<16xf32>,
      %gather3A_467 = tpu.vector_load_idx %arg16[%get3A_301, %broadcast_in_dim3A_465] : memref<100x65xf32, #tpu.memory_space<vmem>>[vector<16xi32>, vector<16xi32>], vector<16xf32>,
      tpu.vector_store_idx %arg14[%add3A_305, %broadcast_in_dim3A_465], %gather3A_467 : memref<128x65xf32, #tpu.memory_space<vmem>>[vector<16xi32>, vector<16xi32>], vector<16xf32>,
      %broadcast_in_dim3A_468 = arith.constant 41 : i32
      %broadcast_in_dim3A_469 = vector.broadcast %broadcast_in_dim3A_468 : i32 to vector<16xi32>
      %gather3A_470 = tpu.vector_load_idx %arg15[%get3A_295, %broadcast_in_dim3A_469] : memref<1000x65xf32, #tpu.memory_space<vmem>>[vector<16xi32>, vector<16xi32>], vector<16xf32>,
      tpu.vector_store_idx %arg13[%add3A_305, %broadcast_in_dim3A_469], %gather3A_470 : memref<128x65xf32, #tpu.memory_space<vmem>>[vector<16xi32>, vector<16xi32>], vector<16xf32>,
      %gather3A_471 = tpu.vector_load_idx %arg16[%get3A_301, %broadcast_in_dim3A_469] : memref<100x65xf32, #tpu.memory_space<vmem>>[vector<16xi32>, vector<16xi32>], vector<16xf32>,
      tpu.vector_store_idx %arg14[%add3A_305, %broadcast_in_dim3A_469], %gather3A_471 : memref<128x65xf32, #tpu.memory_space<vmem>>[vector<16xi32>, vector<16xi32>], vector<16xf32>,
      %broadcast_in_dim3A_472 = arith.constant 42 : i32
      %broadcast_in_dim3A_473 = vector.broadcast %broadcast_in_dim3A_472 : i32 to vector<16xi32>
      %gather3A_474 = tpu.vector_load_idx %arg15[%get3A_295, %broadcast_in_dim3A_473] : memref<1000x65xf32, #tpu.memory_space<vmem>>[vector<16xi32>, vector<16xi32>], vector<16xf32>,
      tpu.vector_store_idx %arg13[%add3A_305, %broadcast_in_dim3A_473], %gather3A_474 : memref<128x65xf32, #tpu.memory_space<vmem>>[vector<16xi32>, vector<16xi32>], vector<16xf32>,
      %gather3A_475 = tpu.vector_load_idx %arg16[%get3A_301, %broadcast_in_dim3A_473] : memref<100x65xf32, #tpu.memory_space<vmem>>[vector<16xi32>, vector<16xi32>], vector<16xf32>,
      tpu.vector_store_idx %arg14[%add3A_305, %broadcast_in_dim3A_473], %gather3A_475 : memref<128x65xf32, #tpu.memory_space<vmem>>[vector<16xi32>, vector<16xi32>], vector<16xf32>,
      %broadcast_in_dim3A_476 = arith.constant 43 : i32
      %broadcast_in_dim3A_477 = vector.broadcast %broadcast_in_dim3A_476 : i32 to vector<16xi32>
      %gather3A_478 = tpu.vector_load_idx %arg15[%get3A_295, %broadcast_in_dim3A_477] : memref<1000x65xf32, #tpu.memory_space<vmem>>[vector<16xi32>, vector<16xi32>], vector<16xf32>,
      tpu.vector_store_idx %arg13[%add3A_305, %broadcast_in_dim3A_477], %gather3A_478 : memref<128x65xf32, #tpu.memory_space<vmem>>[vector<16xi32>, vector<16xi32>], vector<16xf32>,
      %gather3A_479 = tpu.vector_load_idx %arg16[%get3A_301, %broadcast_in_dim3A_477] : memref<100x65xf32, #tpu.memory_space<vmem>>[vector<16xi32>, vector<16xi32>], vector<16xf32>,
      tpu.vector_store_idx %arg14[%add3A_305, %broadcast_in_dim3A_477], %gather3A_479 : memref<128x65xf32, #tpu.memory_space<vmem>>[vector<16xi32>, vector<16xi32>], vector<16xf32>,
      %broadcast_in_dim3A_480 = arith.constant 44 : i32
      %broadcast_in_dim3A_481 = vector.broadcast %broadcast_in_dim3A_480 : i32 to vector<16xi32>
      %gather3A_482 = tpu.vector_load_idx %arg15[%get3A_295, %broadcast_in_dim3A_481] : memref<1000x65xf32, #tpu.memory_space<vmem>>[vector<16xi32>, vector<16xi32>], vector<16xf32>,
      tpu.vector_store_idx %arg13[%add3A_305, %broadcast_in_dim3A_481], %gather3A_482 : memref<128x65xf32, #tpu.memory_space<vmem>>[vector<16xi32>, vector<16xi32>], vector<16xf32>,
      %gather3A_483 = tpu.vector_load_idx %arg16[%get3A_301, %broadcast_in_dim3A_481] : memref<100x65xf32, #tpu.memory_space<vmem>>[vector<16xi32>, vector<16xi32>], vector<16xf32>,
      tpu.vector_store_idx %arg14[%add3A_305, %broadcast_in_dim3A_481], %gather3A_483 : memref<128x65xf32, #tpu.memory_space<vmem>>[vector<16xi32>, vector<16xi32>], vector<16xf32>,
      %broadcast_in_dim3A_484 = arith.constant 45 : i32
      %broadcast_in_dim3A_485 = vector.broadcast %broadcast_in_dim3A_484 : i32 to vector<16xi32>
      %gather3A_486 = tpu.vector_load_idx %arg15[%get3A_295, %broadcast_in_dim3A_485] : memref<1000x65xf32, #tpu.memory_space<vmem>>[vector<16xi32>, vector<16xi32>], vector<16xf32>,
      tpu.vector_store_idx %arg13[%add3A_305, %broadcast_in_dim3A_485], %gather3A_486 : memref<128x65xf32, #tpu.memory_space<vmem>>[vector<16xi32>, vector<16xi32>], vector<16xf32>,
      %gather3A_487 = tpu.vector_load_idx %arg16[%get3A_301, %broadcast_in_dim3A_485] : memref<100x65xf32, #tpu.memory_space<vmem>>[vector<16xi32>, vector<16xi32>], vector<16xf32>,
      tpu.vector_store_idx %arg14[%add3A_305, %broadcast_in_dim3A_485], %gather3A_487 : memref<128x65xf32, #tpu.memory_space<vmem>>[vector<16xi32>, vector<16xi32>], vector<16xf32>,
      %broadcast_in_dim3A_488 = arith.constant 46 : i32
      %broadcast_in_dim3A_489 = vector.broadcast %broadcast_in_dim3A_488 : i32 to vector<16xi32>
      %gather3A_490 = tpu.vector_load_idx %arg15[%get3A_295, %broadcast_in_dim3A_489] : memref<1000x65xf32, #tpu.memory_space<vmem>>[vector<16xi32>, vector<16xi32>], vector<16xf32>,
      tpu.vector_store_idx %arg13[%add3A_305, %broadcast_in_dim3A_489], %gather3A_490 : memref<128x65xf32, #tpu.memory_space<vmem>>[vector<16xi32>, vector<16xi32>], vector<16xf32>,
      %gather3A_491 = tpu.vector_load_idx %arg16[%get3A_301, %broadcast_in_dim3A_489] : memref<100x65xf32, #tpu.memory_space<vmem>>[vector<16xi32>, vector<16xi32>], vector<16xf32>,
      tpu.vector_store_idx %arg14[%add3A_305, %broadcast_in_dim3A_489], %gather3A_491 : memref<128x65xf32, #tpu.memory_space<vmem>>[vector<16xi32>, vector<16xi32>], vector<16xf32>,
      %broadcast_in_dim3A_492 = arith.constant 47 : i32
      %broadcast_in_dim3A_493 = vector.broadcast %broadcast_in_dim3A_492 : i32 to vector<16xi32>
      %gather3A_494 = tpu.vector_load_idx %arg15[%get3A_295, %broadcast_in_dim3A_493] : memref<1000x65xf32, #tpu.memory_space<vmem>>[vector<16xi32>, vector<16xi32>], vector<16xf32>,
      tpu.vector_store_idx %arg13[%add3A_305, %broadcast_in_dim3A_493], %gather3A_494 : memref<128x65xf32, #tpu.memory_space<vmem>>[vector<16xi32>, vector<16xi32>], vector<16xf32>,
      %gather3A_495 = tpu.vector_load_idx %arg16[%get3A_301, %broadcast_in_dim3A_493] : memref<100x65xf32, #tpu.memory_space<vmem>>[vector<16xi32>, vector<16xi32>], vector<16xf32>,
      tpu.vector_store_idx %arg14[%add3A_305, %broadcast_in_dim3A_493], %gather3A_495 : memref<128x65xf32, #tpu.memory_space<vmem>>[vector<16xi32>, vector<16xi32>], vector<16xf32>,
      %broadcast_in_dim3A_496 = arith.constant 48 : i32
      %broadcast_in_dim3A_497 = vector.broadcast %broadcast_in_dim3A_496 : i32 to vector<16xi32>
      %gather3A_498 = tpu.vector_load_idx %arg15[%get3A_295, %broadcast_in_dim3A_497] : memref<1000x65xf32, #tpu.memory_space<vmem>>[vector<16xi32>, vector<16xi32>], vector<16xf32>,
      tpu.vector_store_idx %arg13[%add3A_305, %broadcast_in_dim3A_497], %gather3A_498 : memref<128x65xf32, #tpu.memory_space<vmem>>[vector<16xi32>, vector<16xi32>], vector<16xf32>,
      %gather3A_499 = tpu.vector_load_idx %arg16[%get3A_301, %broadcast_in_dim3A_497] : memref<100x65xf32, #tpu.memory_space<vmem>>[vector<16xi32>, vector<16xi32>], vector<16xf32>,
      tpu.vector_store_idx %arg14[%add3A_305, %broadcast_in_dim3A_497], %gather3A_499 : memref<128x65xf32, #tpu.memory_space<vmem>>[vector<16xi32>, vector<16xi32>], vector<16xf32>,
      %broadcast_in_dim3A_500 = arith.constant 49 : i32
      %broadcast_in_dim3A_501 = vector.broadcast %broadcast_in_dim3A_500 : i32 to vector<16xi32>
      %gather3A_502 = tpu.vector_load_idx %arg15[%get3A_295, %broadcast_in_dim3A_501] : memref<1000x65xf32, #tpu.memory_space<vmem>>[vector<16xi32>, vector<16xi32>], vector<16xf32>,
      tpu.vector_store_idx %arg13[%add3A_305, %broadcast_in_dim3A_501], %gather3A_502 : memref<128x65xf32, #tpu.memory_space<vmem>>[vector<16xi32>, vector<16xi32>], vector<16xf32>,
      %gather3A_503 = tpu.vector_load_idx %arg16[%get3A_301, %broadcast_in_dim3A_501] : memref<100x65xf32, #tpu.memory_space<vmem>>[vector<16xi32>, vector<16xi32>], vector<16xf32>,
      tpu.vector_store_idx %arg14[%add3A_305, %broadcast_in_dim3A_501], %gather3A_503 : memref<128x65xf32, #tpu.memory_space<vmem>>[vector<16xi32>, vector<16xi32>], vector<16xf32>,
      %broadcast_in_dim3A_504 = arith.constant 50 : i32
      %broadcast_in_dim3A_505 = vector.broadcast %broadcast_in_dim3A_504 : i32 to vector<16xi32>
      %gather3A_506 = tpu.vector_load_idx %arg15[%get3A_295, %broadcast_in_dim3A_505] : memref<1000x65xf32, #tpu.memory_space<vmem>>[vector<16xi32>, vector<16xi32>], vector<16xf32>,
      tpu.vector_store_idx %arg13[%add3A_305, %broadcast_in_dim3A_505], %gather3A_506 : memref<128x65xf32, #tpu.memory_space<vmem>>[vector<16xi32>, vector<16xi32>], vector<16xf32>,
      %gather3A_507 = tpu.vector_load_idx %arg16[%get3A_301, %broadcast_in_dim3A_505] : memref<100x65xf32, #tpu.memory_space<vmem>>[vector<16xi32>, vector<16xi32>], vector<16xf32>,
      tpu.vector_store_idx %arg14[%add3A_305, %broadcast_in_dim3A_505], %gather3A_507 : memref<128x65xf32, #tpu.memory_space<vmem>>[vector<16xi32>, vector<16xi32>], vector<16xf32>,
      %broadcast_in_dim3A_508 = arith.constant 51 : i32
      %broadcast_in_dim3A_509 = vector.broadcast %broadcast_in_dim3A_508 : i32 to vector<16xi32>
      %gather3A_510 = tpu.vector_load_idx %arg15[%get3A_295, %broadcast_in_dim3A_509] : memref<1000x65xf32, #tpu.memory_space<vmem>>[vector<16xi32>, vector<16xi32>], vector<16xf32>,
      tpu.vector_store_idx %arg13[%add3A_305, %broadcast_in_dim3A_509], %gather3A_510 : memref<128x65xf32, #tpu.memory_space<vmem>>[vector<16xi32>, vector<16xi32>], vector<16xf32>,
      %gather3A_511 = tpu.vector_load_idx %arg16[%get3A_301, %broadcast_in_dim3A_509] : memref<100x65xf32, #tpu.memory_space<vmem>>[vector<16xi32>, vector<16xi32>], vector<16xf32>,
      tpu.vector_store_idx %arg14[%add3A_305, %broadcast_in_dim3A_509], %gather3A_511 : memref<128x65xf32, #tpu.memory_space<vmem>>[vector<16xi32>, vector<16xi32>], vector<16xf32>,
      %broadcast_in_dim3A_512 = arith.constant 52 : i32
      %broadcast_in_dim3A_513 = vector.broadcast %broadcast_in_dim3A_512 : i32 to vector<16xi32>
      %gather3A_514 = tpu.vector_load_idx %arg15[%get3A_295, %broadcast_in_dim3A_513] : memref<1000x65xf32, #tpu.memory_space<vmem>>[vector<16xi32>, vector<16xi32>], vector<16xf32>,
      tpu.vector_store_idx %arg13[%add3A_305, %broadcast_in_dim3A_513], %gather3A_514 : memref<128x65xf32, #tpu.memory_space<vmem>>[vector<16xi32>, vector<16xi32>], vector<16xf32>,
      %gather3A_515 = tpu.vector_load_idx %arg16[%get3A_301, %broadcast_in_dim3A_513] : memref<100x65xf32, #tpu.memory_space<vmem>>[vector<16xi32>, vector<16xi32>], vector<16xf32>,
      tpu.vector_store_idx %arg14[%add3A_305, %broadcast_in_dim3A_513], %gather3A_515 : memref<128x65xf32, #tpu.memory_space<vmem>>[vector<16xi32>, vector<16xi32>], vector<16xf32>,
      %broadcast_in_dim3A_516 = arith.constant 53 : i32
      %broadcast_in_dim3A_517 = vector.broadcast %broadcast_in_dim3A_516 : i32 to vector<16xi32>
      %gather3A_518 = tpu.vector_load_idx %arg15[%get3A_295, %broadcast_in_dim3A_517] : memref<1000x65xf32, #tpu.memory_space<vmem>>[vector<16xi32>, vector<16xi32>], vector<16xf32>,
      tpu.vector_store_idx %arg13[%add3A_305, %broadcast_in_dim3A_517], %gather3A_518 : memref<128x65xf32, #tpu.memory_space<vmem>>[vector<16xi32>, vector<16xi32>], vector<16xf32>,
      %gather3A_519 = tpu.vector_load_idx %arg16[%get3A_301, %broadcast_in_dim3A_517] : memref<100x65xf32, #tpu.memory_space<vmem>>[vector<16xi32>, vector<16xi32>], vector<16xf32>,
      tpu.vector_store_idx %arg14[%add3A_305, %broadcast_in_dim3A_517], %gather3A_519 : memref<128x65xf32, #tpu.memory_space<vmem>>[vector<16xi32>, vector<16xi32>], vector<16xf32>,
      %broadcast_in_dim3A_520 = arith.constant 54 : i32
      %broadcast_in_dim3A_521 = vector.broadcast %broadcast_in_dim3A_520 : i32 to vector<16xi32>
      %gather3A_522 = tpu.vector_load_idx %arg15[%get3A_295, %broadcast_in_dim3A_521] : memref<1000x65xf32, #tpu.memory_space<vmem>>[vector<16xi32>, vector<16xi32>], vector<16xf32>,
      tpu.vector_store_idx %arg13[%add3A_305, %broadcast_in_dim3A_521], %gather3A_522 : memref<128x65xf32, #tpu.memory_space<vmem>>[vector<16xi32>, vector<16xi32>], vector<16xf32>,
      %gather3A_523 = tpu.vector_load_idx %arg16[%get3A_301, %broadcast_in_dim3A_521] : memref<100x65xf32, #tpu.memory_space<vmem>>[vector<16xi32>, vector<16xi32>], vector<16xf32>,
      tpu.vector_store_idx %arg14[%add3A_305, %broadcast_in_dim3A_521], %gather3A_523 : memref<128x65xf32, #tpu.memory_space<vmem>>[vector<16xi32>, vector<16xi32>], vector<16xf32>,
      %broadcast_in_dim3A_524 = arith.constant 55 : i32
      %broadcast_in_dim3A_525 = vector.broadcast %broadcast_in_dim3A_524 : i32 to vector<16xi32>
      %gather3A_526 = tpu.vector_load_idx %arg15[%get3A_295, %broadcast_in_dim3A_525] : memref<1000x65xf32, #tpu.memory_space<vmem>>[vector<16xi32>, vector<16xi32>], vector<16xf32>,
      tpu.vector_store_idx %arg13[%add3A_305, %broadcast_in_dim3A_525], %gather3A_526 : memref<128x65xf32, #tpu.memory_space<vmem>>[vector<16xi32>, vector<16xi32>], vector<16xf32>,
      %gather3A_527 = tpu.vector_load_idx %arg16[%get3A_301, %broadcast_in_dim3A_525] : memref<100x65xf32, #tpu.memory_space<vmem>>[vector<16xi32>, vector<16xi32>], vector<16xf32>,
      tpu.vector_store_idx %arg14[%add3A_305, %broadcast_in_dim3A_525], %gather3A_527 : memref<128x65xf32, #tpu.memory_space<vmem>>[vector<16xi32>, vector<16xi32>], vector<16xf32>,
      %broadcast_in_dim3A_528 = arith.constant 56 : i32
      %broadcast_in_dim3A_529 = vector.broadcast %broadcast_in_dim3A_528 : i32 to vector<16xi32>
      %gather3A_530 = tpu.vector_load_idx %arg15[%get3A_295, %broadcast_in_dim3A_529] : memref<1000x65xf32, #tpu.memory_space<vmem>>[vector<16xi32>, vector<16xi32>], vector<16xf32>,
      tpu.vector_store_idx %arg13[%add3A_305, %broadcast_in_dim3A_529], %gather3A_530 : memref<128x65xf32, #tpu.memory_space<vmem>>[vector<16xi32>, vector<16xi32>], vector<16xf32>,
      %gather3A_531 = tpu.vector_load_idx %arg16[%get3A_301, %broadcast_in_dim3A_529] : memref<100x65xf32, #tpu.memory_space<vmem>>[vector<16xi32>, vector<16xi32>], vector<16xf32>,
      tpu.vector_store_idx %arg14[%add3A_305, %broadcast_in_dim3A_529], %gather3A_531 : memref<128x65xf32, #tpu.memory_space<vmem>>[vector<16xi32>, vector<16xi32>], vector<16xf32>,
      %broadcast_in_dim3A_532 = arith.constant 57 : i32
      %broadcast_in_dim3A_533 = vector.broadcast %broadcast_in_dim3A_532 : i32 to vector<16xi32>
      %gather3A_534 = tpu.vector_load_idx %arg15[%get3A_295, %broadcast_in_dim3A_533] : memref<1000x65xf32, #tpu.memory_space<vmem>>[vector<16xi32>, vector<16xi32>], vector<16xf32>,
      tpu.vector_store_idx %arg13[%add3A_305, %broadcast_in_dim3A_533], %gather3A_534 : memref<128x65xf32, #tpu.memory_space<vmem>>[vector<16xi32>, vector<16xi32>], vector<16xf32>,
      %gather3A_535 = tpu.vector_load_idx %arg16[%get3A_301, %broadcast_in_dim3A_533] : memref<100x65xf32, #tpu.memory_space<vmem>>[vector<16xi32>, vector<16xi32>], vector<16xf32>,
      tpu.vector_store_idx %arg14[%add3A_305, %broadcast_in_dim3A_533], %gather3A_535 : memref<128x65xf32, #tpu.memory_space<vmem>>[vector<16xi32>, vector<16xi32>], vector<16xf32>,
      %broadcast_in_dim3A_536 = arith.constant 58 : i32
      %broadcast_in_dim3A_537 = vector.broadcast %broadcast_in_dim3A_536 : i32 to vector<16xi32>
      %gather3A_538 = tpu.vector_load_idx %arg15[%get3A_295, %broadcast_in_dim3A_537] : memref<1000x65xf32, #tpu.memory_space<vmem>>[vector<16xi32>, vector<16xi32>], vector<16xf32>,
      tpu.vector_store_idx %arg13[%add3A_305, %broadcast_in_dim3A_537], %gather3A_538 : memref<128x65xf32, #tpu.memory_space<vmem>>[vector<16xi32>, vector<16xi32>], vector<16xf32>,
      %gather3A_539 = tpu.vector_load_idx %arg16[%get3A_301, %broadcast_in_dim3A_537] : memref<100x65xf32, #tpu.memory_space<vmem>>[vector<16xi32>, vector<16xi32>], vector<16xf32>,
      tpu.vector_store_idx %arg14[%add3A_305, %broadcast_in_dim3A_537], %gather3A_539 : memref<128x65xf32, #tpu.memory_space<vmem>>[vector<16xi32>, vector<16xi32>], vector<16xf32>,
      %broadcast_in_dim3A_540 = arith.constant 59 : i32
      %broadcast_in_dim3A_541 = vector.broadcast %broadcast_in_dim3A_540 : i32 to vector<16xi32>
      %gather3A_542 = tpu.vector_load_idx %arg15[%get3A_295, %broadcast_in_dim3A_541] : memref<1000x65xf32, #tpu.memory_space<vmem>>[vector<16xi32>, vector<16xi32>], vector<16xf32>,
      tpu.vector_store_idx %arg13[%add3A_305, %broadcast_in_dim3A_541], %gather3A_542 : memref<128x65xf32, #tpu.memory_space<vmem>>[vector<16xi32>, vector<16xi32>], vector<16xf32>,
      %gather3A_543 = tpu.vector_load_idx %arg16[%get3A_301, %broadcast_in_dim3A_541] : memref<100x65xf32, #tpu.memory_space<vmem>>[vector<16xi32>, vector<16xi32>], vector<16xf32>,
      tpu.vector_store_idx %arg14[%add3A_305, %broadcast_in_dim3A_541], %gather3A_543 : memref<128x65xf32, #tpu.memory_space<vmem>>[vector<16xi32>, vector<16xi32>], vector<16xf32>,
      %broadcast_in_dim3A_544 = arith.constant 60 : i32
      %broadcast_in_dim3A_545 = vector.broadcast %broadcast_in_dim3A_544 : i32 to vector<16xi32>
      %gather3A_546 = tpu.vector_load_idx %arg15[%get3A_295, %broadcast_in_dim3A_545] : memref<1000x65xf32, #tpu.memory_space<vmem>>[vector<16xi32>, vector<16xi32>], vector<16xf32>,
      tpu.vector_store_idx %arg13[%add3A_305, %broadcast_in_dim3A_545], %gather3A_546 : memref<128x65xf32, #tpu.memory_space<vmem>>[vector<16xi32>, vector<16xi32>], vector<16xf32>,
      %gather3A_547 = tpu.vector_load_idx %arg16[%get3A_301, %broadcast_in_dim3A_545] : memref<100x65xf32, #tpu.memory_space<vmem>>[vector<16xi32>, vector<16xi32>], vector<16xf32>,
      tpu.vector_store_idx %arg14[%add3A_305, %broadcast_in_dim3A_545], %gather3A_547 : memref<128x65xf32, #tpu.memory_space<vmem>>[vector<16xi32>, vector<16xi32>], vector<16xf32>,
      %broadcast_in_dim3A_548 = arith.constant 61 : i32
      %broadcast_in_dim3A_549 = vector.broadcast %broadcast_in_dim3A_548 : i32 to vector<16xi32>
      %gather3A_550 = tpu.vector_load_idx %arg15[%get3A_295, %broadcast_in_dim3A_549] : memref<1000x65xf32, #tpu.memory_space<vmem>>[vector<16xi32>, vector<16xi32>], vector<16xf32>,
      tpu.vector_store_idx %arg13[%add3A_305, %broadcast_in_dim3A_549], %gather3A_550 : memref<128x65xf32, #tpu.memory_space<vmem>>[vector<16xi32>, vector<16xi32>], vector<16xf32>,
      %gather3A_551 = tpu.vector_load_idx %arg16[%get3A_301, %broadcast_in_dim3A_549] : memref<100x65xf32, #tpu.memory_space<vmem>>[vector<16xi32>, vector<16xi32>], vector<16xf32>,
      tpu.vector_store_idx %arg14[%add3A_305, %broadcast_in_dim3A_549], %gather3A_551 : memref<128x65xf32, #tpu.memory_space<vmem>>[vector<16xi32>, vector<16xi32>], vector<16xf32>,
      %broadcast_in_dim3A_552 = arith.constant 62 : i32
      %broadcast_in_dim3A_553 = vector.broadcast %broadcast_in_dim3A_552 : i32 to vector<16xi32>
      %gather3A_554 = tpu.vector_load_idx %arg15[%get3A_295, %broadcast_in_dim3A_553] : memref<1000x65xf32, #tpu.memory_space<vmem>>[vector<16xi32>, vector<16xi32>], vector<16xf32>,
      tpu.vector_store_idx %arg13[%add3A_305, %broadcast_in_dim3A_553], %gather3A_554 : memref<128x65xf32, #tpu.memory_space<vmem>>[vector<16xi32>, vector<16xi32>], vector<16xf32>,
      %gather3A_555 = tpu.vector_load_idx %arg16[%get3A_301, %broadcast_in_dim3A_553] : memref<100x65xf32, #tpu.memory_space<vmem>>[vector<16xi32>, vector<16xi32>], vector<16xf32>,
      tpu.vector_store_idx %arg14[%add3A_305, %broadcast_in_dim3A_553], %gather3A_555 : memref<128x65xf32, #tpu.memory_space<vmem>>[vector<16xi32>, vector<16xi32>], vector<16xf32>,
      %broadcast_in_dim3A_556 = arith.constant 63 : i32
      %broadcast_in_dim3A_557 = vector.broadcast %broadcast_in_dim3A_556 : i32 to vector<16xi32>
      %gather3A_558 = tpu.vector_load_idx %arg15[%get3A_295, %broadcast_in_dim3A_557] : memref<1000x65xf32, #tpu.memory_space<vmem>>[vector<16xi32>, vector<16xi32>], vector<16xf32>,
      tpu.vector_store_idx %arg13[%add3A_305, %broadcast_in_dim3A_557], %gather3A_558 : memref<128x65xf32, #tpu.memory_space<vmem>>[vector<16xi32>, vector<16xi32>], vector<16xf32>,
      %gather3A_559 = tpu.vector_load_idx %arg16[%get3A_301, %broadcast_in_dim3A_557] : memref<100x65xf32, #tpu.memory_space<vmem>>[vector<16xi32>, vector<16xi32>], vector<16xf32>,
      tpu.vector_store_idx %arg14[%add3A_305, %broadcast_in_dim3A_557], %gather3A_559 : memref<128x65xf32, #tpu.memory_space<vmem>>[vector<16xi32>, vector<16xi32>], vector<16xf32>,
    }
    %scan3A_87 = arith.constant 8 : i32
    %dma_wait3A_88 = arith.constant 0 : i32
    %dma_wait3A_89 = arith.constant 0 : i32
    %dma_wait3A_90 = tpu.memref_slice %arg12[%dma_wait3A_88, %dma_wait3A_89] : memref<128x64xf32, #tpu.memory_space<vmem>> -> memref<128x64xf32, #tpu.memory_space<vmem>>
    %dma_wait3A_91 = arith.constant 128 : i32
    %dma_wait3A_92 = tpu.memref_slice %arg9[%dma_wait3A_91] : memref<512xi32, #tpu.memory_space<vmem>> -> memref<128xi32, #tpu.memory_space<vmem>>
    %dma_wait3A_93 = arith.constant 0 : i32
    %dma_wait3A_94 = arith.constant 0 : i32
    %dma_wait3A_95 = tpu.memref_slice %arg5[%dma_wait3A_93, %dma_wait3A_94] : memref<100000x64xf32, #tpu.memory_space<hbm>> -> memref<100000x64xf32, #tpu.memory_space<hbm>>
    tpu.wait_indirect_dma semaphore(%arg19 : memref<!tpu.dma_semaphore, #tpu.memory_space<semaphore_mem>>) src(%dma_wait3A_95 : memref<100000x64xf32, #tpu.memory_space<hbm>>) dst(%dma_wait3A_90 : memref<128x64xf32, #tpu.memory_space<vmem>>)
    %add3A_96 = arith.constant 128 : i32
    %add3A_97 = arith.addi %mul3A_2, %add3A_96 : i32
    %dma_start3A_98 = arith.constant 0 : i32
    %dma_start3A_99 = tpu.memref_slice %arg8[%add3A_97, %dma_start3A_98] : memref<16384x256xf32, #tpu.memory_space<hbm>> -> memref<128x64xf32, #tpu.memory_space<hbm>>
    %dma_start3A_100 = arith.constant 0 : i32
    %dma_start3A_101 = tpu.memref_slice %arg8[%add3A_97, %dma_start3A_100] : memref<16384x256xf32, #tpu.memory_space<hbm>> -> memref<128x64xf32, #tpu.memory_space<hbm>>
    tpu.enqueue_dma source(%arg12 : memref<128x64xf32, #tpu.memory_space<vmem>>) target(%dma_start3A_101 : memref<128x64xf32, #tpu.memory_space<hbm>>) target_semaphore(%arg19 : memref<!tpu.dma_semaphore, #tpu.memory_space<semaphore_mem>>)
    %dma_start3A_102 = arith.constant 0 : i32
    %dma_start3A_103 = arith.constant 0 : i32
    %dma_start3A_104 = tpu.memref_slice %arg13[%dma_start3A_102, %dma_start3A_103] : memref<128x65xf32, #tpu.memory_space<vmem>> -> memref<128x64xf32, #tpu.memory_space<vmem>>
    %dma_start3A_105 = arith.constant 64 : i32
    %dma_start3A_106 = tpu.memref_slice %arg8[%add3A_97, %dma_start3A_105] : memref<16384x256xf32, #tpu.memory_space<hbm>> -> memref<128x64xf32, #tpu.memory_space<hbm>>
    %dma_start3A_107 = arith.constant 64 : i32
    %dma_start3A_108 = tpu.memref_slice %arg8[%add3A_97, %dma_start3A_107] : memref<16384x256xf32, #tpu.memory_space<hbm>> -> memref<128x64xf32, #tpu.memory_space<hbm>>
    %dma_start3A_109 = arith.constant 0 : i32
    %dma_start3A_110 = arith.constant 0 : i32
    %dma_start3A_111 = tpu.memref_slice %arg13[%dma_start3A_109, %dma_start3A_110] : memref<128x65xf32, #tpu.memory_space<vmem>> -> memref<128x64xf32, #tpu.memory_space<vmem>>
    tpu.enqueue_dma source(%dma_start3A_111 : memref<128x64xf32, #tpu.memory_space<vmem>>) target(%dma_start3A_108 : memref<128x64xf32, #tpu.memory_space<hbm>>) target_semaphore(%arg19 : memref<!tpu.dma_semaphore, #tpu.memory_space<semaphore_mem>>)
    %dma_start3A_112 = arith.constant 0 : i32
    %dma_start3A_113 = arith.constant 0 : i32
    %dma_start3A_114 = tpu.memref_slice %arg14[%dma_start3A_112, %dma_start3A_113] : memref<128x65xf32, #tpu.memory_space<vmem>> -> memref<128x64xf32, #tpu.memory_space<vmem>>
    %dma_start3A_115 = arith.constant 128 : i32
    %dma_start3A_116 = tpu.memref_slice %arg8[%add3A_97, %dma_start3A_115] : memref<16384x256xf32, #tpu.memory_space<hbm>> -> memref<128x64xf32, #tpu.memory_space<hbm>>
    %dma_start3A_117 = arith.constant 128 : i32
    %dma_start3A_118 = tpu.memref_slice %arg8[%add3A_97, %dma_start3A_117] : memref<16384x256xf32, #tpu.memory_space<hbm>> -> memref<128x64xf32, #tpu.memory_space<hbm>>
    %dma_start3A_119 = arith.constant 0 : i32
    %dma_start3A_120 = arith.constant 0 : i32
    %dma_start3A_121 = tpu.memref_slice %arg14[%dma_start3A_119, %dma_start3A_120] : memref<128x65xf32, #tpu.memory_space<vmem>> -> memref<128x64xf32, #tpu.memory_space<vmem>>
    tpu.enqueue_dma source(%dma_start3A_121 : memref<128x64xf32, #tpu.memory_space<vmem>>) target(%dma_start3A_118 : memref<128x64xf32, #tpu.memory_space<hbm>>) target_semaphore(%arg19 : memref<!tpu.dma_semaphore, #tpu.memory_space<semaphore_mem>>)
    %dma_wait3A_122 = arith.constant 0 : i32
    %dma_wait3A_123 = tpu.memref_slice %arg8[%add3A_97, %dma_wait3A_122] : memref<16384x256xf32, #tpu.memory_space<hbm>> -> memref<128x64xf32, #tpu.memory_space<hbm>>
    %dma_wait3A_124 = arith.constant 0 : i32
    %dma_wait3A_125 = tpu.memref_slice %arg8[%add3A_97, %dma_wait3A_124] : memref<16384x256xf32, #tpu.memory_space<hbm>> -> memref<128x64xf32, #tpu.memory_space<hbm>>
    tpu.wait_dma2 semaphore(%arg19 : memref<!tpu.dma_semaphore, #tpu.memory_space<semaphore_mem>>) src(%arg12 : memref<128x64xf32, #tpu.memory_space<vmem>>) dst(%dma_wait3A_125 : memref<128x64xf32, #tpu.memory_space<hbm>>)
    %dma_wait3A_126 = arith.constant 0 : i32
    %dma_wait3A_127 = arith.constant 0 : i32
    %dma_wait3A_128 = tpu.memref_slice %arg13[%dma_wait3A_126, %dma_wait3A_127] : memref<128x65xf32, #tpu.memory_space<vmem>> -> memref<128x64xf32, #tpu.memory_space<vmem>>
    %dma_wait3A_129 = arith.constant 64 : i32
    %dma_wait3A_130 = tpu.memref_slice %arg8[%add3A_97, %dma_wait3A_129] : memref<16384x256xf32, #tpu.memory_space<hbm>> -> memref<128x64xf32, #tpu.memory_space<hbm>>
    %dma_wait3A_131 = arith.constant 64 : i32
    %dma_wait3A_132 = tpu.memref_slice %arg8[%add3A_97, %dma_wait3A_131] : memref<16384x256xf32, #tpu.memory_space<hbm>> -> memref<128x64xf32, #tpu.memory_space<hbm>>
    %dma_wait3A_133 = arith.constant 0 : i32
    %dma_wait3A_134 = arith.constant 0 : i32
    %dma_wait3A_135 = tpu.memref_slice %arg13[%dma_wait3A_133, %dma_wait3A_134] : memref<128x65xf32, #tpu.memory_space<vmem>> -> memref<128x64xf32, #tpu.memory_space<vmem>>
    tpu.wait_dma2 semaphore(%arg19 : memref<!tpu.dma_semaphore, #tpu.memory_space<semaphore_mem>>) src(%dma_wait3A_135 : memref<128x64xf32, #tpu.memory_space<vmem>>) dst(%dma_wait3A_132 : memref<128x64xf32, #tpu.memory_space<hbm>>)
    %dma_wait3A_136 = arith.constant 0 : i32
    %dma_wait3A_137 = arith.constant 0 : i32
    %dma_wait3A_138 = tpu.memref_slice %arg14[%dma_wait3A_136, %dma_wait3A_137] : memref<128x65xf32, #tpu.memory_space<vmem>> -> memref<128x64xf32, #tpu.memory_space<vmem>>
    %dma_wait3A_139 = arith.constant 128 : i32
    %dma_wait3A_140 = tpu.memref_slice %arg8[%add3A_97, %dma_wait3A_139] : memref<16384x256xf32, #tpu.memory_space<hbm>> -> memref<128x64xf32, #tpu.memory_space<hbm>>
    %dma_wait3A_141 = arith.constant 128 : i32
    %dma_wait3A_142 = tpu.memref_slice %arg8[%add3A_97, %dma_wait3A_141] : memref<16384x256xf32, #tpu.memory_space<hbm>> -> memref<128x64xf32, #tpu.memory_space<hbm>>
    %dma_wait3A_143 = arith.constant 0 : i32
    %dma_wait3A_144 = arith.constant 0 : i32
    %dma_wait3A_145 = tpu.memref_slice %arg14[%dma_wait3A_143, %dma_wait3A_144] : memref<128x65xf32, #tpu.memory_space<vmem>> -> memref<128x64xf32, #tpu.memory_space<vmem>>
    tpu.wait_dma2 semaphore(%arg19 : memref<!tpu.dma_semaphore, #tpu.memory_space<semaphore_mem>>) src(%dma_wait3A_145 : memref<128x64xf32, #tpu.memory_space<vmem>>) dst(%dma_wait3A_142 : memref<128x64xf32, #tpu.memory_space<hbm>>)
    %dma_start3A_146 = arith.constant 0 : i32
    %dma_start3A_147 = arith.constant 0 : i32
    %dma_start3A_148 = tpu.memref_slice %arg12[%dma_start3A_146, %dma_start3A_147] : memref<128x64xf32, #tpu.memory_space<vmem>> -> memref<128x64xf32, #tpu.memory_space<vmem>>
    %dma_start3A_149 = arith.constant 256 : i32
    %dma_start3A_150 = tpu.memref_slice %arg9[%dma_start3A_149] : memref<512xi32, #tpu.memory_space<vmem>> -> memref<128xi32, #tpu.memory_space<vmem>>
    %dma_start3A_151 = arith.constant 0 : i32
    %dma_start3A_152 = arith.constant 0 : i32
    %dma_start3A_153 = tpu.memref_slice %arg5[%dma_start3A_151, %dma_start3A_152] : memref<100000x64xf32, #tpu.memory_space<hbm>> -> memref<100000x64xf32, #tpu.memory_space<hbm>>
    tpu.enqueue_indirect_dma source(%dma_start3A_153 : memref<100000x64xf32, #tpu.memory_space<hbm>>) target(%dma_start3A_148 : memref<128x64xf32, #tpu.memory_space<vmem>>) offsets(%dma_start3A_150 : memref<128xi32, #tpu.memory_space<vmem>>) semaphore(%arg19 : memref<!tpu.dma_semaphore, #tpu.memory_space<semaphore_mem>>)
    %scan3A_154 = arith.constant 0 : i32
    %scan3A_155 = arith.constant 0 : i32
    %scan3A_156 = arith.constant 8 : i32
    %scan3A_157 = arith.addi %scan3A_155, %scan3A_156 : i32
    %scan3A_158 = arith.constant 1 : i32
    scf.for %scan3A_290 = %scan3A_155 to %scan3A_157 step %scan3A_158  : i32 {
      %mul3A_291 = arith.constant 16 : i32
      %mul3A_292 = arith.muli %scan3A_290, %mul3A_291 : i32
      %add3A_293 = arith.constant 256 : i32
      %add3A_294 = arith.addi %add3A_293, %mul3A_292 : i32
      %get3A = arith.index_cast %add3A_294 : i32 to index
      %get3A_295 = tpu.vector_load %arg10[%get3A] {strides = array<i32>} : memref<512xi32, #tpu.memory_space<vmem>>, vector<16xi32>,
      %mul3A_296 = arith.constant 16 : i32
      %mul3A_297 = arith.muli %scan3A_290, %mul3A_296 : i32
      %add3A_298 = arith.constant 256 : i32
      %add3A_299 = arith.addi %add3A_298, %mul3A_297 : i32
      %get3A_300 = arith.index_cast %add3A_299 : i32 to index
      %get3A_301 = tpu.vector_load %arg11[%get3A_300] {strides = array<i32>} : memref<512xi32, #tpu.memory_space<vmem>>, vector<16xi32>,
      %mul3A_302 = arith.constant 16 : i32
      %mul3A_303 = arith.muli %scan3A_290, %mul3A_302 : i32
      %add3A_304 = vector.broadcast %mul3A_303 : i32 to vector<16xi32>
      %add3A_305 = arith.addi %iota3A, %add3A_304 : vector<16xi32>
      %broadcast_in_dim3A = arith.constant 0 : i32
      %broadcast_in_dim3A_306 = vector.broadcast %broadcast_in_dim3A : i32 to vector<16xi32>
      %gather3A = tpu.vector_load_idx %arg15[%get3A_295, %broadcast_in_dim3A_306] : memref<1000x65xf32, #tpu.memory_space<vmem>>[vector<16xi32>, vector<16xi32>], vector<16xf32>,
      tpu.vector_store_idx %arg13[%add3A_305, %broadcast_in_dim3A_306], %gather3A : memref<128x65xf32, #tpu.memory_space<vmem>>[vector<16xi32>, vector<16xi32>], vector<16xf32>,
      %gather3A_307 = tpu.vector_load_idx %arg16[%get3A_301, %broadcast_in_dim3A_306] : memref<100x65xf32, #tpu.memory_space<vmem>>[vector<16xi32>, vector<16xi32>], vector<16xf32>,
      tpu.vector_store_idx %arg14[%add3A_305, %broadcast_in_dim3A_306], %gather3A_307 : memref<128x65xf32, #tpu.memory_space<vmem>>[vector<16xi32>, vector<16xi32>], vector<16xf32>,
      %broadcast_in_dim3A_308 = arith.constant 1 : i32
      %broadcast_in_dim3A_309 = vector.broadcast %broadcast_in_dim3A_308 : i32 to vector<16xi32>
      %gather3A_310 = tpu.vector_load_idx %arg15[%get3A_295, %broadcast_in_dim3A_309] : memref<1000x65xf32, #tpu.memory_space<vmem>>[vector<16xi32>, vector<16xi32>], vector<16xf32>,
      tpu.vector_store_idx %arg13[%add3A_305, %broadcast_in_dim3A_309], %gather3A_310 : memref<128x65xf32, #tpu.memory_space<vmem>>[vector<16xi32>, vector<16xi32>], vector<16xf32>,
      %gather3A_311 = tpu.vector_load_idx %arg16[%get3A_301, %broadcast_in_dim3A_309] : memref<100x65xf32, #tpu.memory_space<vmem>>[vector<16xi32>, vector<16xi32>], vector<16xf32>,
      tpu.vector_store_idx %arg14[%add3A_305, %broadcast_in_dim3A_309], %gather3A_311 : memref<128x65xf32, #tpu.memory_space<vmem>>[vector<16xi32>, vector<16xi32>], vector<16xf32>,
      %broadcast_in_dim3A_312 = arith.constant 2 : i32
      %broadcast_in_dim3A_313 = vector.broadcast %broadcast_in_dim3A_312 : i32 to vector<16xi32>
      %gather3A_314 = tpu.vector_load_idx %arg15[%get3A_295, %broadcast_in_dim3A_313] : memref<1000x65xf32, #tpu.memory_space<vmem>>[vector<16xi32>, vector<16xi32>], vector<16xf32>,
      tpu.vector_store_idx %arg13[%add3A_305, %broadcast_in_dim3A_313], %gather3A_314 : memref<128x65xf32, #tpu.memory_space<vmem>>[vector<16xi32>, vector<16xi32>], vector<16xf32>,
      %gather3A_315 = tpu.vector_load_idx %arg16[%get3A_301, %broadcast_in_dim3A_313] : memref<100x65xf32, #tpu.memory_space<vmem>>[vector<16xi32>, vector<16xi32>], vector<16xf32>,
      tpu.vector_store_idx %arg14[%add3A_305, %broadcast_in_dim3A_313], %gather3A_315 : memref<128x65xf32, #tpu.memory_space<vmem>>[vector<16xi32>, vector<16xi32>], vector<16xf32>,
      %broadcast_in_dim3A_316 = arith.constant 3 : i32
      %broadcast_in_dim3A_317 = vector.broadcast %broadcast_in_dim3A_316 : i32 to vector<16xi32>
      %gather3A_318 = tpu.vector_load_idx %arg15[%get3A_295, %broadcast_in_dim3A_317] : memref<1000x65xf32, #tpu.memory_space<vmem>>[vector<16xi32>, vector<16xi32>], vector<16xf32>,
      tpu.vector_store_idx %arg13[%add3A_305, %broadcast_in_dim3A_317], %gather3A_318 : memref<128x65xf32, #tpu.memory_space<vmem>>[vector<16xi32>, vector<16xi32>], vector<16xf32>,
      %gather3A_319 = tpu.vector_load_idx %arg16[%get3A_301, %broadcast_in_dim3A_317] : memref<100x65xf32, #tpu.memory_space<vmem>>[vector<16xi32>, vector<16xi32>], vector<16xf32>,
      tpu.vector_store_idx %arg14[%add3A_305, %broadcast_in_dim3A_317], %gather3A_319 : memref<128x65xf32, #tpu.memory_space<vmem>>[vector<16xi32>, vector<16xi32>], vector<16xf32>,
      %broadcast_in_dim3A_320 = arith.constant 4 : i32
      %broadcast_in_dim3A_321 = vector.broadcast %broadcast_in_dim3A_320 : i32 to vector<16xi32>
      %gather3A_322 = tpu.vector_load_idx %arg15[%get3A_295, %broadcast_in_dim3A_321] : memref<1000x65xf32, #tpu.memory_space<vmem>>[vector<16xi32>, vector<16xi32>], vector<16xf32>,
      tpu.vector_store_idx %arg13[%add3A_305, %broadcast_in_dim3A_321], %gather3A_322 : memref<128x65xf32, #tpu.memory_space<vmem>>[vector<16xi32>, vector<16xi32>], vector<16xf32>,
      %gather3A_323 = tpu.vector_load_idx %arg16[%get3A_301, %broadcast_in_dim3A_321] : memref<100x65xf32, #tpu.memory_space<vmem>>[vector<16xi32>, vector<16xi32>], vector<16xf32>,
      tpu.vector_store_idx %arg14[%add3A_305, %broadcast_in_dim3A_321], %gather3A_323 : memref<128x65xf32, #tpu.memory_space<vmem>>[vector<16xi32>, vector<16xi32>], vector<16xf32>,
      %broadcast_in_dim3A_324 = arith.constant 5 : i32
      %broadcast_in_dim3A_325 = vector.broadcast %broadcast_in_dim3A_324 : i32 to vector<16xi32>
      %gather3A_326 = tpu.vector_load_idx %arg15[%get3A_295, %broadcast_in_dim3A_325] : memref<1000x65xf32, #tpu.memory_space<vmem>>[vector<16xi32>, vector<16xi32>], vector<16xf32>,
      tpu.vector_store_idx %arg13[%add3A_305, %broadcast_in_dim3A_325], %gather3A_326 : memref<128x65xf32, #tpu.memory_space<vmem>>[vector<16xi32>, vector<16xi32>], vector<16xf32>,
      %gather3A_327 = tpu.vector_load_idx %arg16[%get3A_301, %broadcast_in_dim3A_325] : memref<100x65xf32, #tpu.memory_space<vmem>>[vector<16xi32>, vector<16xi32>], vector<16xf32>,
      tpu.vector_store_idx %arg14[%add3A_305, %broadcast_in_dim3A_325], %gather3A_327 : memref<128x65xf32, #tpu.memory_space<vmem>>[vector<16xi32>, vector<16xi32>], vector<16xf32>,
      %broadcast_in_dim3A_328 = arith.constant 6 : i32
      %broadcast_in_dim3A_329 = vector.broadcast %broadcast_in_dim3A_328 : i32 to vector<16xi32>
      %gather3A_330 = tpu.vector_load_idx %arg15[%get3A_295, %broadcast_in_dim3A_329] : memref<1000x65xf32, #tpu.memory_space<vmem>>[vector<16xi32>, vector<16xi32>], vector<16xf32>,
      tpu.vector_store_idx %arg13[%add3A_305, %broadcast_in_dim3A_329], %gather3A_330 : memref<128x65xf32, #tpu.memory_space<vmem>>[vector<16xi32>, vector<16xi32>], vector<16xf32>,
      %gather3A_331 = tpu.vector_load_idx %arg16[%get3A_301, %broadcast_in_dim3A_329] : memref<100x65xf32, #tpu.memory_space<vmem>>[vector<16xi32>, vector<16xi32>], vector<16xf32>,
      tpu.vector_store_idx %arg14[%add3A_305, %broadcast_in_dim3A_329], %gather3A_331 : memref<128x65xf32, #tpu.memory_space<vmem>>[vector<16xi32>, vector<16xi32>], vector<16xf32>,
      %broadcast_in_dim3A_332 = arith.constant 7 : i32
      %broadcast_in_dim3A_333 = vector.broadcast %broadcast_in_dim3A_332 : i32 to vector<16xi32>
      %gather3A_334 = tpu.vector_load_idx %arg15[%get3A_295, %broadcast_in_dim3A_333] : memref<1000x65xf32, #tpu.memory_space<vmem>>[vector<16xi32>, vector<16xi32>], vector<16xf32>,
      tpu.vector_store_idx %arg13[%add3A_305, %broadcast_in_dim3A_333], %gather3A_334 : memref<128x65xf32, #tpu.memory_space<vmem>>[vector<16xi32>, vector<16xi32>], vector<16xf32>,
      %gather3A_335 = tpu.vector_load_idx %arg16[%get3A_301, %broadcast_in_dim3A_333] : memref<100x65xf32, #tpu.memory_space<vmem>>[vector<16xi32>, vector<16xi32>], vector<16xf32>,
      tpu.vector_store_idx %arg14[%add3A_305, %broadcast_in_dim3A_333], %gather3A_335 : memref<128x65xf32, #tpu.memory_space<vmem>>[vector<16xi32>, vector<16xi32>], vector<16xf32>,
      %broadcast_in_dim3A_336 = arith.constant 8 : i32
      %broadcast_in_dim3A_337 = vector.broadcast %broadcast_in_dim3A_336 : i32 to vector<16xi32>
      %gather3A_338 = tpu.vector_load_idx %arg15[%get3A_295, %broadcast_in_dim3A_337] : memref<1000x65xf32, #tpu.memory_space<vmem>>[vector<16xi32>, vector<16xi32>], vector<16xf32>,
      tpu.vector_store_idx %arg13[%add3A_305, %broadcast_in_dim3A_337], %gather3A_338 : memref<128x65xf32, #tpu.memory_space<vmem>>[vector<16xi32>, vector<16xi32>], vector<16xf32>,
      %gather3A_339 = tpu.vector_load_idx %arg16[%get3A_301, %broadcast_in_dim3A_337] : memref<100x65xf32, #tpu.memory_space<vmem>>[vector<16xi32>, vector<16xi32>], vector<16xf32>,
      tpu.vector_store_idx %arg14[%add3A_305, %broadcast_in_dim3A_337], %gather3A_339 : memref<128x65xf32, #tpu.memory_space<vmem>>[vector<16xi32>, vector<16xi32>], vector<16xf32>,
      %broadcast_in_dim3A_340 = arith.constant 9 : i32
      %broadcast_in_dim3A_341 = vector.broadcast %broadcast_in_dim3A_340 : i32 to vector<16xi32>
      %gather3A_342 = tpu.vector_load_idx %arg15[%get3A_295, %broadcast_in_dim3A_341] : memref<1000x65xf32, #tpu.memory_space<vmem>>[vector<16xi32>, vector<16xi32>], vector<16xf32>,
      tpu.vector_store_idx %arg13[%add3A_305, %broadcast_in_dim3A_341], %gather3A_342 : memref<128x65xf32, #tpu.memory_space<vmem>>[vector<16xi32>, vector<16xi32>], vector<16xf32>,
      %gather3A_343 = tpu.vector_load_idx %arg16[%get3A_301, %broadcast_in_dim3A_341] : memref<100x65xf32, #tpu.memory_space<vmem>>[vector<16xi32>, vector<16xi32>], vector<16xf32>,
      tpu.vector_store_idx %arg14[%add3A_305, %broadcast_in_dim3A_341], %gather3A_343 : memref<128x65xf32, #tpu.memory_space<vmem>>[vector<16xi32>, vector<16xi32>], vector<16xf32>,
      %broadcast_in_dim3A_344 = arith.constant 10 : i32
      %broadcast_in_dim3A_345 = vector.broadcast %broadcast_in_dim3A_344 : i32 to vector<16xi32>
      %gather3A_346 = tpu.vector_load_idx %arg15[%get3A_295, %broadcast_in_dim3A_345] : memref<1000x65xf32, #tpu.memory_space<vmem>>[vector<16xi32>, vector<16xi32>], vector<16xf32>,
      tpu.vector_store_idx %arg13[%add3A_305, %broadcast_in_dim3A_345], %gather3A_346 : memref<128x65xf32, #tpu.memory_space<vmem>>[vector<16xi32>, vector<16xi32>], vector<16xf32>,
      %gather3A_347 = tpu.vector_load_idx %arg16[%get3A_301, %broadcast_in_dim3A_345] : memref<100x65xf32, #tpu.memory_space<vmem>>[vector<16xi32>, vector<16xi32>], vector<16xf32>,
      tpu.vector_store_idx %arg14[%add3A_305, %broadcast_in_dim3A_345], %gather3A_347 : memref<128x65xf32, #tpu.memory_space<vmem>>[vector<16xi32>, vector<16xi32>], vector<16xf32>,
      %broadcast_in_dim3A_348 = arith.constant 11 : i32
      %broadcast_in_dim3A_349 = vector.broadcast %broadcast_in_dim3A_348 : i32 to vector<16xi32>
      %gather3A_350 = tpu.vector_load_idx %arg15[%get3A_295, %broadcast_in_dim3A_349] : memref<1000x65xf32, #tpu.memory_space<vmem>>[vector<16xi32>, vector<16xi32>], vector<16xf32>,
      tpu.vector_store_idx %arg13[%add3A_305, %broadcast_in_dim3A_349], %gather3A_350 : memref<128x65xf32, #tpu.memory_space<vmem>>[vector<16xi32>, vector<16xi32>], vector<16xf32>,
      %gather3A_351 = tpu.vector_load_idx %arg16[%get3A_301, %broadcast_in_dim3A_349] : memref<100x65xf32, #tpu.memory_space<vmem>>[vector<16xi32>, vector<16xi32>], vector<16xf32>,
      tpu.vector_store_idx %arg14[%add3A_305, %broadcast_in_dim3A_349], %gather3A_351 : memref<128x65xf32, #tpu.memory_space<vmem>>[vector<16xi32>, vector<16xi32>], vector<16xf32>,
      %broadcast_in_dim3A_352 = arith.constant 12 : i32
      %broadcast_in_dim3A_353 = vector.broadcast %broadcast_in_dim3A_352 : i32 to vector<16xi32>
      %gather3A_354 = tpu.vector_load_idx %arg15[%get3A_295, %broadcast_in_dim3A_353] : memref<1000x65xf32, #tpu.memory_space<vmem>>[vector<16xi32>, vector<16xi32>], vector<16xf32>,
      tpu.vector_store_idx %arg13[%add3A_305, %broadcast_in_dim3A_353], %gather3A_354 : memref<128x65xf32, #tpu.memory_space<vmem>>[vector<16xi32>, vector<16xi32>], vector<16xf32>,
      %gather3A_355 = tpu.vector_load_idx %arg16[%get3A_301, %broadcast_in_dim3A_353] : memref<100x65xf32, #tpu.memory_space<vmem>>[vector<16xi32>, vector<16xi32>], vector<16xf32>,
      tpu.vector_store_idx %arg14[%add3A_305, %broadcast_in_dim3A_353], %gather3A_355 : memref<128x65xf32, #tpu.memory_space<vmem>>[vector<16xi32>, vector<16xi32>], vector<16xf32>,
      %broadcast_in_dim3A_356 = arith.constant 13 : i32
      %broadcast_in_dim3A_357 = vector.broadcast %broadcast_in_dim3A_356 : i32 to vector<16xi32>
      %gather3A_358 = tpu.vector_load_idx %arg15[%get3A_295, %broadcast_in_dim3A_357] : memref<1000x65xf32, #tpu.memory_space<vmem>>[vector<16xi32>, vector<16xi32>], vector<16xf32>,
      tpu.vector_store_idx %arg13[%add3A_305, %broadcast_in_dim3A_357], %gather3A_358 : memref<128x65xf32, #tpu.memory_space<vmem>>[vector<16xi32>, vector<16xi32>], vector<16xf32>,
      %gather3A_359 = tpu.vector_load_idx %arg16[%get3A_301, %broadcast_in_dim3A_357] : memref<100x65xf32, #tpu.memory_space<vmem>>[vector<16xi32>, vector<16xi32>], vector<16xf32>,
      tpu.vector_store_idx %arg14[%add3A_305, %broadcast_in_dim3A_357], %gather3A_359 : memref<128x65xf32, #tpu.memory_space<vmem>>[vector<16xi32>, vector<16xi32>], vector<16xf32>,
      %broadcast_in_dim3A_360 = arith.constant 14 : i32
      %broadcast_in_dim3A_361 = vector.broadcast %broadcast_in_dim3A_360 : i32 to vector<16xi32>
      %gather3A_362 = tpu.vector_load_idx %arg15[%get3A_295, %broadcast_in_dim3A_361] : memref<1000x65xf32, #tpu.memory_space<vmem>>[vector<16xi32>, vector<16xi32>], vector<16xf32>,
      tpu.vector_store_idx %arg13[%add3A_305, %broadcast_in_dim3A_361], %gather3A_362 : memref<128x65xf32, #tpu.memory_space<vmem>>[vector<16xi32>, vector<16xi32>], vector<16xf32>,
      %gather3A_363 = tpu.vector_load_idx %arg16[%get3A_301, %broadcast_in_dim3A_361] : memref<100x65xf32, #tpu.memory_space<vmem>>[vector<16xi32>, vector<16xi32>], vector<16xf32>,
      tpu.vector_store_idx %arg14[%add3A_305, %broadcast_in_dim3A_361], %gather3A_363 : memref<128x65xf32, #tpu.memory_space<vmem>>[vector<16xi32>, vector<16xi32>], vector<16xf32>,
      %broadcast_in_dim3A_364 = arith.constant 15 : i32
      %broadcast_in_dim3A_365 = vector.broadcast %broadcast_in_dim3A_364 : i32 to vector<16xi32>
      %gather3A_366 = tpu.vector_load_idx %arg15[%get3A_295, %broadcast_in_dim3A_365] : memref<1000x65xf32, #tpu.memory_space<vmem>>[vector<16xi32>, vector<16xi32>], vector<16xf32>,
      tpu.vector_store_idx %arg13[%add3A_305, %broadcast_in_dim3A_365], %gather3A_366 : memref<128x65xf32, #tpu.memory_space<vmem>>[vector<16xi32>, vector<16xi32>], vector<16xf32>,
      %gather3A_367 = tpu.vector_load_idx %arg16[%get3A_301, %broadcast_in_dim3A_365] : memref<100x65xf32, #tpu.memory_space<vmem>>[vector<16xi32>, vector<16xi32>], vector<16xf32>,
      tpu.vector_store_idx %arg14[%add3A_305, %broadcast_in_dim3A_365], %gather3A_367 : memref<128x65xf32, #tpu.memory_space<vmem>>[vector<16xi32>, vector<16xi32>], vector<16xf32>,
      %broadcast_in_dim3A_368 = arith.constant 16 : i32
      %broadcast_in_dim3A_369 = vector.broadcast %broadcast_in_dim3A_368 : i32 to vector<16xi32>
      %gather3A_370 = tpu.vector_load_idx %arg15[%get3A_295, %broadcast_in_dim3A_369] : memref<1000x65xf32, #tpu.memory_space<vmem>>[vector<16xi32>, vector<16xi32>], vector<16xf32>,
      tpu.vector_store_idx %arg13[%add3A_305, %broadcast_in_dim3A_369], %gather3A_370 : memref<128x65xf32, #tpu.memory_space<vmem>>[vector<16xi32>, vector<16xi32>], vector<16xf32>,
      %gather3A_371 = tpu.vector_load_idx %arg16[%get3A_301, %broadcast_in_dim3A_369] : memref<100x65xf32, #tpu.memory_space<vmem>>[vector<16xi32>, vector<16xi32>], vector<16xf32>,
      tpu.vector_store_idx %arg14[%add3A_305, %broadcast_in_dim3A_369], %gather3A_371 : memref<128x65xf32, #tpu.memory_space<vmem>>[vector<16xi32>, vector<16xi32>], vector<16xf32>,
      %broadcast_in_dim3A_372 = arith.constant 17 : i32
      %broadcast_in_dim3A_373 = vector.broadcast %broadcast_in_dim3A_372 : i32 to vector<16xi32>
      %gather3A_374 = tpu.vector_load_idx %arg15[%get3A_295, %broadcast_in_dim3A_373] : memref<1000x65xf32, #tpu.memory_space<vmem>>[vector<16xi32>, vector<16xi32>], vector<16xf32>,
      tpu.vector_store_idx %arg13[%add3A_305, %broadcast_in_dim3A_373], %gather3A_374 : memref<128x65xf32, #tpu.memory_space<vmem>>[vector<16xi32>, vector<16xi32>], vector<16xf32>,
      %gather3A_375 = tpu.vector_load_idx %arg16[%get3A_301, %broadcast_in_dim3A_373] : memref<100x65xf32, #tpu.memory_space<vmem>>[vector<16xi32>, vector<16xi32>], vector<16xf32>,
      tpu.vector_store_idx %arg14[%add3A_305, %broadcast_in_dim3A_373], %gather3A_375 : memref<128x65xf32, #tpu.memory_space<vmem>>[vector<16xi32>, vector<16xi32>], vector<16xf32>,
      %broadcast_in_dim3A_376 = arith.constant 18 : i32
      %broadcast_in_dim3A_377 = vector.broadcast %broadcast_in_dim3A_376 : i32 to vector<16xi32>
      %gather3A_378 = tpu.vector_load_idx %arg15[%get3A_295, %broadcast_in_dim3A_377] : memref<1000x65xf32, #tpu.memory_space<vmem>>[vector<16xi32>, vector<16xi32>], vector<16xf32>,
      tpu.vector_store_idx %arg13[%add3A_305, %broadcast_in_dim3A_377], %gather3A_378 : memref<128x65xf32, #tpu.memory_space<vmem>>[vector<16xi32>, vector<16xi32>], vector<16xf32>,
      %gather3A_379 = tpu.vector_load_idx %arg16[%get3A_301, %broadcast_in_dim3A_377] : memref<100x65xf32, #tpu.memory_space<vmem>>[vector<16xi32>, vector<16xi32>], vector<16xf32>,
      tpu.vector_store_idx %arg14[%add3A_305, %broadcast_in_dim3A_377], %gather3A_379 : memref<128x65xf32, #tpu.memory_space<vmem>>[vector<16xi32>, vector<16xi32>], vector<16xf32>,
      %broadcast_in_dim3A_380 = arith.constant 19 : i32
      %broadcast_in_dim3A_381 = vector.broadcast %broadcast_in_dim3A_380 : i32 to vector<16xi32>
      %gather3A_382 = tpu.vector_load_idx %arg15[%get3A_295, %broadcast_in_dim3A_381] : memref<1000x65xf32, #tpu.memory_space<vmem>>[vector<16xi32>, vector<16xi32>], vector<16xf32>,
      tpu.vector_store_idx %arg13[%add3A_305, %broadcast_in_dim3A_381], %gather3A_382 : memref<128x65xf32, #tpu.memory_space<vmem>>[vector<16xi32>, vector<16xi32>], vector<16xf32>,
      %gather3A_383 = tpu.vector_load_idx %arg16[%get3A_301, %broadcast_in_dim3A_381] : memref<100x65xf32, #tpu.memory_space<vmem>>[vector<16xi32>, vector<16xi32>], vector<16xf32>,
      tpu.vector_store_idx %arg14[%add3A_305, %broadcast_in_dim3A_381], %gather3A_383 : memref<128x65xf32, #tpu.memory_space<vmem>>[vector<16xi32>, vector<16xi32>], vector<16xf32>,
      %broadcast_in_dim3A_384 = arith.constant 20 : i32
      %broadcast_in_dim3A_385 = vector.broadcast %broadcast_in_dim3A_384 : i32 to vector<16xi32>
      %gather3A_386 = tpu.vector_load_idx %arg15[%get3A_295, %broadcast_in_dim3A_385] : memref<1000x65xf32, #tpu.memory_space<vmem>>[vector<16xi32>, vector<16xi32>], vector<16xf32>,
      tpu.vector_store_idx %arg13[%add3A_305, %broadcast_in_dim3A_385], %gather3A_386 : memref<128x65xf32, #tpu.memory_space<vmem>>[vector<16xi32>, vector<16xi32>], vector<16xf32>,
      %gather3A_387 = tpu.vector_load_idx %arg16[%get3A_301, %broadcast_in_dim3A_385] : memref<100x65xf32, #tpu.memory_space<vmem>>[vector<16xi32>, vector<16xi32>], vector<16xf32>,
      tpu.vector_store_idx %arg14[%add3A_305, %broadcast_in_dim3A_385], %gather3A_387 : memref<128x65xf32, #tpu.memory_space<vmem>>[vector<16xi32>, vector<16xi32>], vector<16xf32>,
      %broadcast_in_dim3A_388 = arith.constant 21 : i32
      %broadcast_in_dim3A_389 = vector.broadcast %broadcast_in_dim3A_388 : i32 to vector<16xi32>
      %gather3A_390 = tpu.vector_load_idx %arg15[%get3A_295, %broadcast_in_dim3A_389] : memref<1000x65xf32, #tpu.memory_space<vmem>>[vector<16xi32>, vector<16xi32>], vector<16xf32>,
      tpu.vector_store_idx %arg13[%add3A_305, %broadcast_in_dim3A_389], %gather3A_390 : memref<128x65xf32, #tpu.memory_space<vmem>>[vector<16xi32>, vector<16xi32>], vector<16xf32>,
      %gather3A_391 = tpu.vector_load_idx %arg16[%get3A_301, %broadcast_in_dim3A_389] : memref<100x65xf32, #tpu.memory_space<vmem>>[vector<16xi32>, vector<16xi32>], vector<16xf32>,
      tpu.vector_store_idx %arg14[%add3A_305, %broadcast_in_dim3A_389], %gather3A_391 : memref<128x65xf32, #tpu.memory_space<vmem>>[vector<16xi32>, vector<16xi32>], vector<16xf32>,
      %broadcast_in_dim3A_392 = arith.constant 22 : i32
      %broadcast_in_dim3A_393 = vector.broadcast %broadcast_in_dim3A_392 : i32 to vector<16xi32>
      %gather3A_394 = tpu.vector_load_idx %arg15[%get3A_295, %broadcast_in_dim3A_393] : memref<1000x65xf32, #tpu.memory_space<vmem>>[vector<16xi32>, vector<16xi32>], vector<16xf32>,
      tpu.vector_store_idx %arg13[%add3A_305, %broadcast_in_dim3A_393], %gather3A_394 : memref<128x65xf32, #tpu.memory_space<vmem>>[vector<16xi32>, vector<16xi32>], vector<16xf32>,
      %gather3A_395 = tpu.vector_load_idx %arg16[%get3A_301, %broadcast_in_dim3A_393] : memref<100x65xf32, #tpu.memory_space<vmem>>[vector<16xi32>, vector<16xi32>], vector<16xf32>,
      tpu.vector_store_idx %arg14[%add3A_305, %broadcast_in_dim3A_393], %gather3A_395 : memref<128x65xf32, #tpu.memory_space<vmem>>[vector<16xi32>, vector<16xi32>], vector<16xf32>,
      %broadcast_in_dim3A_396 = arith.constant 23 : i32
      %broadcast_in_dim3A_397 = vector.broadcast %broadcast_in_dim3A_396 : i32 to vector<16xi32>
      %gather3A_398 = tpu.vector_load_idx %arg15[%get3A_295, %broadcast_in_dim3A_397] : memref<1000x65xf32, #tpu.memory_space<vmem>>[vector<16xi32>, vector<16xi32>], vector<16xf32>,
      tpu.vector_store_idx %arg13[%add3A_305, %broadcast_in_dim3A_397], %gather3A_398 : memref<128x65xf32, #tpu.memory_space<vmem>>[vector<16xi32>, vector<16xi32>], vector<16xf32>,
      %gather3A_399 = tpu.vector_load_idx %arg16[%get3A_301, %broadcast_in_dim3A_397] : memref<100x65xf32, #tpu.memory_space<vmem>>[vector<16xi32>, vector<16xi32>], vector<16xf32>,
      tpu.vector_store_idx %arg14[%add3A_305, %broadcast_in_dim3A_397], %gather3A_399 : memref<128x65xf32, #tpu.memory_space<vmem>>[vector<16xi32>, vector<16xi32>], vector<16xf32>,
      %broadcast_in_dim3A_400 = arith.constant 24 : i32
      %broadcast_in_dim3A_401 = vector.broadcast %broadcast_in_dim3A_400 : i32 to vector<16xi32>
      %gather3A_402 = tpu.vector_load_idx %arg15[%get3A_295, %broadcast_in_dim3A_401] : memref<1000x65xf32, #tpu.memory_space<vmem>>[vector<16xi32>, vector<16xi32>], vector<16xf32>,
      tpu.vector_store_idx %arg13[%add3A_305, %broadcast_in_dim3A_401], %gather3A_402 : memref<128x65xf32, #tpu.memory_space<vmem>>[vector<16xi32>, vector<16xi32>], vector<16xf32>,
      %gather3A_403 = tpu.vector_load_idx %arg16[%get3A_301, %broadcast_in_dim3A_401] : memref<100x65xf32, #tpu.memory_space<vmem>>[vector<16xi32>, vector<16xi32>], vector<16xf32>,
      tpu.vector_store_idx %arg14[%add3A_305, %broadcast_in_dim3A_401], %gather3A_403 : memref<128x65xf32, #tpu.memory_space<vmem>>[vector<16xi32>, vector<16xi32>], vector<16xf32>,
      %broadcast_in_dim3A_404 = arith.constant 25 : i32
      %broadcast_in_dim3A_405 = vector.broadcast %broadcast_in_dim3A_404 : i32 to vector<16xi32>
      %gather3A_406 = tpu.vector_load_idx %arg15[%get3A_295, %broadcast_in_dim3A_405] : memref<1000x65xf32, #tpu.memory_space<vmem>>[vector<16xi32>, vector<16xi32>], vector<16xf32>,
      tpu.vector_store_idx %arg13[%add3A_305, %broadcast_in_dim3A_405], %gather3A_406 : memref<128x65xf32, #tpu.memory_space<vmem>>[vector<16xi32>, vector<16xi32>], vector<16xf32>,
      %gather3A_407 = tpu.vector_load_idx %arg16[%get3A_301, %broadcast_in_dim3A_405] : memref<100x65xf32, #tpu.memory_space<vmem>>[vector<16xi32>, vector<16xi32>], vector<16xf32>,
      tpu.vector_store_idx %arg14[%add3A_305, %broadcast_in_dim3A_405], %gather3A_407 : memref<128x65xf32, #tpu.memory_space<vmem>>[vector<16xi32>, vector<16xi32>], vector<16xf32>,
      %broadcast_in_dim3A_408 = arith.constant 26 : i32
      %broadcast_in_dim3A_409 = vector.broadcast %broadcast_in_dim3A_408 : i32 to vector<16xi32>
      %gather3A_410 = tpu.vector_load_idx %arg15[%get3A_295, %broadcast_in_dim3A_409] : memref<1000x65xf32, #tpu.memory_space<vmem>>[vector<16xi32>, vector<16xi32>], vector<16xf32>,
      tpu.vector_store_idx %arg13[%add3A_305, %broadcast_in_dim3A_409], %gather3A_410 : memref<128x65xf32, #tpu.memory_space<vmem>>[vector<16xi32>, vector<16xi32>], vector<16xf32>,
      %gather3A_411 = tpu.vector_load_idx %arg16[%get3A_301, %broadcast_in_dim3A_409] : memref<100x65xf32, #tpu.memory_space<vmem>>[vector<16xi32>, vector<16xi32>], vector<16xf32>,
      tpu.vector_store_idx %arg14[%add3A_305, %broadcast_in_dim3A_409], %gather3A_411 : memref<128x65xf32, #tpu.memory_space<vmem>>[vector<16xi32>, vector<16xi32>], vector<16xf32>,
      %broadcast_in_dim3A_412 = arith.constant 27 : i32
      %broadcast_in_dim3A_413 = vector.broadcast %broadcast_in_dim3A_412 : i32 to vector<16xi32>
      %gather3A_414 = tpu.vector_load_idx %arg15[%get3A_295, %broadcast_in_dim3A_413] : memref<1000x65xf32, #tpu.memory_space<vmem>>[vector<16xi32>, vector<16xi32>], vector<16xf32>,
      tpu.vector_store_idx %arg13[%add3A_305, %broadcast_in_dim3A_413], %gather3A_414 : memref<128x65xf32, #tpu.memory_space<vmem>>[vector<16xi32>, vector<16xi32>], vector<16xf32>,
      %gather3A_415 = tpu.vector_load_idx %arg16[%get3A_301, %broadcast_in_dim3A_413] : memref<100x65xf32, #tpu.memory_space<vmem>>[vector<16xi32>, vector<16xi32>], vector<16xf32>,
      tpu.vector_store_idx %arg14[%add3A_305, %broadcast_in_dim3A_413], %gather3A_415 : memref<128x65xf32, #tpu.memory_space<vmem>>[vector<16xi32>, vector<16xi32>], vector<16xf32>,
      %broadcast_in_dim3A_416 = arith.constant 28 : i32
      %broadcast_in_dim3A_417 = vector.broadcast %broadcast_in_dim3A_416 : i32 to vector<16xi32>
      %gather3A_418 = tpu.vector_load_idx %arg15[%get3A_295, %broadcast_in_dim3A_417] : memref<1000x65xf32, #tpu.memory_space<vmem>>[vector<16xi32>, vector<16xi32>], vector<16xf32>,
      tpu.vector_store_idx %arg13[%add3A_305, %broadcast_in_dim3A_417], %gather3A_418 : memref<128x65xf32, #tpu.memory_space<vmem>>[vector<16xi32>, vector<16xi32>], vector<16xf32>,
      %gather3A_419 = tpu.vector_load_idx %arg16[%get3A_301, %broadcast_in_dim3A_417] : memref<100x65xf32, #tpu.memory_space<vmem>>[vector<16xi32>, vector<16xi32>], vector<16xf32>,
      tpu.vector_store_idx %arg14[%add3A_305, %broadcast_in_dim3A_417], %gather3A_419 : memref<128x65xf32, #tpu.memory_space<vmem>>[vector<16xi32>, vector<16xi32>], vector<16xf32>,
      %broadcast_in_dim3A_420 = arith.constant 29 : i32
      %broadcast_in_dim3A_421 = vector.broadcast %broadcast_in_dim3A_420 : i32 to vector<16xi32>
      %gather3A_422 = tpu.vector_load_idx %arg15[%get3A_295, %broadcast_in_dim3A_421] : memref<1000x65xf32, #tpu.memory_space<vmem>>[vector<16xi32>, vector<16xi32>], vector<16xf32>,
      tpu.vector_store_idx %arg13[%add3A_305, %broadcast_in_dim3A_421], %gather3A_422 : memref<128x65xf32, #tpu.memory_space<vmem>>[vector<16xi32>, vector<16xi32>], vector<16xf32>,
      %gather3A_423 = tpu.vector_load_idx %arg16[%get3A_301, %broadcast_in_dim3A_421] : memref<100x65xf32, #tpu.memory_space<vmem>>[vector<16xi32>, vector<16xi32>], vector<16xf32>,
      tpu.vector_store_idx %arg14[%add3A_305, %broadcast_in_dim3A_421], %gather3A_423 : memref<128x65xf32, #tpu.memory_space<vmem>>[vector<16xi32>, vector<16xi32>], vector<16xf32>,
      %broadcast_in_dim3A_424 = arith.constant 30 : i32
      %broadcast_in_dim3A_425 = vector.broadcast %broadcast_in_dim3A_424 : i32 to vector<16xi32>
      %gather3A_426 = tpu.vector_load_idx %arg15[%get3A_295, %broadcast_in_dim3A_425] : memref<1000x65xf32, #tpu.memory_space<vmem>>[vector<16xi32>, vector<16xi32>], vector<16xf32>,
      tpu.vector_store_idx %arg13[%add3A_305, %broadcast_in_dim3A_425], %gather3A_426 : memref<128x65xf32, #tpu.memory_space<vmem>>[vector<16xi32>, vector<16xi32>], vector<16xf32>,
      %gather3A_427 = tpu.vector_load_idx %arg16[%get3A_301, %broadcast_in_dim3A_425] : memref<100x65xf32, #tpu.memory_space<vmem>>[vector<16xi32>, vector<16xi32>], vector<16xf32>,
      tpu.vector_store_idx %arg14[%add3A_305, %broadcast_in_dim3A_425], %gather3A_427 : memref<128x65xf32, #tpu.memory_space<vmem>>[vector<16xi32>, vector<16xi32>], vector<16xf32>,
      %broadcast_in_dim3A_428 = arith.constant 31 : i32
      %broadcast_in_dim3A_429 = vector.broadcast %broadcast_in_dim3A_428 : i32 to vector<16xi32>
      %gather3A_430 = tpu.vector_load_idx %arg15[%get3A_295, %broadcast_in_dim3A_429] : memref<1000x65xf32, #tpu.memory_space<vmem>>[vector<16xi32>, vector<16xi32>], vector<16xf32>,
      tpu.vector_store_idx %arg13[%add3A_305, %broadcast_in_dim3A_429], %gather3A_430 : memref<128x65xf32, #tpu.memory_space<vmem>>[vector<16xi32>, vector<16xi32>], vector<16xf32>,
      %gather3A_431 = tpu.vector_load_idx %arg16[%get3A_301, %broadcast_in_dim3A_429] : memref<100x65xf32, #tpu.memory_space<vmem>>[vector<16xi32>, vector<16xi32>], vector<16xf32>,
      tpu.vector_store_idx %arg14[%add3A_305, %broadcast_in_dim3A_429], %gather3A_431 : memref<128x65xf32, #tpu.memory_space<vmem>>[vector<16xi32>, vector<16xi32>], vector<16xf32>,
      %broadcast_in_dim3A_432 = arith.constant 32 : i32
      %broadcast_in_dim3A_433 = vector.broadcast %broadcast_in_dim3A_432 : i32 to vector<16xi32>
      %gather3A_434 = tpu.vector_load_idx %arg15[%get3A_295, %broadcast_in_dim3A_433] : memref<1000x65xf32, #tpu.memory_space<vmem>>[vector<16xi32>, vector<16xi32>], vector<16xf32>,
      tpu.vector_store_idx %arg13[%add3A_305, %broadcast_in_dim3A_433], %gather3A_434 : memref<128x65xf32, #tpu.memory_space<vmem>>[vector<16xi32>, vector<16xi32>], vector<16xf32>,
      %gather3A_435 = tpu.vector_load_idx %arg16[%get3A_301, %broadcast_in_dim3A_433] : memref<100x65xf32, #tpu.memory_space<vmem>>[vector<16xi32>, vector<16xi32>], vector<16xf32>,
      tpu.vector_store_idx %arg14[%add3A_305, %broadcast_in_dim3A_433], %gather3A_435 : memref<128x65xf32, #tpu.memory_space<vmem>>[vector<16xi32>, vector<16xi32>], vector<16xf32>,
      %broadcast_in_dim3A_436 = arith.constant 33 : i32
      %broadcast_in_dim3A_437 = vector.broadcast %broadcast_in_dim3A_436 : i32 to vector<16xi32>
      %gather3A_438 = tpu.vector_load_idx %arg15[%get3A_295, %broadcast_in_dim3A_437] : memref<1000x65xf32, #tpu.memory_space<vmem>>[vector<16xi32>, vector<16xi32>], vector<16xf32>,
      tpu.vector_store_idx %arg13[%add3A_305, %broadcast_in_dim3A_437], %gather3A_438 : memref<128x65xf32, #tpu.memory_space<vmem>>[vector<16xi32>, vector<16xi32>], vector<16xf32>,
      %gather3A_439 = tpu.vector_load_idx %arg16[%get3A_301, %broadcast_in_dim3A_437] : memref<100x65xf32, #tpu.memory_space<vmem>>[vector<16xi32>, vector<16xi32>], vector<16xf32>,
      tpu.vector_store_idx %arg14[%add3A_305, %broadcast_in_dim3A_437], %gather3A_439 : memref<128x65xf32, #tpu.memory_space<vmem>>[vector<16xi32>, vector<16xi32>], vector<16xf32>,
      %broadcast_in_dim3A_440 = arith.constant 34 : i32
      %broadcast_in_dim3A_441 = vector.broadcast %broadcast_in_dim3A_440 : i32 to vector<16xi32>
      %gather3A_442 = tpu.vector_load_idx %arg15[%get3A_295, %broadcast_in_dim3A_441] : memref<1000x65xf32, #tpu.memory_space<vmem>>[vector<16xi32>, vector<16xi32>], vector<16xf32>,
      tpu.vector_store_idx %arg13[%add3A_305, %broadcast_in_dim3A_441], %gather3A_442 : memref<128x65xf32, #tpu.memory_space<vmem>>[vector<16xi32>, vector<16xi32>], vector<16xf32>,
      %gather3A_443 = tpu.vector_load_idx %arg16[%get3A_301, %broadcast_in_dim3A_441] : memref<100x65xf32, #tpu.memory_space<vmem>>[vector<16xi32>, vector<16xi32>], vector<16xf32>,
      tpu.vector_store_idx %arg14[%add3A_305, %broadcast_in_dim3A_441], %gather3A_443 : memref<128x65xf32, #tpu.memory_space<vmem>>[vector<16xi32>, vector<16xi32>], vector<16xf32>,
      %broadcast_in_dim3A_444 = arith.constant 35 : i32
      %broadcast_in_dim3A_445 = vector.broadcast %broadcast_in_dim3A_444 : i32 to vector<16xi32>
      %gather3A_446 = tpu.vector_load_idx %arg15[%get3A_295, %broadcast_in_dim3A_445] : memref<1000x65xf32, #tpu.memory_space<vmem>>[vector<16xi32>, vector<16xi32>], vector<16xf32>,
      tpu.vector_store_idx %arg13[%add3A_305, %broadcast_in_dim3A_445], %gather3A_446 : memref<128x65xf32, #tpu.memory_space<vmem>>[vector<16xi32>, vector<16xi32>], vector<16xf32>,
      %gather3A_447 = tpu.vector_load_idx %arg16[%get3A_301, %broadcast_in_dim3A_445] : memref<100x65xf32, #tpu.memory_space<vmem>>[vector<16xi32>, vector<16xi32>], vector<16xf32>,
      tpu.vector_store_idx %arg14[%add3A_305, %broadcast_in_dim3A_445], %gather3A_447 : memref<128x65xf32, #tpu.memory_space<vmem>>[vector<16xi32>, vector<16xi32>], vector<16xf32>,
      %broadcast_in_dim3A_448 = arith.constant 36 : i32
      %broadcast_in_dim3A_449 = vector.broadcast %broadcast_in_dim3A_448 : i32 to vector<16xi32>
      %gather3A_450 = tpu.vector_load_idx %arg15[%get3A_295, %broadcast_in_dim3A_449] : memref<1000x65xf32, #tpu.memory_space<vmem>>[vector<16xi32>, vector<16xi32>], vector<16xf32>,
      tpu.vector_store_idx %arg13[%add3A_305, %broadcast_in_dim3A_449], %gather3A_450 : memref<128x65xf32, #tpu.memory_space<vmem>>[vector<16xi32>, vector<16xi32>], vector<16xf32>,
      %gather3A_451 = tpu.vector_load_idx %arg16[%get3A_301, %broadcast_in_dim3A_449] : memref<100x65xf32, #tpu.memory_space<vmem>>[vector<16xi32>, vector<16xi32>], vector<16xf32>,
      tpu.vector_store_idx %arg14[%add3A_305, %broadcast_in_dim3A_449], %gather3A_451 : memref<128x65xf32, #tpu.memory_space<vmem>>[vector<16xi32>, vector<16xi32>], vector<16xf32>,
      %broadcast_in_dim3A_452 = arith.constant 37 : i32
      %broadcast_in_dim3A_453 = vector.broadcast %broadcast_in_dim3A_452 : i32 to vector<16xi32>
      %gather3A_454 = tpu.vector_load_idx %arg15[%get3A_295, %broadcast_in_dim3A_453] : memref<1000x65xf32, #tpu.memory_space<vmem>>[vector<16xi32>, vector<16xi32>], vector<16xf32>,
      tpu.vector_store_idx %arg13[%add3A_305, %broadcast_in_dim3A_453], %gather3A_454 : memref<128x65xf32, #tpu.memory_space<vmem>>[vector<16xi32>, vector<16xi32>], vector<16xf32>,
      %gather3A_455 = tpu.vector_load_idx %arg16[%get3A_301, %broadcast_in_dim3A_453] : memref<100x65xf32, #tpu.memory_space<vmem>>[vector<16xi32>, vector<16xi32>], vector<16xf32>,
      tpu.vector_store_idx %arg14[%add3A_305, %broadcast_in_dim3A_453], %gather3A_455 : memref<128x65xf32, #tpu.memory_space<vmem>>[vector<16xi32>, vector<16xi32>], vector<16xf32>,
      %broadcast_in_dim3A_456 = arith.constant 38 : i32
      %broadcast_in_dim3A_457 = vector.broadcast %broadcast_in_dim3A_456 : i32 to vector<16xi32>
      %gather3A_458 = tpu.vector_load_idx %arg15[%get3A_295, %broadcast_in_dim3A_457] : memref<1000x65xf32, #tpu.memory_space<vmem>>[vector<16xi32>, vector<16xi32>], vector<16xf32>,
      tpu.vector_store_idx %arg13[%add3A_305, %broadcast_in_dim3A_457], %gather3A_458 : memref<128x65xf32, #tpu.memory_space<vmem>>[vector<16xi32>, vector<16xi32>], vector<16xf32>,
      %gather3A_459 = tpu.vector_load_idx %arg16[%get3A_301, %broadcast_in_dim3A_457] : memref<100x65xf32, #tpu.memory_space<vmem>>[vector<16xi32>, vector<16xi32>], vector<16xf32>,
      tpu.vector_store_idx %arg14[%add3A_305, %broadcast_in_dim3A_457], %gather3A_459 : memref<128x65xf32, #tpu.memory_space<vmem>>[vector<16xi32>, vector<16xi32>], vector<16xf32>,
      %broadcast_in_dim3A_460 = arith.constant 39 : i32
      %broadcast_in_dim3A_461 = vector.broadcast %broadcast_in_dim3A_460 : i32 to vector<16xi32>
      %gather3A_462 = tpu.vector_load_idx %arg15[%get3A_295, %broadcast_in_dim3A_461] : memref<1000x65xf32, #tpu.memory_space<vmem>>[vector<16xi32>, vector<16xi32>], vector<16xf32>,
      tpu.vector_store_idx %arg13[%add3A_305, %broadcast_in_dim3A_461], %gather3A_462 : memref<128x65xf32, #tpu.memory_space<vmem>>[vector<16xi32>, vector<16xi32>], vector<16xf32>,
      %gather3A_463 = tpu.vector_load_idx %arg16[%get3A_301, %broadcast_in_dim3A_461] : memref<100x65xf32, #tpu.memory_space<vmem>>[vector<16xi32>, vector<16xi32>], vector<16xf32>,
      tpu.vector_store_idx %arg14[%add3A_305, %broadcast_in_dim3A_461], %gather3A_463 : memref<128x65xf32, #tpu.memory_space<vmem>>[vector<16xi32>, vector<16xi32>], vector<16xf32>,
      %broadcast_in_dim3A_464 = arith.constant 40 : i32
      %broadcast_in_dim3A_465 = vector.broadcast %broadcast_in_dim3A_464 : i32 to vector<16xi32>
      %gather3A_466 = tpu.vector_load_idx %arg15[%get3A_295, %broadcast_in_dim3A_465] : memref<1000x65xf32, #tpu.memory_space<vmem>>[vector<16xi32>, vector<16xi32>], vector<16xf32>,
      tpu.vector_store_idx %arg13[%add3A_305, %broadcast_in_dim3A_465], %gather3A_466 : memref<128x65xf32, #tpu.memory_space<vmem>>[vector<16xi32>, vector<16xi32>], vector<16xf32>,
      %gather3A_467 = tpu.vector_load_idx %arg16[%get3A_301, %broadcast_in_dim3A_465] : memref<100x65xf32, #tpu.memory_space<vmem>>[vector<16xi32>, vector<16xi32>], vector<16xf32>,
      tpu.vector_store_idx %arg14[%add3A_305, %broadcast_in_dim3A_465], %gather3A_467 : memref<128x65xf32, #tpu.memory_space<vmem>>[vector<16xi32>, vector<16xi32>], vector<16xf32>,
      %broadcast_in_dim3A_468 = arith.constant 41 : i32
      %broadcast_in_dim3A_469 = vector.broadcast %broadcast_in_dim3A_468 : i32 to vector<16xi32>
      %gather3A_470 = tpu.vector_load_idx %arg15[%get3A_295, %broadcast_in_dim3A_469] : memref<1000x65xf32, #tpu.memory_space<vmem>>[vector<16xi32>, vector<16xi32>], vector<16xf32>,
      tpu.vector_store_idx %arg13[%add3A_305, %broadcast_in_dim3A_469], %gather3A_470 : memref<128x65xf32, #tpu.memory_space<vmem>>[vector<16xi32>, vector<16xi32>], vector<16xf32>,
      %gather3A_471 = tpu.vector_load_idx %arg16[%get3A_301, %broadcast_in_dim3A_469] : memref<100x65xf32, #tpu.memory_space<vmem>>[vector<16xi32>, vector<16xi32>], vector<16xf32>,
      tpu.vector_store_idx %arg14[%add3A_305, %broadcast_in_dim3A_469], %gather3A_471 : memref<128x65xf32, #tpu.memory_space<vmem>>[vector<16xi32>, vector<16xi32>], vector<16xf32>,
      %broadcast_in_dim3A_472 = arith.constant 42 : i32
      %broadcast_in_dim3A_473 = vector.broadcast %broadcast_in_dim3A_472 : i32 to vector<16xi32>
      %gather3A_474 = tpu.vector_load_idx %arg15[%get3A_295, %broadcast_in_dim3A_473] : memref<1000x65xf32, #tpu.memory_space<vmem>>[vector<16xi32>, vector<16xi32>], vector<16xf32>,
      tpu.vector_store_idx %arg13[%add3A_305, %broadcast_in_dim3A_473], %gather3A_474 : memref<128x65xf32, #tpu.memory_space<vmem>>[vector<16xi32>, vector<16xi32>], vector<16xf32>,
      %gather3A_475 = tpu.vector_load_idx %arg16[%get3A_301, %broadcast_in_dim3A_473] : memref<100x65xf32, #tpu.memory_space<vmem>>[vector<16xi32>, vector<16xi32>], vector<16xf32>,
      tpu.vector_store_idx %arg14[%add3A_305, %broadcast_in_dim3A_473], %gather3A_475 : memref<128x65xf32, #tpu.memory_space<vmem>>[vector<16xi32>, vector<16xi32>], vector<16xf32>,
      %broadcast_in_dim3A_476 = arith.constant 43 : i32
      %broadcast_in_dim3A_477 = vector.broadcast %broadcast_in_dim3A_476 : i32 to vector<16xi32>
      %gather3A_478 = tpu.vector_load_idx %arg15[%get3A_295, %broadcast_in_dim3A_477] : memref<1000x65xf32, #tpu.memory_space<vmem>>[vector<16xi32>, vector<16xi32>], vector<16xf32>,
      tpu.vector_store_idx %arg13[%add3A_305, %broadcast_in_dim3A_477], %gather3A_478 : memref<128x65xf32, #tpu.memory_space<vmem>>[vector<16xi32>, vector<16xi32>], vector<16xf32>,
      %gather3A_479 = tpu.vector_load_idx %arg16[%get3A_301, %broadcast_in_dim3A_477] : memref<100x65xf32, #tpu.memory_space<vmem>>[vector<16xi32>, vector<16xi32>], vector<16xf32>,
      tpu.vector_store_idx %arg14[%add3A_305, %broadcast_in_dim3A_477], %gather3A_479 : memref<128x65xf32, #tpu.memory_space<vmem>>[vector<16xi32>, vector<16xi32>], vector<16xf32>,
      %broadcast_in_dim3A_480 = arith.constant 44 : i32
      %broadcast_in_dim3A_481 = vector.broadcast %broadcast_in_dim3A_480 : i32 to vector<16xi32>
      %gather3A_482 = tpu.vector_load_idx %arg15[%get3A_295, %broadcast_in_dim3A_481] : memref<1000x65xf32, #tpu.memory_space<vmem>>[vector<16xi32>, vector<16xi32>], vector<16xf32>,
      tpu.vector_store_idx %arg13[%add3A_305, %broadcast_in_dim3A_481], %gather3A_482 : memref<128x65xf32, #tpu.memory_space<vmem>>[vector<16xi32>, vector<16xi32>], vector<16xf32>,
      %gather3A_483 = tpu.vector_load_idx %arg16[%get3A_301, %broadcast_in_dim3A_481] : memref<100x65xf32, #tpu.memory_space<vmem>>[vector<16xi32>, vector<16xi32>], vector<16xf32>,
      tpu.vector_store_idx %arg14[%add3A_305, %broadcast_in_dim3A_481], %gather3A_483 : memref<128x65xf32, #tpu.memory_space<vmem>>[vector<16xi32>, vector<16xi32>], vector<16xf32>,
      %broadcast_in_dim3A_484 = arith.constant 45 : i32
      %broadcast_in_dim3A_485 = vector.broadcast %broadcast_in_dim3A_484 : i32 to vector<16xi32>
      %gather3A_486 = tpu.vector_load_idx %arg15[%get3A_295, %broadcast_in_dim3A_485] : memref<1000x65xf32, #tpu.memory_space<vmem>>[vector<16xi32>, vector<16xi32>], vector<16xf32>,
      tpu.vector_store_idx %arg13[%add3A_305, %broadcast_in_dim3A_485], %gather3A_486 : memref<128x65xf32, #tpu.memory_space<vmem>>[vector<16xi32>, vector<16xi32>], vector<16xf32>,
      %gather3A_487 = tpu.vector_load_idx %arg16[%get3A_301, %broadcast_in_dim3A_485] : memref<100x65xf32, #tpu.memory_space<vmem>>[vector<16xi32>, vector<16xi32>], vector<16xf32>,
      tpu.vector_store_idx %arg14[%add3A_305, %broadcast_in_dim3A_485], %gather3A_487 : memref<128x65xf32, #tpu.memory_space<vmem>>[vector<16xi32>, vector<16xi32>], vector<16xf32>,
      %broadcast_in_dim3A_488 = arith.constant 46 : i32
      %broadcast_in_dim3A_489 = vector.broadcast %broadcast_in_dim3A_488 : i32 to vector<16xi32>
      %gather3A_490 = tpu.vector_load_idx %arg15[%get3A_295, %broadcast_in_dim3A_489] : memref<1000x65xf32, #tpu.memory_space<vmem>>[vector<16xi32>, vector<16xi32>], vector<16xf32>,
      tpu.vector_store_idx %arg13[%add3A_305, %broadcast_in_dim3A_489], %gather3A_490 : memref<128x65xf32, #tpu.memory_space<vmem>>[vector<16xi32>, vector<16xi32>], vector<16xf32>,
      %gather3A_491 = tpu.vector_load_idx %arg16[%get3A_301, %broadcast_in_dim3A_489] : memref<100x65xf32, #tpu.memory_space<vmem>>[vector<16xi32>, vector<16xi32>], vector<16xf32>,
      tpu.vector_store_idx %arg14[%add3A_305, %broadcast_in_dim3A_489], %gather3A_491 : memref<128x65xf32, #tpu.memory_space<vmem>>[vector<16xi32>, vector<16xi32>], vector<16xf32>,
      %broadcast_in_dim3A_492 = arith.constant 47 : i32
      %broadcast_in_dim3A_493 = vector.broadcast %broadcast_in_dim3A_492 : i32 to vector<16xi32>
      %gather3A_494 = tpu.vector_load_idx %arg15[%get3A_295, %broadcast_in_dim3A_493] : memref<1000x65xf32, #tpu.memory_space<vmem>>[vector<16xi32>, vector<16xi32>], vector<16xf32>,
      tpu.vector_store_idx %arg13[%add3A_305, %broadcast_in_dim3A_493], %gather3A_494 : memref<128x65xf32, #tpu.memory_space<vmem>>[vector<16xi32>, vector<16xi32>], vector<16xf32>,
      %gather3A_495 = tpu.vector_load_idx %arg16[%get3A_301, %broadcast_in_dim3A_493] : memref<100x65xf32, #tpu.memory_space<vmem>>[vector<16xi32>, vector<16xi32>], vector<16xf32>,
      tpu.vector_store_idx %arg14[%add3A_305, %broadcast_in_dim3A_493], %gather3A_495 : memref<128x65xf32, #tpu.memory_space<vmem>>[vector<16xi32>, vector<16xi32>], vector<16xf32>,
      %broadcast_in_dim3A_496 = arith.constant 48 : i32
      %broadcast_in_dim3A_497 = vector.broadcast %broadcast_in_dim3A_496 : i32 to vector<16xi32>
      %gather3A_498 = tpu.vector_load_idx %arg15[%get3A_295, %broadcast_in_dim3A_497] : memref<1000x65xf32, #tpu.memory_space<vmem>>[vector<16xi32>, vector<16xi32>], vector<16xf32>,
      tpu.vector_store_idx %arg13[%add3A_305, %broadcast_in_dim3A_497], %gather3A_498 : memref<128x65xf32, #tpu.memory_space<vmem>>[vector<16xi32>, vector<16xi32>], vector<16xf32>,
      %gather3A_499 = tpu.vector_load_idx %arg16[%get3A_301, %broadcast_in_dim3A_497] : memref<100x65xf32, #tpu.memory_space<vmem>>[vector<16xi32>, vector<16xi32>], vector<16xf32>,
      tpu.vector_store_idx %arg14[%add3A_305, %broadcast_in_dim3A_497], %gather3A_499 : memref<128x65xf32, #tpu.memory_space<vmem>>[vector<16xi32>, vector<16xi32>], vector<16xf32>,
      %broadcast_in_dim3A_500 = arith.constant 49 : i32
      %broadcast_in_dim3A_501 = vector.broadcast %broadcast_in_dim3A_500 : i32 to vector<16xi32>
      %gather3A_502 = tpu.vector_load_idx %arg15[%get3A_295, %broadcast_in_dim3A_501] : memref<1000x65xf32, #tpu.memory_space<vmem>>[vector<16xi32>, vector<16xi32>], vector<16xf32>,
      tpu.vector_store_idx %arg13[%add3A_305, %broadcast_in_dim3A_501], %gather3A_502 : memref<128x65xf32, #tpu.memory_space<vmem>>[vector<16xi32>, vector<16xi32>], vector<16xf32>,
      %gather3A_503 = tpu.vector_load_idx %arg16[%get3A_301, %broadcast_in_dim3A_501] : memref<100x65xf32, #tpu.memory_space<vmem>>[vector<16xi32>, vector<16xi32>], vector<16xf32>,
      tpu.vector_store_idx %arg14[%add3A_305, %broadcast_in_dim3A_501], %gather3A_503 : memref<128x65xf32, #tpu.memory_space<vmem>>[vector<16xi32>, vector<16xi32>], vector<16xf32>,
      %broadcast_in_dim3A_504 = arith.constant 50 : i32
      %broadcast_in_dim3A_505 = vector.broadcast %broadcast_in_dim3A_504 : i32 to vector<16xi32>
      %gather3A_506 = tpu.vector_load_idx %arg15[%get3A_295, %broadcast_in_dim3A_505] : memref<1000x65xf32, #tpu.memory_space<vmem>>[vector<16xi32>, vector<16xi32>], vector<16xf32>,
      tpu.vector_store_idx %arg13[%add3A_305, %broadcast_in_dim3A_505], %gather3A_506 : memref<128x65xf32, #tpu.memory_space<vmem>>[vector<16xi32>, vector<16xi32>], vector<16xf32>,
      %gather3A_507 = tpu.vector_load_idx %arg16[%get3A_301, %broadcast_in_dim3A_505] : memref<100x65xf32, #tpu.memory_space<vmem>>[vector<16xi32>, vector<16xi32>], vector<16xf32>,
      tpu.vector_store_idx %arg14[%add3A_305, %broadcast_in_dim3A_505], %gather3A_507 : memref<128x65xf32, #tpu.memory_space<vmem>>[vector<16xi32>, vector<16xi32>], vector<16xf32>,
      %broadcast_in_dim3A_508 = arith.constant 51 : i32
      %broadcast_in_dim3A_509 = vector.broadcast %broadcast_in_dim3A_508 : i32 to vector<16xi32>
      %gather3A_510 = tpu.vector_load_idx %arg15[%get3A_295, %broadcast_in_dim3A_509] : memref<1000x65xf32, #tpu.memory_space<vmem>>[vector<16xi32>, vector<16xi32>], vector<16xf32>,
      tpu.vector_store_idx %arg13[%add3A_305, %broadcast_in_dim3A_509], %gather3A_510 : memref<128x65xf32, #tpu.memory_space<vmem>>[vector<16xi32>, vector<16xi32>], vector<16xf32>,
      %gather3A_511 = tpu.vector_load_idx %arg16[%get3A_301, %broadcast_in_dim3A_509] : memref<100x65xf32, #tpu.memory_space<vmem>>[vector<16xi32>, vector<16xi32>], vector<16xf32>,
      tpu.vector_store_idx %arg14[%add3A_305, %broadcast_in_dim3A_509], %gather3A_511 : memref<128x65xf32, #tpu.memory_space<vmem>>[vector<16xi32>, vector<16xi32>], vector<16xf32>,
      %broadcast_in_dim3A_512 = arith.constant 52 : i32
      %broadcast_in_dim3A_513 = vector.broadcast %broadcast_in_dim3A_512 : i32 to vector<16xi32>
      %gather3A_514 = tpu.vector_load_idx %arg15[%get3A_295, %broadcast_in_dim3A_513] : memref<1000x65xf32, #tpu.memory_space<vmem>>[vector<16xi32>, vector<16xi32>], vector<16xf32>,
      tpu.vector_store_idx %arg13[%add3A_305, %broadcast_in_dim3A_513], %gather3A_514 : memref<128x65xf32, #tpu.memory_space<vmem>>[vector<16xi32>, vector<16xi32>], vector<16xf32>,
      %gather3A_515 = tpu.vector_load_idx %arg16[%get3A_301, %broadcast_in_dim3A_513] : memref<100x65xf32, #tpu.memory_space<vmem>>[vector<16xi32>, vector<16xi32>], vector<16xf32>,
      tpu.vector_store_idx %arg14[%add3A_305, %broadcast_in_dim3A_513], %gather3A_515 : memref<128x65xf32, #tpu.memory_space<vmem>>[vector<16xi32>, vector<16xi32>], vector<16xf32>,
      %broadcast_in_dim3A_516 = arith.constant 53 : i32
      %broadcast_in_dim3A_517 = vector.broadcast %broadcast_in_dim3A_516 : i32 to vector<16xi32>
      %gather3A_518 = tpu.vector_load_idx %arg15[%get3A_295, %broadcast_in_dim3A_517] : memref<1000x65xf32, #tpu.memory_space<vmem>>[vector<16xi32>, vector<16xi32>], vector<16xf32>,
      tpu.vector_store_idx %arg13[%add3A_305, %broadcast_in_dim3A_517], %gather3A_518 : memref<128x65xf32, #tpu.memory_space<vmem>>[vector<16xi32>, vector<16xi32>], vector<16xf32>,
      %gather3A_519 = tpu.vector_load_idx %arg16[%get3A_301, %broadcast_in_dim3A_517] : memref<100x65xf32, #tpu.memory_space<vmem>>[vector<16xi32>, vector<16xi32>], vector<16xf32>,
      tpu.vector_store_idx %arg14[%add3A_305, %broadcast_in_dim3A_517], %gather3A_519 : memref<128x65xf32, #tpu.memory_space<vmem>>[vector<16xi32>, vector<16xi32>], vector<16xf32>,
      %broadcast_in_dim3A_520 = arith.constant 54 : i32
      %broadcast_in_dim3A_521 = vector.broadcast %broadcast_in_dim3A_520 : i32 to vector<16xi32>
      %gather3A_522 = tpu.vector_load_idx %arg15[%get3A_295, %broadcast_in_dim3A_521] : memref<1000x65xf32, #tpu.memory_space<vmem>>[vector<16xi32>, vector<16xi32>], vector<16xf32>,
      tpu.vector_store_idx %arg13[%add3A_305, %broadcast_in_dim3A_521], %gather3A_522 : memref<128x65xf32, #tpu.memory_space<vmem>>[vector<16xi32>, vector<16xi32>], vector<16xf32>,
      %gather3A_523 = tpu.vector_load_idx %arg16[%get3A_301, %broadcast_in_dim3A_521] : memref<100x65xf32, #tpu.memory_space<vmem>>[vector<16xi32>, vector<16xi32>], vector<16xf32>,
      tpu.vector_store_idx %arg14[%add3A_305, %broadcast_in_dim3A_521], %gather3A_523 : memref<128x65xf32, #tpu.memory_space<vmem>>[vector<16xi32>, vector<16xi32>], vector<16xf32>,
      %broadcast_in_dim3A_524 = arith.constant 55 : i32
      %broadcast_in_dim3A_525 = vector.broadcast %broadcast_in_dim3A_524 : i32 to vector<16xi32>
      %gather3A_526 = tpu.vector_load_idx %arg15[%get3A_295, %broadcast_in_dim3A_525] : memref<1000x65xf32, #tpu.memory_space<vmem>>[vector<16xi32>, vector<16xi32>], vector<16xf32>,
      tpu.vector_store_idx %arg13[%add3A_305, %broadcast_in_dim3A_525], %gather3A_526 : memref<128x65xf32, #tpu.memory_space<vmem>>[vector<16xi32>, vector<16xi32>], vector<16xf32>,
      %gather3A_527 = tpu.vector_load_idx %arg16[%get3A_301, %broadcast_in_dim3A_525] : memref<100x65xf32, #tpu.memory_space<vmem>>[vector<16xi32>, vector<16xi32>], vector<16xf32>,
      tpu.vector_store_idx %arg14[%add3A_305, %broadcast_in_dim3A_525], %gather3A_527 : memref<128x65xf32, #tpu.memory_space<vmem>>[vector<16xi32>, vector<16xi32>], vector<16xf32>,
      %broadcast_in_dim3A_528 = arith.constant 56 : i32
      %broadcast_in_dim3A_529 = vector.broadcast %broadcast_in_dim3A_528 : i32 to vector<16xi32>
      %gather3A_530 = tpu.vector_load_idx %arg15[%get3A_295, %broadcast_in_dim3A_529] : memref<1000x65xf32, #tpu.memory_space<vmem>>[vector<16xi32>, vector<16xi32>], vector<16xf32>,
      tpu.vector_store_idx %arg13[%add3A_305, %broadcast_in_dim3A_529], %gather3A_530 : memref<128x65xf32, #tpu.memory_space<vmem>>[vector<16xi32>, vector<16xi32>], vector<16xf32>,
      %gather3A_531 = tpu.vector_load_idx %arg16[%get3A_301, %broadcast_in_dim3A_529] : memref<100x65xf32, #tpu.memory_space<vmem>>[vector<16xi32>, vector<16xi32>], vector<16xf32>,
      tpu.vector_store_idx %arg14[%add3A_305, %broadcast_in_dim3A_529], %gather3A_531 : memref<128x65xf32, #tpu.memory_space<vmem>>[vector<16xi32>, vector<16xi32>], vector<16xf32>,
      %broadcast_in_dim3A_532 = arith.constant 57 : i32
      %broadcast_in_dim3A_533 = vector.broadcast %broadcast_in_dim3A_532 : i32 to vector<16xi32>
      %gather3A_534 = tpu.vector_load_idx %arg15[%get3A_295, %broadcast_in_dim3A_533] : memref<1000x65xf32, #tpu.memory_space<vmem>>[vector<16xi32>, vector<16xi32>], vector<16xf32>,
      tpu.vector_store_idx %arg13[%add3A_305, %broadcast_in_dim3A_533], %gather3A_534 : memref<128x65xf32, #tpu.memory_space<vmem>>[vector<16xi32>, vector<16xi32>], vector<16xf32>,
      %gather3A_535 = tpu.vector_load_idx %arg16[%get3A_301, %broadcast_in_dim3A_533] : memref<100x65xf32, #tpu.memory_space<vmem>>[vector<16xi32>, vector<16xi32>], vector<16xf32>,
      tpu.vector_store_idx %arg14[%add3A_305, %broadcast_in_dim3A_533], %gather3A_535 : memref<128x65xf32, #tpu.memory_space<vmem>>[vector<16xi32>, vector<16xi32>], vector<16xf32>,
      %broadcast_in_dim3A_536 = arith.constant 58 : i32
      %broadcast_in_dim3A_537 = vector.broadcast %broadcast_in_dim3A_536 : i32 to vector<16xi32>
      %gather3A_538 = tpu.vector_load_idx %arg15[%get3A_295, %broadcast_in_dim3A_537] : memref<1000x65xf32, #tpu.memory_space<vmem>>[vector<16xi32>, vector<16xi32>], vector<16xf32>,
      tpu.vector_store_idx %arg13[%add3A_305, %broadcast_in_dim3A_537], %gather3A_538 : memref<128x65xf32, #tpu.memory_space<vmem>>[vector<16xi32>, vector<16xi32>], vector<16xf32>,
      %gather3A_539 = tpu.vector_load_idx %arg16[%get3A_301, %broadcast_in_dim3A_537] : memref<100x65xf32, #tpu.memory_space<vmem>>[vector<16xi32>, vector<16xi32>], vector<16xf32>,
      tpu.vector_store_idx %arg14[%add3A_305, %broadcast_in_dim3A_537], %gather3A_539 : memref<128x65xf32, #tpu.memory_space<vmem>>[vector<16xi32>, vector<16xi32>], vector<16xf32>,
      %broadcast_in_dim3A_540 = arith.constant 59 : i32
      %broadcast_in_dim3A_541 = vector.broadcast %broadcast_in_dim3A_540 : i32 to vector<16xi32>
      %gather3A_542 = tpu.vector_load_idx %arg15[%get3A_295, %broadcast_in_dim3A_541] : memref<1000x65xf32, #tpu.memory_space<vmem>>[vector<16xi32>, vector<16xi32>], vector<16xf32>,
      tpu.vector_store_idx %arg13[%add3A_305, %broadcast_in_dim3A_541], %gather3A_542 : memref<128x65xf32, #tpu.memory_space<vmem>>[vector<16xi32>, vector<16xi32>], vector<16xf32>,
      %gather3A_543 = tpu.vector_load_idx %arg16[%get3A_301, %broadcast_in_dim3A_541] : memref<100x65xf32, #tpu.memory_space<vmem>>[vector<16xi32>, vector<16xi32>], vector<16xf32>,
      tpu.vector_store_idx %arg14[%add3A_305, %broadcast_in_dim3A_541], %gather3A_543 : memref<128x65xf32, #tpu.memory_space<vmem>>[vector<16xi32>, vector<16xi32>], vector<16xf32>,
      %broadcast_in_dim3A_544 = arith.constant 60 : i32
      %broadcast_in_dim3A_545 = vector.broadcast %broadcast_in_dim3A_544 : i32 to vector<16xi32>
      %gather3A_546 = tpu.vector_load_idx %arg15[%get3A_295, %broadcast_in_dim3A_545] : memref<1000x65xf32, #tpu.memory_space<vmem>>[vector<16xi32>, vector<16xi32>], vector<16xf32>,
      tpu.vector_store_idx %arg13[%add3A_305, %broadcast_in_dim3A_545], %gather3A_546 : memref<128x65xf32, #tpu.memory_space<vmem>>[vector<16xi32>, vector<16xi32>], vector<16xf32>,
      %gather3A_547 = tpu.vector_load_idx %arg16[%get3A_301, %broadcast_in_dim3A_545] : memref<100x65xf32, #tpu.memory_space<vmem>>[vector<16xi32>, vector<16xi32>], vector<16xf32>,
      tpu.vector_store_idx %arg14[%add3A_305, %broadcast_in_dim3A_545], %gather3A_547 : memref<128x65xf32, #tpu.memory_space<vmem>>[vector<16xi32>, vector<16xi32>], vector<16xf32>,
      %broadcast_in_dim3A_548 = arith.constant 61 : i32
      %broadcast_in_dim3A_549 = vector.broadcast %broadcast_in_dim3A_548 : i32 to vector<16xi32>
      %gather3A_550 = tpu.vector_load_idx %arg15[%get3A_295, %broadcast_in_dim3A_549] : memref<1000x65xf32, #tpu.memory_space<vmem>>[vector<16xi32>, vector<16xi32>], vector<16xf32>,
      tpu.vector_store_idx %arg13[%add3A_305, %broadcast_in_dim3A_549], %gather3A_550 : memref<128x65xf32, #tpu.memory_space<vmem>>[vector<16xi32>, vector<16xi32>], vector<16xf32>,
      %gather3A_551 = tpu.vector_load_idx %arg16[%get3A_301, %broadcast_in_dim3A_549] : memref<100x65xf32, #tpu.memory_space<vmem>>[vector<16xi32>, vector<16xi32>], vector<16xf32>,
      tpu.vector_store_idx %arg14[%add3A_305, %broadcast_in_dim3A_549], %gather3A_551 : memref<128x65xf32, #tpu.memory_space<vmem>>[vector<16xi32>, vector<16xi32>], vector<16xf32>,
      %broadcast_in_dim3A_552 = arith.constant 62 : i32
      %broadcast_in_dim3A_553 = vector.broadcast %broadcast_in_dim3A_552 : i32 to vector<16xi32>
      %gather3A_554 = tpu.vector_load_idx %arg15[%get3A_295, %broadcast_in_dim3A_553] : memref<1000x65xf32, #tpu.memory_space<vmem>>[vector<16xi32>, vector<16xi32>], vector<16xf32>,
      tpu.vector_store_idx %arg13[%add3A_305, %broadcast_in_dim3A_553], %gather3A_554 : memref<128x65xf32, #tpu.memory_space<vmem>>[vector<16xi32>, vector<16xi32>], vector<16xf32>,
      %gather3A_555 = tpu.vector_load_idx %arg16[%get3A_301, %broadcast_in_dim3A_553] : memref<100x65xf32, #tpu.memory_space<vmem>>[vector<16xi32>, vector<16xi32>], vector<16xf32>,
      tpu.vector_store_idx %arg14[%add3A_305, %broadcast_in_dim3A_553], %gather3A_555 : memref<128x65xf32, #tpu.memory_space<vmem>>[vector<16xi32>, vector<16xi32>], vector<16xf32>,
      %broadcast_in_dim3A_556 = arith.constant 63 : i32
      %broadcast_in_dim3A_557 = vector.broadcast %broadcast_in_dim3A_556 : i32 to vector<16xi32>
      %gather3A_558 = tpu.vector_load_idx %arg15[%get3A_295, %broadcast_in_dim3A_557] : memref<1000x65xf32, #tpu.memory_space<vmem>>[vector<16xi32>, vector<16xi32>], vector<16xf32>,
      tpu.vector_store_idx %arg13[%add3A_305, %broadcast_in_dim3A_557], %gather3A_558 : memref<128x65xf32, #tpu.memory_space<vmem>>[vector<16xi32>, vector<16xi32>], vector<16xf32>,
      %gather3A_559 = tpu.vector_load_idx %arg16[%get3A_301, %broadcast_in_dim3A_557] : memref<100x65xf32, #tpu.memory_space<vmem>>[vector<16xi32>, vector<16xi32>], vector<16xf32>,
      tpu.vector_store_idx %arg14[%add3A_305, %broadcast_in_dim3A_557], %gather3A_559 : memref<128x65xf32, #tpu.memory_space<vmem>>[vector<16xi32>, vector<16xi32>], vector<16xf32>,
    }
    %scan3A_159 = arith.constant 8 : i32
    %dma_wait3A_160 = arith.constant 0 : i32
    %dma_wait3A_161 = arith.constant 0 : i32
    %dma_wait3A_162 = tpu.memref_slice %arg12[%dma_wait3A_160, %dma_wait3A_161] : memref<128x64xf32, #tpu.memory_space<vmem>> -> memref<128x64xf32, #tpu.memory_space<vmem>>
    %dma_wait3A_163 = arith.constant 256 : i32
    %dma_wait3A_164 = tpu.memref_slice %arg9[%dma_wait3A_163] : memref<512xi32, #tpu.memory_space<vmem>> -> memref<128xi32, #tpu.memory_space<vmem>>
    %dma_wait3A_165 = arith.constant 0 : i32
    %dma_wait3A_166 = arith.constant 0 : i32
    %dma_wait3A_167 = tpu.memref_slice %arg5[%dma_wait3A_165, %dma_wait3A_166] : memref<100000x64xf32, #tpu.memory_space<hbm>> -> memref<100000x64xf32, #tpu.memory_space<hbm>>
    tpu.wait_indirect_dma semaphore(%arg19 : memref<!tpu.dma_semaphore, #tpu.memory_space<semaphore_mem>>) src(%dma_wait3A_167 : memref<100000x64xf32, #tpu.memory_space<hbm>>) dst(%dma_wait3A_162 : memref<128x64xf32, #tpu.memory_space<vmem>>)
    %add3A_168 = arith.constant 256 : i32
    %add3A_169 = arith.addi %mul3A_2, %add3A_168 : i32
    %dma_start3A_170 = arith.constant 0 : i32
    %dma_start3A_171 = tpu.memref_slice %arg8[%add3A_169, %dma_start3A_170] : memref<16384x256xf32, #tpu.memory_space<hbm>> -> memref<128x64xf32, #tpu.memory_space<hbm>>
    %dma_start3A_172 = arith.constant 0 : i32
    %dma_start3A_173 = tpu.memref_slice %arg8[%add3A_169, %dma_start3A_172] : memref<16384x256xf32, #tpu.memory_space<hbm>> -> memref<128x64xf32, #tpu.memory_space<hbm>>
    tpu.enqueue_dma source(%arg12 : memref<128x64xf32, #tpu.memory_space<vmem>>) target(%dma_start3A_173 : memref<128x64xf32, #tpu.memory_space<hbm>>) target_semaphore(%arg19 : memref<!tpu.dma_semaphore, #tpu.memory_space<semaphore_mem>>)
    %dma_start3A_174 = arith.constant 0 : i32
    %dma_start3A_175 = arith.constant 0 : i32
    %dma_start3A_176 = tpu.memref_slice %arg13[%dma_start3A_174, %dma_start3A_175] : memref<128x65xf32, #tpu.memory_space<vmem>> -> memref<128x64xf32, #tpu.memory_space<vmem>>
    %dma_start3A_177 = arith.constant 64 : i32
    %dma_start3A_178 = tpu.memref_slice %arg8[%add3A_169, %dma_start3A_177] : memref<16384x256xf32, #tpu.memory_space<hbm>> -> memref<128x64xf32, #tpu.memory_space<hbm>>
    %dma_start3A_179 = arith.constant 64 : i32
    %dma_start3A_180 = tpu.memref_slice %arg8[%add3A_169, %dma_start3A_179] : memref<16384x256xf32, #tpu.memory_space<hbm>> -> memref<128x64xf32, #tpu.memory_space<hbm>>
    %dma_start3A_181 = arith.constant 0 : i32
    %dma_start3A_182 = arith.constant 0 : i32
    %dma_start3A_183 = tpu.memref_slice %arg13[%dma_start3A_181, %dma_start3A_182] : memref<128x65xf32, #tpu.memory_space<vmem>> -> memref<128x64xf32, #tpu.memory_space<vmem>>
    tpu.enqueue_dma source(%dma_start3A_183 : memref<128x64xf32, #tpu.memory_space<vmem>>) target(%dma_start3A_180 : memref<128x64xf32, #tpu.memory_space<hbm>>) target_semaphore(%arg19 : memref<!tpu.dma_semaphore, #tpu.memory_space<semaphore_mem>>)
    %dma_start3A_184 = arith.constant 0 : i32
    %dma_start3A_185 = arith.constant 0 : i32
    %dma_start3A_186 = tpu.memref_slice %arg14[%dma_start3A_184, %dma_start3A_185] : memref<128x65xf32, #tpu.memory_space<vmem>> -> memref<128x64xf32, #tpu.memory_space<vmem>>
    %dma_start3A_187 = arith.constant 128 : i32
    %dma_start3A_188 = tpu.memref_slice %arg8[%add3A_169, %dma_start3A_187] : memref<16384x256xf32, #tpu.memory_space<hbm>> -> memref<128x64xf32, #tpu.memory_space<hbm>>
    %dma_start3A_189 = arith.constant 128 : i32
    %dma_start3A_190 = tpu.memref_slice %arg8[%add3A_169, %dma_start3A_189] : memref<16384x256xf32, #tpu.memory_space<hbm>> -> memref<128x64xf32, #tpu.memory_space<hbm>>
    %dma_start3A_191 = arith.constant 0 : i32
    %dma_start3A_192 = arith.constant 0 : i32
    %dma_start3A_193 = tpu.memref_slice %arg14[%dma_start3A_191, %dma_start3A_192] : memref<128x65xf32, #tpu.memory_space<vmem>> -> memref<128x64xf32, #tpu.memory_space<vmem>>
    tpu.enqueue_dma source(%dma_start3A_193 : memref<128x64xf32, #tpu.memory_space<vmem>>) target(%dma_start3A_190 : memref<128x64xf32, #tpu.memory_space<hbm>>) target_semaphore(%arg19 : memref<!tpu.dma_semaphore, #tpu.memory_space<semaphore_mem>>)
    %dma_wait3A_194 = arith.constant 0 : i32
    %dma_wait3A_195 = tpu.memref_slice %arg8[%add3A_169, %dma_wait3A_194] : memref<16384x256xf32, #tpu.memory_space<hbm>> -> memref<128x64xf32, #tpu.memory_space<hbm>>
    %dma_wait3A_196 = arith.constant 0 : i32
    %dma_wait3A_197 = tpu.memref_slice %arg8[%add3A_169, %dma_wait3A_196] : memref<16384x256xf32, #tpu.memory_space<hbm>> -> memref<128x64xf32, #tpu.memory_space<hbm>>
    tpu.wait_dma2 semaphore(%arg19 : memref<!tpu.dma_semaphore, #tpu.memory_space<semaphore_mem>>) src(%arg12 : memref<128x64xf32, #tpu.memory_space<vmem>>) dst(%dma_wait3A_197 : memref<128x64xf32, #tpu.memory_space<hbm>>)
    %dma_wait3A_198 = arith.constant 0 : i32
    %dma_wait3A_199 = arith.constant 0 : i32
    %dma_wait3A_200 = tpu.memref_slice %arg13[%dma_wait3A_198, %dma_wait3A_199] : memref<128x65xf32, #tpu.memory_space<vmem>> -> memref<128x64xf32, #tpu.memory_space<vmem>>
    %dma_wait3A_201 = arith.constant 64 : i32
    %dma_wait3A_202 = tpu.memref_slice %arg8[%add3A_169, %dma_wait3A_201] : memref<16384x256xf32, #tpu.memory_space<hbm>> -> memref<128x64xf32, #tpu.memory_space<hbm>>
    %dma_wait3A_203 = arith.constant 64 : i32
    %dma_wait3A_204 = tpu.memref_slice %arg8[%add3A_169, %dma_wait3A_203] : memref<16384x256xf32, #tpu.memory_space<hbm>> -> memref<128x64xf32, #tpu.memory_space<hbm>>
    %dma_wait3A_205 = arith.constant 0 : i32
    %dma_wait3A_206 = arith.constant 0 : i32
    %dma_wait3A_207 = tpu.memref_slice %arg13[%dma_wait3A_205, %dma_wait3A_206] : memref<128x65xf32, #tpu.memory_space<vmem>> -> memref<128x64xf32, #tpu.memory_space<vmem>>
    tpu.wait_dma2 semaphore(%arg19 : memref<!tpu.dma_semaphore, #tpu.memory_space<semaphore_mem>>) src(%dma_wait3A_207 : memref<128x64xf32, #tpu.memory_space<vmem>>) dst(%dma_wait3A_204 : memref<128x64xf32, #tpu.memory_space<hbm>>)
    %dma_wait3A_208 = arith.constant 0 : i32
    %dma_wait3A_209 = arith.constant 0 : i32
    %dma_wait3A_210 = tpu.memref_slice %arg14[%dma_wait3A_208, %dma_wait3A_209] : memref<128x65xf32, #tpu.memory_space<vmem>> -> memref<128x64xf32, #tpu.memory_space<vmem>>
    %dma_wait3A_211 = arith.constant 128 : i32
    %dma_wait3A_212 = tpu.memref_slice %arg8[%add3A_169, %dma_wait3A_211] : memref<16384x256xf32, #tpu.memory_space<hbm>> -> memref<128x64xf32, #tpu.memory_space<hbm>>
    %dma_wait3A_213 = arith.constant 128 : i32
    %dma_wait3A_214 = tpu.memref_slice %arg8[%add3A_169, %dma_wait3A_213] : memref<16384x256xf32, #tpu.memory_space<hbm>> -> memref<128x64xf32, #tpu.memory_space<hbm>>
    %dma_wait3A_215 = arith.constant 0 : i32
    %dma_wait3A_216 = arith.constant 0 : i32
    %dma_wait3A_217 = tpu.memref_slice %arg14[%dma_wait3A_215, %dma_wait3A_216] : memref<128x65xf32, #tpu.memory_space<vmem>> -> memref<128x64xf32, #tpu.memory_space<vmem>>
    tpu.wait_dma2 semaphore(%arg19 : memref<!tpu.dma_semaphore, #tpu.memory_space<semaphore_mem>>) src(%dma_wait3A_217 : memref<128x64xf32, #tpu.memory_space<vmem>>) dst(%dma_wait3A_214 : memref<128x64xf32, #tpu.memory_space<hbm>>)
    %dma_start3A_218 = arith.constant 0 : i32
    %dma_start3A_219 = arith.constant 0 : i32
    %dma_start3A_220 = tpu.memref_slice %arg12[%dma_start3A_218, %dma_start3A_219] : memref<128x64xf32, #tpu.memory_space<vmem>> -> memref<128x64xf32, #tpu.memory_space<vmem>>
    %dma_start3A_221 = arith.constant 384 : i32
    %dma_start3A_222 = tpu.memref_slice %arg9[%dma_start3A_221] : memref<512xi32, #tpu.memory_space<vmem>> -> memref<128xi32, #tpu.memory_space<vmem>>
    %dma_start3A_223 = arith.constant 0 : i32
    %dma_start3A_224 = arith.constant 0 : i32
    %dma_start3A_225 = tpu.memref_slice %arg5[%dma_start3A_223, %dma_start3A_224] : memref<100000x64xf32, #tpu.memory_space<hbm>> -> memref<100000x64xf32, #tpu.memory_space<hbm>>
    tpu.enqueue_indirect_dma source(%dma_start3A_225 : memref<100000x64xf32, #tpu.memory_space<hbm>>) target(%dma_start3A_220 : memref<128x64xf32, #tpu.memory_space<vmem>>) offsets(%dma_start3A_222 : memref<128xi32, #tpu.memory_space<vmem>>) semaphore(%arg19 : memref<!tpu.dma_semaphore, #tpu.memory_space<semaphore_mem>>)
    %scan3A_226 = arith.constant 0 : i32
    %scan3A_227 = arith.constant 0 : i32
    %scan3A_228 = arith.constant 8 : i32
    %scan3A_229 = arith.addi %scan3A_227, %scan3A_228 : i32
    %scan3A_230 = arith.constant 1 : i32
    scf.for %scan3A_290 = %scan3A_227 to %scan3A_229 step %scan3A_230  : i32 {
      %mul3A_291 = arith.constant 16 : i32
      %mul3A_292 = arith.muli %scan3A_290, %mul3A_291 : i32
      %add3A_293 = arith.constant 384 : i32
      %add3A_294 = arith.addi %add3A_293, %mul3A_292 : i32
      %get3A = arith.index_cast %add3A_294 : i32 to index
      %get3A_295 = tpu.vector_load %arg10[%get3A] {strides = array<i32>} : memref<512xi32, #tpu.memory_space<vmem>>, vector<16xi32>,
      %mul3A_296 = arith.constant 16 : i32
      %mul3A_297 = arith.muli %scan3A_290, %mul3A_296 : i32
      %add3A_298 = arith.constant 384 : i32
      %add3A_299 = arith.addi %add3A_298, %mul3A_297 : i32
      %get3A_300 = arith.index_cast %add3A_299 : i32 to index
      %get3A_301 = tpu.vector_load %arg11[%get3A_300] {strides = array<i32>} : memref<512xi32, #tpu.memory_space<vmem>>, vector<16xi32>,
      %mul3A_302 = arith.constant 16 : i32
      %mul3A_303 = arith.muli %scan3A_290, %mul3A_302 : i32
      %add3A_304 = vector.broadcast %mul3A_303 : i32 to vector<16xi32>
      %add3A_305 = arith.addi %iota3A, %add3A_304 : vector<16xi32>
      %broadcast_in_dim3A = arith.constant 0 : i32
      %broadcast_in_dim3A_306 = vector.broadcast %broadcast_in_dim3A : i32 to vector<16xi32>
      %gather3A = tpu.vector_load_idx %arg15[%get3A_295, %broadcast_in_dim3A_306] : memref<1000x65xf32, #tpu.memory_space<vmem>>[vector<16xi32>, vector<16xi32>], vector<16xf32>,
      tpu.vector_store_idx %arg13[%add3A_305, %broadcast_in_dim3A_306], %gather3A : memref<128x65xf32, #tpu.memory_space<vmem>>[vector<16xi32>, vector<16xi32>], vector<16xf32>,
      %gather3A_307 = tpu.vector_load_idx %arg16[%get3A_301, %broadcast_in_dim3A_306] : memref<100x65xf32, #tpu.memory_space<vmem>>[vector<16xi32>, vector<16xi32>], vector<16xf32>,
      tpu.vector_store_idx %arg14[%add3A_305, %broadcast_in_dim3A_306], %gather3A_307 : memref<128x65xf32, #tpu.memory_space<vmem>>[vector<16xi32>, vector<16xi32>], vector<16xf32>,
      %broadcast_in_dim3A_308 = arith.constant 1 : i32
      %broadcast_in_dim3A_309 = vector.broadcast %broadcast_in_dim3A_308 : i32 to vector<16xi32>
      %gather3A_310 = tpu.vector_load_idx %arg15[%get3A_295, %broadcast_in_dim3A_309] : memref<1000x65xf32, #tpu.memory_space<vmem>>[vector<16xi32>, vector<16xi32>], vector<16xf32>,
      tpu.vector_store_idx %arg13[%add3A_305, %broadcast_in_dim3A_309], %gather3A_310 : memref<128x65xf32, #tpu.memory_space<vmem>>[vector<16xi32>, vector<16xi32>], vector<16xf32>,
      %gather3A_311 = tpu.vector_load_idx %arg16[%get3A_301, %broadcast_in_dim3A_309] : memref<100x65xf32, #tpu.memory_space<vmem>>[vector<16xi32>, vector<16xi32>], vector<16xf32>,
      tpu.vector_store_idx %arg14[%add3A_305, %broadcast_in_dim3A_309], %gather3A_311 : memref<128x65xf32, #tpu.memory_space<vmem>>[vector<16xi32>, vector<16xi32>], vector<16xf32>,
      %broadcast_in_dim3A_312 = arith.constant 2 : i32
      %broadcast_in_dim3A_313 = vector.broadcast %broadcast_in_dim3A_312 : i32 to vector<16xi32>
      %gather3A_314 = tpu.vector_load_idx %arg15[%get3A_295, %broadcast_in_dim3A_313] : memref<1000x65xf32, #tpu.memory_space<vmem>>[vector<16xi32>, vector<16xi32>], vector<16xf32>,
      tpu.vector_store_idx %arg13[%add3A_305, %broadcast_in_dim3A_313], %gather3A_314 : memref<128x65xf32, #tpu.memory_space<vmem>>[vector<16xi32>, vector<16xi32>], vector<16xf32>,
      %gather3A_315 = tpu.vector_load_idx %arg16[%get3A_301, %broadcast_in_dim3A_313] : memref<100x65xf32, #tpu.memory_space<vmem>>[vector<16xi32>, vector<16xi32>], vector<16xf32>,
      tpu.vector_store_idx %arg14[%add3A_305, %broadcast_in_dim3A_313], %gather3A_315 : memref<128x65xf32, #tpu.memory_space<vmem>>[vector<16xi32>, vector<16xi32>], vector<16xf32>,
      %broadcast_in_dim3A_316 = arith.constant 3 : i32
      %broadcast_in_dim3A_317 = vector.broadcast %broadcast_in_dim3A_316 : i32 to vector<16xi32>
      %gather3A_318 = tpu.vector_load_idx %arg15[%get3A_295, %broadcast_in_dim3A_317] : memref<1000x65xf32, #tpu.memory_space<vmem>>[vector<16xi32>, vector<16xi32>], vector<16xf32>,
      tpu.vector_store_idx %arg13[%add3A_305, %broadcast_in_dim3A_317], %gather3A_318 : memref<128x65xf32, #tpu.memory_space<vmem>>[vector<16xi32>, vector<16xi32>], vector<16xf32>,
      %gather3A_319 = tpu.vector_load_idx %arg16[%get3A_301, %broadcast_in_dim3A_317] : memref<100x65xf32, #tpu.memory_space<vmem>>[vector<16xi32>, vector<16xi32>], vector<16xf32>,
      tpu.vector_store_idx %arg14[%add3A_305, %broadcast_in_dim3A_317], %gather3A_319 : memref<128x65xf32, #tpu.memory_space<vmem>>[vector<16xi32>, vector<16xi32>], vector<16xf32>,
      %broadcast_in_dim3A_320 = arith.constant 4 : i32
      %broadcast_in_dim3A_321 = vector.broadcast %broadcast_in_dim3A_320 : i32 to vector<16xi32>
      %gather3A_322 = tpu.vector_load_idx %arg15[%get3A_295, %broadcast_in_dim3A_321] : memref<1000x65xf32, #tpu.memory_space<vmem>>[vector<16xi32>, vector<16xi32>], vector<16xf32>,
      tpu.vector_store_idx %arg13[%add3A_305, %broadcast_in_dim3A_321], %gather3A_322 : memref<128x65xf32, #tpu.memory_space<vmem>>[vector<16xi32>, vector<16xi32>], vector<16xf32>,
      %gather3A_323 = tpu.vector_load_idx %arg16[%get3A_301, %broadcast_in_dim3A_321] : memref<100x65xf32, #tpu.memory_space<vmem>>[vector<16xi32>, vector<16xi32>], vector<16xf32>,
      tpu.vector_store_idx %arg14[%add3A_305, %broadcast_in_dim3A_321], %gather3A_323 : memref<128x65xf32, #tpu.memory_space<vmem>>[vector<16xi32>, vector<16xi32>], vector<16xf32>,
      %broadcast_in_dim3A_324 = arith.constant 5 : i32
      %broadcast_in_dim3A_325 = vector.broadcast %broadcast_in_dim3A_324 : i32 to vector<16xi32>
      %gather3A_326 = tpu.vector_load_idx %arg15[%get3A_295, %broadcast_in_dim3A_325] : memref<1000x65xf32, #tpu.memory_space<vmem>>[vector<16xi32>, vector<16xi32>], vector<16xf32>,
      tpu.vector_store_idx %arg13[%add3A_305, %broadcast_in_dim3A_325], %gather3A_326 : memref<128x65xf32, #tpu.memory_space<vmem>>[vector<16xi32>, vector<16xi32>], vector<16xf32>,
      %gather3A_327 = tpu.vector_load_idx %arg16[%get3A_301, %broadcast_in_dim3A_325] : memref<100x65xf32, #tpu.memory_space<vmem>>[vector<16xi32>, vector<16xi32>], vector<16xf32>,
      tpu.vector_store_idx %arg14[%add3A_305, %broadcast_in_dim3A_325], %gather3A_327 : memref<128x65xf32, #tpu.memory_space<vmem>>[vector<16xi32>, vector<16xi32>], vector<16xf32>,
      %broadcast_in_dim3A_328 = arith.constant 6 : i32
      %broadcast_in_dim3A_329 = vector.broadcast %broadcast_in_dim3A_328 : i32 to vector<16xi32>
      %gather3A_330 = tpu.vector_load_idx %arg15[%get3A_295, %broadcast_in_dim3A_329] : memref<1000x65xf32, #tpu.memory_space<vmem>>[vector<16xi32>, vector<16xi32>], vector<16xf32>,
      tpu.vector_store_idx %arg13[%add3A_305, %broadcast_in_dim3A_329], %gather3A_330 : memref<128x65xf32, #tpu.memory_space<vmem>>[vector<16xi32>, vector<16xi32>], vector<16xf32>,
      %gather3A_331 = tpu.vector_load_idx %arg16[%get3A_301, %broadcast_in_dim3A_329] : memref<100x65xf32, #tpu.memory_space<vmem>>[vector<16xi32>, vector<16xi32>], vector<16xf32>,
      tpu.vector_store_idx %arg14[%add3A_305, %broadcast_in_dim3A_329], %gather3A_331 : memref<128x65xf32, #tpu.memory_space<vmem>>[vector<16xi32>, vector<16xi32>], vector<16xf32>,
      %broadcast_in_dim3A_332 = arith.constant 7 : i32
      %broadcast_in_dim3A_333 = vector.broadcast %broadcast_in_dim3A_332 : i32 to vector<16xi32>
      %gather3A_334 = tpu.vector_load_idx %arg15[%get3A_295, %broadcast_in_dim3A_333] : memref<1000x65xf32, #tpu.memory_space<vmem>>[vector<16xi32>, vector<16xi32>], vector<16xf32>,
      tpu.vector_store_idx %arg13[%add3A_305, %broadcast_in_dim3A_333], %gather3A_334 : memref<128x65xf32, #tpu.memory_space<vmem>>[vector<16xi32>, vector<16xi32>], vector<16xf32>,
      %gather3A_335 = tpu.vector_load_idx %arg16[%get3A_301, %broadcast_in_dim3A_333] : memref<100x65xf32, #tpu.memory_space<vmem>>[vector<16xi32>, vector<16xi32>], vector<16xf32>,
      tpu.vector_store_idx %arg14[%add3A_305, %broadcast_in_dim3A_333], %gather3A_335 : memref<128x65xf32, #tpu.memory_space<vmem>>[vector<16xi32>, vector<16xi32>], vector<16xf32>,
      %broadcast_in_dim3A_336 = arith.constant 8 : i32
      %broadcast_in_dim3A_337 = vector.broadcast %broadcast_in_dim3A_336 : i32 to vector<16xi32>
      %gather3A_338 = tpu.vector_load_idx %arg15[%get3A_295, %broadcast_in_dim3A_337] : memref<1000x65xf32, #tpu.memory_space<vmem>>[vector<16xi32>, vector<16xi32>], vector<16xf32>,
      tpu.vector_store_idx %arg13[%add3A_305, %broadcast_in_dim3A_337], %gather3A_338 : memref<128x65xf32, #tpu.memory_space<vmem>>[vector<16xi32>, vector<16xi32>], vector<16xf32>,
      %gather3A_339 = tpu.vector_load_idx %arg16[%get3A_301, %broadcast_in_dim3A_337] : memref<100x65xf32, #tpu.memory_space<vmem>>[vector<16xi32>, vector<16xi32>], vector<16xf32>,
      tpu.vector_store_idx %arg14[%add3A_305, %broadcast_in_dim3A_337], %gather3A_339 : memref<128x65xf32, #tpu.memory_space<vmem>>[vector<16xi32>, vector<16xi32>], vector<16xf32>,
      %broadcast_in_dim3A_340 = arith.constant 9 : i32
      %broadcast_in_dim3A_341 = vector.broadcast %broadcast_in_dim3A_340 : i32 to vector<16xi32>
      %gather3A_342 = tpu.vector_load_idx %arg15[%get3A_295, %broadcast_in_dim3A_341] : memref<1000x65xf32, #tpu.memory_space<vmem>>[vector<16xi32>, vector<16xi32>], vector<16xf32>,
      tpu.vector_store_idx %arg13[%add3A_305, %broadcast_in_dim3A_341], %gather3A_342 : memref<128x65xf32, #tpu.memory_space<vmem>>[vector<16xi32>, vector<16xi32>], vector<16xf32>,
      %gather3A_343 = tpu.vector_load_idx %arg16[%get3A_301, %broadcast_in_dim3A_341] : memref<100x65xf32, #tpu.memory_space<vmem>>[vector<16xi32>, vector<16xi32>], vector<16xf32>,
      tpu.vector_store_idx %arg14[%add3A_305, %broadcast_in_dim3A_341], %gather3A_343 : memref<128x65xf32, #tpu.memory_space<vmem>>[vector<16xi32>, vector<16xi32>], vector<16xf32>,
      %broadcast_in_dim3A_344 = arith.constant 10 : i32
      %broadcast_in_dim3A_345 = vector.broadcast %broadcast_in_dim3A_344 : i32 to vector<16xi32>
      %gather3A_346 = tpu.vector_load_idx %arg15[%get3A_295, %broadcast_in_dim3A_345] : memref<1000x65xf32, #tpu.memory_space<vmem>>[vector<16xi32>, vector<16xi32>], vector<16xf32>,
      tpu.vector_store_idx %arg13[%add3A_305, %broadcast_in_dim3A_345], %gather3A_346 : memref<128x65xf32, #tpu.memory_space<vmem>>[vector<16xi32>, vector<16xi32>], vector<16xf32>,
      %gather3A_347 = tpu.vector_load_idx %arg16[%get3A_301, %broadcast_in_dim3A_345] : memref<100x65xf32, #tpu.memory_space<vmem>>[vector<16xi32>, vector<16xi32>], vector<16xf32>,
      tpu.vector_store_idx %arg14[%add3A_305, %broadcast_in_dim3A_345], %gather3A_347 : memref<128x65xf32, #tpu.memory_space<vmem>>[vector<16xi32>, vector<16xi32>], vector<16xf32>,
      %broadcast_in_dim3A_348 = arith.constant 11 : i32
      %broadcast_in_dim3A_349 = vector.broadcast %broadcast_in_dim3A_348 : i32 to vector<16xi32>
      %gather3A_350 = tpu.vector_load_idx %arg15[%get3A_295, %broadcast_in_dim3A_349] : memref<1000x65xf32, #tpu.memory_space<vmem>>[vector<16xi32>, vector<16xi32>], vector<16xf32>,
      tpu.vector_store_idx %arg13[%add3A_305, %broadcast_in_dim3A_349], %gather3A_350 : memref<128x65xf32, #tpu.memory_space<vmem>>[vector<16xi32>, vector<16xi32>], vector<16xf32>,
      %gather3A_351 = tpu.vector_load_idx %arg16[%get3A_301, %broadcast_in_dim3A_349] : memref<100x65xf32, #tpu.memory_space<vmem>>[vector<16xi32>, vector<16xi32>], vector<16xf32>,
      tpu.vector_store_idx %arg14[%add3A_305, %broadcast_in_dim3A_349], %gather3A_351 : memref<128x65xf32, #tpu.memory_space<vmem>>[vector<16xi32>, vector<16xi32>], vector<16xf32>,
      %broadcast_in_dim3A_352 = arith.constant 12 : i32
      %broadcast_in_dim3A_353 = vector.broadcast %broadcast_in_dim3A_352 : i32 to vector<16xi32>
      %gather3A_354 = tpu.vector_load_idx %arg15[%get3A_295, %broadcast_in_dim3A_353] : memref<1000x65xf32, #tpu.memory_space<vmem>>[vector<16xi32>, vector<16xi32>], vector<16xf32>,
      tpu.vector_store_idx %arg13[%add3A_305, %broadcast_in_dim3A_353], %gather3A_354 : memref<128x65xf32, #tpu.memory_space<vmem>>[vector<16xi32>, vector<16xi32>], vector<16xf32>,
      %gather3A_355 = tpu.vector_load_idx %arg16[%get3A_301, %broadcast_in_dim3A_353] : memref<100x65xf32, #tpu.memory_space<vmem>>[vector<16xi32>, vector<16xi32>], vector<16xf32>,
      tpu.vector_store_idx %arg14[%add3A_305, %broadcast_in_dim3A_353], %gather3A_355 : memref<128x65xf32, #tpu.memory_space<vmem>>[vector<16xi32>, vector<16xi32>], vector<16xf32>,
      %broadcast_in_dim3A_356 = arith.constant 13 : i32
      %broadcast_in_dim3A_357 = vector.broadcast %broadcast_in_dim3A_356 : i32 to vector<16xi32>
      %gather3A_358 = tpu.vector_load_idx %arg15[%get3A_295, %broadcast_in_dim3A_357] : memref<1000x65xf32, #tpu.memory_space<vmem>>[vector<16xi32>, vector<16xi32>], vector<16xf32>,
      tpu.vector_store_idx %arg13[%add3A_305, %broadcast_in_dim3A_357], %gather3A_358 : memref<128x65xf32, #tpu.memory_space<vmem>>[vector<16xi32>, vector<16xi32>], vector<16xf32>,
      %gather3A_359 = tpu.vector_load_idx %arg16[%get3A_301, %broadcast_in_dim3A_357] : memref<100x65xf32, #tpu.memory_space<vmem>>[vector<16xi32>, vector<16xi32>], vector<16xf32>,
      tpu.vector_store_idx %arg14[%add3A_305, %broadcast_in_dim3A_357], %gather3A_359 : memref<128x65xf32, #tpu.memory_space<vmem>>[vector<16xi32>, vector<16xi32>], vector<16xf32>,
      %broadcast_in_dim3A_360 = arith.constant 14 : i32
      %broadcast_in_dim3A_361 = vector.broadcast %broadcast_in_dim3A_360 : i32 to vector<16xi32>
      %gather3A_362 = tpu.vector_load_idx %arg15[%get3A_295, %broadcast_in_dim3A_361] : memref<1000x65xf32, #tpu.memory_space<vmem>>[vector<16xi32>, vector<16xi32>], vector<16xf32>,
      tpu.vector_store_idx %arg13[%add3A_305, %broadcast_in_dim3A_361], %gather3A_362 : memref<128x65xf32, #tpu.memory_space<vmem>>[vector<16xi32>, vector<16xi32>], vector<16xf32>,
      %gather3A_363 = tpu.vector_load_idx %arg16[%get3A_301, %broadcast_in_dim3A_361] : memref<100x65xf32, #tpu.memory_space<vmem>>[vector<16xi32>, vector<16xi32>], vector<16xf32>,
      tpu.vector_store_idx %arg14[%add3A_305, %broadcast_in_dim3A_361], %gather3A_363 : memref<128x65xf32, #tpu.memory_space<vmem>>[vector<16xi32>, vector<16xi32>], vector<16xf32>,
      %broadcast_in_dim3A_364 = arith.constant 15 : i32
      %broadcast_in_dim3A_365 = vector.broadcast %broadcast_in_dim3A_364 : i32 to vector<16xi32>
      %gather3A_366 = tpu.vector_load_idx %arg15[%get3A_295, %broadcast_in_dim3A_365] : memref<1000x65xf32, #tpu.memory_space<vmem>>[vector<16xi32>, vector<16xi32>], vector<16xf32>,
      tpu.vector_store_idx %arg13[%add3A_305, %broadcast_in_dim3A_365], %gather3A_366 : memref<128x65xf32, #tpu.memory_space<vmem>>[vector<16xi32>, vector<16xi32>], vector<16xf32>,
      %gather3A_367 = tpu.vector_load_idx %arg16[%get3A_301, %broadcast_in_dim3A_365] : memref<100x65xf32, #tpu.memory_space<vmem>>[vector<16xi32>, vector<16xi32>], vector<16xf32>,
      tpu.vector_store_idx %arg14[%add3A_305, %broadcast_in_dim3A_365], %gather3A_367 : memref<128x65xf32, #tpu.memory_space<vmem>>[vector<16xi32>, vector<16xi32>], vector<16xf32>,
      %broadcast_in_dim3A_368 = arith.constant 16 : i32
      %broadcast_in_dim3A_369 = vector.broadcast %broadcast_in_dim3A_368 : i32 to vector<16xi32>
      %gather3A_370 = tpu.vector_load_idx %arg15[%get3A_295, %broadcast_in_dim3A_369] : memref<1000x65xf32, #tpu.memory_space<vmem>>[vector<16xi32>, vector<16xi32>], vector<16xf32>,
      tpu.vector_store_idx %arg13[%add3A_305, %broadcast_in_dim3A_369], %gather3A_370 : memref<128x65xf32, #tpu.memory_space<vmem>>[vector<16xi32>, vector<16xi32>], vector<16xf32>,
      %gather3A_371 = tpu.vector_load_idx %arg16[%get3A_301, %broadcast_in_dim3A_369] : memref<100x65xf32, #tpu.memory_space<vmem>>[vector<16xi32>, vector<16xi32>], vector<16xf32>,
      tpu.vector_store_idx %arg14[%add3A_305, %broadcast_in_dim3A_369], %gather3A_371 : memref<128x65xf32, #tpu.memory_space<vmem>>[vector<16xi32>, vector<16xi32>], vector<16xf32>,
      %broadcast_in_dim3A_372 = arith.constant 17 : i32
      %broadcast_in_dim3A_373 = vector.broadcast %broadcast_in_dim3A_372 : i32 to vector<16xi32>
      %gather3A_374 = tpu.vector_load_idx %arg15[%get3A_295, %broadcast_in_dim3A_373] : memref<1000x65xf32, #tpu.memory_space<vmem>>[vector<16xi32>, vector<16xi32>], vector<16xf32>,
      tpu.vector_store_idx %arg13[%add3A_305, %broadcast_in_dim3A_373], %gather3A_374 : memref<128x65xf32, #tpu.memory_space<vmem>>[vector<16xi32>, vector<16xi32>], vector<16xf32>,
      %gather3A_375 = tpu.vector_load_idx %arg16[%get3A_301, %broadcast_in_dim3A_373] : memref<100x65xf32, #tpu.memory_space<vmem>>[vector<16xi32>, vector<16xi32>], vector<16xf32>,
      tpu.vector_store_idx %arg14[%add3A_305, %broadcast_in_dim3A_373], %gather3A_375 : memref<128x65xf32, #tpu.memory_space<vmem>>[vector<16xi32>, vector<16xi32>], vector<16xf32>,
      %broadcast_in_dim3A_376 = arith.constant 18 : i32
      %broadcast_in_dim3A_377 = vector.broadcast %broadcast_in_dim3A_376 : i32 to vector<16xi32>
      %gather3A_378 = tpu.vector_load_idx %arg15[%get3A_295, %broadcast_in_dim3A_377] : memref<1000x65xf32, #tpu.memory_space<vmem>>[vector<16xi32>, vector<16xi32>], vector<16xf32>,
      tpu.vector_store_idx %arg13[%add3A_305, %broadcast_in_dim3A_377], %gather3A_378 : memref<128x65xf32, #tpu.memory_space<vmem>>[vector<16xi32>, vector<16xi32>], vector<16xf32>,
      %gather3A_379 = tpu.vector_load_idx %arg16[%get3A_301, %broadcast_in_dim3A_377] : memref<100x65xf32, #tpu.memory_space<vmem>>[vector<16xi32>, vector<16xi32>], vector<16xf32>,
      tpu.vector_store_idx %arg14[%add3A_305, %broadcast_in_dim3A_377], %gather3A_379 : memref<128x65xf32, #tpu.memory_space<vmem>>[vector<16xi32>, vector<16xi32>], vector<16xf32>,
      %broadcast_in_dim3A_380 = arith.constant 19 : i32
      %broadcast_in_dim3A_381 = vector.broadcast %broadcast_in_dim3A_380 : i32 to vector<16xi32>
      %gather3A_382 = tpu.vector_load_idx %arg15[%get3A_295, %broadcast_in_dim3A_381] : memref<1000x65xf32, #tpu.memory_space<vmem>>[vector<16xi32>, vector<16xi32>], vector<16xf32>,
      tpu.vector_store_idx %arg13[%add3A_305, %broadcast_in_dim3A_381], %gather3A_382 : memref<128x65xf32, #tpu.memory_space<vmem>>[vector<16xi32>, vector<16xi32>], vector<16xf32>,
      %gather3A_383 = tpu.vector_load_idx %arg16[%get3A_301, %broadcast_in_dim3A_381] : memref<100x65xf32, #tpu.memory_space<vmem>>[vector<16xi32>, vector<16xi32>], vector<16xf32>,
      tpu.vector_store_idx %arg14[%add3A_305, %broadcast_in_dim3A_381], %gather3A_383 : memref<128x65xf32, #tpu.memory_space<vmem>>[vector<16xi32>, vector<16xi32>], vector<16xf32>,
      %broadcast_in_dim3A_384 = arith.constant 20 : i32
      %broadcast_in_dim3A_385 = vector.broadcast %broadcast_in_dim3A_384 : i32 to vector<16xi32>
      %gather3A_386 = tpu.vector_load_idx %arg15[%get3A_295, %broadcast_in_dim3A_385] : memref<1000x65xf32, #tpu.memory_space<vmem>>[vector<16xi32>, vector<16xi32>], vector<16xf32>,
      tpu.vector_store_idx %arg13[%add3A_305, %broadcast_in_dim3A_385], %gather3A_386 : memref<128x65xf32, #tpu.memory_space<vmem>>[vector<16xi32>, vector<16xi32>], vector<16xf32>,
      %gather3A_387 = tpu.vector_load_idx %arg16[%get3A_301, %broadcast_in_dim3A_385] : memref<100x65xf32, #tpu.memory_space<vmem>>[vector<16xi32>, vector<16xi32>], vector<16xf32>,
      tpu.vector_store_idx %arg14[%add3A_305, %broadcast_in_dim3A_385], %gather3A_387 : memref<128x65xf32, #tpu.memory_space<vmem>>[vector<16xi32>, vector<16xi32>], vector<16xf32>,
      %broadcast_in_dim3A_388 = arith.constant 21 : i32
      %broadcast_in_dim3A_389 = vector.broadcast %broadcast_in_dim3A_388 : i32 to vector<16xi32>
      %gather3A_390 = tpu.vector_load_idx %arg15[%get3A_295, %broadcast_in_dim3A_389] : memref<1000x65xf32, #tpu.memory_space<vmem>>[vector<16xi32>, vector<16xi32>], vector<16xf32>,
      tpu.vector_store_idx %arg13[%add3A_305, %broadcast_in_dim3A_389], %gather3A_390 : memref<128x65xf32, #tpu.memory_space<vmem>>[vector<16xi32>, vector<16xi32>], vector<16xf32>,
      %gather3A_391 = tpu.vector_load_idx %arg16[%get3A_301, %broadcast_in_dim3A_389] : memref<100x65xf32, #tpu.memory_space<vmem>>[vector<16xi32>, vector<16xi32>], vector<16xf32>,
      tpu.vector_store_idx %arg14[%add3A_305, %broadcast_in_dim3A_389], %gather3A_391 : memref<128x65xf32, #tpu.memory_space<vmem>>[vector<16xi32>, vector<16xi32>], vector<16xf32>,
      %broadcast_in_dim3A_392 = arith.constant 22 : i32
      %broadcast_in_dim3A_393 = vector.broadcast %broadcast_in_dim3A_392 : i32 to vector<16xi32>
      %gather3A_394 = tpu.vector_load_idx %arg15[%get3A_295, %broadcast_in_dim3A_393] : memref<1000x65xf32, #tpu.memory_space<vmem>>[vector<16xi32>, vector<16xi32>], vector<16xf32>,
      tpu.vector_store_idx %arg13[%add3A_305, %broadcast_in_dim3A_393], %gather3A_394 : memref<128x65xf32, #tpu.memory_space<vmem>>[vector<16xi32>, vector<16xi32>], vector<16xf32>,
      %gather3A_395 = tpu.vector_load_idx %arg16[%get3A_301, %broadcast_in_dim3A_393] : memref<100x65xf32, #tpu.memory_space<vmem>>[vector<16xi32>, vector<16xi32>], vector<16xf32>,
      tpu.vector_store_idx %arg14[%add3A_305, %broadcast_in_dim3A_393], %gather3A_395 : memref<128x65xf32, #tpu.memory_space<vmem>>[vector<16xi32>, vector<16xi32>], vector<16xf32>,
      %broadcast_in_dim3A_396 = arith.constant 23 : i32
      %broadcast_in_dim3A_397 = vector.broadcast %broadcast_in_dim3A_396 : i32 to vector<16xi32>
      %gather3A_398 = tpu.vector_load_idx %arg15[%get3A_295, %broadcast_in_dim3A_397] : memref<1000x65xf32, #tpu.memory_space<vmem>>[vector<16xi32>, vector<16xi32>], vector<16xf32>,
      tpu.vector_store_idx %arg13[%add3A_305, %broadcast_in_dim3A_397], %gather3A_398 : memref<128x65xf32, #tpu.memory_space<vmem>>[vector<16xi32>, vector<16xi32>], vector<16xf32>,
      %gather3A_399 = tpu.vector_load_idx %arg16[%get3A_301, %broadcast_in_dim3A_397] : memref<100x65xf32, #tpu.memory_space<vmem>>[vector<16xi32>, vector<16xi32>], vector<16xf32>,
      tpu.vector_store_idx %arg14[%add3A_305, %broadcast_in_dim3A_397], %gather3A_399 : memref<128x65xf32, #tpu.memory_space<vmem>>[vector<16xi32>, vector<16xi32>], vector<16xf32>,
      %broadcast_in_dim3A_400 = arith.constant 24 : i32
      %broadcast_in_dim3A_401 = vector.broadcast %broadcast_in_dim3A_400 : i32 to vector<16xi32>
      %gather3A_402 = tpu.vector_load_idx %arg15[%get3A_295, %broadcast_in_dim3A_401] : memref<1000x65xf32, #tpu.memory_space<vmem>>[vector<16xi32>, vector<16xi32>], vector<16xf32>,
      tpu.vector_store_idx %arg13[%add3A_305, %broadcast_in_dim3A_401], %gather3A_402 : memref<128x65xf32, #tpu.memory_space<vmem>>[vector<16xi32>, vector<16xi32>], vector<16xf32>,
      %gather3A_403 = tpu.vector_load_idx %arg16[%get3A_301, %broadcast_in_dim3A_401] : memref<100x65xf32, #tpu.memory_space<vmem>>[vector<16xi32>, vector<16xi32>], vector<16xf32>,
      tpu.vector_store_idx %arg14[%add3A_305, %broadcast_in_dim3A_401], %gather3A_403 : memref<128x65xf32, #tpu.memory_space<vmem>>[vector<16xi32>, vector<16xi32>], vector<16xf32>,
      %broadcast_in_dim3A_404 = arith.constant 25 : i32
      %broadcast_in_dim3A_405 = vector.broadcast %broadcast_in_dim3A_404 : i32 to vector<16xi32>
      %gather3A_406 = tpu.vector_load_idx %arg15[%get3A_295, %broadcast_in_dim3A_405] : memref<1000x65xf32, #tpu.memory_space<vmem>>[vector<16xi32>, vector<16xi32>], vector<16xf32>,
      tpu.vector_store_idx %arg13[%add3A_305, %broadcast_in_dim3A_405], %gather3A_406 : memref<128x65xf32, #tpu.memory_space<vmem>>[vector<16xi32>, vector<16xi32>], vector<16xf32>,
      %gather3A_407 = tpu.vector_load_idx %arg16[%get3A_301, %broadcast_in_dim3A_405] : memref<100x65xf32, #tpu.memory_space<vmem>>[vector<16xi32>, vector<16xi32>], vector<16xf32>,
      tpu.vector_store_idx %arg14[%add3A_305, %broadcast_in_dim3A_405], %gather3A_407 : memref<128x65xf32, #tpu.memory_space<vmem>>[vector<16xi32>, vector<16xi32>], vector<16xf32>,
      %broadcast_in_dim3A_408 = arith.constant 26 : i32
      %broadcast_in_dim3A_409 = vector.broadcast %broadcast_in_dim3A_408 : i32 to vector<16xi32>
      %gather3A_410 = tpu.vector_load_idx %arg15[%get3A_295, %broadcast_in_dim3A_409] : memref<1000x65xf32, #tpu.memory_space<vmem>>[vector<16xi32>, vector<16xi32>], vector<16xf32>,
      tpu.vector_store_idx %arg13[%add3A_305, %broadcast_in_dim3A_409], %gather3A_410 : memref<128x65xf32, #tpu.memory_space<vmem>>[vector<16xi32>, vector<16xi32>], vector<16xf32>,
      %gather3A_411 = tpu.vector_load_idx %arg16[%get3A_301, %broadcast_in_dim3A_409] : memref<100x65xf32, #tpu.memory_space<vmem>>[vector<16xi32>, vector<16xi32>], vector<16xf32>,
      tpu.vector_store_idx %arg14[%add3A_305, %broadcast_in_dim3A_409], %gather3A_411 : memref<128x65xf32, #tpu.memory_space<vmem>>[vector<16xi32>, vector<16xi32>], vector<16xf32>,
      %broadcast_in_dim3A_412 = arith.constant 27 : i32
      %broadcast_in_dim3A_413 = vector.broadcast %broadcast_in_dim3A_412 : i32 to vector<16xi32>
      %gather3A_414 = tpu.vector_load_idx %arg15[%get3A_295, %broadcast_in_dim3A_413] : memref<1000x65xf32, #tpu.memory_space<vmem>>[vector<16xi32>, vector<16xi32>], vector<16xf32>,
      tpu.vector_store_idx %arg13[%add3A_305, %broadcast_in_dim3A_413], %gather3A_414 : memref<128x65xf32, #tpu.memory_space<vmem>>[vector<16xi32>, vector<16xi32>], vector<16xf32>,
      %gather3A_415 = tpu.vector_load_idx %arg16[%get3A_301, %broadcast_in_dim3A_413] : memref<100x65xf32, #tpu.memory_space<vmem>>[vector<16xi32>, vector<16xi32>], vector<16xf32>,
      tpu.vector_store_idx %arg14[%add3A_305, %broadcast_in_dim3A_413], %gather3A_415 : memref<128x65xf32, #tpu.memory_space<vmem>>[vector<16xi32>, vector<16xi32>], vector<16xf32>,
      %broadcast_in_dim3A_416 = arith.constant 28 : i32
      %broadcast_in_dim3A_417 = vector.broadcast %broadcast_in_dim3A_416 : i32 to vector<16xi32>
      %gather3A_418 = tpu.vector_load_idx %arg15[%get3A_295, %broadcast_in_dim3A_417] : memref<1000x65xf32, #tpu.memory_space<vmem>>[vector<16xi32>, vector<16xi32>], vector<16xf32>,
      tpu.vector_store_idx %arg13[%add3A_305, %broadcast_in_dim3A_417], %gather3A_418 : memref<128x65xf32, #tpu.memory_space<vmem>>[vector<16xi32>, vector<16xi32>], vector<16xf32>,
      %gather3A_419 = tpu.vector_load_idx %arg16[%get3A_301, %broadcast_in_dim3A_417] : memref<100x65xf32, #tpu.memory_space<vmem>>[vector<16xi32>, vector<16xi32>], vector<16xf32>,
      tpu.vector_store_idx %arg14[%add3A_305, %broadcast_in_dim3A_417], %gather3A_419 : memref<128x65xf32, #tpu.memory_space<vmem>>[vector<16xi32>, vector<16xi32>], vector<16xf32>,
      %broadcast_in_dim3A_420 = arith.constant 29 : i32
      %broadcast_in_dim3A_421 = vector.broadcast %broadcast_in_dim3A_420 : i32 to vector<16xi32>
      %gather3A_422 = tpu.vector_load_idx %arg15[%get3A_295, %broadcast_in_dim3A_421] : memref<1000x65xf32, #tpu.memory_space<vmem>>[vector<16xi32>, vector<16xi32>], vector<16xf32>,
      tpu.vector_store_idx %arg13[%add3A_305, %broadcast_in_dim3A_421], %gather3A_422 : memref<128x65xf32, #tpu.memory_space<vmem>>[vector<16xi32>, vector<16xi32>], vector<16xf32>,
      %gather3A_423 = tpu.vector_load_idx %arg16[%get3A_301, %broadcast_in_dim3A_421] : memref<100x65xf32, #tpu.memory_space<vmem>>[vector<16xi32>, vector<16xi32>], vector<16xf32>,
      tpu.vector_store_idx %arg14[%add3A_305, %broadcast_in_dim3A_421], %gather3A_423 : memref<128x65xf32, #tpu.memory_space<vmem>>[vector<16xi32>, vector<16xi32>], vector<16xf32>,
      %broadcast_in_dim3A_424 = arith.constant 30 : i32
      %broadcast_in_dim3A_425 = vector.broadcast %broadcast_in_dim3A_424 : i32 to vector<16xi32>
      %gather3A_426 = tpu.vector_load_idx %arg15[%get3A_295, %broadcast_in_dim3A_425] : memref<1000x65xf32, #tpu.memory_space<vmem>>[vector<16xi32>, vector<16xi32>], vector<16xf32>,
      tpu.vector_store_idx %arg13[%add3A_305, %broadcast_in_dim3A_425], %gather3A_426 : memref<128x65xf32, #tpu.memory_space<vmem>>[vector<16xi32>, vector<16xi32>], vector<16xf32>,
      %gather3A_427 = tpu.vector_load_idx %arg16[%get3A_301, %broadcast_in_dim3A_425] : memref<100x65xf32, #tpu.memory_space<vmem>>[vector<16xi32>, vector<16xi32>], vector<16xf32>,
      tpu.vector_store_idx %arg14[%add3A_305, %broadcast_in_dim3A_425], %gather3A_427 : memref<128x65xf32, #tpu.memory_space<vmem>>[vector<16xi32>, vector<16xi32>], vector<16xf32>,
      %broadcast_in_dim3A_428 = arith.constant 31 : i32
      %broadcast_in_dim3A_429 = vector.broadcast %broadcast_in_dim3A_428 : i32 to vector<16xi32>
      %gather3A_430 = tpu.vector_load_idx %arg15[%get3A_295, %broadcast_in_dim3A_429] : memref<1000x65xf32, #tpu.memory_space<vmem>>[vector<16xi32>, vector<16xi32>], vector<16xf32>,
      tpu.vector_store_idx %arg13[%add3A_305, %broadcast_in_dim3A_429], %gather3A_430 : memref<128x65xf32, #tpu.memory_space<vmem>>[vector<16xi32>, vector<16xi32>], vector<16xf32>,
      %gather3A_431 = tpu.vector_load_idx %arg16[%get3A_301, %broadcast_in_dim3A_429] : memref<100x65xf32, #tpu.memory_space<vmem>>[vector<16xi32>, vector<16xi32>], vector<16xf32>,
      tpu.vector_store_idx %arg14[%add3A_305, %broadcast_in_dim3A_429], %gather3A_431 : memref<128x65xf32, #tpu.memory_space<vmem>>[vector<16xi32>, vector<16xi32>], vector<16xf32>,
      %broadcast_in_dim3A_432 = arith.constant 32 : i32
      %broadcast_in_dim3A_433 = vector.broadcast %broadcast_in_dim3A_432 : i32 to vector<16xi32>
      %gather3A_434 = tpu.vector_load_idx %arg15[%get3A_295, %broadcast_in_dim3A_433] : memref<1000x65xf32, #tpu.memory_space<vmem>>[vector<16xi32>, vector<16xi32>], vector<16xf32>,
      tpu.vector_store_idx %arg13[%add3A_305, %broadcast_in_dim3A_433], %gather3A_434 : memref<128x65xf32, #tpu.memory_space<vmem>>[vector<16xi32>, vector<16xi32>], vector<16xf32>,
      %gather3A_435 = tpu.vector_load_idx %arg16[%get3A_301, %broadcast_in_dim3A_433] : memref<100x65xf32, #tpu.memory_space<vmem>>[vector<16xi32>, vector<16xi32>], vector<16xf32>,
      tpu.vector_store_idx %arg14[%add3A_305, %broadcast_in_dim3A_433], %gather3A_435 : memref<128x65xf32, #tpu.memory_space<vmem>>[vector<16xi32>, vector<16xi32>], vector<16xf32>,
      %broadcast_in_dim3A_436 = arith.constant 33 : i32
      %broadcast_in_dim3A_437 = vector.broadcast %broadcast_in_dim3A_436 : i32 to vector<16xi32>
      %gather3A_438 = tpu.vector_load_idx %arg15[%get3A_295, %broadcast_in_dim3A_437] : memref<1000x65xf32, #tpu.memory_space<vmem>>[vector<16xi32>, vector<16xi32>], vector<16xf32>,
      tpu.vector_store_idx %arg13[%add3A_305, %broadcast_in_dim3A_437], %gather3A_438 : memref<128x65xf32, #tpu.memory_space<vmem>>[vector<16xi32>, vector<16xi32>], vector<16xf32>,
      %gather3A_439 = tpu.vector_load_idx %arg16[%get3A_301, %broadcast_in_dim3A_437] : memref<100x65xf32, #tpu.memory_space<vmem>>[vector<16xi32>, vector<16xi32>], vector<16xf32>,
      tpu.vector_store_idx %arg14[%add3A_305, %broadcast_in_dim3A_437], %gather3A_439 : memref<128x65xf32, #tpu.memory_space<vmem>>[vector<16xi32>, vector<16xi32>], vector<16xf32>,
      %broadcast_in_dim3A_440 = arith.constant 34 : i32
      %broadcast_in_dim3A_441 = vector.broadcast %broadcast_in_dim3A_440 : i32 to vector<16xi32>
      %gather3A_442 = tpu.vector_load_idx %arg15[%get3A_295, %broadcast_in_dim3A_441] : memref<1000x65xf32, #tpu.memory_space<vmem>>[vector<16xi32>, vector<16xi32>], vector<16xf32>,
      tpu.vector_store_idx %arg13[%add3A_305, %broadcast_in_dim3A_441], %gather3A_442 : memref<128x65xf32, #tpu.memory_space<vmem>>[vector<16xi32>, vector<16xi32>], vector<16xf32>,
      %gather3A_443 = tpu.vector_load_idx %arg16[%get3A_301, %broadcast_in_dim3A_441] : memref<100x65xf32, #tpu.memory_space<vmem>>[vector<16xi32>, vector<16xi32>], vector<16xf32>,
      tpu.vector_store_idx %arg14[%add3A_305, %broadcast_in_dim3A_441], %gather3A_443 : memref<128x65xf32, #tpu.memory_space<vmem>>[vector<16xi32>, vector<16xi32>], vector<16xf32>,
      %broadcast_in_dim3A_444 = arith.constant 35 : i32
      %broadcast_in_dim3A_445 = vector.broadcast %broadcast_in_dim3A_444 : i32 to vector<16xi32>
      %gather3A_446 = tpu.vector_load_idx %arg15[%get3A_295, %broadcast_in_dim3A_445] : memref<1000x65xf32, #tpu.memory_space<vmem>>[vector<16xi32>, vector<16xi32>], vector<16xf32>,
      tpu.vector_store_idx %arg13[%add3A_305, %broadcast_in_dim3A_445], %gather3A_446 : memref<128x65xf32, #tpu.memory_space<vmem>>[vector<16xi32>, vector<16xi32>], vector<16xf32>,
      %gather3A_447 = tpu.vector_load_idx %arg16[%get3A_301, %broadcast_in_dim3A_445] : memref<100x65xf32, #tpu.memory_space<vmem>>[vector<16xi32>, vector<16xi32>], vector<16xf32>,
      tpu.vector_store_idx %arg14[%add3A_305, %broadcast_in_dim3A_445], %gather3A_447 : memref<128x65xf32, #tpu.memory_space<vmem>>[vector<16xi32>, vector<16xi32>], vector<16xf32>,
      %broadcast_in_dim3A_448 = arith.constant 36 : i32
      %broadcast_in_dim3A_449 = vector.broadcast %broadcast_in_dim3A_448 : i32 to vector<16xi32>
      %gather3A_450 = tpu.vector_load_idx %arg15[%get3A_295, %broadcast_in_dim3A_449] : memref<1000x65xf32, #tpu.memory_space<vmem>>[vector<16xi32>, vector<16xi32>], vector<16xf32>,
      tpu.vector_store_idx %arg13[%add3A_305, %broadcast_in_dim3A_449], %gather3A_450 : memref<128x65xf32, #tpu.memory_space<vmem>>[vector<16xi32>, vector<16xi32>], vector<16xf32>,
      %gather3A_451 = tpu.vector_load_idx %arg16[%get3A_301, %broadcast_in_dim3A_449] : memref<100x65xf32, #tpu.memory_space<vmem>>[vector<16xi32>, vector<16xi32>], vector<16xf32>,
      tpu.vector_store_idx %arg14[%add3A_305, %broadcast_in_dim3A_449], %gather3A_451 : memref<128x65xf32, #tpu.memory_space<vmem>>[vector<16xi32>, vector<16xi32>], vector<16xf32>,
      %broadcast_in_dim3A_452 = arith.constant 37 : i32
      %broadcast_in_dim3A_453 = vector.broadcast %broadcast_in_dim3A_452 : i32 to vector<16xi32>
      %gather3A_454 = tpu.vector_load_idx %arg15[%get3A_295, %broadcast_in_dim3A_453] : memref<1000x65xf32, #tpu.memory_space<vmem>>[vector<16xi32>, vector<16xi32>], vector<16xf32>,
      tpu.vector_store_idx %arg13[%add3A_305, %broadcast_in_dim3A_453], %gather3A_454 : memref<128x65xf32, #tpu.memory_space<vmem>>[vector<16xi32>, vector<16xi32>], vector<16xf32>,
      %gather3A_455 = tpu.vector_load_idx %arg16[%get3A_301, %broadcast_in_dim3A_453] : memref<100x65xf32, #tpu.memory_space<vmem>>[vector<16xi32>, vector<16xi32>], vector<16xf32>,
      tpu.vector_store_idx %arg14[%add3A_305, %broadcast_in_dim3A_453], %gather3A_455 : memref<128x65xf32, #tpu.memory_space<vmem>>[vector<16xi32>, vector<16xi32>], vector<16xf32>,
      %broadcast_in_dim3A_456 = arith.constant 38 : i32
      %broadcast_in_dim3A_457 = vector.broadcast %broadcast_in_dim3A_456 : i32 to vector<16xi32>
      %gather3A_458 = tpu.vector_load_idx %arg15[%get3A_295, %broadcast_in_dim3A_457] : memref<1000x65xf32, #tpu.memory_space<vmem>>[vector<16xi32>, vector<16xi32>], vector<16xf32>,
      tpu.vector_store_idx %arg13[%add3A_305, %broadcast_in_dim3A_457], %gather3A_458 : memref<128x65xf32, #tpu.memory_space<vmem>>[vector<16xi32>, vector<16xi32>], vector<16xf32>,
      %gather3A_459 = tpu.vector_load_idx %arg16[%get3A_301, %broadcast_in_dim3A_457] : memref<100x65xf32, #tpu.memory_space<vmem>>[vector<16xi32>, vector<16xi32>], vector<16xf32>,
      tpu.vector_store_idx %arg14[%add3A_305, %broadcast_in_dim3A_457], %gather3A_459 : memref<128x65xf32, #tpu.memory_space<vmem>>[vector<16xi32>, vector<16xi32>], vector<16xf32>,
      %broadcast_in_dim3A_460 = arith.constant 39 : i32
      %broadcast_in_dim3A_461 = vector.broadcast %broadcast_in_dim3A_460 : i32 to vector<16xi32>
      %gather3A_462 = tpu.vector_load_idx %arg15[%get3A_295, %broadcast_in_dim3A_461] : memref<1000x65xf32, #tpu.memory_space<vmem>>[vector<16xi32>, vector<16xi32>], vector<16xf32>,
      tpu.vector_store_idx %arg13[%add3A_305, %broadcast_in_dim3A_461], %gather3A_462 : memref<128x65xf32, #tpu.memory_space<vmem>>[vector<16xi32>, vector<16xi32>], vector<16xf32>,
      %gather3A_463 = tpu.vector_load_idx %arg16[%get3A_301, %broadcast_in_dim3A_461] : memref<100x65xf32, #tpu.memory_space<vmem>>[vector<16xi32>, vector<16xi32>], vector<16xf32>,
      tpu.vector_store_idx %arg14[%add3A_305, %broadcast_in_dim3A_461], %gather3A_463 : memref<128x65xf32, #tpu.memory_space<vmem>>[vector<16xi32>, vector<16xi32>], vector<16xf32>,
      %broadcast_in_dim3A_464 = arith.constant 40 : i32
      %broadcast_in_dim3A_465 = vector.broadcast %broadcast_in_dim3A_464 : i32 to vector<16xi32>
      %gather3A_466 = tpu.vector_load_idx %arg15[%get3A_295, %broadcast_in_dim3A_465] : memref<1000x65xf32, #tpu.memory_space<vmem>>[vector<16xi32>, vector<16xi32>], vector<16xf32>,
      tpu.vector_store_idx %arg13[%add3A_305, %broadcast_in_dim3A_465], %gather3A_466 : memref<128x65xf32, #tpu.memory_space<vmem>>[vector<16xi32>, vector<16xi32>], vector<16xf32>,
      %gather3A_467 = tpu.vector_load_idx %arg16[%get3A_301, %broadcast_in_dim3A_465] : memref<100x65xf32, #tpu.memory_space<vmem>>[vector<16xi32>, vector<16xi32>], vector<16xf32>,
      tpu.vector_store_idx %arg14[%add3A_305, %broadcast_in_dim3A_465], %gather3A_467 : memref<128x65xf32, #tpu.memory_space<vmem>>[vector<16xi32>, vector<16xi32>], vector<16xf32>,
      %broadcast_in_dim3A_468 = arith.constant 41 : i32
      %broadcast_in_dim3A_469 = vector.broadcast %broadcast_in_dim3A_468 : i32 to vector<16xi32>
      %gather3A_470 = tpu.vector_load_idx %arg15[%get3A_295, %broadcast_in_dim3A_469] : memref<1000x65xf32, #tpu.memory_space<vmem>>[vector<16xi32>, vector<16xi32>], vector<16xf32>,
      tpu.vector_store_idx %arg13[%add3A_305, %broadcast_in_dim3A_469], %gather3A_470 : memref<128x65xf32, #tpu.memory_space<vmem>>[vector<16xi32>, vector<16xi32>], vector<16xf32>,
      %gather3A_471 = tpu.vector_load_idx %arg16[%get3A_301, %broadcast_in_dim3A_469] : memref<100x65xf32, #tpu.memory_space<vmem>>[vector<16xi32>, vector<16xi32>], vector<16xf32>,
      tpu.vector_store_idx %arg14[%add3A_305, %broadcast_in_dim3A_469], %gather3A_471 : memref<128x65xf32, #tpu.memory_space<vmem>>[vector<16xi32>, vector<16xi32>], vector<16xf32>,
      %broadcast_in_dim3A_472 = arith.constant 42 : i32
      %broadcast_in_dim3A_473 = vector.broadcast %broadcast_in_dim3A_472 : i32 to vector<16xi32>
      %gather3A_474 = tpu.vector_load_idx %arg15[%get3A_295, %broadcast_in_dim3A_473] : memref<1000x65xf32, #tpu.memory_space<vmem>>[vector<16xi32>, vector<16xi32>], vector<16xf32>,
      tpu.vector_store_idx %arg13[%add3A_305, %broadcast_in_dim3A_473], %gather3A_474 : memref<128x65xf32, #tpu.memory_space<vmem>>[vector<16xi32>, vector<16xi32>], vector<16xf32>,
      %gather3A_475 = tpu.vector_load_idx %arg16[%get3A_301, %broadcast_in_dim3A_473] : memref<100x65xf32, #tpu.memory_space<vmem>>[vector<16xi32>, vector<16xi32>], vector<16xf32>,
      tpu.vector_store_idx %arg14[%add3A_305, %broadcast_in_dim3A_473], %gather3A_475 : memref<128x65xf32, #tpu.memory_space<vmem>>[vector<16xi32>, vector<16xi32>], vector<16xf32>,
      %broadcast_in_dim3A_476 = arith.constant 43 : i32
      %broadcast_in_dim3A_477 = vector.broadcast %broadcast_in_dim3A_476 : i32 to vector<16xi32>
      %gather3A_478 = tpu.vector_load_idx %arg15[%get3A_295, %broadcast_in_dim3A_477] : memref<1000x65xf32, #tpu.memory_space<vmem>>[vector<16xi32>, vector<16xi32>], vector<16xf32>,
      tpu.vector_store_idx %arg13[%add3A_305, %broadcast_in_dim3A_477], %gather3A_478 : memref<128x65xf32, #tpu.memory_space<vmem>>[vector<16xi32>, vector<16xi32>], vector<16xf32>,
      %gather3A_479 = tpu.vector_load_idx %arg16[%get3A_301, %broadcast_in_dim3A_477] : memref<100x65xf32, #tpu.memory_space<vmem>>[vector<16xi32>, vector<16xi32>], vector<16xf32>,
      tpu.vector_store_idx %arg14[%add3A_305, %broadcast_in_dim3A_477], %gather3A_479 : memref<128x65xf32, #tpu.memory_space<vmem>>[vector<16xi32>, vector<16xi32>], vector<16xf32>,
      %broadcast_in_dim3A_480 = arith.constant 44 : i32
      %broadcast_in_dim3A_481 = vector.broadcast %broadcast_in_dim3A_480 : i32 to vector<16xi32>
      %gather3A_482 = tpu.vector_load_idx %arg15[%get3A_295, %broadcast_in_dim3A_481] : memref<1000x65xf32, #tpu.memory_space<vmem>>[vector<16xi32>, vector<16xi32>], vector<16xf32>,
      tpu.vector_store_idx %arg13[%add3A_305, %broadcast_in_dim3A_481], %gather3A_482 : memref<128x65xf32, #tpu.memory_space<vmem>>[vector<16xi32>, vector<16xi32>], vector<16xf32>,
      %gather3A_483 = tpu.vector_load_idx %arg16[%get3A_301, %broadcast_in_dim3A_481] : memref<100x65xf32, #tpu.memory_space<vmem>>[vector<16xi32>, vector<16xi32>], vector<16xf32>,
      tpu.vector_store_idx %arg14[%add3A_305, %broadcast_in_dim3A_481], %gather3A_483 : memref<128x65xf32, #tpu.memory_space<vmem>>[vector<16xi32>, vector<16xi32>], vector<16xf32>,
      %broadcast_in_dim3A_484 = arith.constant 45 : i32
      %broadcast_in_dim3A_485 = vector.broadcast %broadcast_in_dim3A_484 : i32 to vector<16xi32>
      %gather3A_486 = tpu.vector_load_idx %arg15[%get3A_295, %broadcast_in_dim3A_485] : memref<1000x65xf32, #tpu.memory_space<vmem>>[vector<16xi32>, vector<16xi32>], vector<16xf32>,
      tpu.vector_store_idx %arg13[%add3A_305, %broadcast_in_dim3A_485], %gather3A_486 : memref<128x65xf32, #tpu.memory_space<vmem>>[vector<16xi32>, vector<16xi32>], vector<16xf32>,
      %gather3A_487 = tpu.vector_load_idx %arg16[%get3A_301, %broadcast_in_dim3A_485] : memref<100x65xf32, #tpu.memory_space<vmem>>[vector<16xi32>, vector<16xi32>], vector<16xf32>,
      tpu.vector_store_idx %arg14[%add3A_305, %broadcast_in_dim3A_485], %gather3A_487 : memref<128x65xf32, #tpu.memory_space<vmem>>[vector<16xi32>, vector<16xi32>], vector<16xf32>,
      %broadcast_in_dim3A_488 = arith.constant 46 : i32
      %broadcast_in_dim3A_489 = vector.broadcast %broadcast_in_dim3A_488 : i32 to vector<16xi32>
      %gather3A_490 = tpu.vector_load_idx %arg15[%get3A_295, %broadcast_in_dim3A_489] : memref<1000x65xf32, #tpu.memory_space<vmem>>[vector<16xi32>, vector<16xi32>], vector<16xf32>,
      tpu.vector_store_idx %arg13[%add3A_305, %broadcast_in_dim3A_489], %gather3A_490 : memref<128x65xf32, #tpu.memory_space<vmem>>[vector<16xi32>, vector<16xi32>], vector<16xf32>,
      %gather3A_491 = tpu.vector_load_idx %arg16[%get3A_301, %broadcast_in_dim3A_489] : memref<100x65xf32, #tpu.memory_space<vmem>>[vector<16xi32>, vector<16xi32>], vector<16xf32>,
      tpu.vector_store_idx %arg14[%add3A_305, %broadcast_in_dim3A_489], %gather3A_491 : memref<128x65xf32, #tpu.memory_space<vmem>>[vector<16xi32>, vector<16xi32>], vector<16xf32>,
      %broadcast_in_dim3A_492 = arith.constant 47 : i32
      %broadcast_in_dim3A_493 = vector.broadcast %broadcast_in_dim3A_492 : i32 to vector<16xi32>
      %gather3A_494 = tpu.vector_load_idx %arg15[%get3A_295, %broadcast_in_dim3A_493] : memref<1000x65xf32, #tpu.memory_space<vmem>>[vector<16xi32>, vector<16xi32>], vector<16xf32>,
      tpu.vector_store_idx %arg13[%add3A_305, %broadcast_in_dim3A_493], %gather3A_494 : memref<128x65xf32, #tpu.memory_space<vmem>>[vector<16xi32>, vector<16xi32>], vector<16xf32>,
      %gather3A_495 = tpu.vector_load_idx %arg16[%get3A_301, %broadcast_in_dim3A_493] : memref<100x65xf32, #tpu.memory_space<vmem>>[vector<16xi32>, vector<16xi32>], vector<16xf32>,
      tpu.vector_store_idx %arg14[%add3A_305, %broadcast_in_dim3A_493], %gather3A_495 : memref<128x65xf32, #tpu.memory_space<vmem>>[vector<16xi32>, vector<16xi32>], vector<16xf32>,
      %broadcast_in_dim3A_496 = arith.constant 48 : i32
      %broadcast_in_dim3A_497 = vector.broadcast %broadcast_in_dim3A_496 : i32 to vector<16xi32>
      %gather3A_498 = tpu.vector_load_idx %arg15[%get3A_295, %broadcast_in_dim3A_497] : memref<1000x65xf32, #tpu.memory_space<vmem>>[vector<16xi32>, vector<16xi32>], vector<16xf32>,
      tpu.vector_store_idx %arg13[%add3A_305, %broadcast_in_dim3A_497], %gather3A_498 : memref<128x65xf32, #tpu.memory_space<vmem>>[vector<16xi32>, vector<16xi32>], vector<16xf32>,
      %gather3A_499 = tpu.vector_load_idx %arg16[%get3A_301, %broadcast_in_dim3A_497] : memref<100x65xf32, #tpu.memory_space<vmem>>[vector<16xi32>, vector<16xi32>], vector<16xf32>,
      tpu.vector_store_idx %arg14[%add3A_305, %broadcast_in_dim3A_497], %gather3A_499 : memref<128x65xf32, #tpu.memory_space<vmem>>[vector<16xi32>, vector<16xi32>], vector<16xf32>,
      %broadcast_in_dim3A_500 = arith.constant 49 : i32
      %broadcast_in_dim3A_501 = vector.broadcast %broadcast_in_dim3A_500 : i32 to vector<16xi32>
      %gather3A_502 = tpu.vector_load_idx %arg15[%get3A_295, %broadcast_in_dim3A_501] : memref<1000x65xf32, #tpu.memory_space<vmem>>[vector<16xi32>, vector<16xi32>], vector<16xf32>,
      tpu.vector_store_idx %arg13[%add3A_305, %broadcast_in_dim3A_501], %gather3A_502 : memref<128x65xf32, #tpu.memory_space<vmem>>[vector<16xi32>, vector<16xi32>], vector<16xf32>,
      %gather3A_503 = tpu.vector_load_idx %arg16[%get3A_301, %broadcast_in_dim3A_501] : memref<100x65xf32, #tpu.memory_space<vmem>>[vector<16xi32>, vector<16xi32>], vector<16xf32>,
      tpu.vector_store_idx %arg14[%add3A_305, %broadcast_in_dim3A_501], %gather3A_503 : memref<128x65xf32, #tpu.memory_space<vmem>>[vector<16xi32>, vector<16xi32>], vector<16xf32>,
      %broadcast_in_dim3A_504 = arith.constant 50 : i32
      %broadcast_in_dim3A_505 = vector.broadcast %broadcast_in_dim3A_504 : i32 to vector<16xi32>
      %gather3A_506 = tpu.vector_load_idx %arg15[%get3A_295, %broadcast_in_dim3A_505] : memref<1000x65xf32, #tpu.memory_space<vmem>>[vector<16xi32>, vector<16xi32>], vector<16xf32>,
      tpu.vector_store_idx %arg13[%add3A_305, %broadcast_in_dim3A_505], %gather3A_506 : memref<128x65xf32, #tpu.memory_space<vmem>>[vector<16xi32>, vector<16xi32>], vector<16xf32>,
      %gather3A_507 = tpu.vector_load_idx %arg16[%get3A_301, %broadcast_in_dim3A_505] : memref<100x65xf32, #tpu.memory_space<vmem>>[vector<16xi32>, vector<16xi32>], vector<16xf32>,
      tpu.vector_store_idx %arg14[%add3A_305, %broadcast_in_dim3A_505], %gather3A_507 : memref<128x65xf32, #tpu.memory_space<vmem>>[vector<16xi32>, vector<16xi32>], vector<16xf32>,
      %broadcast_in_dim3A_508 = arith.constant 51 : i32
      %broadcast_in_dim3A_509 = vector.broadcast %broadcast_in_dim3A_508 : i32 to vector<16xi32>
      %gather3A_510 = tpu.vector_load_idx %arg15[%get3A_295, %broadcast_in_dim3A_509] : memref<1000x65xf32, #tpu.memory_space<vmem>>[vector<16xi32>, vector<16xi32>], vector<16xf32>,
      tpu.vector_store_idx %arg13[%add3A_305, %broadcast_in_dim3A_509], %gather3A_510 : memref<128x65xf32, #tpu.memory_space<vmem>>[vector<16xi32>, vector<16xi32>], vector<16xf32>,
      %gather3A_511 = tpu.vector_load_idx %arg16[%get3A_301, %broadcast_in_dim3A_509] : memref<100x65xf32, #tpu.memory_space<vmem>>[vector<16xi32>, vector<16xi32>], vector<16xf32>,
      tpu.vector_store_idx %arg14[%add3A_305, %broadcast_in_dim3A_509], %gather3A_511 : memref<128x65xf32, #tpu.memory_space<vmem>>[vector<16xi32>, vector<16xi32>], vector<16xf32>,
      %broadcast_in_dim3A_512 = arith.constant 52 : i32
      %broadcast_in_dim3A_513 = vector.broadcast %broadcast_in_dim3A_512 : i32 to vector<16xi32>
      %gather3A_514 = tpu.vector_load_idx %arg15[%get3A_295, %broadcast_in_dim3A_513] : memref<1000x65xf32, #tpu.memory_space<vmem>>[vector<16xi32>, vector<16xi32>], vector<16xf32>,
      tpu.vector_store_idx %arg13[%add3A_305, %broadcast_in_dim3A_513], %gather3A_514 : memref<128x65xf32, #tpu.memory_space<vmem>>[vector<16xi32>, vector<16xi32>], vector<16xf32>,
      %gather3A_515 = tpu.vector_load_idx %arg16[%get3A_301, %broadcast_in_dim3A_513] : memref<100x65xf32, #tpu.memory_space<vmem>>[vector<16xi32>, vector<16xi32>], vector<16xf32>,
      tpu.vector_store_idx %arg14[%add3A_305, %broadcast_in_dim3A_513], %gather3A_515 : memref<128x65xf32, #tpu.memory_space<vmem>>[vector<16xi32>, vector<16xi32>], vector<16xf32>,
      %broadcast_in_dim3A_516 = arith.constant 53 : i32
      %broadcast_in_dim3A_517 = vector.broadcast %broadcast_in_dim3A_516 : i32 to vector<16xi32>
      %gather3A_518 = tpu.vector_load_idx %arg15[%get3A_295, %broadcast_in_dim3A_517] : memref<1000x65xf32, #tpu.memory_space<vmem>>[vector<16xi32>, vector<16xi32>], vector<16xf32>,
      tpu.vector_store_idx %arg13[%add3A_305, %broadcast_in_dim3A_517], %gather3A_518 : memref<128x65xf32, #tpu.memory_space<vmem>>[vector<16xi32>, vector<16xi32>], vector<16xf32>,
      %gather3A_519 = tpu.vector_load_idx %arg16[%get3A_301, %broadcast_in_dim3A_517] : memref<100x65xf32, #tpu.memory_space<vmem>>[vector<16xi32>, vector<16xi32>], vector<16xf32>,
      tpu.vector_store_idx %arg14[%add3A_305, %broadcast_in_dim3A_517], %gather3A_519 : memref<128x65xf32, #tpu.memory_space<vmem>>[vector<16xi32>, vector<16xi32>], vector<16xf32>,
      %broadcast_in_dim3A_520 = arith.constant 54 : i32
      %broadcast_in_dim3A_521 = vector.broadcast %broadcast_in_dim3A_520 : i32 to vector<16xi32>
      %gather3A_522 = tpu.vector_load_idx %arg15[%get3A_295, %broadcast_in_dim3A_521] : memref<1000x65xf32, #tpu.memory_space<vmem>>[vector<16xi32>, vector<16xi32>], vector<16xf32>,
      tpu.vector_store_idx %arg13[%add3A_305, %broadcast_in_dim3A_521], %gather3A_522 : memref<128x65xf32, #tpu.memory_space<vmem>>[vector<16xi32>, vector<16xi32>], vector<16xf32>,
      %gather3A_523 = tpu.vector_load_idx %arg16[%get3A_301, %broadcast_in_dim3A_521] : memref<100x65xf32, #tpu.memory_space<vmem>>[vector<16xi32>, vector<16xi32>], vector<16xf32>,
      tpu.vector_store_idx %arg14[%add3A_305, %broadcast_in_dim3A_521], %gather3A_523 : memref<128x65xf32, #tpu.memory_space<vmem>>[vector<16xi32>, vector<16xi32>], vector<16xf32>,
      %broadcast_in_dim3A_524 = arith.constant 55 : i32
      %broadcast_in_dim3A_525 = vector.broadcast %broadcast_in_dim3A_524 : i32 to vector<16xi32>
      %gather3A_526 = tpu.vector_load_idx %arg15[%get3A_295, %broadcast_in_dim3A_525] : memref<1000x65xf32, #tpu.memory_space<vmem>>[vector<16xi32>, vector<16xi32>], vector<16xf32>,
      tpu.vector_store_idx %arg13[%add3A_305, %broadcast_in_dim3A_525], %gather3A_526 : memref<128x65xf32, #tpu.memory_space<vmem>>[vector<16xi32>, vector<16xi32>], vector<16xf32>,
      %gather3A_527 = tpu.vector_load_idx %arg16[%get3A_301, %broadcast_in_dim3A_525] : memref<100x65xf32, #tpu.memory_space<vmem>>[vector<16xi32>, vector<16xi32>], vector<16xf32>,
      tpu.vector_store_idx %arg14[%add3A_305, %broadcast_in_dim3A_525], %gather3A_527 : memref<128x65xf32, #tpu.memory_space<vmem>>[vector<16xi32>, vector<16xi32>], vector<16xf32>,
      %broadcast_in_dim3A_528 = arith.constant 56 : i32
      %broadcast_in_dim3A_529 = vector.broadcast %broadcast_in_dim3A_528 : i32 to vector<16xi32>
      %gather3A_530 = tpu.vector_load_idx %arg15[%get3A_295, %broadcast_in_dim3A_529] : memref<1000x65xf32, #tpu.memory_space<vmem>>[vector<16xi32>, vector<16xi32>], vector<16xf32>,
      tpu.vector_store_idx %arg13[%add3A_305, %broadcast_in_dim3A_529], %gather3A_530 : memref<128x65xf32, #tpu.memory_space<vmem>>[vector<16xi32>, vector<16xi32>], vector<16xf32>,
      %gather3A_531 = tpu.vector_load_idx %arg16[%get3A_301, %broadcast_in_dim3A_529] : memref<100x65xf32, #tpu.memory_space<vmem>>[vector<16xi32>, vector<16xi32>], vector<16xf32>,
      tpu.vector_store_idx %arg14[%add3A_305, %broadcast_in_dim3A_529], %gather3A_531 : memref<128x65xf32, #tpu.memory_space<vmem>>[vector<16xi32>, vector<16xi32>], vector<16xf32>,
      %broadcast_in_dim3A_532 = arith.constant 57 : i32
      %broadcast_in_dim3A_533 = vector.broadcast %broadcast_in_dim3A_532 : i32 to vector<16xi32>
      %gather3A_534 = tpu.vector_load_idx %arg15[%get3A_295, %broadcast_in_dim3A_533] : memref<1000x65xf32, #tpu.memory_space<vmem>>[vector<16xi32>, vector<16xi32>], vector<16xf32>,
      tpu.vector_store_idx %arg13[%add3A_305, %broadcast_in_dim3A_533], %gather3A_534 : memref<128x65xf32, #tpu.memory_space<vmem>>[vector<16xi32>, vector<16xi32>], vector<16xf32>,
      %gather3A_535 = tpu.vector_load_idx %arg16[%get3A_301, %broadcast_in_dim3A_533] : memref<100x65xf32, #tpu.memory_space<vmem>>[vector<16xi32>, vector<16xi32>], vector<16xf32>,
      tpu.vector_store_idx %arg14[%add3A_305, %broadcast_in_dim3A_533], %gather3A_535 : memref<128x65xf32, #tpu.memory_space<vmem>>[vector<16xi32>, vector<16xi32>], vector<16xf32>,
      %broadcast_in_dim3A_536 = arith.constant 58 : i32
      %broadcast_in_dim3A_537 = vector.broadcast %broadcast_in_dim3A_536 : i32 to vector<16xi32>
      %gather3A_538 = tpu.vector_load_idx %arg15[%get3A_295, %broadcast_in_dim3A_537] : memref<1000x65xf32, #tpu.memory_space<vmem>>[vector<16xi32>, vector<16xi32>], vector<16xf32>,
      tpu.vector_store_idx %arg13[%add3A_305, %broadcast_in_dim3A_537], %gather3A_538 : memref<128x65xf32, #tpu.memory_space<vmem>>[vector<16xi32>, vector<16xi32>], vector<16xf32>,
      %gather3A_539 = tpu.vector_load_idx %arg16[%get3A_301, %broadcast_in_dim3A_537] : memref<100x65xf32, #tpu.memory_space<vmem>>[vector<16xi32>, vector<16xi32>], vector<16xf32>,
      tpu.vector_store_idx %arg14[%add3A_305, %broadcast_in_dim3A_537], %gather3A_539 : memref<128x65xf32, #tpu.memory_space<vmem>>[vector<16xi32>, vector<16xi32>], vector<16xf32>,
      %broadcast_in_dim3A_540 = arith.constant 59 : i32
      %broadcast_in_dim3A_541 = vector.broadcast %broadcast_in_dim3A_540 : i32 to vector<16xi32>
      %gather3A_542 = tpu.vector_load_idx %arg15[%get3A_295, %broadcast_in_dim3A_541] : memref<1000x65xf32, #tpu.memory_space<vmem>>[vector<16xi32>, vector<16xi32>], vector<16xf32>,
      tpu.vector_store_idx %arg13[%add3A_305, %broadcast_in_dim3A_541], %gather3A_542 : memref<128x65xf32, #tpu.memory_space<vmem>>[vector<16xi32>, vector<16xi32>], vector<16xf32>,
      %gather3A_543 = tpu.vector_load_idx %arg16[%get3A_301, %broadcast_in_dim3A_541] : memref<100x65xf32, #tpu.memory_space<vmem>>[vector<16xi32>, vector<16xi32>], vector<16xf32>,
      tpu.vector_store_idx %arg14[%add3A_305, %broadcast_in_dim3A_541], %gather3A_543 : memref<128x65xf32, #tpu.memory_space<vmem>>[vector<16xi32>, vector<16xi32>], vector<16xf32>,
      %broadcast_in_dim3A_544 = arith.constant 60 : i32
      %broadcast_in_dim3A_545 = vector.broadcast %broadcast_in_dim3A_544 : i32 to vector<16xi32>
      %gather3A_546 = tpu.vector_load_idx %arg15[%get3A_295, %broadcast_in_dim3A_545] : memref<1000x65xf32, #tpu.memory_space<vmem>>[vector<16xi32>, vector<16xi32>], vector<16xf32>,
      tpu.vector_store_idx %arg13[%add3A_305, %broadcast_in_dim3A_545], %gather3A_546 : memref<128x65xf32, #tpu.memory_space<vmem>>[vector<16xi32>, vector<16xi32>], vector<16xf32>,
      %gather3A_547 = tpu.vector_load_idx %arg16[%get3A_301, %broadcast_in_dim3A_545] : memref<100x65xf32, #tpu.memory_space<vmem>>[vector<16xi32>, vector<16xi32>], vector<16xf32>,
      tpu.vector_store_idx %arg14[%add3A_305, %broadcast_in_dim3A_545], %gather3A_547 : memref<128x65xf32, #tpu.memory_space<vmem>>[vector<16xi32>, vector<16xi32>], vector<16xf32>,
      %broadcast_in_dim3A_548 = arith.constant 61 : i32
      %broadcast_in_dim3A_549 = vector.broadcast %broadcast_in_dim3A_548 : i32 to vector<16xi32>
      %gather3A_550 = tpu.vector_load_idx %arg15[%get3A_295, %broadcast_in_dim3A_549] : memref<1000x65xf32, #tpu.memory_space<vmem>>[vector<16xi32>, vector<16xi32>], vector<16xf32>,
      tpu.vector_store_idx %arg13[%add3A_305, %broadcast_in_dim3A_549], %gather3A_550 : memref<128x65xf32, #tpu.memory_space<vmem>>[vector<16xi32>, vector<16xi32>], vector<16xf32>,
      %gather3A_551 = tpu.vector_load_idx %arg16[%get3A_301, %broadcast_in_dim3A_549] : memref<100x65xf32, #tpu.memory_space<vmem>>[vector<16xi32>, vector<16xi32>], vector<16xf32>,
      tpu.vector_store_idx %arg14[%add3A_305, %broadcast_in_dim3A_549], %gather3A_551 : memref<128x65xf32, #tpu.memory_space<vmem>>[vector<16xi32>, vector<16xi32>], vector<16xf32>,
      %broadcast_in_dim3A_552 = arith.constant 62 : i32
      %broadcast_in_dim3A_553 = vector.broadcast %broadcast_in_dim3A_552 : i32 to vector<16xi32>
      %gather3A_554 = tpu.vector_load_idx %arg15[%get3A_295, %broadcast_in_dim3A_553] : memref<1000x65xf32, #tpu.memory_space<vmem>>[vector<16xi32>, vector<16xi32>], vector<16xf32>,
      tpu.vector_store_idx %arg13[%add3A_305, %broadcast_in_dim3A_553], %gather3A_554 : memref<128x65xf32, #tpu.memory_space<vmem>>[vector<16xi32>, vector<16xi32>], vector<16xf32>,
      %gather3A_555 = tpu.vector_load_idx %arg16[%get3A_301, %broadcast_in_dim3A_553] : memref<100x65xf32, #tpu.memory_space<vmem>>[vector<16xi32>, vector<16xi32>], vector<16xf32>,
      tpu.vector_store_idx %arg14[%add3A_305, %broadcast_in_dim3A_553], %gather3A_555 : memref<128x65xf32, #tpu.memory_space<vmem>>[vector<16xi32>, vector<16xi32>], vector<16xf32>,
      %broadcast_in_dim3A_556 = arith.constant 63 : i32
      %broadcast_in_dim3A_557 = vector.broadcast %broadcast_in_dim3A_556 : i32 to vector<16xi32>
      %gather3A_558 = tpu.vector_load_idx %arg15[%get3A_295, %broadcast_in_dim3A_557] : memref<1000x65xf32, #tpu.memory_space<vmem>>[vector<16xi32>, vector<16xi32>], vector<16xf32>,
      tpu.vector_store_idx %arg13[%add3A_305, %broadcast_in_dim3A_557], %gather3A_558 : memref<128x65xf32, #tpu.memory_space<vmem>>[vector<16xi32>, vector<16xi32>], vector<16xf32>,
      %gather3A_559 = tpu.vector_load_idx %arg16[%get3A_301, %broadcast_in_dim3A_557] : memref<100x65xf32, #tpu.memory_space<vmem>>[vector<16xi32>, vector<16xi32>], vector<16xf32>,
      tpu.vector_store_idx %arg14[%add3A_305, %broadcast_in_dim3A_557], %gather3A_559 : memref<128x65xf32, #tpu.memory_space<vmem>>[vector<16xi32>, vector<16xi32>], vector<16xf32>,
    }
    %scan3A_231 = arith.constant 8 : i32
    %dma_wait3A_232 = arith.constant 0 : i32
    %dma_wait3A_233 = arith.constant 0 : i32
    %dma_wait3A_234 = tpu.memref_slice %arg12[%dma_wait3A_232, %dma_wait3A_233] : memref<128x64xf32, #tpu.memory_space<vmem>> -> memref<128x64xf32, #tpu.memory_space<vmem>>
    %dma_wait3A_235 = arith.constant 384 : i32
    %dma_wait3A_236 = tpu.memref_slice %arg9[%dma_wait3A_235] : memref<512xi32, #tpu.memory_space<vmem>> -> memref<128xi32, #tpu.memory_space<vmem>>
    %dma_wait3A_237 = arith.constant 0 : i32
    %dma_wait3A_238 = arith.constant 0 : i32
    %dma_wait3A_239 = tpu.memref_slice %arg5[%dma_wait3A_237, %dma_wait3A_238] : memref<100000x64xf32, #tpu.memory_space<hbm>> -> memref<100000x64xf32, #tpu.memory_space<hbm>>
    tpu.wait_indirect_dma semaphore(%arg19 : memref<!tpu.dma_semaphore, #tpu.memory_space<semaphore_mem>>) src(%dma_wait3A_239 : memref<100000x64xf32, #tpu.memory_space<hbm>>) dst(%dma_wait3A_234 : memref<128x64xf32, #tpu.memory_space<vmem>>)
    %add3A_240 = arith.constant 384 : i32
    %add3A_241 = arith.addi %mul3A_2, %add3A_240 : i32
    %dma_start3A_242 = arith.constant 0 : i32
    %dma_start3A_243 = tpu.memref_slice %arg8[%add3A_241, %dma_start3A_242] : memref<16384x256xf32, #tpu.memory_space<hbm>> -> memref<128x64xf32, #tpu.memory_space<hbm>>
    %dma_start3A_244 = arith.constant 0 : i32
    %dma_start3A_245 = tpu.memref_slice %arg8[%add3A_241, %dma_start3A_244] : memref<16384x256xf32, #tpu.memory_space<hbm>> -> memref<128x64xf32, #tpu.memory_space<hbm>>
    tpu.enqueue_dma source(%arg12 : memref<128x64xf32, #tpu.memory_space<vmem>>) target(%dma_start3A_245 : memref<128x64xf32, #tpu.memory_space<hbm>>) target_semaphore(%arg19 : memref<!tpu.dma_semaphore, #tpu.memory_space<semaphore_mem>>)
    %dma_start3A_246 = arith.constant 0 : i32
    %dma_start3A_247 = arith.constant 0 : i32
    %dma_start3A_248 = tpu.memref_slice %arg13[%dma_start3A_246, %dma_start3A_247] : memref<128x65xf32, #tpu.memory_space<vmem>> -> memref<128x64xf32, #tpu.memory_space<vmem>>
    %dma_start3A_249 = arith.constant 64 : i32
    %dma_start3A_250 = tpu.memref_slice %arg8[%add3A_241, %dma_start3A_249] : memref<16384x256xf32, #tpu.memory_space<hbm>> -> memref<128x64xf32, #tpu.memory_space<hbm>>
    %dma_start3A_251 = arith.constant 64 : i32
    %dma_start3A_252 = tpu.memref_slice %arg8[%add3A_241, %dma_start3A_251] : memref<16384x256xf32, #tpu.memory_space<hbm>> -> memref<128x64xf32, #tpu.memory_space<hbm>>
    %dma_start3A_253 = arith.constant 0 : i32
    %dma_start3A_254 = arith.constant 0 : i32
    %dma_start3A_255 = tpu.memref_slice %arg13[%dma_start3A_253, %dma_start3A_254] : memref<128x65xf32, #tpu.memory_space<vmem>> -> memref<128x64xf32, #tpu.memory_space<vmem>>
    tpu.enqueue_dma source(%dma_start3A_255 : memref<128x64xf32, #tpu.memory_space<vmem>>) target(%dma_start3A_252 : memref<128x64xf32, #tpu.memory_space<hbm>>) target_semaphore(%arg19 : memref<!tpu.dma_semaphore, #tpu.memory_space<semaphore_mem>>)
    %dma_start3A_256 = arith.constant 0 : i32
    %dma_start3A_257 = arith.constant 0 : i32
    %dma_start3A_258 = tpu.memref_slice %arg14[%dma_start3A_256, %dma_start3A_257] : memref<128x65xf32, #tpu.memory_space<vmem>> -> memref<128x64xf32, #tpu.memory_space<vmem>>
    %dma_start3A_259 = arith.constant 128 : i32
    %dma_start3A_260 = tpu.memref_slice %arg8[%add3A_241, %dma_start3A_259] : memref<16384x256xf32, #tpu.memory_space<hbm>> -> memref<128x64xf32, #tpu.memory_space<hbm>>
    %dma_start3A_261 = arith.constant 128 : i32
    %dma_start3A_262 = tpu.memref_slice %arg8[%add3A_241, %dma_start3A_261] : memref<16384x256xf32, #tpu.memory_space<hbm>> -> memref<128x64xf32, #tpu.memory_space<hbm>>
    %dma_start3A_263 = arith.constant 0 : i32
    %dma_start3A_264 = arith.constant 0 : i32
    %dma_start3A_265 = tpu.memref_slice %arg14[%dma_start3A_263, %dma_start3A_264] : memref<128x65xf32, #tpu.memory_space<vmem>> -> memref<128x64xf32, #tpu.memory_space<vmem>>
    tpu.enqueue_dma source(%dma_start3A_265 : memref<128x64xf32, #tpu.memory_space<vmem>>) target(%dma_start3A_262 : memref<128x64xf32, #tpu.memory_space<hbm>>) target_semaphore(%arg19 : memref<!tpu.dma_semaphore, #tpu.memory_space<semaphore_mem>>)
    %dma_wait3A_266 = arith.constant 0 : i32
    %dma_wait3A_267 = tpu.memref_slice %arg8[%add3A_241, %dma_wait3A_266] : memref<16384x256xf32, #tpu.memory_space<hbm>> -> memref<128x64xf32, #tpu.memory_space<hbm>>
    %dma_wait3A_268 = arith.constant 0 : i32
    %dma_wait3A_269 = tpu.memref_slice %arg8[%add3A_241, %dma_wait3A_268] : memref<16384x256xf32, #tpu.memory_space<hbm>> -> memref<128x64xf32, #tpu.memory_space<hbm>>
    tpu.wait_dma2 semaphore(%arg19 : memref<!tpu.dma_semaphore, #tpu.memory_space<semaphore_mem>>) src(%arg12 : memref<128x64xf32, #tpu.memory_space<vmem>>) dst(%dma_wait3A_269 : memref<128x64xf32, #tpu.memory_space<hbm>>)
    %dma_wait3A_270 = arith.constant 0 : i32
    %dma_wait3A_271 = arith.constant 0 : i32
    %dma_wait3A_272 = tpu.memref_slice %arg13[%dma_wait3A_270, %dma_wait3A_271] : memref<128x65xf32, #tpu.memory_space<vmem>> -> memref<128x64xf32, #tpu.memory_space<vmem>>
    %dma_wait3A_273 = arith.constant 64 : i32
    %dma_wait3A_274 = tpu.memref_slice %arg8[%add3A_241, %dma_wait3A_273] : memref<16384x256xf32, #tpu.memory_space<hbm>> -> memref<128x64xf32, #tpu.memory_space<hbm>>
    %dma_wait3A_275 = arith.constant 64 : i32
    %dma_wait3A_276 = tpu.memref_slice %arg8[%add3A_241, %dma_wait3A_275] : memref<16384x256xf32, #tpu.memory_space<hbm>> -> memref<128x64xf32, #tpu.memory_space<hbm>>
    %dma_wait3A_277 = arith.constant 0 : i32
    %dma_wait3A_278 = arith.constant 0 : i32
    %dma_wait3A_279 = tpu.memref_slice %arg13[%dma_wait3A_277, %dma_wait3A_278] : memref<128x65xf32, #tpu.memory_space<vmem>> -> memref<128x64xf32, #tpu.memory_space<vmem>>
    tpu.wait_dma2 semaphore(%arg19 : memref<!tpu.dma_semaphore, #tpu.memory_space<semaphore_mem>>) src(%dma_wait3A_279 : memref<128x64xf32, #tpu.memory_space<vmem>>) dst(%dma_wait3A_276 : memref<128x64xf32, #tpu.memory_space<hbm>>)
    %dma_wait3A_280 = arith.constant 0 : i32
    %dma_wait3A_281 = arith.constant 0 : i32
    %dma_wait3A_282 = tpu.memref_slice %arg14[%dma_wait3A_280, %dma_wait3A_281] : memref<128x65xf32, #tpu.memory_space<vmem>> -> memref<128x64xf32, #tpu.memory_space<vmem>>
    %dma_wait3A_283 = arith.constant 128 : i32
    %dma_wait3A_284 = tpu.memref_slice %arg8[%add3A_241, %dma_wait3A_283] : memref<16384x256xf32, #tpu.memory_space<hbm>> -> memref<128x64xf32, #tpu.memory_space<hbm>>
    %dma_wait3A_285 = arith.constant 128 : i32
    %dma_wait3A_286 = tpu.memref_slice %arg8[%add3A_241, %dma_wait3A_285] : memref<16384x256xf32, #tpu.memory_space<hbm>> -> memref<128x64xf32, #tpu.memory_space<hbm>>
    %dma_wait3A_287 = arith.constant 0 : i32
    %dma_wait3A_288 = arith.constant 0 : i32
    %dma_wait3A_289 = tpu.memref_slice %arg14[%dma_wait3A_287, %dma_wait3A_288] : memref<128x65xf32, #tpu.memory_space<vmem>> -> memref<128x64xf32, #tpu.memory_space<vmem>>
    tpu.wait_dma2 semaphore(%arg19 : memref<!tpu.dma_semaphore, #tpu.memory_space<semaphore_mem>>) src(%dma_wait3A_289 : memref<128x64xf32, #tpu.memory_space<vmem>>) dst(%dma_wait3A_286 : memref<128x64xf32, #tpu.memory_space<hbm>>)
    return
  }
}

</mosaic_0001>

<sc_bundles>
// kernel: _sc_gather.3.cloned.1.call-start
scs
__scs_entry_jumppad:
0x0: {  	(pc) =	sbr.rel $0x88, $3  }
0x1: {  	(tag) =	ssettag $0x0;
	lr =	simm.s32 $0x1  }
0x2: {  	[smem:$0x3F9B] =	sst lr;
	_ =	strace $0xD0000000  }
0x3: {  	_ = 	snop  }
0x4: {  	_ = 	snop  }
0x5: {  	_ = 	snop  }
0x6: {  	_ = 	snop  }
0x7: {  	_ = 	snop  }
__scs_overlays_trampoline_lowered:
0x8: {  	[smem:$0x3FAA] =	sst s0  }
0x9: {  	[smem:$0x3FAB] =	sst s1  }
0xa: {  	[smem:$0x3FAC] =	sst s2  }
0xb: {  	[smem:$0x3FAD] =	sst s3  }
0xc: {  	[smem:$0x3FAE] =	sst s4  }
0xd: {  	[smem:$0x3FAF] =	sst s5  }
0xe: {  	[smem:$0x3FB0] =	sst s6  }
0xf: {  	[smem:$0x3FB1] =	sst s7  }
0x10: {  	[smem:$0x3FB2] =	sst s8  }
0x11: {  	[smem:$0x3FB3] =	sst s9;
	s0 =	simm.s32 @!p0 $0x0  }
0x12: {  	s1 =	sld [smem:$0x3F99];
	s0 =	simm.s32 @p0 $0x1  }
0x13: {  	[smem:$0x3FB4] =	sst s0;
	s0 =	simm.s32 @!p1 $0x0  }
0x14: {  	s2 =	sld [smem:$0x3F98];
	s0 =	simm.s32 @p1 $0x1  }
0x15: {  	[smem:$0x3FB5] =	sst s0;
	s0 =	simm.s32 @!p2 $0x0  }
0x16: {  	s3 =	sld [smem:$0x3FDB];
	s0 =	simm.s32 @p2 $0x1  }
0x17: {  	s4 =	simm.s32 $0x1BF5;
	[smem:$0x3FB7] =	sst s0  }
0x18: {  	s0 =	sld [smem:$0x3F9A];
	_ =	swait.ge [sflag:s4], $0x0  }
0x19: {  	s7 =	sld [smem:$0x3F9B]  }
0x1a: {  	s8 =	sadd.s32 $0xFFFFE003, lr  }
0x1b: {  	s9 =	sadd.s32 $0xFFFFFEF7, lr;
	s5 =	simm.s32 $0xFFFFFFFF;
	p2 =	slt.u32 s8, $0xFFFFF086  }
0x1c: {  	p1 =	slt.u32 s9, $0xF7A;
	s5 =	simm.s32 @!p2 $0x0  }
0x1d: {  	s5 =	simm.s32 @p1 $0x1;
	p0 =	seq.s32 s7, s2  }
0x1e: {  	s7 =	smul.u32 @!p0 $0xF7A, s2;
	p2 =	seq.s32 @!p0 s5, $0x0  }
0x1f: {  	s9 =	smul.u32 $0xF7A, s1;
	s8 =	simm.s32 @!p0 $0x1BF5;
	p2 =	por !p2, p0  }
0x20: {  	[sflag:s8] =	ssyncset.s32 @!p0 $0xFFFFF086;
	s6 =	sadd.s32 @!p0 s3, s7;
	s7 =	simm.s32 @!p0 $0x108  }
0x21: {  	s3 =	sadd.s32 s3, s9;
	s6 =	sadd.s32 @!p0 $0x88, s6;
	s7 =	simm.s32 @p2 $0x1082  }
0x22: {  	[simem:s7], [sflag:s8] =	dma.local @!p0 [hbm:s6], $0xF7A  }
0x23: {  	s9 =	sor.u32 $0xD0000000, s2;
	s6 =	simm.s32 $0x108;
	_ =	swait.ge @!p0 [sflag:s8], $0x0  }
0x24: {  	s3 =	sadd.s32 $0x88, s3;
	s6 =	simm.s32 @!p1 $0x1082;
	[sflag:s4] =	ssyncset.s32 $0xFFFFF086  }
0x25: {  	[simem:s6], [sflag:s4] =	dma.local [hbm:s3], $0xF7A  }
0x26: {  	[smem:$0x3F9B] =	sst s1;
	(tag) =	ssettag s2;
	_ =	strace s9  }
0x27: {  	s1 =	sld [smem:$0x3FAB]  }
0x28: {  	s2 =	sld [smem:$0x3FAC]  }
0x29: {  	s4 =	sld [smem:$0x3FAE]  }
0x2a: {  	p0 =	seq.s32 s5, $0x0;
	s5 =	sld [smem:$0x3FAF]  }
0x2b: {  	s6 =	sld [smem:$0x3FB0]  }
0x2c: {  	s7 =	sld [smem:$0x3FB1]  }
0x2d: {  	s3 =	simm.s32 $0x108;
	s8 =	sld [smem:$0x3FB2]  }
0x2e: {  	s3 =	simm.s32 @!p0 $0x1082;
	s9 =	sld [smem:$0x3FB3]  }
0x2f: {  	lr =	sadd.s32 s0, s3;
	s0 =	sld [smem:$0x3FAA]  }
0x30: {  	s3 =	sld [smem:$0x3FAD]  }
0x31: {  	[smem:$0x3FB6] =	sst s10  }
0x32: {  	s10 =	sld [smem:$0x3FB4];
	_ =	sdelay $0x3  }
0x33: {  	p0 =	seq.s32 s10, $0x1;
	s10 =	sld [smem:$0x3FB6];
	_ =	sdelay $0x3  }
0x34: {  	[smem:$0x3FB6] =	sst s10  }
0x35: {  	s10 =	sld [smem:$0x3FB5];
	_ =	sdelay $0x3  }
0x36: {  	p1 =	seq.s32 s10, $0x1;
	s10 =	sld [smem:$0x3FB6];
	_ =	sdelay $0x3  }
0x37: {  	[smem:$0x3FB6] =	sst s10  }
0x38: {  	s10 =	sld [smem:$0x3FB7]  }
0x39: {  	_ = 	snop;
	(pc) =	sbr.ind lr, $3  }
0x3a: {  	_ = 	snop  }
0x3b: {  	_ = 	snop  }
0x3c: {  	p2 =	seq.s32 s10, $0x1;
	s10 =	sld [smem:$0x3FB6]  }
0x3d: {  	_ =	shalt  }
0x3e: {  	_ =	shalt  }
0x3f: {  	_ =	shalt  }
0x40: {  	_ =	shalt  }
0x41: {  	_ =	shalt  }
0x42: {  	_ =	shalt  }
0x43: {  	_ =	shalt  }
0x44: {  	_ =	shalt  }
0x45: {  	_ =	shalt  }
0x46: {  	_ =	shalt  }
0x47: {  	_ =	shalt  }
0x48: {  	_ =	shalt  }
0x49: {  	_ =	shalt  }
0x4a: {  	_ =	shalt  }
0x4b: {  	_ =	shalt  }
0x4c: {  	_ =	shalt  }
0x4d: {  	_ =	shalt  }
0x4e: {  	_ =	shalt  }
0x4f: {  	_ =	shalt  }
0x50: {  	_ =	shalt  }
0x51: {  	_ =	shalt  }
0x52: {  	_ =	shalt  }
0x53: {  	_ =	shalt  }
0x54: {  	_ =	shalt  }
0x55: {  	_ =	shalt  }
0x56: {  	_ =	shalt  }
0x57: {  	_ =	shalt  }
0x58: {  	_ =	shalt  }
0x59: {  	_ =	shalt  }
0x5a: {  	_ =	shalt  }
0x5b: {  	_ =	shalt  }
0x5c: {  	_ =	shalt  }
0x5d: {  	_ =	shalt  }
0x5e: {  	_ =	shalt  }
0x5f: {  	_ =	shalt  }
0x60: {  	_ =	shalt  }
0x61: {  	_ =	shalt  }
0x62: {  	_ =	shalt  }
0x63: {  	_ =	shalt  }
0x64: {  	_ =	shalt  }
0x65: {  	_ =	shalt  }
0x66: {  	_ =	shalt  }
0x67: {  	_ =	shalt  }
0x68: {  	_ =	shalt  }
0x69: {  	_ =	shalt  }
0x6a: {  	_ =	shalt  }
0x6b: {  	_ =	shalt  }
0x6c: {  	_ =	shalt  }
0x6d: {  	_ =	shalt  }
0x6e: {  	_ =	shalt  }
0x6f: {  	_ =	shalt  }
0x70: {  	_ =	shalt  }
0x71: {  	_ =	shalt  }
0x72: {  	_ =	shalt  }
0x73: {  	_ =	shalt  }
0x74: {  	_ =	shalt  }
0x75: {  	_ =	shalt  }
0x76: {  	_ =	shalt  }
0x77: {  	_ =	shalt  }
0x78: {  	_ =	shalt  }
0x79: {  	_ =	shalt  }
0x7a: {  	_ =	shalt  }
0x7b: {  	_ =	shalt  }
0x7c: {  	_ =	shalt  }
0x7d: {  	_ =	shalt  }
0x7e: {  	_ =	shalt  }
0x7f: {  	_ =	shalt  }
0x80: {  	_ =	shalt  }
0x81: {  	_ =	shalt  }
0x82: {  	_ =	shalt  }
0x83: {  	_ =	shalt  }
0x84: {  	_ =	shalt  }
0x85: {  	_ =	shalt  }
0x86: {  	_ =	shalt  }
0x87: {  	_ =	shalt  }
.Lfunc_end0:
.L_simem_size_0:
called_computation_lowered:
.L_overlay_start_0:
0x88: {  	s2 =	sld [smem:$0x3FD9]  }
0x89: {  	s3 =	sld [smem:$0x3FFE];
	_ =	sdelay $0x1  }
0x8a: {  	s1 =	srdreg.scid  }
0x8b: {  	s0 =	sand.u32 $0x1, s1  }
0x8c: {  	s17 =	sshll.u32 s0, $0xA;
	s2 =	sadd.s32 s3, s2  }
0x8d: {  	s2 =	sadd.s32 s2, s17  }
0x8e: {  	[smem:$0x3FC2] =	sst s2  }
0x8f: {  	_ = 	snop  }
0x90: {  	s2 =	sld [smem:$0x3FC9]  }
0x91: {  	s18 =	sld [smem:$0x3FC8]  }
0x92: {  	s4 =	sld [smem:$0x3FC7]  }
0x93: {  	s5 =	sld [smem:$0x3FD0];
	(tm) =	ssettm $0x1  }
0x94: {  	s6 =	sld [smem:$0x3FFB];
	_ =	sdelay $0x3  }
0x95: {  	_ =	strace s6  }
0x96: {  	s6 =	sld [smem:$0x3FFC];
	_ =	sdelay $0x3  }
0x97: {  	_ =	strace s6  }
0x98: {  	s6 =	sld [smem:$0x3FFD];
	_ =	sdelay $0x3  }
0x99: {  	_ =	strace s6  }
0x9a: {  	_ =	strace $0x8FFFFFFF  }
0x9b: {  	s19 =	sld [smem:$0x3FDB];
	_ =	sdelay $0x1  }
0x9c: {  	s7 =	simm.s32 $_scs_section_size  }
0x9d: {  	s8 =	simm.s32 $_size__tile_overlayer_lowered;
	s9 =	simm.s32 $_tile_overlayer_lowered  }
0x9e: {  	s22 =	simm.s32 $0x1BFF;
	s21 =	sshll.u32 s9, $0x1;
	s6 =	sadd.s32 s7, s19  }
0x9f: {  	s10 =	simm.s32 $0x0;
	s20 =	sshll.u32 s8, $0x1;
	s8 =	sadd.s32 s21, s6  }
0xa0: {  	[timem:s10], [sflag:s22] =	dma.local [hbm:s8], s20  }
0xa1: {  	_ =	swait.ge [sflag:s22], s20  }
0xa2: {  	s7 =	ssub.s32 $0x0, s20;
	[sflag:s22] =	ssyncset.done $0x0  }
0xa3: {  	[sflag:s22] =	ssyncadd.s32 s7;
	_ =	sdelay $0x1  }
0xa4: {  	s23 =	simm.s32 $0x1B8B  }
0xa5: {  	_ =	swait.ge [sflag:s23], $0x1  }
0xa6: {  	[sflag:s23] =	ssyncset.done $0x0  }
0xa7: {  	s25 =	simm.s32 $0x1B8E;
	s24 =	sld [smem:$0x3FFE];
	[sflag:s23] =	ssyncadd.s32 $0xFFFFFFFF  }
0xa8: {  	s26 =	simm.s32 $execute0_lowered;
	[smem:$0x3FD2] =	sst s25  }
0xa9: {  	s8 =	sshll.u32 s26, $0x1;
	_ =	strace $0x80000046;
	[dreg:$0x1] =	wrdreg $0xFFFFFFFF  }
0xaa: {  	s28 =	simm.s32 $_size_execute0_lowered;
	s6 =	sadd.s32 s6, s8;
	[dreg:$0x0] =	wrdreg $0x0  }
0xab: {  	s8 =	sshll.u32 s28, $0x1;
	[dreg:$0x2] =	wrdreg s6  }
0xac: {  	[dreg:$0x3] =	wrdreg s8  }
0xad: {  	[dreg:$0x4] =	wrdreg $0xC0  }
0xae: {  	_ =	task [dreg:s10], $0x5FFFF  }
0xaf: {  	[dreg:$0x1] =	wrdreg $0xFFFFFFFF  }
0xb0: {  	[dreg:$0x0] =	wrdreg $0x60  }
0xb1: {  	[dreg:$0x2] =	wrdreg s2  }
0xb2: {  	[dreg:$0x3] =	wrdreg s18  }
0xb3: {  	[dreg:$0x4] =	wrdreg s4  }
0xb4: {  	[dreg:$0x5] =	wrdreg s24  }
0xb5: {  	[dreg:$0x6] =	wrdreg s5  }
0xb6: {  	[dreg:$0x7] =	wrdreg $0x1A3600  }
0xb7: {  	[dreg:$0x8] =	wrdreg $0x1B3000  }
0xb8: {  	[dreg:$0x9] =	wrdreg $0x9  }
0xb9: {  	_ =	task.clear_ibuf [dreg:s10], $0xAFFFF;
	_ =	strace $0x90000046  }
0xba: {  	s29 =	simm.s32 $0x9;
	_ =	strace $0x80000048  }
0xbb: {  	_ =	swait.ge [sflag:s29], $0x1  }
0xbc: {  	[sflag:s29] =	ssyncadd.s32 $0xFFFFFFFF  }
0xbd: {  	_ =	strace $0x90000048  }
0xbe: {  	_ =	sfence  }
0xbf: {  	s30 =	sld [smem:$0x0];
	_ =	sdelay $0x2  }
0xc0: {  	s31 =	sshll.u32 s1, $0xD;
	s1 =	sshrl.u32 s1, $0x2  }
0xc1: {  	s3 =	sand.u32 $0x4000, s31;
	s1 =	sadd.s32 s1, s30  }
0xc2: {  	s0 =	sor.u32 s3, s0;
	s1 =	sshll.u32 s1, $0x11  }
0xc3: {  	s0 =	sor.u32 s1, s0  }
0xc4: {  	s0 =	sadd.s32 $0x8F2B, s0  }
0xc5: {  	[sflag:s0] =	ssyncadd.remote.s32 $0x1  }
0xc6: {  	_ =	sfence.sel $0xFFFF  }
0xc7: {  	[dreg:$0x0] =	wrdreg $0xFFFFFFFF;
	(pc) =	sbr.abs _section_cstart, $3  }
0xc8: {  	[dreg:$0x1] =	wrdreg $0xFFFFFFFF  }
0xc9: {  	_ =	task.clear_ibuf [dreg:s10], $0x2FFFF;
	_ =	strace $0x9FFFFFFF  }
0xca: {  	(tm) =	ssettm $0x7FFFFFFF  }
0xcb: {  	_ =	shalt  }
tec
execute0_lowered:
.L_overlay_start_1:
0x0: {  	(tag) =	ssettag $0x1  }
0x1: {  	s0 =	rddreg [dreg:$0x0]  }
0x2: {  	s2 =	rddreg [dreg:$0x1]  }
0x3: {  	s6 =	rddreg [dreg:$0x2]  }
0x4: {  	v0 =	vlaneseq.u32;
	s7 =	rddreg [dreg:$0x3]  }
0x5: {  	s1 =	rddreg [dreg:$0x5];
	s4 =	simm.s32 $0x0;
	v16 =	vmul.u32 $0x48, v0  }
0x6: {  	[smem:$0x7FF] =	sst s4  }
0x7: {  	s3 =	rddreg [dreg:$0x6];
	_ =	strace $0x80000047;
	v1 =	vor.u32 $0x1, v16;
	[tilespmem:$0x1FD00] =	vst v16  }
0x8: {  	v2 =	vor.u32 $0x2, v16;
	[tilespmem:$0x1FC00] =	vst v1  }
0x9: {  	v3 =	vor.u32 $0x3, v16;
	[tilespmem:$0x1FC10] =	vst v2  }
0xa: {  	v4 =	vor.u32 $0x4, v16;
	[tilespmem:$0x1FC20] =	vst v3  }
0xb: {  	v5 =	vor.u32 $0x5, v16;
	[tilespmem:$0x1FC30] =	vst v4  }
0xc: {  	v6 =	vor.u32 $0x6, v16;
	[tilespmem:$0x1FC40] =	vst v5  }
0xd: {  	v7 =	vor.u32 $0x7, v16;
	[tilespmem:$0x1FC50] =	vst v6  }
0xe: {  	v8 =	vadd.s32 $0x8, v16;
	[tilespmem:$0x1FC60] =	vst v7  }
0xf: {  	v9 =	vadd.s32 $0x9, v16;
	[tilespmem:$0x1FC70] =	vst v8  }
0x10: {  	v10 =	vadd.s32 $0xA, v16;
	[tilespmem:$0x1FC80] =	vst v9  }
0x11: {  	v11 =	vadd.s32 $0xB, v16;
	[tilespmem:$0x1FC90] =	vst v10  }
0x12: {  	v12 =	vadd.s32 $0xC, v16;
	[tilespmem:$0x1FCA0] =	vst v11  }
0x13: {  	v13 =	vadd.s32 $0xD, v16;
	[tilespmem:$0x1FCB0] =	vst v12  }
0x14: {  	v14 =	vadd.s32 $0xE, v16;
	[tilespmem:$0x1FCC0] =	vst v13  }
0x15: {  	v15 =	vadd.s32 $0xF, v16;
	[tilespmem:$0x1FCD0] =	vst v14  }
0x16: {  	v0 =	vadd.s32 $0x10, v16;
	[tilespmem:$0x1FCE0] =	vst v15  }
0x17: {  	v17 =	vadd.s32 $0x11, v16;
	[tilespmem:$0x1FCF0] =	vst v0  }
0x18: {  	v18 =	vadd.s32 $0x12, v16;
	[tilespmem:$0x1FD10] =	vst v17  }
0x19: {  	v19 =	vadd.s32 $0x13, v16;
	[tilespmem:$0x1FD20] =	vst v18  }
0x1a: {  	v20 =	vadd.s32 $0x14, v16;
	[tilespmem:$0x1FD30] =	vst v19  }
0x1b: {  	v21 =	vadd.s32 $0x15, v16;
	[tilespmem:$0x1FD40] =	vst v20  }
0x1c: {  	v22 =	vadd.s32 $0x16, v16;
	[tilespmem:$0x1FD50] =	vst v21  }
0x1d: {  	v23 =	vadd.s32 $0x17, v16;
	[tilespmem:$0x1FD60] =	vst v22  }
0x1e: {  	v24 =	vadd.s32 $0x18, v16;
	[tilespmem:$0x1FD70] =	vst v23  }
0x1f: {  	v25 =	vadd.s32 $0x19, v16;
	[tilespmem:$0x1FD80] =	vst v24  }
0x20: {  	v26 =	vadd.s32 $0x1A, v16;
	[tilespmem:$0x1FD90] =	vst v25  }
0x21: {  	v27 =	vadd.s32 $0x1B, v16;
	[tilespmem:$0x1FDA0] =	vst v26  }
0x22: {  	v28 =	vadd.s32 $0x1C, v16;
	[tilespmem:$0x1FDB0] =	vst v27  }
0x23: {  	v29 =	vadd.s32 $0x1D, v16;
	[tilespmem:$0x1FDC0] =	vst v28  }
0x24: {  	v30 =	vadd.s32 $0x1E, v16;
	[tilespmem:$0x1FDD0] =	vst v29  }
0x25: {  	v31 =	vadd.s32 $0x1F, v16;
	[tilespmem:$0x1FDE0] =	vst v30  }
0x26: {  	v32 =	vadd.s32 $0x20, v16;
	[tilespmem:$0x1FDF0] =	vst v31  }
0x27: {  	v33 =	vadd.s32 $0x21, v16;
	[tilespmem:$0x1FE00] =	vst v32  }
0x28: {  	v34 =	vadd.s32 $0x22, v16;
	[tilespmem:$0x1FE10] =	vst v33  }
0x29: {  	v35 =	vadd.s32 $0x23, v16;
	[tilespmem:$0x1FE20] =	vst v34  }
0x2a: {  	v36 =	vadd.s32 $0x24, v16;
	[tilespmem:$0x1FE30] =	vst v35  }
0x2b: {  	v37 =	vadd.s32 $0x26, v16;
	[tilespmem:$0x1FE40] =	vst v36  }
0x2c: {  	v38 =	vadd.s32 $0x25, v16;
	[tilespmem:$0x1FE50] =	vst v37  }
0x2d: {  	v39 =	vadd.s32 $0x27, v16;
	[tilespmem:$0x1FE60] =	vst v38  }
0x2e: {  	v40 =	vadd.s32 $0x28, v16;
	[tilespmem:$0x1FE70] =	vst v39  }
0x2f: {  	v41 =	vadd.s32 $0x2A, v16;
	[tilespmem:$0x1FE80] =	vst v40  }
0x30: {  	v42 =	vadd.s32 $0x29, v16;
	[tilespmem:$0x1FE90] =	vst v41  }
0x31: {  	v43 =	vadd.s32 $0x2C, v16;
	[tilespmem:$0x1FEA0] =	vst v42  }
0x32: {  	v44 =	vadd.s32 $0x2B, v16;
	[tilespmem:$0x1FEB0] =	vst v43  }
0x33: {  	v45 =	vadd.s32 $0x2D, v16;
	[tilespmem:$0x1FEC0] =	vst v44  }
0x34: {  	v46 =	vadd.s32 $0x2E, v16;
	[tilespmem:$0x1FED0] =	vst v45  }
0x35: {  	v47 =	vadd.s32 $0x30, v16;
	[tilespmem:$0x1FEE0] =	vst v46  }
0x36: {  	s5 =	srdreg.scid;
	v48 =	vadd.s32 $0x2F, v16;
	[tilespmem:$0x1FEF0] =	vst v47  }
0x37: {  	s8 =	stileid.u32;
	s28 =	simm.s32 $0x6E00;
	s29 =	simm.s32 $0x2600;
	v49 =	vadd.s32 $0x32, v16;
	[tilespmem:$0x1FF00] =	vst v48  }
0x38: {  	s30 =	simm.s32 $0x18740;
	s31 =	simm.s32 $0x4A00;
	s9 =	sand.u32 $0x1, s5;
	v50 =	vadd.s32 $0x31, v16;
	[tilespmem:$0x1FF10] =	vst v49  }
0x39: {  	s10 =	sshll.u32 s8, $0xA;
	s5 =	sadd.s32 $0x187200, s7;
	s21 =	sadd.s32 $0x800, s7;
	v51 =	vadd.s32 $0x33, v16;
	[tilespmem:$0x1FF20] =	vst v50  }
0x3a: {  	p0 =	sne.s32 s8, $0x0;
	s11 =	sshll.u32 s9, $0x9;
	s9 =	ssub.s32 $0x2, s9;
	v52 =	vadd.s32 $0x34, v16;
	[tilespmem:$0x1FF30] =	vst v51  }
0x3b: {  	[dreg:$0x8] =	wrdreg s21;
	s10 =	sor.u32 s11, s10;
	s12 =	sshrl.u32 s9, $0x1;
	v53 =	vadd.s32 $0x36, v16;
	[tilespmem:$0x1FF40] =	vst v52  }
0x3c: {  	v54 =	vadd.s32 $0x35, v16;
	s22 =	sshll.u32 s10, $0x5;
	s9 =	ssub.s32 s9, s12;
	s10 =	sshrl.u32 s10, $0x3;
	[tilespmem:$0x1FF50] =	vst v53  }
0x3d: {  	v55 =	vadd.s32 $0x38, v16;
	[tilespmem:$0x1FF60] =	vst v54;
	s7 =	sadd.s32 s22, s7;
	s0 =	sadd.s32 s0, s10;
	s23 =	sadd.s32 s2, s10  }
0x3e: {  	v56 =	vadd.s32 $0x37, v16;
	[tilespmem:$0x1FF70] =	vst v55;
	s24 =	sadd.s32 s6, s10;
	s22 =	smax.u32 s9, $0x1;
	[dreg:$0x9] =	wrdreg s0  }
0x3f: {  	v57 =	vadd.s32 $0x39, v16;
	[tilespmem:$0x1FF80] =	vst v56;
	s2 =	simm.s32 $0x1;
	s6 =	simm.s32 $0x100;
	[dreg:$0xa] =	wrdreg s23  }
0x40: {  	v58 =	vadd.s32 $0x3A, v16;
	[tilespmem:$0x1FF90] =	vst v57;
	[dreg:$0xb] =	wrdreg s24;
	s25 =	sadd.s32 $0xC00, s7;
	s11 =	sadd.s32 $0xC08, s7  }
0x41: {  	v59 =	vadd.s32 $0x3C, v16;
	[tilespmem:$0x1FFA0] =	vst v58;
	s12 =	sadd.s32 $0xC10, s7;
	s26 =	sadd.s32 $0x1C00, s7;
	s14 =	sadd.s32 $0x1C08, s7  }
0x42: {  	v60 =	vadd.s32 $0x3B, v16;
	[tilespmem:$0x1FFB0] =	vst v59;
	s15 =	sadd.s32 $0x1C10, s7;
	s16 =	sadd.s32 $0x2C00, s7;
	s17 =	sadd.s32 $0x2C08, s7  }
0x43: {  	v61 =	vadd.s32 $0x3E, v16;
	[tilespmem:$0x1FFC0] =	vst v60;
	s18 =	sadd.s32 $0x2C10, s7;
	s19 =	sadd.s32 $0x3C00, s7;
	s20 =	sadd.s32 $0x3C08, s7  }
0x44: {  	v62 =	vadd.s32 $0x3D, v16;
	[tilespmem:$0x1FFD0] =	vst v61;
	s21 =	sadd.s32 $0x3C10, s7;
	s23 =	sshrl.u32 @!p0 s1, $0x3;
	s24 =	simm.s32 $0x2  }
0x45: {  	v63 =	vadd.s32 $0x3F, v16;
	[tilespmem:$0x1FFE0] =	vst v62;
	s0 =	simm.s32 $0x40;
	s7 =	simm.s32 $0x0;
	[dreg:$0xc] =	wrdreg s25  }
0x46: {  	[tilespmem:$0x1FFF0] =	vst v63;
	[dreg:$0xd] =	wrdreg s26;
	s25 =	simm.s32 $0x80;
	s26 =	simm.s32 $0x600  }
.LBB2_1:
0x47: {  	s8 =	simm.s32 @!p0 $0x1C02;
	s9 =	rddreg [dreg:$0x4]  }
0x48: {  	[spmem:s23], [sflag:s8] =	dma.local @!p0 [hbm:s9], $0x1F40  }
0x49: {  	s9 =	simm.s32 @!p0 $0x2  }
0x4a: {  	_ =	swait.ge @!p0 [sflag:s9], $0x1F40  }
0x4b: {  	[sflag:s9] =	ssyncset.done @!p0 $0x0  }
0x4c: {  	s10 =	sshrl.u32 @!p0 s3, $0x3;
	s13 =	rddreg [dreg:$0x8];
	[sflag:s9] =	ssyncadd.s32 @!p0 $0xFFFFE0C0  }
0x4d: {  	[spmem:s10], [sflag:s8] =	dma.local @!p0 [hbm:s13], $0x320  }
0x4e: {  	_ =	swait.ge @!p0 [sflag:s9], $0x320  }
0x4f: {  	[sflag:s9] =	ssyncset.done @!p0 $0x0  }
0x50: {  	s13 =	sadd.s32 $0x0, s1;
	[sflag:s9] =	ssyncadd.s32 @!p0 $0xFFFFFCE0  }
0x51: {  	s8 =	simm.s32 $0x100;
	s9 =	simm.s32 $0x6E00;
	[bflag:$0x0] =	sbarrier.arrive $0xFFFF  }
0x52: {  	[tilespmem:s28], [sflag:$0x2] =	stream.linear.gather [spmem:s13], $0x40, $0x38;
	[tilespmem:$0x1B490] =	vst v63  }
.LBB2_2:
0x53: {  	p1 =	sne.s32 s8, $0x3E700  }
.Ltmp0:
0x54: {  	_ = 	snop;
	(pc) =	sbr.rel @p1 .LBB2_2-.Ltmp0, $4  }
0x55: {  	_ = 	snop  }
0x56: {  	s10 =	sshra.s32 s8, $0x2;
	s8 =	sadd.s32 $0x100, s8  }
0x57: {  	s9 =	sadd.s32 $0x48, s9;
	s10 =	sadd.s32 s10, s1  }
0x58: {  	[tilespmem:s9], [sflag:$0x2] =	stream.linear.gather [spmem:s10], $0x40, $0x38;
	[tilespmem:$0x1B490] =	vst v63  }
0x59: {  	_ =	swait.ge [sflag:s24], $0xFA00  }
0x5a: {  	[sflag:s24] =	ssyncset.done $0x0  }
0x5b: {  	s8 =	simm.s32 $0x18740;
	s9 =	sadd.s32 $0x0, s3;
	[sflag:s24] =	ssyncadd.s32 $0xFFFF0600  }
0x5c: {  	[tilespmem:s8], [sflag:$0x2] =	stream.linear.gather [spmem:s9], $0x40, $0x38;
	[tilespmem:$0x1B490] =	vst v63  }
0x5d: {  	s9 =	simm.s32 $0x100  }
.LBB2_4:
0x5e: {  	p1 =	sne.s32 s9, $0x6300  }
.Ltmp1:
0x5f: {  	_ = 	snop;
	(pc) =	sbr.rel @p1 .LBB2_4-.Ltmp1, $4  }
0x60: {  	_ = 	snop  }
0x61: {  	s10 =	sshra.s32 s9, $0x2;
	s9 =	sadd.s32 $0x100, s9  }
0x62: {  	s8 =	sadd.s32 $0x48, s8;
	s10 =	sadd.s32 s10, s3  }
0x63: {  	[tilespmem:s8], [sflag:$0x2] =	stream.linear.gather [spmem:s10], $0x40, $0x38;
	[tilespmem:$0x1B490] =	vst v63  }
0x64: {  	_ =	swait.ge [sflag:s24], $0x1900  }
0x65: {  	[sflag:s24] =	ssyncset.done $0x0  }
0x66: {  	s8 =	simm.s32 $0x0;
	s9 =	rddreg [dreg:$0x9];
	[sflag:s24] =	ssyncadd.s32 $0xFFFFE700  }
0x67: {  	[tilespmem:s8], [sflag:$0x2] =	stream.linear.gather [hbm4b:s9+s8], $0x200, $0x38;
	[tilespmem:$0x1B490] =	vst v63  }
0x68: {  	_ =	swait.ge [sflag:s24], $0x200  }
0x69: {  	[sflag:s24] =	ssyncset.done $0x0  }
0x6a: {  	s9 =	simm.s32 $0x200;
	s10 =	rddreg [dreg:$0xa];
	[sflag:s24] =	ssyncadd.s32 $0xFFFFFE00  }
0x6b: {  	[tilespmem:s9], [sflag:$0x2] =	stream.linear.gather [hbm4b:s10+s8], $0x200, $0x38;
	[tilespmem:$0x1B490] =	vst v63  }
0x6c: {  	_ =	swait.ge [sflag:s24], $0x200  }
0x6d: {  	[sflag:s24] =	ssyncset.done $0x0  }
0x6e: {  	s10 =	simm.s32 $0x400;
	s13 =	rddreg [dreg:$0xb];
	[sflag:s24] =	ssyncadd.s32 $0xFFFFFE00  }
0x6f: {  	[tilespmem:s10], [sflag:$0x2] =	stream.linear.gather [hbm4b:s13+s8], $0x200, $0x38;
	[tilespmem:$0x1B490] =	vst v63  }
0x70: {  	_ =	swait.ge [sflag:s24], $0x200  }
0x71: {  	v13 =	vld [tilespmem:$0x1FC60]  }
0x72: {  	v14 =	vld [tilespmem:$0x1FC70]  }
0x73: {  	v15 =	vld [tilespmem:$0x1FC80]  }
0x74: {  	v16 =	vld [tilespmem:$0x1FC90]  }
0x75: {  	v17 =	vld [tilespmem:$0x1FCA0]  }
0x76: {  	v18 =	vld [tilespmem:$0x1FCB0]  }
0x77: {  	v19 =	vld [tilespmem:$0x1FCC0]  }
0x78: {  	v20 =	vld [tilespmem:$0x1FCD0]  }
0x79: {  	v21 =	vld [tilespmem:$0x1FCE0]  }
0x7a: {  	v0 =	vld [tilespmem:$0x1FCF0]  }
0x7b: {  	v22 =	vld [tilespmem:$0x1FD00]  }
0x7c: {  	v23 =	vld [tilespmem:$0x1FD10]  }
0x7d: {  	v24 =	vld [tilespmem:$0x1FD20]  }
0x7e: {  	v25 =	vld [tilespmem:$0x1FD30]  }
0x7f: {  	v26 =	vld [tilespmem:$0x1FD40]  }
0x80: {  	v27 =	vld [tilespmem:$0x1FD50]  }
0x81: {  	v28 =	vld [tilespmem:$0x1FD60]  }
0x82: {  	v29 =	vld [tilespmem:$0x1FD70]  }
0x83: {  	v30 =	vld [tilespmem:$0x1FD80]  }
0x84: {  	v31 =	vld [tilespmem:$0x1FD90]  }
0x85: {  	v32 =	vld [tilespmem:$0x1FDA0]  }
0x86: {  	v33 =	vld [tilespmem:$0x1FDB0]  }
0x87: {  	v34 =	vld [tilespmem:$0x1FDC0]  }
0x88: {  	v35 =	vld [tilespmem:$0x1FDD0]  }
0x89: {  	v36 =	vld [tilespmem:$0x1FDE0]  }
0x8a: {  	v37 =	vld [tilespmem:$0x1FDF0]  }
0x8b: {  	v38 =	vld [tilespmem:$0x1FE00]  }
0x8c: {  	v39 =	vld [tilespmem:$0x1FE10]  }
0x8d: {  	v40 =	vld [tilespmem:$0x1FE20]  }
0x8e: {  	v41 =	vld [tilespmem:$0x1FE30]  }
0x8f: {  	v42 =	vld [tilespmem:$0x1FE40]  }
0x90: {  	v43 =	vld [tilespmem:$0x1FE50]  }
0x91: {  	v44 =	vld [tilespmem:$0x1FE60]  }
0x92: {  	v45 =	vld [tilespmem:$0x1FE70]  }
0x93: {  	v46 =	vld [tilespmem:$0x1FE80]  }
0x94: {  	v47 =	vld [tilespmem:$0x1FE90]  }
0x95: {  	v48 =	vld [tilespmem:$0x1FEA0]  }
0x96: {  	v49 =	vld [tilespmem:$0x1FEB0]  }
0x97: {  	v50 =	vld [tilespmem:$0x1FEC0]  }
0x98: {  	v51 =	vld [tilespmem:$0x1FED0]  }
0x99: {  	v52 =	vld [tilespmem:$0x1FEE0]  }
0x9a: {  	v53 =	vld [tilespmem:$0x1FEF0]  }
0x9b: {  	v54 =	vld [tilespmem:$0x1FF00]  }
0x9c: {  	v55 =	vld [tilespmem:$0x1FF10]  }
0x9d: {  	v56 =	vld [tilespmem:$0x1FF20]  }
0x9e: {  	v57 =	vld [tilespmem:$0x1FF30]  }
0x9f: {  	v58 =	vld [tilespmem:$0x1FF40]  }
0xa0: {  	v59 =	vld [tilespmem:$0x1FF50]  }
0xa1: {  	v60 =	vld [tilespmem:$0x1FF60]  }
0xa2: {  	v61 =	vld [tilespmem:$0x1FF70]  }
0xa3: {  	v62 =	vld [tilespmem:$0x1FF80]  }
0xa4: {  	v63 =	vld [tilespmem:$0x1FF90]  }
0xa5: {  	v7 =	vld [tilespmem:$0x1FFA0]  }
0xa6: {  	v8 =	vld [tilespmem:$0x1FFB0]  }
0xa7: {  	v9 =	vld [tilespmem:$0x1FFC0]  }
0xa8: {  	[sflag:s24] =	ssyncset.done $0x0;
	v10 =	vld [tilespmem:$0x1FFD0]  }
0xa9: {  	v11 =	vld [tilespmem:$0x1FFE0];
	[sflag:s24] =	ssyncadd.s32 $0xFFFFFE00  }
0xaa: {  	v12 =	vld [tilespmem:$0x1FFF0];
	[tilespmem:s26], [sflag:$0x1] =	stream.indirect.gather [hbm4b:s5+s25], $0x40, s8, s25, $0xb8  }
.LBB2_6:
0xab: {  	v1 =	vld [tilespmem:s9+$0x0];
	_ =	sdelay $0x4  }
0xac: {  	v1 =	vmul.u32 $0x48, v1  }
0xad: {  	v3 =	vld [tilespmem:s10+$0x0];
	v2 =	vmov s8  }
0xae: {  	v2 =	vmul.u32 $0x48, v2;
	_ =	sdelay $0x1  }
0xaf: {  	v2 =	vbroadcast v2, $0x0;
	_ =	sdelay $0x1  }
0xb0: {  	v5 =	vadd.s32 v22, v2;
	v3 =	vmul.u32 $0x48, v3;
	v4 =	vld.idx.msk [tilespmem:v1+s28+$0x0], $0xffff;
	_ =	sdelay $0x4  }
0xb1: {  	[tilespmem:v5+s29+$0x0] =	vst.idx.msk $0xffff, v4  }
0xb2: {  	v4 =	vld.idx.msk [tilespmem:v3+s30+$0x0], $0xffff;
	_ =	sdelay $0x4  }
0xb3: {  	v6 =	vor.u32 $0x1, v1;
	[tilespmem:v5+s31+$0x0] =	vst.idx.msk $0xffff, v4;
	v5 =	vld [tilespmem:$0x1FC00];
	_ =	sdelay $0x4  }
0xb4: {  	v4 =	vld.idx.msk [tilespmem:v6+s28+$0x0], $0xffff;
	v5 =	vadd.s32 v5, v2  }
0xb5: {  	v6 =	vor.u32 $0x1, v3;
	_ =	sdelay $0x3  }
0xb6: {  	[tilespmem:v5+s29+$0x0] =	vst.idx.msk $0xffff, v4  }
0xb7: {  	v4 =	vld.idx.msk [tilespmem:v6+s30+$0x0], $0xffff;
	_ =	sdelay $0x4  }
0xb8: {  	v6 =	vor.u32 $0x2, v1;
	[tilespmem:v5+s31+$0x0] =	vst.idx.msk $0xffff, v4;
	v5 =	vld [tilespmem:$0x1FC10];
	_ =	sdelay $0x4  }
0xb9: {  	v4 =	vld.idx.msk [tilespmem:v6+s28+$0x0], $0xffff;
	v5 =	vadd.s32 v5, v2  }
0xba: {  	v6 =	vor.u32 $0x2, v3;
	_ =	sdelay $0x3  }
0xbb: {  	[tilespmem:v5+s29+$0x0] =	vst.idx.msk $0xffff, v4  }
0xbc: {  	v4 =	vld.idx.msk [tilespmem:v6+s30+$0x0], $0xffff;
	_ =	sdelay $0x4  }
0xbd: {  	v6 =	vor.u32 $0x3, v1;
	[tilespmem:v5+s31+$0x0] =	vst.idx.msk $0xffff, v4;
	v5 =	vld [tilespmem:$0x1FC20];
	_ =	sdelay $0x4  }
0xbe: {  	v4 =	vld.idx.msk [tilespmem:v6+s28+$0x0], $0xffff;
	v5 =	vadd.s32 v5, v2  }
0xbf: {  	v6 =	vor.u32 $0x3, v3;
	_ =	sdelay $0x3  }
0xc0: {  	[tilespmem:v5+s29+$0x0] =	vst.idx.msk $0xffff, v4  }
0xc1: {  	v4 =	vld.idx.msk [tilespmem:v6+s30+$0x0], $0xffff;
	_ =	sdelay $0x4  }
0xc2: {  	v6 =	vor.u32 $0x4, v1;
	[tilespmem:v5+s31+$0x0] =	vst.idx.msk $0xffff, v4;
	v5 =	vld [tilespmem:$0x1FC30];
	_ =	sdelay $0x4  }
0xc3: {  	v4 =	vld.idx.msk [tilespmem:v6+s28+$0x0], $0xffff;
	v5 =	vadd.s32 v5, v2  }
0xc4: {  	v6 =	vor.u32 $0x4, v3;
	_ =	sdelay $0x3  }
0xc5: {  	[tilespmem:v5+s29+$0x0] =	vst.idx.msk $0xffff, v4  }
0xc6: {  	v4 =	vld.idx.msk [tilespmem:v6+s30+$0x0], $0xffff;
	_ =	sdelay $0x4  }
0xc7: {  	v6 =	vor.u32 $0x5, v1;
	[tilespmem:v5+s31+$0x0] =	vst.idx.msk $0xffff, v4;
	v5 =	vld [tilespmem:$0x1FC40];
	_ =	sdelay $0x4  }
0xc8: {  	v4 =	vld.idx.msk [tilespmem:v6+s28+$0x0], $0xffff;
	v5 =	vadd.s32 v5, v2  }
0xc9: {  	v6 =	vor.u32 $0x5, v3;
	_ =	sdelay $0x3  }
0xca: {  	[tilespmem:v5+s29+$0x0] =	vst.idx.msk $0xffff, v4  }
0xcb: {  	v4 =	vld.idx.msk [tilespmem:v6+s30+$0x0], $0xffff;
	_ =	sdelay $0x4  }
0xcc: {  	v6 =	vor.u32 $0x6, v1;
	[tilespmem:v5+s31+$0x0] =	vst.idx.msk $0xffff, v4;
	v5 =	vld [tilespmem:$0x1FC50];
	_ =	sdelay $0x4  }
0xcd: {  	v4 =	vld.idx.msk [tilespmem:v6+s28+$0x0], $0xffff;
	v5 =	vadd.s32 v5, v2  }
0xce: {  	v6 =	vor.u32 $0x6, v3;
	_ =	sdelay $0x3  }
0xcf: {  	[tilespmem:v5+s29+$0x0] =	vst.idx.msk $0xffff, v4  }
0xd0: {  	v4 =	vld.idx.msk [tilespmem:v6+s30+$0x0], $0xffff  }
0xd1: {  	v6 =	vor.u32 $0x7, v1;
	_ =	sdelay $0x3  }
0xd2: {  	[tilespmem:v5+s31+$0x0] =	vst.idx.msk $0xffff, v4  }
0xd3: {  	v5 =	vadd.s32 v13, v2;
	v4 =	vld.idx.msk [tilespmem:v6+s28+$0x0], $0xffff  }
0xd4: {  	v6 =	vor.u32 $0x7, v3;
	_ =	sdelay $0x3  }
0xd5: {  	[tilespmem:v5+s29+$0x0] =	vst.idx.msk $0xffff, v4  }
0xd6: {  	v4 =	vld.idx.msk [tilespmem:v6+s30+$0x0], $0xffff  }
0xd7: {  	v6 =	vadd.s32 $0x8, v1;
	_ =	sdelay $0x3  }
0xd8: {  	[tilespmem:v5+s31+$0x0] =	vst.idx.msk $0xffff, v4  }
0xd9: {  	v5 =	vadd.s32 v14, v2;
	v4 =	vld.idx.msk [tilespmem:v6+s28+$0x0], $0xffff  }
0xda: {  	v6 =	vadd.s32 $0x8, v3;
	_ =	sdelay $0x3  }
0xdb: {  	[tilespmem:v5+s29+$0x0] =	vst.idx.msk $0xffff, v4  }
0xdc: {  	v4 =	vld.idx.msk [tilespmem:v6+s30+$0x0], $0xffff  }
0xdd: {  	v6 =	vadd.s32 $0x9, v1;
	_ =	sdelay $0x3  }
0xde: {  	[tilespmem:v5+s31+$0x0] =	vst.idx.msk $0xffff, v4  }
0xdf: {  	v5 =	vadd.s32 v15, v2;
	v4 =	vld.idx.msk [tilespmem:v6+s28+$0x0], $0xffff  }
0xe0: {  	v6 =	vadd.s32 $0x9, v3;
	_ =	sdelay $0x3  }
0xe1: {  	[tilespmem:v5+s29+$0x0] =	vst.idx.msk $0xffff, v4  }
0xe2: {  	v4 =	vld.idx.msk [tilespmem:v6+s30+$0x0], $0xffff  }
0xe3: {  	v6 =	vadd.s32 $0xA, v1;
	_ =	sdelay $0x3  }
0xe4: {  	[tilespmem:v5+s31+$0x0] =	vst.idx.msk $0xffff, v4  }
0xe5: {  	v5 =	vadd.s32 v16, v2;
	v4 =	vld.idx.msk [tilespmem:v6+s28+$0x0], $0xffff  }
0xe6: {  	v6 =	vadd.s32 $0xA, v3;
	_ =	sdelay $0x3  }
0xe7: {  	[tilespmem:v5+s29+$0x0] =	vst.idx.msk $0xffff, v4  }
0xe8: {  	v4 =	vld.idx.msk [tilespmem:v6+s30+$0x0], $0xffff  }
0xe9: {  	v6 =	vadd.s32 $0xB, v1;
	_ =	sdelay $0x3  }
0xea: {  	[tilespmem:v5+s31+$0x0] =	vst.idx.msk $0xffff, v4  }
0xeb: {  	v5 =	vadd.s32 v17, v2;
	v4 =	vld.idx.msk [tilespmem:v6+s28+$0x0], $0xffff  }
0xec: {  	v6 =	vadd.s32 $0xB, v3;
	_ =	sdelay $0x3  }
0xed: {  	[tilespmem:v5+s29+$0x0] =	vst.idx.msk $0xffff, v4  }
0xee: {  	v4 =	vld.idx.msk [tilespmem:v6+s30+$0x0], $0xffff  }
0xef: {  	v6 =	vadd.s32 $0xC, v1;
	_ =	sdelay $0x3  }
0xf0: {  	[tilespmem:v5+s31+$0x0] =	vst.idx.msk $0xffff, v4  }
0xf1: {  	v5 =	vadd.s32 v18, v2;
	v4 =	vld.idx.msk [tilespmem:v6+s28+$0x0], $0xffff  }
0xf2: {  	v6 =	vadd.s32 $0xC, v3;
	_ =	sdelay $0x3  }
0xf3: {  	[tilespmem:v5+s29+$0x0] =	vst.idx.msk $0xffff, v4  }
0xf4: {  	v4 =	vld.idx.msk [tilespmem:v6+s30+$0x0], $0xffff  }
0xf5: {  	v6 =	vadd.s32 $0xD, v1;
	_ =	sdelay $0x3  }
0xf6: {  	[tilespmem:v5+s31+$0x0] =	vst.idx.msk $0xffff, v4  }
0xf7: {  	v5 =	vadd.s32 v19, v2;
	v4 =	vld.idx.msk [tilespmem:v6+s28+$0x0], $0xffff  }
0xf8: {  	v6 =	vadd.s32 $0xD, v3;
	_ =	sdelay $0x3  }
0xf9: {  	[tilespmem:v5+s29+$0x0] =	vst.idx.msk $0xffff, v4  }
0xfa: {  	v4 =	vld.idx.msk [tilespmem:v6+s30+$0x0], $0xffff  }
0xfb: {  	v6 =	vadd.s32 $0xE, v1;
	_ =	sdelay $0x3  }
0xfc: {  	[tilespmem:v5+s31+$0x0] =	vst.idx.msk $0xffff, v4  }
0xfd: {  	v5 =	vadd.s32 v20, v2;
	v4 =	vld.idx.msk [tilespmem:v6+s28+$0x0], $0xffff  }
0xfe: {  	v6 =	vadd.s32 $0xE, v3;
	_ =	sdelay $0x3  }
0xff: {  	[tilespmem:v5+s29+$0x0] =	vst.idx.msk $0xffff, v4  }
0x100: {  	v4 =	vld.idx.msk [tilespmem:v6+s30+$0x0], $0xffff  }
0x101: {  	v6 =	vadd.s32 $0xF, v1;
	_ =	sdelay $0x3  }
0x102: {  	[tilespmem:v5+s31+$0x0] =	vst.idx.msk $0xffff, v4  }
0x103: {  	v5 =	vadd.s32 v21, v2;
	v4 =	vld.idx.msk [tilespmem:v6+s28+$0x0], $0xffff  }
0x104: {  	v6 =	vadd.s32 $0xF, v3;
	_ =	sdelay $0x3  }
0x105: {  	[tilespmem:v5+s29+$0x0] =	vst.idx.msk $0xffff, v4  }
0x106: {  	v4 =	vld.idx.msk [tilespmem:v6+s30+$0x0], $0xffff  }
0x107: {  	v6 =	vadd.s32 $0x10, v1;
	_ =	sdelay $0x3  }
0x108: {  	[tilespmem:v5+s31+$0x0] =	vst.idx.msk $0xffff, v4  }
0x109: {  	v5 =	vadd.s32 v0, v2;
	v4 =	vld.idx.msk [tilespmem:v6+s28+$0x0], $0xffff  }
0x10a: {  	v6 =	vadd.s32 $0x10, v3;
	_ =	sdelay $0x3  }
0x10b: {  	[tilespmem:v5+s29+$0x0] =	vst.idx.msk $0xffff, v4  }
0x10c: {  	v4 =	vld.idx.msk [tilespmem:v6+s30+$0x0], $0xffff  }
0x10d: {  	v6 =	vadd.s32 $0x11, v1;
	_ =	sdelay $0x3  }
0x10e: {  	[tilespmem:v5+s31+$0x0] =	vst.idx.msk $0xffff, v4  }
0x10f: {  	v5 =	vadd.s32 v23, v2;
	v4 =	vld.idx.msk [tilespmem:v6+s28+$0x0], $0xffff  }
0x110: {  	v6 =	vadd.s32 $0x11, v3;
	_ =	sdelay $0x3  }
0x111: {  	[tilespmem:v5+s29+$0x0] =	vst.idx.msk $0xffff, v4  }
0x112: {  	v4 =	vld.idx.msk [tilespmem:v6+s30+$0x0], $0xffff  }
0x113: {  	v6 =	vadd.s32 $0x12, v1;
	_ =	sdelay $0x3  }
0x114: {  	[tilespmem:v5+s31+$0x0] =	vst.idx.msk $0xffff, v4  }
0x115: {  	v5 =	vadd.s32 v24, v2;
	v4 =	vld.idx.msk [tilespmem:v6+s28+$0x0], $0xffff  }
0x116: {  	v6 =	vadd.s32 $0x12, v3;
	_ =	sdelay $0x3  }
0x117: {  	[tilespmem:v5+s29+$0x0] =	vst.idx.msk $0xffff, v4  }
0x118: {  	v4 =	vld.idx.msk [tilespmem:v6+s30+$0x0], $0xffff  }
0x119: {  	v6 =	vadd.s32 $0x13, v1;
	_ =	sdelay $0x3  }
0x11a: {  	[tilespmem:v5+s31+$0x0] =	vst.idx.msk $0xffff, v4  }
0x11b: {  	v5 =	vadd.s32 v25, v2;
	v4 =	vld.idx.msk [tilespmem:v6+s28+$0x0], $0xffff  }
0x11c: {  	v6 =	vadd.s32 $0x13, v3;
	_ =	sdelay $0x3  }
0x11d: {  	[tilespmem:v5+s29+$0x0] =	vst.idx.msk $0xffff, v4  }
0x11e: {  	v4 =	vld.idx.msk [tilespmem:v6+s30+$0x0], $0xffff  }
0x11f: {  	v6 =	vadd.s32 $0x14, v1;
	_ =	sdelay $0x3  }
0x120: {  	[tilespmem:v5+s31+$0x0] =	vst.idx.msk $0xffff, v4  }
0x121: {  	v5 =	vadd.s32 v26, v2;
	v4 =	vld.idx.msk [tilespmem:v6+s28+$0x0], $0xffff  }
0x122: {  	v6 =	vadd.s32 $0x14, v3;
	_ =	sdelay $0x3  }
0x123: {  	[tilespmem:v5+s29+$0x0] =	vst.idx.msk $0xffff, v4  }
0x124: {  	v4 =	vld.idx.msk [tilespmem:v6+s30+$0x0], $0xffff  }
0x125: {  	v6 =	vadd.s32 $0x15, v1;
	_ =	sdelay $0x3  }
0x126: {  	[tilespmem:v5+s31+$0x0] =	vst.idx.msk $0xffff, v4  }
0x127: {  	v5 =	vadd.s32 v27, v2;
	v4 =	vld.idx.msk [tilespmem:v6+s28+$0x0], $0xffff  }
0x128: {  	v6 =	vadd.s32 $0x15, v3;
	_ =	sdelay $0x3  }
0x129: {  	[tilespmem:v5+s29+$0x0] =	vst.idx.msk $0xffff, v4  }
0x12a: {  	v4 =	vld.idx.msk [tilespmem:v6+s30+$0x0], $0xffff  }
0x12b: {  	v6 =	vadd.s32 $0x16, v1;
	_ =	sdelay $0x3  }
0x12c: {  	[tilespmem:v5+s31+$0x0] =	vst.idx.msk $0xffff, v4  }
0x12d: {  	v5 =	vadd.s32 v28, v2;
	v4 =	vld.idx.msk [tilespmem:v6+s28+$0x0], $0xffff  }
0x12e: {  	v6 =	vadd.s32 $0x16, v3;
	_ =	sdelay $0x3  }
0x12f: {  	[tilespmem:v5+s29+$0x0] =	vst.idx.msk $0xffff, v4  }
0x130: {  	v4 =	vld.idx.msk [tilespmem:v6+s30+$0x0], $0xffff  }
0x131: {  	v6 =	vadd.s32 $0x17, v1;
	_ =	sdelay $0x3  }
0x132: {  	[tilespmem:v5+s31+$0x0] =	vst.idx.msk $0xffff, v4  }
0x133: {  	v5 =	vadd.s32 v29, v2;
	v4 =	vld.idx.msk [tilespmem:v6+s28+$0x0], $0xffff  }
0x134: {  	v6 =	vadd.s32 $0x17, v3;
	_ =	sdelay $0x3  }
0x135: {  	[tilespmem:v5+s29+$0x0] =	vst.idx.msk $0xffff, v4  }
0x136: {  	v4 =	vld.idx.msk [tilespmem:v6+s30+$0x0], $0xffff  }
0x137: {  	v6 =	vadd.s32 $0x18, v1;
	_ =	sdelay $0x3  }
0x138: {  	[tilespmem:v5+s31+$0x0] =	vst.idx.msk $0xffff, v4  }
0x139: {  	v5 =	vadd.s32 v30, v2;
	v4 =	vld.idx.msk [tilespmem:v6+s28+$0x0], $0xffff  }
0x13a: {  	v6 =	vadd.s32 $0x18, v3;
	_ =	sdelay $0x3  }
0x13b: {  	[tilespmem:v5+s29+$0x0] =	vst.idx.msk $0xffff, v4  }
0x13c: {  	v4 =	vld.idx.msk [tilespmem:v6+s30+$0x0], $0xffff  }
0x13d: {  	v6 =	vadd.s32 $0x19, v1;
	_ =	sdelay $0x3  }
0x13e: {  	[tilespmem:v5+s31+$0x0] =	vst.idx.msk $0xffff, v4  }
0x13f: {  	v5 =	vadd.s32 v31, v2;
	v4 =	vld.idx.msk [tilespmem:v6+s28+$0x0], $0xffff  }
0x140: {  	v6 =	vadd.s32 $0x19, v3;
	_ =	sdelay $0x3  }
0x141: {  	[tilespmem:v5+s29+$0x0] =	vst.idx.msk $0xffff, v4  }
0x142: {  	v4 =	vld.idx.msk [tilespmem:v6+s30+$0x0], $0xffff  }
0x143: {  	v6 =	vadd.s32 $0x1A, v1;
	_ =	sdelay $0x3  }
0x144: {  	[tilespmem:v5+s31+$0x0] =	vst.idx.msk $0xffff, v4  }
0x145: {  	v5 =	vadd.s32 v32, v2;
	v4 =	vld.idx.msk [tilespmem:v6+s28+$0x0], $0xffff  }
0x146: {  	v6 =	vadd.s32 $0x1A, v3;
	_ =	sdelay $0x3  }
0x147: {  	[tilespmem:v5+s29+$0x0] =	vst.idx.msk $0xffff, v4  }
0x148: {  	v4 =	vld.idx.msk [tilespmem:v6+s30+$0x0], $0xffff  }
0x149: {  	v6 =	vadd.s32 $0x1B, v1;
	_ =	sdelay $0x3  }
0x14a: {  	[tilespmem:v5+s31+$0x0] =	vst.idx.msk $0xffff, v4  }
0x14b: {  	v5 =	vadd.s32 v33, v2;
	v4 =	vld.idx.msk [tilespmem:v6+s28+$0x0], $0xffff  }
0x14c: {  	v6 =	vadd.s32 $0x1B, v3;
	_ =	sdelay $0x3  }
0x14d: {  	[tilespmem:v5+s29+$0x0] =	vst.idx.msk $0xffff, v4  }
0x14e: {  	v4 =	vld.idx.msk [tilespmem:v6+s30+$0x0], $0xffff  }
0x14f: {  	v6 =	vadd.s32 $0x1C, v1;
	_ =	sdelay $0x3  }
0x150: {  	[tilespmem:v5+s31+$0x0] =	vst.idx.msk $0xffff, v4  }
0x151: {  	v5 =	vadd.s32 v34, v2;
	v4 =	vld.idx.msk [tilespmem:v6+s28+$0x0], $0xffff  }
0x152: {  	v6 =	vadd.s32 $0x1C, v3;
	_ =	sdelay $0x3  }
0x153: {  	[tilespmem:v5+s29+$0x0] =	vst.idx.msk $0xffff, v4  }
0x154: {  	v4 =	vld.idx.msk [tilespmem:v6+s30+$0x0], $0xffff  }
0x155: {  	v6 =	vadd.s32 $0x1D, v1;
	_ =	sdelay $0x3  }
0x156: {  	[tilespmem:v5+s31+$0x0] =	vst.idx.msk $0xffff, v4  }
0x157: {  	v5 =	vadd.s32 v35, v2;
	v4 =	vld.idx.msk [tilespmem:v6+s28+$0x0], $0xffff  }
0x158: {  	v6 =	vadd.s32 $0x1D, v3;
	_ =	sdelay $0x3  }
0x159: {  	[tilespmem:v5+s29+$0x0] =	vst.idx.msk $0xffff, v4  }
0x15a: {  	v4 =	vld.idx.msk [tilespmem:v6+s30+$0x0], $0xffff  }
0x15b: {  	v6 =	vadd.s32 $0x1E, v1;
	_ =	sdelay $0x3  }
0x15c: {  	[tilespmem:v5+s31+$0x0] =	vst.idx.msk $0xffff, v4  }
0x15d: {  	v5 =	vadd.s32 v36, v2;
	v4 =	vld.idx.msk [tilespmem:v6+s28+$0x0], $0xffff  }
0x15e: {  	v6 =	vadd.s32 $0x1E, v3;
	_ =	sdelay $0x3  }
0x15f: {  	[tilespmem:v5+s29+$0x0] =	vst.idx.msk $0xffff, v4  }
0x160: {  	v4 =	vld.idx.msk [tilespmem:v6+s30+$0x0], $0xffff  }
0x161: {  	v6 =	vadd.s32 $0x1F, v1;
	_ =	sdelay $0x3  }
0x162: {  	[tilespmem:v5+s31+$0x0] =	vst.idx.msk $0xffff, v4  }
0x163: {  	v5 =	vadd.s32 v37, v2;
	v4 =	vld.idx.msk [tilespmem:v6+s28+$0x0], $0xffff  }
0x164: {  	v6 =	vadd.s32 $0x1F, v3;
	_ =	sdelay $0x3  }
0x165: {  	[tilespmem:v5+s29+$0x0] =	vst.idx.msk $0xffff, v4  }
0x166: {  	v4 =	vld.idx.msk [tilespmem:v6+s30+$0x0], $0xffff  }
0x167: {  	v6 =	vadd.s32 $0x20, v1;
	_ =	sdelay $0x3  }
0x168: {  	[tilespmem:v5+s31+$0x0] =	vst.idx.msk $0xffff, v4  }
0x169: {  	v5 =	vadd.s32 v38, v2;
	v4 =	vld.idx.msk [tilespmem:v6+s28+$0x0], $0xffff  }
0x16a: {  	v6 =	vadd.s32 $0x20, v3;
	_ =	sdelay $0x3  }
0x16b: {  	[tilespmem:v5+s29+$0x0] =	vst.idx.msk $0xffff, v4  }
0x16c: {  	v4 =	vld.idx.msk [tilespmem:v6+s30+$0x0], $0xffff  }
0x16d: {  	v6 =	vadd.s32 $0x21, v1;
	_ =	sdelay $0x3  }
0x16e: {  	[tilespmem:v5+s31+$0x0] =	vst.idx.msk $0xffff, v4  }
0x16f: {  	v5 =	vadd.s32 v39, v2;
	v4 =	vld.idx.msk [tilespmem:v6+s28+$0x0], $0xffff  }
0x170: {  	v6 =	vadd.s32 $0x21, v3;
	_ =	sdelay $0x3  }
0x171: {  	[tilespmem:v5+s29+$0x0] =	vst.idx.msk $0xffff, v4  }
0x172: {  	v4 =	vld.idx.msk [tilespmem:v6+s30+$0x0], $0xffff  }
0x173: {  	v6 =	vadd.s32 $0x22, v1;
	_ =	sdelay $0x3  }
0x174: {  	[tilespmem:v5+s31+$0x0] =	vst.idx.msk $0xffff, v4  }
0x175: {  	v5 =	vadd.s32 v40, v2;
	v4 =	vld.idx.msk [tilespmem:v6+s28+$0x0], $0xffff  }
0x176: {  	v6 =	vadd.s32 $0x22, v3;
	_ =	sdelay $0x3  }
0x177: {  	[tilespmem:v5+s29+$0x0] =	vst.idx.msk $0xffff, v4  }
0x178: {  	v4 =	vld.idx.msk [tilespmem:v6+s30+$0x0], $0xffff  }
0x179: {  	v6 =	vadd.s32 $0x23, v1;
	_ =	sdelay $0x3  }
0x17a: {  	[tilespmem:v5+s31+$0x0] =	vst.idx.msk $0xffff, v4  }
0x17b: {  	v5 =	vadd.s32 v41, v2;
	v4 =	vld.idx.msk [tilespmem:v6+s28+$0x0], $0xffff  }
0x17c: {  	v6 =	vadd.s32 $0x23, v3;
	_ =	sdelay $0x3  }
0x17d: {  	[tilespmem:v5+s29+$0x0] =	vst.idx.msk $0xffff, v4  }
0x17e: {  	v4 =	vld.idx.msk [tilespmem:v6+s30+$0x0], $0xffff  }
0x17f: {  	v6 =	vadd.s32 $0x24, v1;
	_ =	sdelay $0x3  }
0x180: {  	[tilespmem:v5+s31+$0x0] =	vst.idx.msk $0xffff, v4  }
0x181: {  	v5 =	vadd.s32 v42, v2;
	v4 =	vld.idx.msk [tilespmem:v6+s28+$0x0], $0xffff  }
0x182: {  	v6 =	vadd.s32 $0x24, v3;
	_ =	sdelay $0x3  }
0x183: {  	[tilespmem:v5+s29+$0x0] =	vst.idx.msk $0xffff, v4  }
0x184: {  	v4 =	vld.idx.msk [tilespmem:v6+s30+$0x0], $0xffff  }
0x185: {  	v6 =	vadd.s32 $0x25, v1;
	_ =	sdelay $0x3  }
0x186: {  	[tilespmem:v5+s31+$0x0] =	vst.idx.msk $0xffff, v4  }
0x187: {  	v5 =	vadd.s32 v44, v2;
	v4 =	vld.idx.msk [tilespmem:v6+s28+$0x0], $0xffff  }
0x188: {  	v6 =	vadd.s32 $0x25, v3;
	_ =	sdelay $0x3  }
0x189: {  	[tilespmem:v5+s29+$0x0] =	vst.idx.msk $0xffff, v4  }
0x18a: {  	v4 =	vld.idx.msk [tilespmem:v6+s30+$0x0], $0xffff  }
0x18b: {  	v6 =	vadd.s32 $0x26, v1;
	_ =	sdelay $0x3  }
0x18c: {  	[tilespmem:v5+s31+$0x0] =	vst.idx.msk $0xffff, v4  }
0x18d: {  	v5 =	vadd.s32 v43, v2;
	v4 =	vld.idx.msk [tilespmem:v6+s28+$0x0], $0xffff  }
0x18e: {  	v6 =	vadd.s32 $0x26, v3;
	_ =	sdelay $0x3  }
0x18f: {  	[tilespmem:v5+s29+$0x0] =	vst.idx.msk $0xffff, v4  }
0x190: {  	v4 =	vld.idx.msk [tilespmem:v6+s30+$0x0], $0xffff  }
0x191: {  	v6 =	vadd.s32 $0x27, v1;
	_ =	sdelay $0x3  }
0x192: {  	[tilespmem:v5+s31+$0x0] =	vst.idx.msk $0xffff, v4  }
0x193: {  	v5 =	vadd.s32 v45, v2;
	v4 =	vld.idx.msk [tilespmem:v6+s28+$0x0], $0xffff  }
0x194: {  	v6 =	vadd.s32 $0x27, v3;
	_ =	sdelay $0x3  }
0x195: {  	[tilespmem:v5+s29+$0x0] =	vst.idx.msk $0xffff, v4  }
0x196: {  	v4 =	vld.idx.msk [tilespmem:v6+s30+$0x0], $0xffff  }
0x197: {  	v6 =	vadd.s32 $0x28, v1;
	_ =	sdelay $0x3  }
0x198: {  	[tilespmem:v5+s31+$0x0] =	vst.idx.msk $0xffff, v4  }
0x199: {  	v5 =	vadd.s32 v46, v2;
	v4 =	vld.idx.msk [tilespmem:v6+s28+$0x0], $0xffff  }
0x19a: {  	v6 =	vadd.s32 $0x28, v3;
	_ =	sdelay $0x3  }
0x19b: {  	[tilespmem:v5+s29+$0x0] =	vst.idx.msk $0xffff, v4  }
0x19c: {  	v4 =	vld.idx.msk [tilespmem:v6+s30+$0x0], $0xffff  }
0x19d: {  	v6 =	vadd.s32 $0x29, v1;
	_ =	sdelay $0x3  }
0x19e: {  	[tilespmem:v5+s31+$0x0] =	vst.idx.msk $0xffff, v4  }
0x19f: {  	v5 =	vadd.s32 v48, v2;
	v4 =	vld.idx.msk [tilespmem:v6+s28+$0x0], $0xffff  }
0x1a0: {  	v6 =	vadd.s32 $0x29, v3;
	_ =	sdelay $0x3  }
0x1a1: {  	[tilespmem:v5+s29+$0x0] =	vst.idx.msk $0xffff, v4  }
0x1a2: {  	v4 =	vld.idx.msk [tilespmem:v6+s30+$0x0], $0xffff  }
0x1a3: {  	v6 =	vadd.s32 $0x2A, v1;
	_ =	sdelay $0x3  }
0x1a4: {  	[tilespmem:v5+s31+$0x0] =	vst.idx.msk $0xffff, v4  }
0x1a5: {  	v5 =	vadd.s32 v47, v2;
	v4 =	vld.idx.msk [tilespmem:v6+s28+$0x0], $0xffff  }
0x1a6: {  	v6 =	vadd.s32 $0x2A, v3;
	_ =	sdelay $0x3  }
0x1a7: {  	[tilespmem:v5+s29+$0x0] =	vst.idx.msk $0xffff, v4  }
0x1a8: {  	v4 =	vld.idx.msk [tilespmem:v6+s30+$0x0], $0xffff  }
0x1a9: {  	v6 =	vadd.s32 $0x2B, v1;
	_ =	sdelay $0x3  }
0x1aa: {  	[tilespmem:v5+s31+$0x0] =	vst.idx.msk $0xffff, v4  }
0x1ab: {  	v5 =	vadd.s32 v50, v2;
	v4 =	vld.idx.msk [tilespmem:v6+s28+$0x0], $0xffff  }
0x1ac: {  	v6 =	vadd.s32 $0x2B, v3;
	_ =	sdelay $0x3  }
0x1ad: {  	[tilespmem:v5+s29+$0x0] =	vst.idx.msk $0xffff, v4  }
0x1ae: {  	v4 =	vld.idx.msk [tilespmem:v6+s30+$0x0], $0xffff  }
0x1af: {  	v6 =	vadd.s32 $0x2C, v1;
	_ =	sdelay $0x3  }
0x1b0: {  	[tilespmem:v5+s31+$0x0] =	vst.idx.msk $0xffff, v4  }
0x1b1: {  	v5 =	vadd.s32 v49, v2;
	v4 =	vld.idx.msk [tilespmem:v6+s28+$0x0], $0xffff  }
0x1b2: {  	v6 =	vadd.s32 $0x2C, v3;
	_ =	sdelay $0x3  }
0x1b3: {  	[tilespmem:v5+s29+$0x0] =	vst.idx.msk $0xffff, v4  }
0x1b4: {  	v4 =	vld.idx.msk [tilespmem:v6+s30+$0x0], $0xffff  }
0x1b5: {  	v6 =	vadd.s32 $0x2D, v1;
	_ =	sdelay $0x3  }
0x1b6: {  	[tilespmem:v5+s31+$0x0] =	vst.idx.msk $0xffff, v4  }
0x1b7: {  	v5 =	vadd.s32 v51, v2;
	v4 =	vld.idx.msk [tilespmem:v6+s28+$0x0], $0xffff  }
0x1b8: {  	v6 =	vadd.s32 $0x2D, v3;
	_ =	sdelay $0x3  }
0x1b9: {  	[tilespmem:v5+s29+$0x0] =	vst.idx.msk $0xffff, v4  }
0x1ba: {  	v4 =	vld.idx.msk [tilespmem:v6+s30+$0x0], $0xffff  }
0x1bb: {  	v6 =	vadd.s32 $0x2E, v1;
	_ =	sdelay $0x3  }
0x1bc: {  	[tilespmem:v5+s31+$0x0] =	vst.idx.msk $0xffff, v4  }
0x1bd: {  	v5 =	vadd.s32 v52, v2;
	v4 =	vld.idx.msk [tilespmem:v6+s28+$0x0], $0xffff  }
0x1be: {  	v6 =	vadd.s32 $0x2E, v3;
	_ =	sdelay $0x3  }
0x1bf: {  	[tilespmem:v5+s29+$0x0] =	vst.idx.msk $0xffff, v4  }
0x1c0: {  	v4 =	vld.idx.msk [tilespmem:v6+s30+$0x0], $0xffff  }
0x1c1: {  	v6 =	vadd.s32 $0x2F, v1;
	_ =	sdelay $0x3  }
0x1c2: {  	[tilespmem:v5+s31+$0x0] =	vst.idx.msk $0xffff, v4  }
0x1c3: {  	v5 =	vadd.s32 v54, v2;
	v4 =	vld.idx.msk [tilespmem:v6+s28+$0x0], $0xffff  }
0x1c4: {  	v6 =	vadd.s32 $0x2F, v3;
	_ =	sdelay $0x3  }
0x1c5: {  	[tilespmem:v5+s29+$0x0] =	vst.idx.msk $0xffff, v4  }
0x1c6: {  	v4 =	vld.idx.msk [tilespmem:v6+s30+$0x0], $0xffff  }
0x1c7: {  	v6 =	vadd.s32 $0x30, v1;
	_ =	sdelay $0x3  }
0x1c8: {  	[tilespmem:v5+s31+$0x0] =	vst.idx.msk $0xffff, v4  }
0x1c9: {  	v5 =	vadd.s32 v53, v2;
	v4 =	vld.idx.msk [tilespmem:v6+s28+$0x0], $0xffff  }
0x1ca: {  	v6 =	vadd.s32 $0x30, v3;
	_ =	sdelay $0x3  }
0x1cb: {  	[tilespmem:v5+s29+$0x0] =	vst.idx.msk $0xffff, v4  }
0x1cc: {  	v4 =	vld.idx.msk [tilespmem:v6+s30+$0x0], $0xffff  }
0x1cd: {  	v6 =	vadd.s32 $0x31, v1;
	_ =	sdelay $0x3  }
0x1ce: {  	[tilespmem:v5+s31+$0x0] =	vst.idx.msk $0xffff, v4  }
0x1cf: {  	v5 =	vadd.s32 v56, v2;
	v4 =	vld.idx.msk [tilespmem:v6+s28+$0x0], $0xffff  }
0x1d0: {  	v6 =	vadd.s32 $0x31, v3;
	_ =	sdelay $0x3  }
0x1d1: {  	[tilespmem:v5+s29+$0x0] =	vst.idx.msk $0xffff, v4  }
0x1d2: {  	v4 =	vld.idx.msk [tilespmem:v6+s30+$0x0], $0xffff  }
0x1d3: {  	v6 =	vadd.s32 $0x32, v1;
	_ =	sdelay $0x3  }
0x1d4: {  	[tilespmem:v5+s31+$0x0] =	vst.idx.msk $0xffff, v4  }
0x1d5: {  	v5 =	vadd.s32 v55, v2;
	v4 =	vld.idx.msk [tilespmem:v6+s28+$0x0], $0xffff  }
0x1d6: {  	v6 =	vadd.s32 $0x32, v3;
	_ =	sdelay $0x3  }
0x1d7: {  	[tilespmem:v5+s29+$0x0] =	vst.idx.msk $0xffff, v4  }
0x1d8: {  	v4 =	vld.idx.msk [tilespmem:v6+s30+$0x0], $0xffff  }
0x1d9: {  	v6 =	vadd.s32 $0x33, v1;
	_ =	sdelay $0x3  }
0x1da: {  	[tilespmem:v5+s31+$0x0] =	vst.idx.msk $0xffff, v4  }
0x1db: {  	v5 =	vadd.s32 v57, v2;
	v4 =	vld.idx.msk [tilespmem:v6+s28+$0x0], $0xffff  }
0x1dc: {  	v6 =	vadd.s32 $0x33, v3;
	_ =	sdelay $0x3  }
0x1dd: {  	[tilespmem:v5+s29+$0x0] =	vst.idx.msk $0xffff, v4  }
0x1de: {  	v4 =	vld.idx.msk [tilespmem:v6+s30+$0x0], $0xffff  }
0x1df: {  	v6 =	vadd.s32 $0x34, v1;
	_ =	sdelay $0x3  }
0x1e0: {  	[tilespmem:v5+s31+$0x0] =	vst.idx.msk $0xffff, v4  }
0x1e1: {  	v5 =	vadd.s32 v58, v2;
	v4 =	vld.idx.msk [tilespmem:v6+s28+$0x0], $0xffff  }
0x1e2: {  	v6 =	vadd.s32 $0x34, v3;
	_ =	sdelay $0x3  }
0x1e3: {  	[tilespmem:v5+s29+$0x0] =	vst.idx.msk $0xffff, v4  }
0x1e4: {  	v4 =	vld.idx.msk [tilespmem:v6+s30+$0x0], $0xffff  }
0x1e5: {  	v6 =	vadd.s32 $0x35, v1;
	_ =	sdelay $0x3  }
0x1e6: {  	[tilespmem:v5+s31+$0x0] =	vst.idx.msk $0xffff, v4  }
0x1e7: {  	v5 =	vadd.s32 v60, v2;
	v4 =	vld.idx.msk [tilespmem:v6+s28+$0x0], $0xffff  }
0x1e8: {  	v6 =	vadd.s32 $0x35, v3;
	_ =	sdelay $0x3  }
0x1e9: {  	[tilespmem:v5+s29+$0x0] =	vst.idx.msk $0xffff, v4  }
0x1ea: {  	v4 =	vld.idx.msk [tilespmem:v6+s30+$0x0], $0xffff  }
0x1eb: {  	v6 =	vadd.s32 $0x36, v1;
	_ =	sdelay $0x3  }
0x1ec: {  	[tilespmem:v5+s31+$0x0] =	vst.idx.msk $0xffff, v4  }
0x1ed: {  	v5 =	vadd.s32 v59, v2;
	v4 =	vld.idx.msk [tilespmem:v6+s28+$0x0], $0xffff  }
0x1ee: {  	v6 =	vadd.s32 $0x36, v3;
	_ =	sdelay $0x3  }
0x1ef: {  	[tilespmem:v5+s29+$0x0] =	vst.idx.msk $0xffff, v4  }
0x1f0: {  	v4 =	vld.idx.msk [tilespmem:v6+s30+$0x0], $0xffff  }
0x1f1: {  	v6 =	vadd.s32 $0x37, v1;
	_ =	sdelay $0x3  }
0x1f2: {  	[tilespmem:v5+s31+$0x0] =	vst.idx.msk $0xffff, v4  }
0x1f3: {  	v5 =	vadd.s32 v62, v2;
	v4 =	vld.idx.msk [tilespmem:v6+s28+$0x0], $0xffff  }
0x1f4: {  	v6 =	vadd.s32 $0x37, v3;
	_ =	sdelay $0x3  }
0x1f5: {  	[tilespmem:v5+s29+$0x0] =	vst.idx.msk $0xffff, v4  }
0x1f6: {  	v4 =	vld.idx.msk [tilespmem:v6+s30+$0x0], $0xffff  }
0x1f7: {  	v6 =	vadd.s32 $0x38, v1;
	_ =	sdelay $0x3  }
0x1f8: {  	[tilespmem:v5+s31+$0x0] =	vst.idx.msk $0xffff, v4  }
0x1f9: {  	v5 =	vadd.s32 v61, v2;
	v4 =	vld.idx.msk [tilespmem:v6+s28+$0x0], $0xffff  }
0x1fa: {  	v6 =	vadd.s32 $0x38, v3;
	_ =	sdelay $0x3  }
0x1fb: {  	[tilespmem:v5+s29+$0x0] =	vst.idx.msk $0xffff, v4  }
0x1fc: {  	v4 =	vld.idx.msk [tilespmem:v6+s30+$0x0], $0xffff  }
0x1fd: {  	v6 =	vadd.s32 $0x39, v1;
	_ =	sdelay $0x3  }
0x1fe: {  	[tilespmem:v5+s31+$0x0] =	vst.idx.msk $0xffff, v4  }
0x1ff: {  	v5 =	vadd.s32 v63, v2;
	v4 =	vld.idx.msk [tilespmem:v6+s28+$0x0], $0xffff  }
0x200: {  	v6 =	vadd.s32 $0x39, v3;
	_ =	sdelay $0x3  }
0x201: {  	[tilespmem:v5+s29+$0x0] =	vst.idx.msk $0xffff, v4  }
0x202: {  	v4 =	vld.idx.msk [tilespmem:v6+s30+$0x0], $0xffff  }
0x203: {  	v6 =	vadd.s32 $0x3A, v1;
	_ =	sdelay $0x3  }
0x204: {  	[tilespmem:v5+s31+$0x0] =	vst.idx.msk $0xffff, v4  }
0x205: {  	v5 =	vadd.s32 v7, v2;
	v4 =	vld.idx.msk [tilespmem:v6+s28+$0x0], $0xffff  }
0x206: {  	v6 =	vadd.s32 $0x3A, v3;
	_ =	sdelay $0x3  }
0x207: {  	[tilespmem:v5+s29+$0x0] =	vst.idx.msk $0xffff, v4  }
0x208: {  	v4 =	vld.idx.msk [tilespmem:v6+s30+$0x0], $0xffff  }
0x209: {  	v6 =	vadd.s32 $0x3B, v1;
	_ =	sdelay $0x3  }
0x20a: {  	[tilespmem:v5+s31+$0x0] =	vst.idx.msk $0xffff, v4  }
0x20b: {  	v5 =	vadd.s32 v9, v2;
	v4 =	vld.idx.msk [tilespmem:v6+s28+$0x0], $0xffff  }
0x20c: {  	v6 =	vadd.s32 $0x3B, v3;
	_ =	sdelay $0x3  }
0x20d: {  	[tilespmem:v5+s29+$0x0] =	vst.idx.msk $0xffff, v4  }
0x20e: {  	v4 =	vld.idx.msk [tilespmem:v6+s30+$0x0], $0xffff  }
0x20f: {  	v6 =	vadd.s32 $0x3C, v1;
	_ =	sdelay $0x3  }
0x210: {  	[tilespmem:v5+s31+$0x0] =	vst.idx.msk $0xffff, v4  }
0x211: {  	v5 =	vadd.s32 v8, v2;
	v4 =	vld.idx.msk [tilespmem:v6+s28+$0x0], $0xffff  }
0x212: {  	v6 =	vadd.s32 $0x3C, v3;
	_ =	sdelay $0x3  }
0x213: {  	[tilespmem:v5+s29+$0x0] =	vst.idx.msk $0xffff, v4  }
0x214: {  	v4 =	vld.idx.msk [tilespmem:v6+s30+$0x0], $0xffff  }
0x215: {  	v6 =	vadd.s32 $0x3D, v1;
	_ =	sdelay $0x3  }
0x216: {  	[tilespmem:v5+s31+$0x0] =	vst.idx.msk $0xffff, v4  }
0x217: {  	v5 =	vadd.s32 v11, v2;
	v4 =	vld.idx.msk [tilespmem:v6+s28+$0x0], $0xffff  }
0x218: {  	v6 =	vadd.s32 $0x3D, v3;
	_ =	sdelay $0x3  }
0x219: {  	[tilespmem:v5+s29+$0x0] =	vst.idx.msk $0xffff, v4  }
0x21a: {  	v4 =	vld.idx.msk [tilespmem:v6+s30+$0x0], $0xffff  }
0x21b: {  	v6 =	vadd.s32 $0x3E, v1;
	_ =	sdelay $0x3  }
0x21c: {  	[tilespmem:v5+s31+$0x0] =	vst.idx.msk $0xffff, v4  }
0x21d: {  	v5 =	vadd.s32 v10, v2;
	v4 =	vld.idx.msk [tilespmem:v6+s28+$0x0], $0xffff  }
0x21e: {  	v6 =	vadd.s32 $0x3E, v3;
	_ =	sdelay $0x3  }
0x21f: {  	[tilespmem:v5+s29+$0x0] =	vst.idx.msk $0xffff, v4  }
0x220: {  	v4 =	vld.idx.msk [tilespmem:v6+s30+$0x0], $0xffff  }
0x221: {  	v1 =	vadd.s32 $0x3F, v1;
	_ =	sdelay $0x3  }
0x222: {  	[tilespmem:v5+s31+$0x0] =	vst.idx.msk $0xffff, v4  }
0x223: {  	v2 =	vadd.s32 v12, v2;
	v1 =	vld.idx.msk [tilespmem:v1+s28+$0x0], $0xffff  }
0x224: {  	v3 =	vadd.s32 $0x3F, v3;
	_ =	sdelay $0x3  }
0x225: {  	[tilespmem:v2+s29+$0x0] =	vst.idx.msk $0xffff, v1  }
0x226: {  	p1 =	sne.s32 s8, $0x70;
	v1 =	vld.idx.msk [tilespmem:v3+s30+$0x0], $0xffff  }
.Ltmp2:
0x227: {  	_ = 	snop;
	(pc) =	sbr.rel @p1 .LBB2_6-.Ltmp2, $2  }
0x228: {  	_ =	sdelay $0x2  }
0x229: {  	s9 =	sadd.s32 $0x10, s9;
	s10 =	sadd.s32 $0x10, s10;
	s8 =	sadd.s32 $0x10, s8;
	[tilespmem:v2+s31+$0x0] =	vst.idx.msk $0xffff, v1  }
0x22a: {  	_ =	swait.ge [sflag:s2], $0x2000  }
0x22b: {  	[sflag:s2] =	ssyncset.done $0x0  }
0x22c: {  	s9 =	simm.s32 $0x20;
	s8 =	rddreg [dreg:$0xc];
	[sflag:s2] =	ssyncadd.s32 $0xFFFFE000  }
0x22d: {  	[hbm4b:s8+s0] =	stream.strided.scatter [tilespmem:s26], [sflag:$0x1], $0x2000, s6, s0, $0x38;
	[tilespmem:$0x1B490] =	vst v63  }
0x22e: {  	s13 =	sadd.s32 $0x0, s11;
	s10 =	simm.s32 $0x2648;
	s8 =	simm.s32 $0x2600  }
.LBB2_8:
0x22f: {  	[hbm4b:s13+s4] =	stream.linear.scatter [tilespmem:s8], [sflag:$0x1], $0x40, $0x38;
	[tilespmem:$0x1B490] =	vst v63  }
0x230: {  	s13 =	smov.u32 s9;
	s8 =	smov.u32 s10;
	p1 =	sne.s32 s9, $0xFE0  }
.Ltmp3:
0x231: {  	s9 =	sadd.s32 $0x20, s9;
	(pc) =	sbr.rel @p1 .LBB2_8-.Ltmp3, $2  }
0x232: {  	_ =	sdelay $0x2  }
0x233: {  	s10 =	sadd.s32 $0x48, s10;
	s13 =	sadd.s32 s13, s11  }
0x234: {  	[hbm4b:s13+s4] =	stream.linear.scatter [tilespmem:s8], [sflag:$0x1], $0x40, $0x38;
	[tilespmem:$0x1B490] =	vst v63  }
0x235: {  	s8 =	simm.s32 $0x4A00  }
0x236: {  	s9 =	simm.s32 $0x20;
	s13 =	sadd.s32 $0x0, s12;
	s10 =	simm.s32 $0x4A48  }
.LBB2_10:
0x237: {  	[hbm4b:s13+s4] =	stream.linear.scatter [tilespmem:s8], [sflag:$0x1], $0x40, $0x38;
	[tilespmem:$0x1B490] =	vst v63  }
0x238: {  	s13 =	smov.u32 s9;
	s8 =	smov.u32 s10;
	p1 =	sne.s32 s9, $0xFE0  }
.Ltmp4:
0x239: {  	s9 =	sadd.s32 $0x20, s9;
	(pc) =	sbr.rel @p1 .LBB2_10-.Ltmp4, $2  }
0x23a: {  	_ =	sdelay $0x2  }
0x23b: {  	s10 =	sadd.s32 $0x48, s10;
	s13 =	sadd.s32 s13, s12  }
0x23c: {  	[hbm4b:s13+s4] =	stream.linear.scatter [tilespmem:s8], [sflag:$0x1], $0x40, $0x38;
	[tilespmem:$0x1B490] =	vst v63  }
0x23d: {  	_ =	swait.ge [sflag:s2], $0x2000  }
0x23e: {  	[sflag:s2] =	ssyncset.done $0x0  }
0x23f: {  	[sflag:s2] =	ssyncadd.s32 $0xFFFFE000  }
0x240: {  	_ =	swait.ge [sflag:s2], $0x2000  }
0x241: {  	[sflag:s2] =	ssyncset.done $0x0  }
0x242: {  	[sflag:s2] =	ssyncadd.s32 $0xFFFFE000  }
0x243: {  	_ =	swait.ge [sflag:s2], $0x2000  }
0x244: {  	v13 =	vld [tilespmem:$0x1FC60]  }
0x245: {  	v14 =	vld [tilespmem:$0x1FC70]  }
0x246: {  	v15 =	vld [tilespmem:$0x1FC80]  }
0x247: {  	v16 =	vld [tilespmem:$0x1FC90]  }
0x248: {  	v17 =	vld [tilespmem:$0x1FCA0]  }
0x249: {  	v18 =	vld [tilespmem:$0x1FCB0]  }
0x24a: {  	v19 =	vld [tilespmem:$0x1FCC0]  }
0x24b: {  	v20 =	vld [tilespmem:$0x1FCD0]  }
0x24c: {  	v21 =	vld [tilespmem:$0x1FCE0]  }
0x24d: {  	v0 =	vld [tilespmem:$0x1FCF0]  }
0x24e: {  	v22 =	vld [tilespmem:$0x1FD00]  }
0x24f: {  	v23 =	vld [tilespmem:$0x1FD10]  }
0x250: {  	v24 =	vld [tilespmem:$0x1FD20]  }
0x251: {  	v25 =	vld [tilespmem:$0x1FD30]  }
0x252: {  	v26 =	vld [tilespmem:$0x1FD40]  }
0x253: {  	v27 =	vld [tilespmem:$0x1FD50]  }
0x254: {  	v28 =	vld [tilespmem:$0x1FD60]  }
0x255: {  	v29 =	vld [tilespmem:$0x1FD70]  }
0x256: {  	v30 =	vld [tilespmem:$0x1FD80]  }
0x257: {  	v31 =	vld [tilespmem:$0x1FD90]  }
0x258: {  	v32 =	vld [tilespmem:$0x1FDA0]  }
0x259: {  	v33 =	vld [tilespmem:$0x1FDB0]  }
0x25a: {  	v34 =	vld [tilespmem:$0x1FDC0]  }
0x25b: {  	v35 =	vld [tilespmem:$0x1FDD0]  }
0x25c: {  	v36 =	vld [tilespmem:$0x1FDE0]  }
0x25d: {  	v37 =	vld [tilespmem:$0x1FDF0]  }
0x25e: {  	v38 =	vld [tilespmem:$0x1FE00]  }
0x25f: {  	v39 =	vld [tilespmem:$0x1FE10]  }
0x260: {  	v40 =	vld [tilespmem:$0x1FE20]  }
0x261: {  	v41 =	vld [tilespmem:$0x1FE30]  }
0x262: {  	v42 =	vld [tilespmem:$0x1FE40]  }
0x263: {  	v43 =	vld [tilespmem:$0x1FE50]  }
0x264: {  	v44 =	vld [tilespmem:$0x1FE60]  }
0x265: {  	v45 =	vld [tilespmem:$0x1FE70]  }
0x266: {  	v46 =	vld [tilespmem:$0x1FE80]  }
0x267: {  	v47 =	vld [tilespmem:$0x1FE90]  }
0x268: {  	v48 =	vld [tilespmem:$0x1FEA0]  }
0x269: {  	v49 =	vld [tilespmem:$0x1FEB0]  }
0x26a: {  	v50 =	vld [tilespmem:$0x1FEC0]  }
0x26b: {  	v51 =	vld [tilespmem:$0x1FED0]  }
0x26c: {  	v52 =	vld [tilespmem:$0x1FEE0]  }
0x26d: {  	v53 =	vld [tilespmem:$0x1FEF0]  }
0x26e: {  	v54 =	vld [tilespmem:$0x1FF00]  }
0x26f: {  	v55 =	vld [tilespmem:$0x1FF10]  }
0x270: {  	v56 =	vld [tilespmem:$0x1FF20]  }
0x271: {  	v57 =	vld [tilespmem:$0x1FF30]  }
0x272: {  	v58 =	vld [tilespmem:$0x1FF40]  }
0x273: {  	v59 =	vld [tilespmem:$0x1FF50]  }
0x274: {  	v60 =	vld [tilespmem:$0x1FF60]  }
0x275: {  	v61 =	vld [tilespmem:$0x1FF70]  }
0x276: {  	v62 =	vld [tilespmem:$0x1FF80]  }
0x277: {  	v63 =	vld [tilespmem:$0x1FF90]  }
0x278: {  	v7 =	vld [tilespmem:$0x1FFA0]  }
0x279: {  	v8 =	vld [tilespmem:$0x1FFB0]  }
0x27a: {  	v9 =	vld [tilespmem:$0x1FFC0]  }
0x27b: {  	s8 =	simm.s32 $0x0;
	[sflag:s2] =	ssyncset.done $0x0;
	v10 =	vld [tilespmem:$0x1FFD0]  }
0x27c: {  	s9 =	simm.s32 $0x480;
	s10 =	simm.s32 $0x280;
	v11 =	vld [tilespmem:$0x1FFE0];
	[sflag:s2] =	ssyncadd.s32 $0xFFFFE000  }
0x27d: {  	v12 =	vld [tilespmem:$0x1FFF0];
	[tilespmem:s26], [sflag:$0x1] =	stream.indirect.gather [hbm4b:s5+s25], $0x40, s25, s25, $0xb8  }
.LBB2_12:
0x27e: {  	v1 =	vld [tilespmem:s10+$0x0];
	_ =	sdelay $0x4  }
0x27f: {  	v1 =	vmul.u32 $0x48, v1  }
0x280: {  	v3 =	vld [tilespmem:s9+$0x0];
	v2 =	vmov s8  }
0x281: {  	v2 =	vmul.u32 $0x48, v2;
	_ =	sdelay $0x1  }
0x282: {  	v2 =	vbroadcast v2, $0x0;
	_ =	sdelay $0x1  }
0x283: {  	v5 =	vadd.s32 v22, v2;
	v3 =	vmul.u32 $0x48, v3;
	v4 =	vld.idx.msk [tilespmem:v1+s28+$0x0], $0xffff;
	_ =	sdelay $0x4  }
0x284: {  	[tilespmem:v5+s29+$0x0] =	vst.idx.msk $0xffff, v4  }
0x285: {  	v4 =	vld.idx.msk [tilespmem:v3+s30+$0x0], $0xffff;
	_ =	sdelay $0x4  }
0x286: {  	v6 =	vor.u32 $0x1, v1;
	[tilespmem:v5+s31+$0x0] =	vst.idx.msk $0xffff, v4;
	v5 =	vld [tilespmem:$0x1FC00];
	_ =	sdelay $0x4  }
0x287: {  	v4 =	vld.idx.msk [tilespmem:v6+s28+$0x0], $0xffff;
	v5 =	vadd.s32 v5, v2  }
0x288: {  	v6 =	vor.u32 $0x1, v3;
	_ =	sdelay $0x3  }
0x289: {  	[tilespmem:v5+s29+$0x0] =	vst.idx.msk $0xffff, v4  }
0x28a: {  	v4 =	vld.idx.msk [tilespmem:v6+s30+$0x0], $0xffff;
	_ =	sdelay $0x4  }
0x28b: {  	v6 =	vor.u32 $0x2, v1;
	[tilespmem:v5+s31+$0x0] =	vst.idx.msk $0xffff, v4;
	v5 =	vld [tilespmem:$0x1FC10];
	_ =	sdelay $0x4  }
0x28c: {  	v4 =	vld.idx.msk [tilespmem:v6+s28+$0x0], $0xffff;
	v5 =	vadd.s32 v5, v2  }
0x28d: {  	v6 =	vor.u32 $0x2, v3;
	_ =	sdelay $0x3  }
0x28e: {  	[tilespmem:v5+s29+$0x0] =	vst.idx.msk $0xffff, v4  }
0x28f: {  	v4 =	vld.idx.msk [tilespmem:v6+s30+$0x0], $0xffff;
	_ =	sdelay $0x4  }
0x290: {  	v6 =	vor.u32 $0x3, v1;
	[tilespmem:v5+s31+$0x0] =	vst.idx.msk $0xffff, v4;
	v5 =	vld [tilespmem:$0x1FC20];
	_ =	sdelay $0x4  }
0x291: {  	v4 =	vld.idx.msk [tilespmem:v6+s28+$0x0], $0xffff;
	v5 =	vadd.s32 v5, v2  }
0x292: {  	v6 =	vor.u32 $0x3, v3;
	_ =	sdelay $0x3  }
0x293: {  	[tilespmem:v5+s29+$0x0] =	vst.idx.msk $0xffff, v4  }
0x294: {  	v4 =	vld.idx.msk [tilespmem:v6+s30+$0x0], $0xffff;
	_ =	sdelay $0x4  }
0x295: {  	v6 =	vor.u32 $0x4, v1;
	[tilespmem:v5+s31+$0x0] =	vst.idx.msk $0xffff, v4;
	v5 =	vld [tilespmem:$0x1FC30];
	_ =	sdelay $0x4  }
0x296: {  	v4 =	vld.idx.msk [tilespmem:v6+s28+$0x0], $0xffff;
	v5 =	vadd.s32 v5, v2  }
0x297: {  	v6 =	vor.u32 $0x4, v3;
	_ =	sdelay $0x3  }
0x298: {  	[tilespmem:v5+s29+$0x0] =	vst.idx.msk $0xffff, v4  }
0x299: {  	v4 =	vld.idx.msk [tilespmem:v6+s30+$0x0], $0xffff;
	_ =	sdelay $0x4  }
0x29a: {  	v6 =	vor.u32 $0x5, v1;
	[tilespmem:v5+s31+$0x0] =	vst.idx.msk $0xffff, v4;
	v5 =	vld [tilespmem:$0x1FC40];
	_ =	sdelay $0x4  }
0x29b: {  	v4 =	vld.idx.msk [tilespmem:v6+s28+$0x0], $0xffff;
	v5 =	vadd.s32 v5, v2  }
0x29c: {  	v6 =	vor.u32 $0x5, v3;
	_ =	sdelay $0x3  }
0x29d: {  	[tilespmem:v5+s29+$0x0] =	vst.idx.msk $0xffff, v4  }
0x29e: {  	v4 =	vld.idx.msk [tilespmem:v6+s30+$0x0], $0xffff;
	_ =	sdelay $0x4  }
0x29f: {  	v6 =	vor.u32 $0x6, v1;
	[tilespmem:v5+s31+$0x0] =	vst.idx.msk $0xffff, v4;
	v5 =	vld [tilespmem:$0x1FC50];
	_ =	sdelay $0x4  }
0x2a0: {  	v4 =	vld.idx.msk [tilespmem:v6+s28+$0x0], $0xffff;
	v5 =	vadd.s32 v5, v2  }
0x2a1: {  	v6 =	vor.u32 $0x6, v3;
	_ =	sdelay $0x3  }
0x2a2: {  	[tilespmem:v5+s29+$0x0] =	vst.idx.msk $0xffff, v4  }
0x2a3: {  	v4 =	vld.idx.msk [tilespmem:v6+s30+$0x0], $0xffff  }
0x2a4: {  	v6 =	vor.u32 $0x7, v1;
	_ =	sdelay $0x3  }
0x2a5: {  	[tilespmem:v5+s31+$0x0] =	vst.idx.msk $0xffff, v4  }
0x2a6: {  	v5 =	vadd.s32 v13, v2;
	v4 =	vld.idx.msk [tilespmem:v6+s28+$0x0], $0xffff  }
0x2a7: {  	v6 =	vor.u32 $0x7, v3;
	_ =	sdelay $0x3  }
0x2a8: {  	[tilespmem:v5+s29+$0x0] =	vst.idx.msk $0xffff, v4  }
0x2a9: {  	v4 =	vld.idx.msk [tilespmem:v6+s30+$0x0], $0xffff  }
0x2aa: {  	v6 =	vadd.s32 $0x8, v1;
	_ =	sdelay $0x3  }
0x2ab: {  	[tilespmem:v5+s31+$0x0] =	vst.idx.msk $0xffff, v4  }
0x2ac: {  	v5 =	vadd.s32 v14, v2;
	v4 =	vld.idx.msk [tilespmem:v6+s28+$0x0], $0xffff  }
0x2ad: {  	v6 =	vadd.s32 $0x8, v3;
	_ =	sdelay $0x3  }
0x2ae: {  	[tilespmem:v5+s29+$0x0] =	vst.idx.msk $0xffff, v4  }
0x2af: {  	v4 =	vld.idx.msk [tilespmem:v6+s30+$0x0], $0xffff  }
0x2b0: {  	v6 =	vadd.s32 $0x9, v1;
	_ =	sdelay $0x3  }
0x2b1: {  	[tilespmem:v5+s31+$0x0] =	vst.idx.msk $0xffff, v4  }
0x2b2: {  	v5 =	vadd.s32 v15, v2;
	v4 =	vld.idx.msk [tilespmem:v6+s28+$0x0], $0xffff  }
0x2b3: {  	v6 =	vadd.s32 $0x9, v3;
	_ =	sdelay $0x3  }
0x2b4: {  	[tilespmem:v5+s29+$0x0] =	vst.idx.msk $0xffff, v4  }
0x2b5: {  	v4 =	vld.idx.msk [tilespmem:v6+s30+$0x0], $0xffff  }
0x2b6: {  	v6 =	vadd.s32 $0xA, v1;
	_ =	sdelay $0x3  }
0x2b7: {  	[tilespmem:v5+s31+$0x0] =	vst.idx.msk $0xffff, v4  }
0x2b8: {  	v5 =	vadd.s32 v16, v2;
	v4 =	vld.idx.msk [tilespmem:v6+s28+$0x0], $0xffff  }
0x2b9: {  	v6 =	vadd.s32 $0xA, v3;
	_ =	sdelay $0x3  }
0x2ba: {  	[tilespmem:v5+s29+$0x0] =	vst.idx.msk $0xffff, v4  }
0x2bb: {  	v4 =	vld.idx.msk [tilespmem:v6+s30+$0x0], $0xffff  }
0x2bc: {  	v6 =	vadd.s32 $0xB, v1;
	_ =	sdelay $0x3  }
0x2bd: {  	[tilespmem:v5+s31+$0x0] =	vst.idx.msk $0xffff, v4  }
0x2be: {  	v5 =	vadd.s32 v17, v2;
	v4 =	vld.idx.msk [tilespmem:v6+s28+$0x0], $0xffff  }
0x2bf: {  	v6 =	vadd.s32 $0xB, v3;
	_ =	sdelay $0x3  }
0x2c0: {  	[tilespmem:v5+s29+$0x0] =	vst.idx.msk $0xffff, v4  }
0x2c1: {  	v4 =	vld.idx.msk [tilespmem:v6+s30+$0x0], $0xffff  }
0x2c2: {  	v6 =	vadd.s32 $0xC, v1;
	_ =	sdelay $0x3  }
0x2c3: {  	[tilespmem:v5+s31+$0x0] =	vst.idx.msk $0xffff, v4  }
0x2c4: {  	v5 =	vadd.s32 v18, v2;
	v4 =	vld.idx.msk [tilespmem:v6+s28+$0x0], $0xffff  }
0x2c5: {  	v6 =	vadd.s32 $0xC, v3;
	_ =	sdelay $0x3  }
0x2c6: {  	[tilespmem:v5+s29+$0x0] =	vst.idx.msk $0xffff, v4  }
0x2c7: {  	v4 =	vld.idx.msk [tilespmem:v6+s30+$0x0], $0xffff  }
0x2c8: {  	v6 =	vadd.s32 $0xD, v1;
	_ =	sdelay $0x3  }
0x2c9: {  	[tilespmem:v5+s31+$0x0] =	vst.idx.msk $0xffff, v4  }
0x2ca: {  	v5 =	vadd.s32 v19, v2;
	v4 =	vld.idx.msk [tilespmem:v6+s28+$0x0], $0xffff  }
0x2cb: {  	v6 =	vadd.s32 $0xD, v3;
	_ =	sdelay $0x3  }
0x2cc: {  	[tilespmem:v5+s29+$0x0] =	vst.idx.msk $0xffff, v4  }
0x2cd: {  	v4 =	vld.idx.msk [tilespmem:v6+s30+$0x0], $0xffff  }
0x2ce: {  	v6 =	vadd.s32 $0xE, v1;
	_ =	sdelay $0x3  }
0x2cf: {  	[tilespmem:v5+s31+$0x0] =	vst.idx.msk $0xffff, v4  }
0x2d0: {  	v5 =	vadd.s32 v20, v2;
	v4 =	vld.idx.msk [tilespmem:v6+s28+$0x0], $0xffff  }
0x2d1: {  	v6 =	vadd.s32 $0xE, v3;
	_ =	sdelay $0x3  }
0x2d2: {  	[tilespmem:v5+s29+$0x0] =	vst.idx.msk $0xffff, v4  }
0x2d3: {  	v4 =	vld.idx.msk [tilespmem:v6+s30+$0x0], $0xffff  }
0x2d4: {  	v6 =	vadd.s32 $0xF, v1;
	_ =	sdelay $0x3  }
0x2d5: {  	[tilespmem:v5+s31+$0x0] =	vst.idx.msk $0xffff, v4  }
0x2d6: {  	v5 =	vadd.s32 v21, v2;
	v4 =	vld.idx.msk [tilespmem:v6+s28+$0x0], $0xffff  }
0x2d7: {  	v6 =	vadd.s32 $0xF, v3;
	_ =	sdelay $0x3  }
0x2d8: {  	[tilespmem:v5+s29+$0x0] =	vst.idx.msk $0xffff, v4  }
0x2d9: {  	v4 =	vld.idx.msk [tilespmem:v6+s30+$0x0], $0xffff  }
0x2da: {  	v6 =	vadd.s32 $0x10, v1;
	_ =	sdelay $0x3  }
0x2db: {  	[tilespmem:v5+s31+$0x0] =	vst.idx.msk $0xffff, v4  }
0x2dc: {  	v5 =	vadd.s32 v0, v2;
	v4 =	vld.idx.msk [tilespmem:v6+s28+$0x0], $0xffff  }
0x2dd: {  	v6 =	vadd.s32 $0x10, v3;
	_ =	sdelay $0x3  }
0x2de: {  	[tilespmem:v5+s29+$0x0] =	vst.idx.msk $0xffff, v4  }
0x2df: {  	v4 =	vld.idx.msk [tilespmem:v6+s30+$0x0], $0xffff  }
0x2e0: {  	v6 =	vadd.s32 $0x11, v1;
	_ =	sdelay $0x3  }
0x2e1: {  	[tilespmem:v5+s31+$0x0] =	vst.idx.msk $0xffff, v4  }
0x2e2: {  	v5 =	vadd.s32 v23, v2;
	v4 =	vld.idx.msk [tilespmem:v6+s28+$0x0], $0xffff  }
0x2e3: {  	v6 =	vadd.s32 $0x11, v3;
	_ =	sdelay $0x3  }
0x2e4: {  	[tilespmem:v5+s29+$0x0] =	vst.idx.msk $0xffff, v4  }
0x2e5: {  	v4 =	vld.idx.msk [tilespmem:v6+s30+$0x0], $0xffff  }
0x2e6: {  	v6 =	vadd.s32 $0x12, v1;
	_ =	sdelay $0x3  }
0x2e7: {  	[tilespmem:v5+s31+$0x0] =	vst.idx.msk $0xffff, v4  }
0x2e8: {  	v5 =	vadd.s32 v24, v2;
	v4 =	vld.idx.msk [tilespmem:v6+s28+$0x0], $0xffff  }
0x2e9: {  	v6 =	vadd.s32 $0x12, v3;
	_ =	sdelay $0x3  }
0x2ea: {  	[tilespmem:v5+s29+$0x0] =	vst.idx.msk $0xffff, v4  }
0x2eb: {  	v4 =	vld.idx.msk [tilespmem:v6+s30+$0x0], $0xffff  }
0x2ec: {  	v6 =	vadd.s32 $0x13, v1;
	_ =	sdelay $0x3  }
0x2ed: {  	[tilespmem:v5+s31+$0x0] =	vst.idx.msk $0xffff, v4  }
0x2ee: {  	v5 =	vadd.s32 v25, v2;
	v4 =	vld.idx.msk [tilespmem:v6+s28+$0x0], $0xffff  }
0x2ef: {  	v6 =	vadd.s32 $0x13, v3;
	_ =	sdelay $0x3  }
0x2f0: {  	[tilespmem:v5+s29+$0x0] =	vst.idx.msk $0xffff, v4  }
0x2f1: {  	v4 =	vld.idx.msk [tilespmem:v6+s30+$0x0], $0xffff  }
0x2f2: {  	v6 =	vadd.s32 $0x14, v1;
	_ =	sdelay $0x3  }
0x2f3: {  	[tilespmem:v5+s31+$0x0] =	vst.idx.msk $0xffff, v4  }
0x2f4: {  	v5 =	vadd.s32 v26, v2;
	v4 =	vld.idx.msk [tilespmem:v6+s28+$0x0], $0xffff  }
0x2f5: {  	v6 =	vadd.s32 $0x14, v3;
	_ =	sdelay $0x3  }
0x2f6: {  	[tilespmem:v5+s29+$0x0] =	vst.idx.msk $0xffff, v4  }
0x2f7: {  	v4 =	vld.idx.msk [tilespmem:v6+s30+$0x0], $0xffff  }
0x2f8: {  	v6 =	vadd.s32 $0x15, v1;
	_ =	sdelay $0x3  }
0x2f9: {  	[tilespmem:v5+s31+$0x0] =	vst.idx.msk $0xffff, v4  }
0x2fa: {  	v5 =	vadd.s32 v27, v2;
	v4 =	vld.idx.msk [tilespmem:v6+s28+$0x0], $0xffff  }
0x2fb: {  	v6 =	vadd.s32 $0x15, v3;
	_ =	sdelay $0x3  }
0x2fc: {  	[tilespmem:v5+s29+$0x0] =	vst.idx.msk $0xffff, v4  }
0x2fd: {  	v4 =	vld.idx.msk [tilespmem:v6+s30+$0x0], $0xffff  }
0x2fe: {  	v6 =	vadd.s32 $0x16, v1;
	_ =	sdelay $0x3  }
0x2ff: {  	[tilespmem:v5+s31+$0x0] =	vst.idx.msk $0xffff, v4  }
0x300: {  	v5 =	vadd.s32 v28, v2;
	v4 =	vld.idx.msk [tilespmem:v6+s28+$0x0], $0xffff  }
0x301: {  	v6 =	vadd.s32 $0x16, v3;
	_ =	sdelay $0x3  }
0x302: {  	[tilespmem:v5+s29+$0x0] =	vst.idx.msk $0xffff, v4  }
0x303: {  	v4 =	vld.idx.msk [tilespmem:v6+s30+$0x0], $0xffff  }
0x304: {  	v6 =	vadd.s32 $0x17, v1;
	_ =	sdelay $0x3  }
0x305: {  	[tilespmem:v5+s31+$0x0] =	vst.idx.msk $0xffff, v4  }
0x306: {  	v5 =	vadd.s32 v29, v2;
	v4 =	vld.idx.msk [tilespmem:v6+s28+$0x0], $0xffff  }
0x307: {  	v6 =	vadd.s32 $0x17, v3;
	_ =	sdelay $0x3  }
0x308: {  	[tilespmem:v5+s29+$0x0] =	vst.idx.msk $0xffff, v4  }
0x309: {  	v4 =	vld.idx.msk [tilespmem:v6+s30+$0x0], $0xffff  }
0x30a: {  	v6 =	vadd.s32 $0x18, v1;
	_ =	sdelay $0x3  }
0x30b: {  	[tilespmem:v5+s31+$0x0] =	vst.idx.msk $0xffff, v4  }
0x30c: {  	v5 =	vadd.s32 v30, v2;
	v4 =	vld.idx.msk [tilespmem:v6+s28+$0x0], $0xffff  }
0x30d: {  	v6 =	vadd.s32 $0x18, v3;
	_ =	sdelay $0x3  }
0x30e: {  	[tilespmem:v5+s29+$0x0] =	vst.idx.msk $0xffff, v4  }
0x30f: {  	v4 =	vld.idx.msk [tilespmem:v6+s30+$0x0], $0xffff  }
0x310: {  	v6 =	vadd.s32 $0x19, v1;
	_ =	sdelay $0x3  }
0x311: {  	[tilespmem:v5+s31+$0x0] =	vst.idx.msk $0xffff, v4  }
0x312: {  	v5 =	vadd.s32 v31, v2;
	v4 =	vld.idx.msk [tilespmem:v6+s28+$0x0], $0xffff  }
0x313: {  	v6 =	vadd.s32 $0x19, v3;
	_ =	sdelay $0x3  }
0x314: {  	[tilespmem:v5+s29+$0x0] =	vst.idx.msk $0xffff, v4  }
0x315: {  	v4 =	vld.idx.msk [tilespmem:v6+s30+$0x0], $0xffff  }
0x316: {  	v6 =	vadd.s32 $0x1A, v1;
	_ =	sdelay $0x3  }
0x317: {  	[tilespmem:v5+s31+$0x0] =	vst.idx.msk $0xffff, v4  }
0x318: {  	v5 =	vadd.s32 v32, v2;
	v4 =	vld.idx.msk [tilespmem:v6+s28+$0x0], $0xffff  }
0x319: {  	v6 =	vadd.s32 $0x1A, v3;
	_ =	sdelay $0x3  }
0x31a: {  	[tilespmem:v5+s29+$0x0] =	vst.idx.msk $0xffff, v4  }
0x31b: {  	v4 =	vld.idx.msk [tilespmem:v6+s30+$0x0], $0xffff  }
0x31c: {  	v6 =	vadd.s32 $0x1B, v1;
	_ =	sdelay $0x3  }
0x31d: {  	[tilespmem:v5+s31+$0x0] =	vst.idx.msk $0xffff, v4  }
0x31e: {  	v5 =	vadd.s32 v33, v2;
	v4 =	vld.idx.msk [tilespmem:v6+s28+$0x0], $0xffff  }
0x31f: {  	v6 =	vadd.s32 $0x1B, v3;
	_ =	sdelay $0x3  }
0x320: {  	[tilespmem:v5+s29+$0x0] =	vst.idx.msk $0xffff, v4  }
0x321: {  	v4 =	vld.idx.msk [tilespmem:v6+s30+$0x0], $0xffff  }
0x322: {  	v6 =	vadd.s32 $0x1C, v1;
	_ =	sdelay $0x3  }
0x323: {  	[tilespmem:v5+s31+$0x0] =	vst.idx.msk $0xffff, v4  }
0x324: {  	v5 =	vadd.s32 v34, v2;
	v4 =	vld.idx.msk [tilespmem:v6+s28+$0x0], $0xffff  }
0x325: {  	v6 =	vadd.s32 $0x1C, v3;
	_ =	sdelay $0x3  }
0x326: {  	[tilespmem:v5+s29+$0x0] =	vst.idx.msk $0xffff, v4  }
0x327: {  	v4 =	vld.idx.msk [tilespmem:v6+s30+$0x0], $0xffff  }
0x328: {  	v6 =	vadd.s32 $0x1D, v1;
	_ =	sdelay $0x3  }
0x329: {  	[tilespmem:v5+s31+$0x0] =	vst.idx.msk $0xffff, v4  }
0x32a: {  	v5 =	vadd.s32 v35, v2;
	v4 =	vld.idx.msk [tilespmem:v6+s28+$0x0], $0xffff  }
0x32b: {  	v6 =	vadd.s32 $0x1D, v3;
	_ =	sdelay $0x3  }
0x32c: {  	[tilespmem:v5+s29+$0x0] =	vst.idx.msk $0xffff, v4  }
0x32d: {  	v4 =	vld.idx.msk [tilespmem:v6+s30+$0x0], $0xffff  }
0x32e: {  	v6 =	vadd.s32 $0x1E, v1;
	_ =	sdelay $0x3  }
0x32f: {  	[tilespmem:v5+s31+$0x0] =	vst.idx.msk $0xffff, v4  }
0x330: {  	v5 =	vadd.s32 v36, v2;
	v4 =	vld.idx.msk [tilespmem:v6+s28+$0x0], $0xffff  }
0x331: {  	v6 =	vadd.s32 $0x1E, v3;
	_ =	sdelay $0x3  }
0x332: {  	[tilespmem:v5+s29+$0x0] =	vst.idx.msk $0xffff, v4  }
0x333: {  	v4 =	vld.idx.msk [tilespmem:v6+s30+$0x0], $0xffff  }
0x334: {  	v6 =	vadd.s32 $0x1F, v1;
	_ =	sdelay $0x3  }
0x335: {  	[tilespmem:v5+s31+$0x0] =	vst.idx.msk $0xffff, v4  }
0x336: {  	v5 =	vadd.s32 v37, v2;
	v4 =	vld.idx.msk [tilespmem:v6+s28+$0x0], $0xffff  }
0x337: {  	v6 =	vadd.s32 $0x1F, v3;
	_ =	sdelay $0x3  }
0x338: {  	[tilespmem:v5+s29+$0x0] =	vst.idx.msk $0xffff, v4  }
0x339: {  	v4 =	vld.idx.msk [tilespmem:v6+s30+$0x0], $0xffff  }
0x33a: {  	v6 =	vadd.s32 $0x20, v1;
	_ =	sdelay $0x3  }
0x33b: {  	[tilespmem:v5+s31+$0x0] =	vst.idx.msk $0xffff, v4  }
0x33c: {  	v5 =	vadd.s32 v38, v2;
	v4 =	vld.idx.msk [tilespmem:v6+s28+$0x0], $0xffff  }
0x33d: {  	v6 =	vadd.s32 $0x20, v3;
	_ =	sdelay $0x3  }
0x33e: {  	[tilespmem:v5+s29+$0x0] =	vst.idx.msk $0xffff, v4  }
0x33f: {  	v4 =	vld.idx.msk [tilespmem:v6+s30+$0x0], $0xffff  }
0x340: {  	v6 =	vadd.s32 $0x21, v1;
	_ =	sdelay $0x3  }
0x341: {  	[tilespmem:v5+s31+$0x0] =	vst.idx.msk $0xffff, v4  }
0x342: {  	v5 =	vadd.s32 v39, v2;
	v4 =	vld.idx.msk [tilespmem:v6+s28+$0x0], $0xffff  }
0x343: {  	v6 =	vadd.s32 $0x21, v3;
	_ =	sdelay $0x3  }
0x344: {  	[tilespmem:v5+s29+$0x0] =	vst.idx.msk $0xffff, v4  }
0x345: {  	v4 =	vld.idx.msk [tilespmem:v6+s30+$0x0], $0xffff  }
0x346: {  	v6 =	vadd.s32 $0x22, v1;
	_ =	sdelay $0x3  }
0x347: {  	[tilespmem:v5+s31+$0x0] =	vst.idx.msk $0xffff, v4  }
0x348: {  	v5 =	vadd.s32 v40, v2;
	v4 =	vld.idx.msk [tilespmem:v6+s28+$0x0], $0xffff  }
0x349: {  	v6 =	vadd.s32 $0x22, v3;
	_ =	sdelay $0x3  }
0x34a: {  	[tilespmem:v5+s29+$0x0] =	vst.idx.msk $0xffff, v4  }
0x34b: {  	v4 =	vld.idx.msk [tilespmem:v6+s30+$0x0], $0xffff  }
0x34c: {  	v6 =	vadd.s32 $0x23, v1;
	_ =	sdelay $0x3  }
0x34d: {  	[tilespmem:v5+s31+$0x0] =	vst.idx.msk $0xffff, v4  }
0x34e: {  	v5 =	vadd.s32 v41, v2;
	v4 =	vld.idx.msk [tilespmem:v6+s28+$0x0], $0xffff  }
0x34f: {  	v6 =	vadd.s32 $0x23, v3;
	_ =	sdelay $0x3  }
0x350: {  	[tilespmem:v5+s29+$0x0] =	vst.idx.msk $0xffff, v4  }
0x351: {  	v4 =	vld.idx.msk [tilespmem:v6+s30+$0x0], $0xffff  }
0x352: {  	v6 =	vadd.s32 $0x24, v1;
	_ =	sdelay $0x3  }
0x353: {  	[tilespmem:v5+s31+$0x0] =	vst.idx.msk $0xffff, v4  }
0x354: {  	v5 =	vadd.s32 v42, v2;
	v4 =	vld.idx.msk [tilespmem:v6+s28+$0x0], $0xffff  }
0x355: {  	v6 =	vadd.s32 $0x24, v3;
	_ =	sdelay $0x3  }
0x356: {  	[tilespmem:v5+s29+$0x0] =	vst.idx.msk $0xffff, v4  }
0x357: {  	v4 =	vld.idx.msk [tilespmem:v6+s30+$0x0], $0xffff  }
0x358: {  	v6 =	vadd.s32 $0x25, v1;
	_ =	sdelay $0x3  }
0x359: {  	[tilespmem:v5+s31+$0x0] =	vst.idx.msk $0xffff, v4  }
0x35a: {  	v5 =	vadd.s32 v44, v2;
	v4 =	vld.idx.msk [tilespmem:v6+s28+$0x0], $0xffff  }
0x35b: {  	v6 =	vadd.s32 $0x25, v3;
	_ =	sdelay $0x3  }
0x35c: {  	[tilespmem:v5+s29+$0x0] =	vst.idx.msk $0xffff, v4  }
0x35d: {  	v4 =	vld.idx.msk [tilespmem:v6+s30+$0x0], $0xffff  }
0x35e: {  	v6 =	vadd.s32 $0x26, v1;
	_ =	sdelay $0x3  }
0x35f: {  	[tilespmem:v5+s31+$0x0] =	vst.idx.msk $0xffff, v4  }
0x360: {  	v5 =	vadd.s32 v43, v2;
	v4 =	vld.idx.msk [tilespmem:v6+s28+$0x0], $0xffff  }
0x361: {  	v6 =	vadd.s32 $0x26, v3;
	_ =	sdelay $0x3  }
0x362: {  	[tilespmem:v5+s29+$0x0] =	vst.idx.msk $0xffff, v4  }
0x363: {  	v4 =	vld.idx.msk [tilespmem:v6+s30+$0x0], $0xffff  }
0x364: {  	v6 =	vadd.s32 $0x27, v1;
	_ =	sdelay $0x3  }
0x365: {  	[tilespmem:v5+s31+$0x0] =	vst.idx.msk $0xffff, v4  }
0x366: {  	v5 =	vadd.s32 v45, v2;
	v4 =	vld.idx.msk [tilespmem:v6+s28+$0x0], $0xffff  }
0x367: {  	v6 =	vadd.s32 $0x27, v3;
	_ =	sdelay $0x3  }
0x368: {  	[tilespmem:v5+s29+$0x0] =	vst.idx.msk $0xffff, v4  }
0x369: {  	v4 =	vld.idx.msk [tilespmem:v6+s30+$0x0], $0xffff  }
0x36a: {  	v6 =	vadd.s32 $0x28, v1;
	_ =	sdelay $0x3  }
0x36b: {  	[tilespmem:v5+s31+$0x0] =	vst.idx.msk $0xffff, v4  }
0x36c: {  	v5 =	vadd.s32 v46, v2;
	v4 =	vld.idx.msk [tilespmem:v6+s28+$0x0], $0xffff  }
0x36d: {  	v6 =	vadd.s32 $0x28, v3;
	_ =	sdelay $0x3  }
0x36e: {  	[tilespmem:v5+s29+$0x0] =	vst.idx.msk $0xffff, v4  }
0x36f: {  	v4 =	vld.idx.msk [tilespmem:v6+s30+$0x0], $0xffff  }
0x370: {  	v6 =	vadd.s32 $0x29, v1;
	_ =	sdelay $0x3  }
0x371: {  	[tilespmem:v5+s31+$0x0] =	vst.idx.msk $0xffff, v4  }
0x372: {  	v5 =	vadd.s32 v48, v2;
	v4 =	vld.idx.msk [tilespmem:v6+s28+$0x0], $0xffff  }
0x373: {  	v6 =	vadd.s32 $0x29, v3;
	_ =	sdelay $0x3  }
0x374: {  	[tilespmem:v5+s29+$0x0] =	vst.idx.msk $0xffff, v4  }
0x375: {  	v4 =	vld.idx.msk [tilespmem:v6+s30+$0x0], $0xffff  }
0x376: {  	v6 =	vadd.s32 $0x2A, v1;
	_ =	sdelay $0x3  }
0x377: {  	[tilespmem:v5+s31+$0x0] =	vst.idx.msk $0xffff, v4  }
0x378: {  	v5 =	vadd.s32 v47, v2;
	v4 =	vld.idx.msk [tilespmem:v6+s28+$0x0], $0xffff  }
0x379: {  	v6 =	vadd.s32 $0x2A, v3;
	_ =	sdelay $0x3  }
0x37a: {  	[tilespmem:v5+s29+$0x0] =	vst.idx.msk $0xffff, v4  }
0x37b: {  	v4 =	vld.idx.msk [tilespmem:v6+s30+$0x0], $0xffff  }
0x37c: {  	v6 =	vadd.s32 $0x2B, v1;
	_ =	sdelay $0x3  }
0x37d: {  	[tilespmem:v5+s31+$0x0] =	vst.idx.msk $0xffff, v4  }
0x37e: {  	v5 =	vadd.s32 v50, v2;
	v4 =	vld.idx.msk [tilespmem:v6+s28+$0x0], $0xffff  }
0x37f: {  	v6 =	vadd.s32 $0x2B, v3;
	_ =	sdelay $0x3  }
0x380: {  	[tilespmem:v5+s29+$0x0] =	vst.idx.msk $0xffff, v4  }
0x381: {  	v4 =	vld.idx.msk [tilespmem:v6+s30+$0x0], $0xffff  }
0x382: {  	v6 =	vadd.s32 $0x2C, v1;
	_ =	sdelay $0x3  }
0x383: {  	[tilespmem:v5+s31+$0x0] =	vst.idx.msk $0xffff, v4  }
0x384: {  	v5 =	vadd.s32 v49, v2;
	v4 =	vld.idx.msk [tilespmem:v6+s28+$0x0], $0xffff  }
0x385: {  	v6 =	vadd.s32 $0x2C, v3;
	_ =	sdelay $0x3  }
0x386: {  	[tilespmem:v5+s29+$0x0] =	vst.idx.msk $0xffff, v4  }
0x387: {  	v4 =	vld.idx.msk [tilespmem:v6+s30+$0x0], $0xffff  }
0x388: {  	v6 =	vadd.s32 $0x2D, v1;
	_ =	sdelay $0x3  }
0x389: {  	[tilespmem:v5+s31+$0x0] =	vst.idx.msk $0xffff, v4  }
0x38a: {  	v5 =	vadd.s32 v51, v2;
	v4 =	vld.idx.msk [tilespmem:v6+s28+$0x0], $0xffff  }
0x38b: {  	v6 =	vadd.s32 $0x2D, v3;
	_ =	sdelay $0x3  }
0x38c: {  	[tilespmem:v5+s29+$0x0] =	vst.idx.msk $0xffff, v4  }
0x38d: {  	v4 =	vld.idx.msk [tilespmem:v6+s30+$0x0], $0xffff  }
0x38e: {  	v6 =	vadd.s32 $0x2E, v1;
	_ =	sdelay $0x3  }
0x38f: {  	[tilespmem:v5+s31+$0x0] =	vst.idx.msk $0xffff, v4  }
0x390: {  	v5 =	vadd.s32 v52, v2;
	v4 =	vld.idx.msk [tilespmem:v6+s28+$0x0], $0xffff  }
0x391: {  	v6 =	vadd.s32 $0x2E, v3;
	_ =	sdelay $0x3  }
0x392: {  	[tilespmem:v5+s29+$0x0] =	vst.idx.msk $0xffff, v4  }
0x393: {  	v4 =	vld.idx.msk [tilespmem:v6+s30+$0x0], $0xffff  }
0x394: {  	v6 =	vadd.s32 $0x2F, v1;
	_ =	sdelay $0x3  }
0x395: {  	[tilespmem:v5+s31+$0x0] =	vst.idx.msk $0xffff, v4  }
0x396: {  	v5 =	vadd.s32 v54, v2;
	v4 =	vld.idx.msk [tilespmem:v6+s28+$0x0], $0xffff  }
0x397: {  	v6 =	vadd.s32 $0x2F, v3;
	_ =	sdelay $0x3  }
0x398: {  	[tilespmem:v5+s29+$0x0] =	vst.idx.msk $0xffff, v4  }
0x399: {  	v4 =	vld.idx.msk [tilespmem:v6+s30+$0x0], $0xffff  }
0x39a: {  	v6 =	vadd.s32 $0x30, v1;
	_ =	sdelay $0x3  }
0x39b: {  	[tilespmem:v5+s31+$0x0] =	vst.idx.msk $0xffff, v4  }
0x39c: {  	v5 =	vadd.s32 v53, v2;
	v4 =	vld.idx.msk [tilespmem:v6+s28+$0x0], $0xffff  }
0x39d: {  	v6 =	vadd.s32 $0x30, v3;
	_ =	sdelay $0x3  }
0x39e: {  	[tilespmem:v5+s29+$0x0] =	vst.idx.msk $0xffff, v4  }
0x39f: {  	v4 =	vld.idx.msk [tilespmem:v6+s30+$0x0], $0xffff  }
0x3a0: {  	v6 =	vadd.s32 $0x31, v1;
	_ =	sdelay $0x3  }
0x3a1: {  	[tilespmem:v5+s31+$0x0] =	vst.idx.msk $0xffff, v4  }
0x3a2: {  	v5 =	vadd.s32 v56, v2;
	v4 =	vld.idx.msk [tilespmem:v6+s28+$0x0], $0xffff  }
0x3a3: {  	v6 =	vadd.s32 $0x31, v3;
	_ =	sdelay $0x3  }
0x3a4: {  	[tilespmem:v5+s29+$0x0] =	vst.idx.msk $0xffff, v4  }
0x3a5: {  	v4 =	vld.idx.msk [tilespmem:v6+s30+$0x0], $0xffff  }
0x3a6: {  	v6 =	vadd.s32 $0x32, v1;
	_ =	sdelay $0x3  }
0x3a7: {  	[tilespmem:v5+s31+$0x0] =	vst.idx.msk $0xffff, v4  }
0x3a8: {  	v5 =	vadd.s32 v55, v2;
	v4 =	vld.idx.msk [tilespmem:v6+s28+$0x0], $0xffff  }
0x3a9: {  	v6 =	vadd.s32 $0x32, v3;
	_ =	sdelay $0x3  }
0x3aa: {  	[tilespmem:v5+s29+$0x0] =	vst.idx.msk $0xffff, v4  }
0x3ab: {  	v4 =	vld.idx.msk [tilespmem:v6+s30+$0x0], $0xffff  }
0x3ac: {  	v6 =	vadd.s32 $0x33, v1;
	_ =	sdelay $0x3  }
0x3ad: {  	[tilespmem:v5+s31+$0x0] =	vst.idx.msk $0xffff, v4  }
0x3ae: {  	v5 =	vadd.s32 v57, v2;
	v4 =	vld.idx.msk [tilespmem:v6+s28+$0x0], $0xffff  }
0x3af: {  	v6 =	vadd.s32 $0x33, v3;
	_ =	sdelay $0x3  }
0x3b0: {  	[tilespmem:v5+s29+$0x0] =	vst.idx.msk $0xffff, v4  }
0x3b1: {  	v4 =	vld.idx.msk [tilespmem:v6+s30+$0x0], $0xffff  }
0x3b2: {  	v6 =	vadd.s32 $0x34, v1;
	_ =	sdelay $0x3  }
0x3b3: {  	[tilespmem:v5+s31+$0x0] =	vst.idx.msk $0xffff, v4  }
0x3b4: {  	v5 =	vadd.s32 v58, v2;
	v4 =	vld.idx.msk [tilespmem:v6+s28+$0x0], $0xffff  }
0x3b5: {  	v6 =	vadd.s32 $0x34, v3;
	_ =	sdelay $0x3  }
0x3b6: {  	[tilespmem:v5+s29+$0x0] =	vst.idx.msk $0xffff, v4  }
0x3b7: {  	v4 =	vld.idx.msk [tilespmem:v6+s30+$0x0], $0xffff  }
0x3b8: {  	v6 =	vadd.s32 $0x35, v1;
	_ =	sdelay $0x3  }
0x3b9: {  	[tilespmem:v5+s31+$0x0] =	vst.idx.msk $0xffff, v4  }
0x3ba: {  	v5 =	vadd.s32 v60, v2;
	v4 =	vld.idx.msk [tilespmem:v6+s28+$0x0], $0xffff  }
0x3bb: {  	v6 =	vadd.s32 $0x35, v3;
	_ =	sdelay $0x3  }
0x3bc: {  	[tilespmem:v5+s29+$0x0] =	vst.idx.msk $0xffff, v4  }
0x3bd: {  	v4 =	vld.idx.msk [tilespmem:v6+s30+$0x0], $0xffff  }
0x3be: {  	v6 =	vadd.s32 $0x36, v1;
	_ =	sdelay $0x3  }
0x3bf: {  	[tilespmem:v5+s31+$0x0] =	vst.idx.msk $0xffff, v4  }
0x3c0: {  	v5 =	vadd.s32 v59, v2;
	v4 =	vld.idx.msk [tilespmem:v6+s28+$0x0], $0xffff  }
0x3c1: {  	v6 =	vadd.s32 $0x36, v3;
	_ =	sdelay $0x3  }
0x3c2: {  	[tilespmem:v5+s29+$0x0] =	vst.idx.msk $0xffff, v4  }
0x3c3: {  	v4 =	vld.idx.msk [tilespmem:v6+s30+$0x0], $0xffff  }
0x3c4: {  	v6 =	vadd.s32 $0x37, v1;
	_ =	sdelay $0x3  }
0x3c5: {  	[tilespmem:v5+s31+$0x0] =	vst.idx.msk $0xffff, v4  }
0x3c6: {  	v5 =	vadd.s32 v62, v2;
	v4 =	vld.idx.msk [tilespmem:v6+s28+$0x0], $0xffff  }
0x3c7: {  	v6 =	vadd.s32 $0x37, v3;
	_ =	sdelay $0x3  }
0x3c8: {  	[tilespmem:v5+s29+$0x0] =	vst.idx.msk $0xffff, v4  }
0x3c9: {  	v4 =	vld.idx.msk [tilespmem:v6+s30+$0x0], $0xffff  }
0x3ca: {  	v6 =	vadd.s32 $0x38, v1;
	_ =	sdelay $0x3  }
0x3cb: {  	[tilespmem:v5+s31+$0x0] =	vst.idx.msk $0xffff, v4  }
0x3cc: {  	v5 =	vadd.s32 v61, v2;
	v4 =	vld.idx.msk [tilespmem:v6+s28+$0x0], $0xffff  }
0x3cd: {  	v6 =	vadd.s32 $0x38, v3;
	_ =	sdelay $0x3  }
0x3ce: {  	[tilespmem:v5+s29+$0x0] =	vst.idx.msk $0xffff, v4  }
0x3cf: {  	v4 =	vld.idx.msk [tilespmem:v6+s30+$0x0], $0xffff  }
0x3d0: {  	v6 =	vadd.s32 $0x39, v1;
	_ =	sdelay $0x3  }
0x3d1: {  	[tilespmem:v5+s31+$0x0] =	vst.idx.msk $0xffff, v4  }
0x3d2: {  	v5 =	vadd.s32 v63, v2;
	v4 =	vld.idx.msk [tilespmem:v6+s28+$0x0], $0xffff  }
0x3d3: {  	v6 =	vadd.s32 $0x39, v3;
	_ =	sdelay $0x3  }
0x3d4: {  	[tilespmem:v5+s29+$0x0] =	vst.idx.msk $0xffff, v4  }
0x3d5: {  	v4 =	vld.idx.msk [tilespmem:v6+s30+$0x0], $0xffff  }
0x3d6: {  	v6 =	vadd.s32 $0x3A, v1;
	_ =	sdelay $0x3  }
0x3d7: {  	[tilespmem:v5+s31+$0x0] =	vst.idx.msk $0xffff, v4  }
0x3d8: {  	v5 =	vadd.s32 v7, v2;
	v4 =	vld.idx.msk [tilespmem:v6+s28+$0x0], $0xffff  }
0x3d9: {  	v6 =	vadd.s32 $0x3A, v3;
	_ =	sdelay $0x3  }
0x3da: {  	[tilespmem:v5+s29+$0x0] =	vst.idx.msk $0xffff, v4  }
0x3db: {  	v4 =	vld.idx.msk [tilespmem:v6+s30+$0x0], $0xffff  }
0x3dc: {  	v6 =	vadd.s32 $0x3B, v1;
	_ =	sdelay $0x3  }
0x3dd: {  	[tilespmem:v5+s31+$0x0] =	vst.idx.msk $0xffff, v4  }
0x3de: {  	v5 =	vadd.s32 v9, v2;
	v4 =	vld.idx.msk [tilespmem:v6+s28+$0x0], $0xffff  }
0x3df: {  	v6 =	vadd.s32 $0x3B, v3;
	_ =	sdelay $0x3  }
0x3e0: {  	[tilespmem:v5+s29+$0x0] =	vst.idx.msk $0xffff, v4  }
0x3e1: {  	v4 =	vld.idx.msk [tilespmem:v6+s30+$0x0], $0xffff  }
0x3e2: {  	v6 =	vadd.s32 $0x3C, v1;
	_ =	sdelay $0x3  }
0x3e3: {  	[tilespmem:v5+s31+$0x0] =	vst.idx.msk $0xffff, v4  }
0x3e4: {  	v5 =	vadd.s32 v8, v2;
	v4 =	vld.idx.msk [tilespmem:v6+s28+$0x0], $0xffff  }
0x3e5: {  	v6 =	vadd.s32 $0x3C, v3;
	_ =	sdelay $0x3  }
0x3e6: {  	[tilespmem:v5+s29+$0x0] =	vst.idx.msk $0xffff, v4  }
0x3e7: {  	v4 =	vld.idx.msk [tilespmem:v6+s30+$0x0], $0xffff  }
0x3e8: {  	v6 =	vadd.s32 $0x3D, v1;
	_ =	sdelay $0x3  }
0x3e9: {  	[tilespmem:v5+s31+$0x0] =	vst.idx.msk $0xffff, v4  }
0x3ea: {  	v5 =	vadd.s32 v11, v2;
	v4 =	vld.idx.msk [tilespmem:v6+s28+$0x0], $0xffff  }
0x3eb: {  	v6 =	vadd.s32 $0x3D, v3;
	_ =	sdelay $0x3  }
0x3ec: {  	[tilespmem:v5+s29+$0x0] =	vst.idx.msk $0xffff, v4  }
0x3ed: {  	v4 =	vld.idx.msk [tilespmem:v6+s30+$0x0], $0xffff  }
0x3ee: {  	v6 =	vadd.s32 $0x3E, v1;
	_ =	sdelay $0x3  }
0x3ef: {  	[tilespmem:v5+s31+$0x0] =	vst.idx.msk $0xffff, v4  }
0x3f0: {  	v5 =	vadd.s32 v10, v2;
	v4 =	vld.idx.msk [tilespmem:v6+s28+$0x0], $0xffff  }
0x3f1: {  	v6 =	vadd.s32 $0x3E, v3;
	_ =	sdelay $0x3  }
0x3f2: {  	[tilespmem:v5+s29+$0x0] =	vst.idx.msk $0xffff, v4  }
0x3f3: {  	v4 =	vld.idx.msk [tilespmem:v6+s30+$0x0], $0xffff  }
0x3f4: {  	v1 =	vadd.s32 $0x3F, v1;
	_ =	sdelay $0x3  }
0x3f5: {  	[tilespmem:v5+s31+$0x0] =	vst.idx.msk $0xffff, v4  }
0x3f6: {  	v2 =	vadd.s32 v12, v2;
	v1 =	vld.idx.msk [tilespmem:v1+s28+$0x0], $0xffff  }
0x3f7: {  	v3 =	vadd.s32 $0x3F, v3;
	_ =	sdelay $0x3  }
0x3f8: {  	[tilespmem:v2+s29+$0x0] =	vst.idx.msk $0xffff, v1  }
0x3f9: {  	p1 =	sne.s32 s8, $0x70;
	v1 =	vld.idx.msk [tilespmem:v3+s30+$0x0], $0xffff  }
.Ltmp5:
0x3fa: {  	_ = 	snop;
	(pc) =	sbr.rel @p1 .LBB2_12-.Ltmp5, $2  }
0x3fb: {  	_ =	sdelay $0x2  }
0x3fc: {  	s9 =	sadd.s32 $0x10, s9;
	s10 =	sadd.s32 $0x10, s10;
	s8 =	sadd.s32 $0x10, s8;
	[tilespmem:v2+s31+$0x0] =	vst.idx.msk $0xffff, v1  }
0x3fd: {  	_ =	swait.ge [sflag:s2], $0x2000  }
0x3fe: {  	[sflag:s2] =	ssyncset.done $0x0  }
0x3ff: {  	s9 =	simm.s32 $0x20;
	s8 =	rddreg [dreg:$0xd];
	[sflag:s2] =	ssyncadd.s32 $0xFFFFE000  }
0x400: {  	[hbm4b:s8+s0] =	stream.strided.scatter [tilespmem:s26], [sflag:$0x1], $0x2000, s6, s0, $0x38;
	[tilespmem:$0x1B490] =	vst v63  }
0x401: {  	s13 =	sadd.s32 $0x0, s14;
	s10 =	simm.s32 $0x2648;
	s8 =	simm.s32 $0x2600  }
.LBB2_14:
0x402: {  	[hbm4b:s13+s4] =	stream.linear.scatter [tilespmem:s8], [sflag:$0x1], $0x40, $0x38;
	[tilespmem:$0x1B490] =	vst v63  }
0x403: {  	s13 =	smov.u32 s9;
	s8 =	smov.u32 s10;
	p1 =	sne.s32 s9, $0xFE0  }
.Ltmp6:
0x404: {  	s9 =	sadd.s32 $0x20, s9;
	(pc) =	sbr.rel @p1 .LBB2_14-.Ltmp6, $2  }
0x405: {  	_ =	sdelay $0x2  }
0x406: {  	s10 =	sadd.s32 $0x48, s10;
	s13 =	sadd.s32 s13, s14  }
0x407: {  	[hbm4b:s13+s4] =	stream.linear.scatter [tilespmem:s8], [sflag:$0x1], $0x40, $0x38;
	[tilespmem:$0x1B490] =	vst v63  }
0x408: {  	s8 =	simm.s32 $0x4A00  }
0x409: {  	s9 =	simm.s32 $0x20;
	s13 =	sadd.s32 $0x0, s15;
	s10 =	simm.s32 $0x4A48  }
.LBB2_16:
0x40a: {  	[hbm4b:s13+s4] =	stream.linear.scatter [tilespmem:s8], [sflag:$0x1], $0x40, $0x38;
	[tilespmem:$0x1B490] =	vst v63  }
0x40b: {  	s13 =	smov.u32 s9;
	s8 =	smov.u32 s10;
	p1 =	sne.s32 s9, $0xFE0  }
.Ltmp7:
0x40c: {  	s9 =	sadd.s32 $0x20, s9;
	(pc) =	sbr.rel @p1 .LBB2_16-.Ltmp7, $2  }
0x40d: {  	_ =	sdelay $0x2  }
0x40e: {  	s10 =	sadd.s32 $0x48, s10;
	s13 =	sadd.s32 s13, s15  }
0x40f: {  	[hbm4b:s13+s4] =	stream.linear.scatter [tilespmem:s8], [sflag:$0x1], $0x40, $0x38;
	[tilespmem:$0x1B490] =	vst v63  }
0x410: {  	_ =	swait.ge [sflag:s2], $0x2000  }
0x411: {  	[sflag:s2] =	ssyncset.done $0x0  }
0x412: {  	[sflag:s2] =	ssyncadd.s32 $0xFFFFE000  }
0x413: {  	_ =	swait.ge [sflag:s2], $0x2000  }
0x414: {  	[sflag:s2] =	ssyncset.done $0x0  }
0x415: {  	[sflag:s2] =	ssyncadd.s32 $0xFFFFE000  }
0x416: {  	_ =	swait.ge [sflag:s2], $0x2000  }
0x417: {  	v13 =	vld [tilespmem:$0x1FC60]  }
0x418: {  	v14 =	vld [tilespmem:$0x1FC70]  }
0x419: {  	v15 =	vld [tilespmem:$0x1FC80]  }
0x41a: {  	v16 =	vld [tilespmem:$0x1FC90]  }
0x41b: {  	v17 =	vld [tilespmem:$0x1FCA0]  }
0x41c: {  	v18 =	vld [tilespmem:$0x1FCB0]  }
0x41d: {  	v19 =	vld [tilespmem:$0x1FCC0]  }
0x41e: {  	v20 =	vld [tilespmem:$0x1FCD0]  }
0x41f: {  	v21 =	vld [tilespmem:$0x1FCE0]  }
0x420: {  	v0 =	vld [tilespmem:$0x1FCF0]  }
0x421: {  	v22 =	vld [tilespmem:$0x1FD00]  }
0x422: {  	v23 =	vld [tilespmem:$0x1FD10]  }
0x423: {  	v24 =	vld [tilespmem:$0x1FD20]  }
0x424: {  	v25 =	vld [tilespmem:$0x1FD30]  }
0x425: {  	v26 =	vld [tilespmem:$0x1FD40]  }
0x426: {  	v27 =	vld [tilespmem:$0x1FD50]  }
0x427: {  	v28 =	vld [tilespmem:$0x1FD60]  }
0x428: {  	v29 =	vld [tilespmem:$0x1FD70]  }
0x429: {  	v30 =	vld [tilespmem:$0x1FD80]  }
0x42a: {  	v31 =	vld [tilespmem:$0x1FD90]  }
0x42b: {  	v32 =	vld [tilespmem:$0x1FDA0]  }
0x42c: {  	v33 =	vld [tilespmem:$0x1FDB0]  }
0x42d: {  	v34 =	vld [tilespmem:$0x1FDC0]  }
0x42e: {  	v35 =	vld [tilespmem:$0x1FDD0]  }
0x42f: {  	v36 =	vld [tilespmem:$0x1FDE0]  }
0x430: {  	v37 =	vld [tilespmem:$0x1FDF0]  }
0x431: {  	v38 =	vld [tilespmem:$0x1FE00]  }
0x432: {  	v39 =	vld [tilespmem:$0x1FE10]  }
0x433: {  	v40 =	vld [tilespmem:$0x1FE20]  }
0x434: {  	v41 =	vld [tilespmem:$0x1FE30]  }
0x435: {  	v42 =	vld [tilespmem:$0x1FE40]  }
0x436: {  	v43 =	vld [tilespmem:$0x1FE50]  }
0x437: {  	v44 =	vld [tilespmem:$0x1FE60]  }
0x438: {  	v45 =	vld [tilespmem:$0x1FE70]  }
0x439: {  	v46 =	vld [tilespmem:$0x1FE80]  }
0x43a: {  	v47 =	vld [tilespmem:$0x1FE90]  }
0x43b: {  	v48 =	vld [tilespmem:$0x1FEA0]  }
0x43c: {  	v49 =	vld [tilespmem:$0x1FEB0]  }
0x43d: {  	v50 =	vld [tilespmem:$0x1FEC0]  }
0x43e: {  	v51 =	vld [tilespmem:$0x1FED0]  }
0x43f: {  	v52 =	vld [tilespmem:$0x1FEE0]  }
0x440: {  	v53 =	vld [tilespmem:$0x1FEF0]  }
0x441: {  	v54 =	vld [tilespmem:$0x1FF00]  }
0x442: {  	v55 =	vld [tilespmem:$0x1FF10]  }
0x443: {  	v56 =	vld [tilespmem:$0x1FF20]  }
0x444: {  	v57 =	vld [tilespmem:$0x1FF30]  }
0x445: {  	v58 =	vld [tilespmem:$0x1FF40]  }
0x446: {  	v59 =	vld [tilespmem:$0x1FF50]  }
0x447: {  	v60 =	vld [tilespmem:$0x1FF60]  }
0x448: {  	v61 =	vld [tilespmem:$0x1FF70]  }
0x449: {  	v62 =	vld [tilespmem:$0x1FF80]  }
0x44a: {  	v63 =	vld [tilespmem:$0x1FF90]  }
0x44b: {  	v7 =	vld [tilespmem:$0x1FFA0]  }
0x44c: {  	v8 =	vld [tilespmem:$0x1FFB0]  }
0x44d: {  	v9 =	vld [tilespmem:$0x1FFC0]  }
0x44e: {  	s8 =	simm.s32 $0x0;
	[sflag:s2] =	ssyncset.done $0x0;
	v10 =	vld [tilespmem:$0x1FFD0]  }
0x44f: {  	s9 =	simm.s32 $0x500;
	s10 =	simm.s32 $0x300;
	v11 =	vld [tilespmem:$0x1FFE0];
	[sflag:s2] =	ssyncadd.s32 $0xFFFFE000  }
0x450: {  	v12 =	vld [tilespmem:$0x1FFF0];
	[tilespmem:s26], [sflag:$0x1] =	stream.indirect.gather [hbm4b:s5+s25], $0x40, s6, s25, $0xb8  }
.LBB2_18:
0x451: {  	v1 =	vld [tilespmem:s10+$0x0];
	_ =	sdelay $0x4  }
0x452: {  	v1 =	vmul.u32 $0x48, v1  }
0x453: {  	v3 =	vld [tilespmem:s9+$0x0];
	v2 =	vmov s8  }
0x454: {  	v2 =	vmul.u32 $0x48, v2;
	_ =	sdelay $0x1  }
0x455: {  	v2 =	vbroadcast v2, $0x0;
	_ =	sdelay $0x1  }
0x456: {  	v5 =	vadd.s32 v22, v2;
	v3 =	vmul.u32 $0x48, v3;
	v4 =	vld.idx.msk [tilespmem:v1+s28+$0x0], $0xffff;
	_ =	sdelay $0x4  }
0x457: {  	[tilespmem:v5+s29+$0x0] =	vst.idx.msk $0xffff, v4  }
0x458: {  	v4 =	vld.idx.msk [tilespmem:v3+s30+$0x0], $0xffff;
	_ =	sdelay $0x4  }
0x459: {  	v6 =	vor.u32 $0x1, v1;
	[tilespmem:v5+s31+$0x0] =	vst.idx.msk $0xffff, v4;
	v5 =	vld [tilespmem:$0x1FC00];
	_ =	sdelay $0x4  }
0x45a: {  	v4 =	vld.idx.msk [tilespmem:v6+s28+$0x0], $0xffff;
	v5 =	vadd.s32 v5, v2  }
0x45b: {  	v6 =	vor.u32 $0x1, v3;
	_ =	sdelay $0x3  }
0x45c: {  	[tilespmem:v5+s29+$0x0] =	vst.idx.msk $0xffff, v4  }
0x45d: {  	v4 =	vld.idx.msk [tilespmem:v6+s30+$0x0], $0xffff;
	_ =	sdelay $0x4  }
0x45e: {  	v6 =	vor.u32 $0x2, v1;
	[tilespmem:v5+s31+$0x0] =	vst.idx.msk $0xffff, v4;
	v5 =	vld [tilespmem:$0x1FC10];
	_ =	sdelay $0x4  }
0x45f: {  	v4 =	vld.idx.msk [tilespmem:v6+s28+$0x0], $0xffff;
	v5 =	vadd.s32 v5, v2  }
0x460: {  	v6 =	vor.u32 $0x2, v3;
	_ =	sdelay $0x3  }
0x461: {  	[tilespmem:v5+s29+$0x0] =	vst.idx.msk $0xffff, v4  }
0x462: {  	v4 =	vld.idx.msk [tilespmem:v6+s30+$0x0], $0xffff;
	_ =	sdelay $0x4  }
0x463: {  	v6 =	vor.u32 $0x3, v1;
	[tilespmem:v5+s31+$0x0] =	vst.idx.msk $0xffff, v4;
	v5 =	vld [tilespmem:$0x1FC20];
	_ =	sdelay $0x4  }
0x464: {  	v4 =	vld.idx.msk [tilespmem:v6+s28+$0x0], $0xffff;
	v5 =	vadd.s32 v5, v2  }
0x465: {  	v6 =	vor.u32 $0x3, v3;
	_ =	sdelay $0x3  }
0x466: {  	[tilespmem:v5+s29+$0x0] =	vst.idx.msk $0xffff, v4  }
0x467: {  	v4 =	vld.idx.msk [tilespmem:v6+s30+$0x0], $0xffff;
	_ =	sdelay $0x4  }
0x468: {  	v6 =	vor.u32 $0x4, v1;
	[tilespmem:v5+s31+$0x0] =	vst.idx.msk $0xffff, v4;
	v5 =	vld [tilespmem:$0x1FC30];
	_ =	sdelay $0x4  }
0x469: {  	v4 =	vld.idx.msk [tilespmem:v6+s28+$0x0], $0xffff;
	v5 =	vadd.s32 v5, v2  }
0x46a: {  	v6 =	vor.u32 $0x4, v3;
	_ =	sdelay $0x3  }
0x46b: {  	[tilespmem:v5+s29+$0x0] =	vst.idx.msk $0xffff, v4  }
0x46c: {  	v4 =	vld.idx.msk [tilespmem:v6+s30+$0x0], $0xffff;
	_ =	sdelay $0x4  }
0x46d: {  	v6 =	vor.u32 $0x5, v1;
	[tilespmem:v5+s31+$0x0] =	vst.idx.msk $0xffff, v4;
	v5 =	vld [tilespmem:$0x1FC40];
	_ =	sdelay $0x4  }
0x46e: {  	v4 =	vld.idx.msk [tilespmem:v6+s28+$0x0], $0xffff;
	v5 =	vadd.s32 v5, v2  }
0x46f: {  	v6 =	vor.u32 $0x5, v3;
	_ =	sdelay $0x3  }
0x470: {  	[tilespmem:v5+s29+$0x0] =	vst.idx.msk $0xffff, v4  }
0x471: {  	v4 =	vld.idx.msk [tilespmem:v6+s30+$0x0], $0xffff;
	_ =	sdelay $0x4  }
0x472: {  	v6 =	vor.u32 $0x6, v1;
	[tilespmem:v5+s31+$0x0] =	vst.idx.msk $0xffff, v4;
	v5 =	vld [tilespmem:$0x1FC50];
	_ =	sdelay $0x4  }
0x473: {  	v4 =	vld.idx.msk [tilespmem:v6+s28+$0x0], $0xffff;
	v5 =	vadd.s32 v5, v2  }
0x474: {  	v6 =	vor.u32 $0x6, v3;
	_ =	sdelay $0x3  }
0x475: {  	[tilespmem:v5+s29+$0x0] =	vst.idx.msk $0xffff, v4  }
0x476: {  	v4 =	vld.idx.msk [tilespmem:v6+s30+$0x0], $0xffff  }
0x477: {  	v6 =	vor.u32 $0x7, v1;
	_ =	sdelay $0x3  }
0x478: {  	[tilespmem:v5+s31+$0x0] =	vst.idx.msk $0xffff, v4  }
0x479: {  	v5 =	vadd.s32 v13, v2;
	v4 =	vld.idx.msk [tilespmem:v6+s28+$0x0], $0xffff  }
0x47a: {  	v6 =	vor.u32 $0x7, v3;
	_ =	sdelay $0x3  }
0x47b: {  	[tilespmem:v5+s29+$0x0] =	vst.idx.msk $0xffff, v4  }
0x47c: {  	v4 =	vld.idx.msk [tilespmem:v6+s30+$0x0], $0xffff  }
0x47d: {  	v6 =	vadd.s32 $0x8, v1;
	_ =	sdelay $0x3  }
0x47e: {  	[tilespmem:v5+s31+$0x0] =	vst.idx.msk $0xffff, v4  }
0x47f: {  	v5 =	vadd.s32 v14, v2;
	v4 =	vld.idx.msk [tilespmem:v6+s28+$0x0], $0xffff  }
0x480: {  	v6 =	vadd.s32 $0x8, v3;
	_ =	sdelay $0x3  }
0x481: {  	[tilespmem:v5+s29+$0x0] =	vst.idx.msk $0xffff, v4  }
0x482: {  	v4 =	vld.idx.msk [tilespmem:v6+s30+$0x0], $0xffff  }
0x483: {  	v6 =	vadd.s32 $0x9, v1;
	_ =	sdelay $0x3  }
0x484: {  	[tilespmem:v5+s31+$0x0] =	vst.idx.msk $0xffff, v4  }
0x485: {  	v5 =	vadd.s32 v15, v2;
	v4 =	vld.idx.msk [tilespmem:v6+s28+$0x0], $0xffff  }
0x486: {  	v6 =	vadd.s32 $0x9, v3;
	_ =	sdelay $0x3  }
0x487: {  	[tilespmem:v5+s29+$0x0] =	vst.idx.msk $0xffff, v4  }
0x488: {  	v4 =	vld.idx.msk [tilespmem:v6+s30+$0x0], $0xffff  }
0x489: {  	v6 =	vadd.s32 $0xA, v1;
	_ =	sdelay $0x3  }
0x48a: {  	[tilespmem:v5+s31+$0x0] =	vst.idx.msk $0xffff, v4  }
0x48b: {  	v5 =	vadd.s32 v16, v2;
	v4 =	vld.idx.msk [tilespmem:v6+s28+$0x0], $0xffff  }
0x48c: {  	v6 =	vadd.s32 $0xA, v3;
	_ =	sdelay $0x3  }
0x48d: {  	[tilespmem:v5+s29+$0x0] =	vst.idx.msk $0xffff, v4  }
0x48e: {  	v4 =	vld.idx.msk [tilespmem:v6+s30+$0x0], $0xffff  }
0x48f: {  	v6 =	vadd.s32 $0xB, v1;
	_ =	sdelay $0x3  }
0x490: {  	[tilespmem:v5+s31+$0x0] =	vst.idx.msk $0xffff, v4  }
0x491: {  	v5 =	vadd.s32 v17, v2;
	v4 =	vld.idx.msk [tilespmem:v6+s28+$0x0], $0xffff  }
0x492: {  	v6 =	vadd.s32 $0xB, v3;
	_ =	sdelay $0x3  }
0x493: {  	[tilespmem:v5+s29+$0x0] =	vst.idx.msk $0xffff, v4  }
0x494: {  	v4 =	vld.idx.msk [tilespmem:v6+s30+$0x0], $0xffff  }
0x495: {  	v6 =	vadd.s32 $0xC, v1;
	_ =	sdelay $0x3  }
0x496: {  	[tilespmem:v5+s31+$0x0] =	vst.idx.msk $0xffff, v4  }
0x497: {  	v5 =	vadd.s32 v18, v2;
	v4 =	vld.idx.msk [tilespmem:v6+s28+$0x0], $0xffff  }
0x498: {  	v6 =	vadd.s32 $0xC, v3;
	_ =	sdelay $0x3  }
0x499: {  	[tilespmem:v5+s29+$0x0] =	vst.idx.msk $0xffff, v4  }
0x49a: {  	v4 =	vld.idx.msk [tilespmem:v6+s30+$0x0], $0xffff  }
0x49b: {  	v6 =	vadd.s32 $0xD, v1;
	_ =	sdelay $0x3  }
0x49c: {  	[tilespmem:v5+s31+$0x0] =	vst.idx.msk $0xffff, v4  }
0x49d: {  	v5 =	vadd.s32 v19, v2;
	v4 =	vld.idx.msk [tilespmem:v6+s28+$0x0], $0xffff  }
0x49e: {  	v6 =	vadd.s32 $0xD, v3;
	_ =	sdelay $0x3  }
0x49f: {  	[tilespmem:v5+s29+$0x0] =	vst.idx.msk $0xffff, v4  }
0x4a0: {  	v4 =	vld.idx.msk [tilespmem:v6+s30+$0x0], $0xffff  }
0x4a1: {  	v6 =	vadd.s32 $0xE, v1;
	_ =	sdelay $0x3  }
0x4a2: {  	[tilespmem:v5+s31+$0x0] =	vst.idx.msk $0xffff, v4  }
0x4a3: {  	v5 =	vadd.s32 v20, v2;
	v4 =	vld.idx.msk [tilespmem:v6+s28+$0x0], $0xffff  }
0x4a4: {  	v6 =	vadd.s32 $0xE, v3;
	_ =	sdelay $0x3  }
0x4a5: {  	[tilespmem:v5+s29+$0x0] =	vst.idx.msk $0xffff, v4  }
0x4a6: {  	v4 =	vld.idx.msk [tilespmem:v6+s30+$0x0], $0xffff  }
0x4a7: {  	v6 =	vadd.s32 $0xF, v1;
	_ =	sdelay $0x3  }
0x4a8: {  	[tilespmem:v5+s31+$0x0] =	vst.idx.msk $0xffff, v4  }
0x4a9: {  	v5 =	vadd.s32 v21, v2;
	v4 =	vld.idx.msk [tilespmem:v6+s28+$0x0], $0xffff  }
0x4aa: {  	v6 =	vadd.s32 $0xF, v3;
	_ =	sdelay $0x3  }
0x4ab: {  	[tilespmem:v5+s29+$0x0] =	vst.idx.msk $0xffff, v4  }
0x4ac: {  	v4 =	vld.idx.msk [tilespmem:v6+s30+$0x0], $0xffff  }
0x4ad: {  	v6 =	vadd.s32 $0x10, v1;
	_ =	sdelay $0x3  }
0x4ae: {  	[tilespmem:v5+s31+$0x0] =	vst.idx.msk $0xffff, v4  }
0x4af: {  	v5 =	vadd.s32 v0, v2;
	v4 =	vld.idx.msk [tilespmem:v6+s28+$0x0], $0xffff  }
0x4b0: {  	v6 =	vadd.s32 $0x10, v3;
	_ =	sdelay $0x3  }
0x4b1: {  	[tilespmem:v5+s29+$0x0] =	vst.idx.msk $0xffff, v4  }
0x4b2: {  	v4 =	vld.idx.msk [tilespmem:v6+s30+$0x0], $0xffff  }
0x4b3: {  	v6 =	vadd.s32 $0x11, v1;
	_ =	sdelay $0x3  }
0x4b4: {  	[tilespmem:v5+s31+$0x0] =	vst.idx.msk $0xffff, v4  }
0x4b5: {  	v5 =	vadd.s32 v23, v2;
	v4 =	vld.idx.msk [tilespmem:v6+s28+$0x0], $0xffff  }
0x4b6: {  	v6 =	vadd.s32 $0x11, v3;
	_ =	sdelay $0x3  }
0x4b7: {  	[tilespmem:v5+s29+$0x0] =	vst.idx.msk $0xffff, v4  }
0x4b8: {  	v4 =	vld.idx.msk [tilespmem:v6+s30+$0x0], $0xffff  }
0x4b9: {  	v6 =	vadd.s32 $0x12, v1;
	_ =	sdelay $0x3  }
0x4ba: {  	[tilespmem:v5+s31+$0x0] =	vst.idx.msk $0xffff, v4  }
0x4bb: {  	v5 =	vadd.s32 v24, v2;
	v4 =	vld.idx.msk [tilespmem:v6+s28+$0x0], $0xffff  }
0x4bc: {  	v6 =	vadd.s32 $0x12, v3;
	_ =	sdelay $0x3  }
0x4bd: {  	[tilespmem:v5+s29+$0x0] =	vst.idx.msk $0xffff, v4  }
0x4be: {  	v4 =	vld.idx.msk [tilespmem:v6+s30+$0x0], $0xffff  }
0x4bf: {  	v6 =	vadd.s32 $0x13, v1;
	_ =	sdelay $0x3  }
0x4c0: {  	[tilespmem:v5+s31+$0x0] =	vst.idx.msk $0xffff, v4  }
0x4c1: {  	v5 =	vadd.s32 v25, v2;
	v4 =	vld.idx.msk [tilespmem:v6+s28+$0x0], $0xffff  }
0x4c2: {  	v6 =	vadd.s32 $0x13, v3;
	_ =	sdelay $0x3  }
0x4c3: {  	[tilespmem:v5+s29+$0x0] =	vst.idx.msk $0xffff, v4  }
0x4c4: {  	v4 =	vld.idx.msk [tilespmem:v6+s30+$0x0], $0xffff  }
0x4c5: {  	v6 =	vadd.s32 $0x14, v1;
	_ =	sdelay $0x3  }
0x4c6: {  	[tilespmem:v5+s31+$0x0] =	vst.idx.msk $0xffff, v4  }
0x4c7: {  	v5 =	vadd.s32 v26, v2;
	v4 =	vld.idx.msk [tilespmem:v6+s28+$0x0], $0xffff  }
0x4c8: {  	v6 =	vadd.s32 $0x14, v3;
	_ =	sdelay $0x3  }
0x4c9: {  	[tilespmem:v5+s29+$0x0] =	vst.idx.msk $0xffff, v4  }
0x4ca: {  	v4 =	vld.idx.msk [tilespmem:v6+s30+$0x0], $0xffff  }
0x4cb: {  	v6 =	vadd.s32 $0x15, v1;
	_ =	sdelay $0x3  }
0x4cc: {  	[tilespmem:v5+s31+$0x0] =	vst.idx.msk $0xffff, v4  }
0x4cd: {  	v5 =	vadd.s32 v27, v2;
	v4 =	vld.idx.msk [tilespmem:v6+s28+$0x0], $0xffff  }
0x4ce: {  	v6 =	vadd.s32 $0x15, v3;
	_ =	sdelay $0x3  }
0x4cf: {  	[tilespmem:v5+s29+$0x0] =	vst.idx.msk $0xffff, v4  }
0x4d0: {  	v4 =	vld.idx.msk [tilespmem:v6+s30+$0x0], $0xffff  }
0x4d1: {  	v6 =	vadd.s32 $0x16, v1;
	_ =	sdelay $0x3  }
0x4d2: {  	[tilespmem:v5+s31+$0x0] =	vst.idx.msk $0xffff, v4  }
0x4d3: {  	v5 =	vadd.s32 v28, v2;
	v4 =	vld.idx.msk [tilespmem:v6+s28+$0x0], $0xffff  }
0x4d4: {  	v6 =	vadd.s32 $0x16, v3;
	_ =	sdelay $0x3  }
0x4d5: {  	[tilespmem:v5+s29+$0x0] =	vst.idx.msk $0xffff, v4  }
0x4d6: {  	v4 =	vld.idx.msk [tilespmem:v6+s30+$0x0], $0xffff  }
0x4d7: {  	v6 =	vadd.s32 $0x17, v1;
	_ =	sdelay $0x3  }
0x4d8: {  	[tilespmem:v5+s31+$0x0] =	vst.idx.msk $0xffff, v4  }
0x4d9: {  	v5 =	vadd.s32 v29, v2;
	v4 =	vld.idx.msk [tilespmem:v6+s28+$0x0], $0xffff  }
0x4da: {  	v6 =	vadd.s32 $0x17, v3;
	_ =	sdelay $0x3  }
0x4db: {  	[tilespmem:v5+s29+$0x0] =	vst.idx.msk $0xffff, v4  }
0x4dc: {  	v4 =	vld.idx.msk [tilespmem:v6+s30+$0x0], $0xffff  }
0x4dd: {  	v6 =	vadd.s32 $0x18, v1;
	_ =	sdelay $0x3  }
0x4de: {  	[tilespmem:v5+s31+$0x0] =	vst.idx.msk $0xffff, v4  }
0x4df: {  	v5 =	vadd.s32 v30, v2;
	v4 =	vld.idx.msk [tilespmem:v6+s28+$0x0], $0xffff  }
0x4e0: {  	v6 =	vadd.s32 $0x18, v3;
	_ =	sdelay $0x3  }
0x4e1: {  	[tilespmem:v5+s29+$0x0] =	vst.idx.msk $0xffff, v4  }
0x4e2: {  	v4 =	vld.idx.msk [tilespmem:v6+s30+$0x0], $0xffff  }
0x4e3: {  	v6 =	vadd.s32 $0x19, v1;
	_ =	sdelay $0x3  }
0x4e4: {  	[tilespmem:v5+s31+$0x0] =	vst.idx.msk $0xffff, v4  }
0x4e5: {  	v5 =	vadd.s32 v31, v2;
	v4 =	vld.idx.msk [tilespmem:v6+s28+$0x0], $0xffff  }
0x4e6: {  	v6 =	vadd.s32 $0x19, v3;
	_ =	sdelay $0x3  }
0x4e7: {  	[tilespmem:v5+s29+$0x0] =	vst.idx.msk $0xffff, v4  }
0x4e8: {  	v4 =	vld.idx.msk [tilespmem:v6+s30+$0x0], $0xffff  }
0x4e9: {  	v6 =	vadd.s32 $0x1A, v1;
	_ =	sdelay $0x3  }
0x4ea: {  	[tilespmem:v5+s31+$0x0] =	vst.idx.msk $0xffff, v4  }
0x4eb: {  	v5 =	vadd.s32 v32, v2;
	v4 =	vld.idx.msk [tilespmem:v6+s28+$0x0], $0xffff  }
0x4ec: {  	v6 =	vadd.s32 $0x1A, v3;
	_ =	sdelay $0x3  }
0x4ed: {  	[tilespmem:v5+s29+$0x0] =	vst.idx.msk $0xffff, v4  }
0x4ee: {  	v4 =	vld.idx.msk [tilespmem:v6+s30+$0x0], $0xffff  }
0x4ef: {  	v6 =	vadd.s32 $0x1B, v1;
	_ =	sdelay $0x3  }
0x4f0: {  	[tilespmem:v5+s31+$0x0] =	vst.idx.msk $0xffff, v4  }
0x4f1: {  	v5 =	vadd.s32 v33, v2;
	v4 =	vld.idx.msk [tilespmem:v6+s28+$0x0], $0xffff  }
0x4f2: {  	v6 =	vadd.s32 $0x1B, v3;
	_ =	sdelay $0x3  }
0x4f3: {  	[tilespmem:v5+s29+$0x0] =	vst.idx.msk $0xffff, v4  }
0x4f4: {  	v4 =	vld.idx.msk [tilespmem:v6+s30+$0x0], $0xffff  }
0x4f5: {  	v6 =	vadd.s32 $0x1C, v1;
	_ =	sdelay $0x3  }
0x4f6: {  	[tilespmem:v5+s31+$0x0] =	vst.idx.msk $0xffff, v4  }
0x4f7: {  	v5 =	vadd.s32 v34, v2;
	v4 =	vld.idx.msk [tilespmem:v6+s28+$0x0], $0xffff  }
0x4f8: {  	v6 =	vadd.s32 $0x1C, v3;
	_ =	sdelay $0x3  }
0x4f9: {  	[tilespmem:v5+s29+$0x0] =	vst.idx.msk $0xffff, v4  }
0x4fa: {  	v4 =	vld.idx.msk [tilespmem:v6+s30+$0x0], $0xffff  }
0x4fb: {  	v6 =	vadd.s32 $0x1D, v1;
	_ =	sdelay $0x3  }
0x4fc: {  	[tilespmem:v5+s31+$0x0] =	vst.idx.msk $0xffff, v4  }
0x4fd: {  	v5 =	vadd.s32 v35, v2;
	v4 =	vld.idx.msk [tilespmem:v6+s28+$0x0], $0xffff  }
0x4fe: {  	v6 =	vadd.s32 $0x1D, v3;
	_ =	sdelay $0x3  }
0x4ff: {  	[tilespmem:v5+s29+$0x0] =	vst.idx.msk $0xffff, v4  }
0x500: {  	v4 =	vld.idx.msk [tilespmem:v6+s30+$0x0], $0xffff  }
0x501: {  	v6 =	vadd.s32 $0x1E, v1;
	_ =	sdelay $0x3  }
0x502: {  	[tilespmem:v5+s31+$0x0] =	vst.idx.msk $0xffff, v4  }
0x503: {  	v5 =	vadd.s32 v36, v2;
	v4 =	vld.idx.msk [tilespmem:v6+s28+$0x0], $0xffff  }
0x504: {  	v6 =	vadd.s32 $0x1E, v3;
	_ =	sdelay $0x3  }
0x505: {  	[tilespmem:v5+s29+$0x0] =	vst.idx.msk $0xffff, v4  }
0x506: {  	v4 =	vld.idx.msk [tilespmem:v6+s30+$0x0], $0xffff  }
0x507: {  	v6 =	vadd.s32 $0x1F, v1;
	_ =	sdelay $0x3  }
0x508: {  	[tilespmem:v5+s31+$0x0] =	vst.idx.msk $0xffff, v4  }
0x509: {  	v5 =	vadd.s32 v37, v2;
	v4 =	vld.idx.msk [tilespmem:v6+s28+$0x0], $0xffff  }
0x50a: {  	v6 =	vadd.s32 $0x1F, v3;
	_ =	sdelay $0x3  }
0x50b: {  	[tilespmem:v5+s29+$0x0] =	vst.idx.msk $0xffff, v4  }
0x50c: {  	v4 =	vld.idx.msk [tilespmem:v6+s30+$0x0], $0xffff  }
0x50d: {  	v6 =	vadd.s32 $0x20, v1;
	_ =	sdelay $0x3  }
0x50e: {  	[tilespmem:v5+s31+$0x0] =	vst.idx.msk $0xffff, v4  }
0x50f: {  	v5 =	vadd.s32 v38, v2;
	v4 =	vld.idx.msk [tilespmem:v6+s28+$0x0], $0xffff  }
0x510: {  	v6 =	vadd.s32 $0x20, v3;
	_ =	sdelay $0x3  }
0x511: {  	[tilespmem:v5+s29+$0x0] =	vst.idx.msk $0xffff, v4  }
0x512: {  	v4 =	vld.idx.msk [tilespmem:v6+s30+$0x0], $0xffff  }
0x513: {  	v6 =	vadd.s32 $0x21, v1;
	_ =	sdelay $0x3  }
0x514: {  	[tilespmem:v5+s31+$0x0] =	vst.idx.msk $0xffff, v4  }
0x515: {  	v5 =	vadd.s32 v39, v2;
	v4 =	vld.idx.msk [tilespmem:v6+s28+$0x0], $0xffff  }
0x516: {  	v6 =	vadd.s32 $0x21, v3;
	_ =	sdelay $0x3  }
0x517: {  	[tilespmem:v5+s29+$0x0] =	vst.idx.msk $0xffff, v4  }
0x518: {  	v4 =	vld.idx.msk [tilespmem:v6+s30+$0x0], $0xffff  }
0x519: {  	v6 =	vadd.s32 $0x22, v1;
	_ =	sdelay $0x3  }
0x51a: {  	[tilespmem:v5+s31+$0x0] =	vst.idx.msk $0xffff, v4  }
0x51b: {  	v5 =	vadd.s32 v40, v2;
	v4 =	vld.idx.msk [tilespmem:v6+s28+$0x0], $0xffff  }
0x51c: {  	v6 =	vadd.s32 $0x22, v3;
	_ =	sdelay $0x3  }
0x51d: {  	[tilespmem:v5+s29+$0x0] =	vst.idx.msk $0xffff, v4  }
0x51e: {  	v4 =	vld.idx.msk [tilespmem:v6+s30+$0x0], $0xffff  }
0x51f: {  	v6 =	vadd.s32 $0x23, v1;
	_ =	sdelay $0x3  }
0x520: {  	[tilespmem:v5+s31+$0x0] =	vst.idx.msk $0xffff, v4  }
0x521: {  	v5 =	vadd.s32 v41, v2;
	v4 =	vld.idx.msk [tilespmem:v6+s28+$0x0], $0xffff  }
0x522: {  	v6 =	vadd.s32 $0x23, v3;
	_ =	sdelay $0x3  }
0x523: {  	[tilespmem:v5+s29+$0x0] =	vst.idx.msk $0xffff, v4  }
0x524: {  	v4 =	vld.idx.msk [tilespmem:v6+s30+$0x0], $0xffff  }
0x525: {  	v6 =	vadd.s32 $0x24, v1;
	_ =	sdelay $0x3  }
0x526: {  	[tilespmem:v5+s31+$0x0] =	vst.idx.msk $0xffff, v4  }
0x527: {  	v5 =	vadd.s32 v42, v2;
	v4 =	vld.idx.msk [tilespmem:v6+s28+$0x0], $0xffff  }
0x528: {  	v6 =	vadd.s32 $0x24, v3;
	_ =	sdelay $0x3  }
0x529: {  	[tilespmem:v5+s29+$0x0] =	vst.idx.msk $0xffff, v4  }
0x52a: {  	v4 =	vld.idx.msk [tilespmem:v6+s30+$0x0], $0xffff  }
0x52b: {  	v6 =	vadd.s32 $0x25, v1;
	_ =	sdelay $0x3  }
0x52c: {  	[tilespmem:v5+s31+$0x0] =	vst.idx.msk $0xffff, v4  }
0x52d: {  	v5 =	vadd.s32 v44, v2;
	v4 =	vld.idx.msk [tilespmem:v6+s28+$0x0], $0xffff  }
0x52e: {  	v6 =	vadd.s32 $0x25, v3;
	_ =	sdelay $0x3  }
0x52f: {  	[tilespmem:v5+s29+$0x0] =	vst.idx.msk $0xffff, v4  }
0x530: {  	v4 =	vld.idx.msk [tilespmem:v6+s30+$0x0], $0xffff  }
0x531: {  	v6 =	vadd.s32 $0x26, v1;
	_ =	sdelay $0x3  }
0x532: {  	[tilespmem:v5+s31+$0x0] =	vst.idx.msk $0xffff, v4  }
0x533: {  	v5 =	vadd.s32 v43, v2;
	v4 =	vld.idx.msk [tilespmem:v6+s28+$0x0], $0xffff  }
0x534: {  	v6 =	vadd.s32 $0x26, v3;
	_ =	sdelay $0x3  }
0x535: {  	[tilespmem:v5+s29+$0x0] =	vst.idx.msk $0xffff, v4  }
0x536: {  	v4 =	vld.idx.msk [tilespmem:v6+s30+$0x0], $0xffff  }
0x537: {  	v6 =	vadd.s32 $0x27, v1;
	_ =	sdelay $0x3  }
0x538: {  	[tilespmem:v5+s31+$0x0] =	vst.idx.msk $0xffff, v4  }
0x539: {  	v5 =	vadd.s32 v45, v2;
	v4 =	vld.idx.msk [tilespmem:v6+s28+$0x0], $0xffff  }
0x53a: {  	v6 =	vadd.s32 $0x27, v3;
	_ =	sdelay $0x3  }
0x53b: {  	[tilespmem:v5+s29+$0x0] =	vst.idx.msk $0xffff, v4  }
0x53c: {  	v4 =	vld.idx.msk [tilespmem:v6+s30+$0x0], $0xffff  }
0x53d: {  	v6 =	vadd.s32 $0x28, v1;
	_ =	sdelay $0x3  }
0x53e: {  	[tilespmem:v5+s31+$0x0] =	vst.idx.msk $0xffff, v4  }
0x53f: {  	v5 =	vadd.s32 v46, v2;
	v4 =	vld.idx.msk [tilespmem:v6+s28+$0x0], $0xffff  }
0x540: {  	v6 =	vadd.s32 $0x28, v3;
	_ =	sdelay $0x3  }
0x541: {  	[tilespmem:v5+s29+$0x0] =	vst.idx.msk $0xffff, v4  }
0x542: {  	v4 =	vld.idx.msk [tilespmem:v6+s30+$0x0], $0xffff  }
0x543: {  	v6 =	vadd.s32 $0x29, v1;
	_ =	sdelay $0x3  }
0x544: {  	[tilespmem:v5+s31+$0x0] =	vst.idx.msk $0xffff, v4  }
0x545: {  	v5 =	vadd.s32 v48, v2;
	v4 =	vld.idx.msk [tilespmem:v6+s28+$0x0], $0xffff  }
0x546: {  	v6 =	vadd.s32 $0x29, v3;
	_ =	sdelay $0x3  }
0x547: {  	[tilespmem:v5+s29+$0x0] =	vst.idx.msk $0xffff, v4  }
0x548: {  	v4 =	vld.idx.msk [tilespmem:v6+s30+$0x0], $0xffff  }
0x549: {  	v6 =	vadd.s32 $0x2A, v1;
	_ =	sdelay $0x3  }
0x54a: {  	[tilespmem:v5+s31+$0x0] =	vst.idx.msk $0xffff, v4  }
0x54b: {  	v5 =	vadd.s32 v47, v2;
	v4 =	vld.idx.msk [tilespmem:v6+s28+$0x0], $0xffff  }
0x54c: {  	v6 =	vadd.s32 $0x2A, v3;
	_ =	sdelay $0x3  }
0x54d: {  	[tilespmem:v5+s29+$0x0] =	vst.idx.msk $0xffff, v4  }
0x54e: {  	v4 =	vld.idx.msk [tilespmem:v6+s30+$0x0], $0xffff  }
0x54f: {  	v6 =	vadd.s32 $0x2B, v1;
	_ =	sdelay $0x3  }
0x550: {  	[tilespmem:v5+s31+$0x0] =	vst.idx.msk $0xffff, v4  }
0x551: {  	v5 =	vadd.s32 v50, v2;
	v4 =	vld.idx.msk [tilespmem:v6+s28+$0x0], $0xffff  }
0x552: {  	v6 =	vadd.s32 $0x2B, v3;
	_ =	sdelay $0x3  }
0x553: {  	[tilespmem:v5+s29+$0x0] =	vst.idx.msk $0xffff, v4  }
0x554: {  	v4 =	vld.idx.msk [tilespmem:v6+s30+$0x0], $0xffff  }
0x555: {  	v6 =	vadd.s32 $0x2C, v1;
	_ =	sdelay $0x3  }
0x556: {  	[tilespmem:v5+s31+$0x0] =	vst.idx.msk $0xffff, v4  }
0x557: {  	v5 =	vadd.s32 v49, v2;
	v4 =	vld.idx.msk [tilespmem:v6+s28+$0x0], $0xffff  }
0x558: {  	v6 =	vadd.s32 $0x2C, v3;
	_ =	sdelay $0x3  }
0x559: {  	[tilespmem:v5+s29+$0x0] =	vst.idx.msk $0xffff, v4  }
0x55a: {  	v4 =	vld.idx.msk [tilespmem:v6+s30+$0x0], $0xffff  }
0x55b: {  	v6 =	vadd.s32 $0x2D, v1;
	_ =	sdelay $0x3  }
0x55c: {  	[tilespmem:v5+s31+$0x0] =	vst.idx.msk $0xffff, v4  }
0x55d: {  	v5 =	vadd.s32 v51, v2;
	v4 =	vld.idx.msk [tilespmem:v6+s28+$0x0], $0xffff  }
0x55e: {  	v6 =	vadd.s32 $0x2D, v3;
	_ =	sdelay $0x3  }
0x55f: {  	[tilespmem:v5+s29+$0x0] =	vst.idx.msk $0xffff, v4  }
0x560: {  	v4 =	vld.idx.msk [tilespmem:v6+s30+$0x0], $0xffff  }
0x561: {  	v6 =	vadd.s32 $0x2E, v1;
	_ =	sdelay $0x3  }
0x562: {  	[tilespmem:v5+s31+$0x0] =	vst.idx.msk $0xffff, v4  }
0x563: {  	v5 =	vadd.s32 v52, v2;
	v4 =	vld.idx.msk [tilespmem:v6+s28+$0x0], $0xffff  }
0x564: {  	v6 =	vadd.s32 $0x2E, v3;
	_ =	sdelay $0x3  }
0x565: {  	[tilespmem:v5+s29+$0x0] =	vst.idx.msk $0xffff, v4  }
0x566: {  	v4 =	vld.idx.msk [tilespmem:v6+s30+$0x0], $0xffff  }
0x567: {  	v6 =	vadd.s32 $0x2F, v1;
	_ =	sdelay $0x3  }
0x568: {  	[tilespmem:v5+s31+$0x0] =	vst.idx.msk $0xffff, v4  }
0x569: {  	v5 =	vadd.s32 v54, v2;
	v4 =	vld.idx.msk [tilespmem:v6+s28+$0x0], $0xffff  }
0x56a: {  	v6 =	vadd.s32 $0x2F, v3;
	_ =	sdelay $0x3  }
0x56b: {  	[tilespmem:v5+s29+$0x0] =	vst.idx.msk $0xffff, v4  }
0x56c: {  	v4 =	vld.idx.msk [tilespmem:v6+s30+$0x0], $0xffff  }
0x56d: {  	v6 =	vadd.s32 $0x30, v1;
	_ =	sdelay $0x3  }
0x56e: {  	[tilespmem:v5+s31+$0x0] =	vst.idx.msk $0xffff, v4  }
0x56f: {  	v5 =	vadd.s32 v53, v2;
	v4 =	vld.idx.msk [tilespmem:v6+s28+$0x0], $0xffff  }
0x570: {  	v6 =	vadd.s32 $0x30, v3;
	_ =	sdelay $0x3  }
0x571: {  	[tilespmem:v5+s29+$0x0] =	vst.idx.msk $0xffff, v4  }
0x572: {  	v4 =	vld.idx.msk [tilespmem:v6+s30+$0x0], $0xffff  }
0x573: {  	v6 =	vadd.s32 $0x31, v1;
	_ =	sdelay $0x3  }
0x574: {  	[tilespmem:v5+s31+$0x0] =	vst.idx.msk $0xffff, v4  }
0x575: {  	v5 =	vadd.s32 v56, v2;
	v4 =	vld.idx.msk [tilespmem:v6+s28+$0x0], $0xffff  }
0x576: {  	v6 =	vadd.s32 $0x31, v3;
	_ =	sdelay $0x3  }
0x577: {  	[tilespmem:v5+s29+$0x0] =	vst.idx.msk $0xffff, v4  }
0x578: {  	v4 =	vld.idx.msk [tilespmem:v6+s30+$0x0], $0xffff  }
0x579: {  	v6 =	vadd.s32 $0x32, v1;
	_ =	sdelay $0x3  }
0x57a: {  	[tilespmem:v5+s31+$0x0] =	vst.idx.msk $0xffff, v4  }
0x57b: {  	v5 =	vadd.s32 v55, v2;
	v4 =	vld.idx.msk [tilespmem:v6+s28+$0x0], $0xffff  }
0x57c: {  	v6 =	vadd.s32 $0x32, v3;
	_ =	sdelay $0x3  }
0x57d: {  	[tilespmem:v5+s29+$0x0] =	vst.idx.msk $0xffff, v4  }
0x57e: {  	v4 =	vld.idx.msk [tilespmem:v6+s30+$0x0], $0xffff  }
0x57f: {  	v6 =	vadd.s32 $0x33, v1;
	_ =	sdelay $0x3  }
0x580: {  	[tilespmem:v5+s31+$0x0] =	vst.idx.msk $0xffff, v4  }
0x581: {  	v5 =	vadd.s32 v57, v2;
	v4 =	vld.idx.msk [tilespmem:v6+s28+$0x0], $0xffff  }
0x582: {  	v6 =	vadd.s32 $0x33, v3;
	_ =	sdelay $0x3  }
0x583: {  	[tilespmem:v5+s29+$0x0] =	vst.idx.msk $0xffff, v4  }
0x584: {  	v4 =	vld.idx.msk [tilespmem:v6+s30+$0x0], $0xffff  }
0x585: {  	v6 =	vadd.s32 $0x34, v1;
	_ =	sdelay $0x3  }
0x586: {  	[tilespmem:v5+s31+$0x0] =	vst.idx.msk $0xffff, v4  }
0x587: {  	v5 =	vadd.s32 v58, v2;
	v4 =	vld.idx.msk [tilespmem:v6+s28+$0x0], $0xffff  }
0x588: {  	v6 =	vadd.s32 $0x34, v3;
	_ =	sdelay $0x3  }
0x589: {  	[tilespmem:v5+s29+$0x0] =	vst.idx.msk $0xffff, v4  }
0x58a: {  	v4 =	vld.idx.msk [tilespmem:v6+s30+$0x0], $0xffff  }
0x58b: {  	v6 =	vadd.s32 $0x35, v1;
	_ =	sdelay $0x3  }
0x58c: {  	[tilespmem:v5+s31+$0x0] =	vst.idx.msk $0xffff, v4  }
0x58d: {  	v5 =	vadd.s32 v60, v2;
	v4 =	vld.idx.msk [tilespmem:v6+s28+$0x0], $0xffff  }
0x58e: {  	v6 =	vadd.s32 $0x35, v3;
	_ =	sdelay $0x3  }
0x58f: {  	[tilespmem:v5+s29+$0x0] =	vst.idx.msk $0xffff, v4  }
0x590: {  	v4 =	vld.idx.msk [tilespmem:v6+s30+$0x0], $0xffff  }
0x591: {  	v6 =	vadd.s32 $0x36, v1;
	_ =	sdelay $0x3  }
0x592: {  	[tilespmem:v5+s31+$0x0] =	vst.idx.msk $0xffff, v4  }
0x593: {  	v5 =	vadd.s32 v59, v2;
	v4 =	vld.idx.msk [tilespmem:v6+s28+$0x0], $0xffff  }
0x594: {  	v6 =	vadd.s32 $0x36, v3;
	_ =	sdelay $0x3  }
0x595: {  	[tilespmem:v5+s29+$0x0] =	vst.idx.msk $0xffff, v4  }
0x596: {  	v4 =	vld.idx.msk [tilespmem:v6+s30+$0x0], $0xffff  }
0x597: {  	v6 =	vadd.s32 $0x37, v1;
	_ =	sdelay $0x3  }
0x598: {  	[tilespmem:v5+s31+$0x0] =	vst.idx.msk $0xffff, v4  }
0x599: {  	v5 =	vadd.s32 v62, v2;
	v4 =	vld.idx.msk [tilespmem:v6+s28+$0x0], $0xffff  }
0x59a: {  	v6 =	vadd.s32 $0x37, v3;
	_ =	sdelay $0x3  }
0x59b: {  	[tilespmem:v5+s29+$0x0] =	vst.idx.msk $0xffff, v4  }
0x59c: {  	v4 =	vld.idx.msk [tilespmem:v6+s30+$0x0], $0xffff  }
0x59d: {  	v6 =	vadd.s32 $0x38, v1;
	_ =	sdelay $0x3  }
0x59e: {  	[tilespmem:v5+s31+$0x0] =	vst.idx.msk $0xffff, v4  }
0x59f: {  	v5 =	vadd.s32 v61, v2;
	v4 =	vld.idx.msk [tilespmem:v6+s28+$0x0], $0xffff  }
0x5a0: {  	v6 =	vadd.s32 $0x38, v3;
	_ =	sdelay $0x3  }
0x5a1: {  	[tilespmem:v5+s29+$0x0] =	vst.idx.msk $0xffff, v4  }
0x5a2: {  	v4 =	vld.idx.msk [tilespmem:v6+s30+$0x0], $0xffff  }
0x5a3: {  	v6 =	vadd.s32 $0x39, v1;
	_ =	sdelay $0x3  }
0x5a4: {  	[tilespmem:v5+s31+$0x0] =	vst.idx.msk $0xffff, v4  }
0x5a5: {  	v5 =	vadd.s32 v63, v2;
	v4 =	vld.idx.msk [tilespmem:v6+s28+$0x0], $0xffff  }
0x5a6: {  	v6 =	vadd.s32 $0x39, v3;
	_ =	sdelay $0x3  }
0x5a7: {  	[tilespmem:v5+s29+$0x0] =	vst.idx.msk $0xffff, v4  }
0x5a8: {  	v4 =	vld.idx.msk [tilespmem:v6+s30+$0x0], $0xffff  }
0x5a9: {  	v6 =	vadd.s32 $0x3A, v1;
	_ =	sdelay $0x3  }
0x5aa: {  	[tilespmem:v5+s31+$0x0] =	vst.idx.msk $0xffff, v4  }
0x5ab: {  	v5 =	vadd.s32 v7, v2;
	v4 =	vld.idx.msk [tilespmem:v6+s28+$0x0], $0xffff  }
0x5ac: {  	v6 =	vadd.s32 $0x3A, v3;
	_ =	sdelay $0x3  }
0x5ad: {  	[tilespmem:v5+s29+$0x0] =	vst.idx.msk $0xffff, v4  }
0x5ae: {  	v4 =	vld.idx.msk [tilespmem:v6+s30+$0x0], $0xffff  }
0x5af: {  	v6 =	vadd.s32 $0x3B, v1;
	_ =	sdelay $0x3  }
0x5b0: {  	[tilespmem:v5+s31+$0x0] =	vst.idx.msk $0xffff, v4  }
0x5b1: {  	v5 =	vadd.s32 v9, v2;
	v4 =	vld.idx.msk [tilespmem:v6+s28+$0x0], $0xffff  }
0x5b2: {  	v6 =	vadd.s32 $0x3B, v3;
	_ =	sdelay $0x3  }
0x5b3: {  	[tilespmem:v5+s29+$0x0] =	vst.idx.msk $0xffff, v4  }
0x5b4: {  	v4 =	vld.idx.msk [tilespmem:v6+s30+$0x0], $0xffff  }
0x5b5: {  	v6 =	vadd.s32 $0x3C, v1;
	_ =	sdelay $0x3  }
0x5b6: {  	[tilespmem:v5+s31+$0x0] =	vst.idx.msk $0xffff, v4  }
0x5b7: {  	v5 =	vadd.s32 v8, v2;
	v4 =	vld.idx.msk [tilespmem:v6+s28+$0x0], $0xffff  }
0x5b8: {  	v6 =	vadd.s32 $0x3C, v3;
	_ =	sdelay $0x3  }
0x5b9: {  	[tilespmem:v5+s29+$0x0] =	vst.idx.msk $0xffff, v4  }
0x5ba: {  	v4 =	vld.idx.msk [tilespmem:v6+s30+$0x0], $0xffff  }
0x5bb: {  	v6 =	vadd.s32 $0x3D, v1;
	_ =	sdelay $0x3  }
0x5bc: {  	[tilespmem:v5+s31+$0x0] =	vst.idx.msk $0xffff, v4  }
0x5bd: {  	v5 =	vadd.s32 v11, v2;
	v4 =	vld.idx.msk [tilespmem:v6+s28+$0x0], $0xffff  }
0x5be: {  	v6 =	vadd.s32 $0x3D, v3;
	_ =	sdelay $0x3  }
0x5bf: {  	[tilespmem:v5+s29+$0x0] =	vst.idx.msk $0xffff, v4  }
0x5c0: {  	v4 =	vld.idx.msk [tilespmem:v6+s30+$0x0], $0xffff  }
0x5c1: {  	v6 =	vadd.s32 $0x3E, v1;
	_ =	sdelay $0x3  }
0x5c2: {  	[tilespmem:v5+s31+$0x0] =	vst.idx.msk $0xffff, v4  }
0x5c3: {  	v5 =	vadd.s32 v10, v2;
	v4 =	vld.idx.msk [tilespmem:v6+s28+$0x0], $0xffff  }
0x5c4: {  	v6 =	vadd.s32 $0x3E, v3;
	_ =	sdelay $0x3  }
0x5c5: {  	[tilespmem:v5+s29+$0x0] =	vst.idx.msk $0xffff, v4  }
0x5c6: {  	v4 =	vld.idx.msk [tilespmem:v6+s30+$0x0], $0xffff  }
0x5c7: {  	v1 =	vadd.s32 $0x3F, v1;
	_ =	sdelay $0x3  }
0x5c8: {  	[tilespmem:v5+s31+$0x0] =	vst.idx.msk $0xffff, v4  }
0x5c9: {  	v2 =	vadd.s32 v12, v2;
	v1 =	vld.idx.msk [tilespmem:v1+s28+$0x0], $0xffff  }
0x5ca: {  	v3 =	vadd.s32 $0x3F, v3;
	_ =	sdelay $0x3  }
0x5cb: {  	[tilespmem:v2+s29+$0x0] =	vst.idx.msk $0xffff, v1  }
0x5cc: {  	p1 =	sne.s32 s8, $0x70;
	v1 =	vld.idx.msk [tilespmem:v3+s30+$0x0], $0xffff  }
.Ltmp8:
0x5cd: {  	_ = 	snop;
	(pc) =	sbr.rel @p1 .LBB2_18-.Ltmp8, $2  }
0x5ce: {  	_ =	sdelay $0x2  }
0x5cf: {  	s9 =	sadd.s32 $0x10, s9;
	s10 =	sadd.s32 $0x10, s10;
	s8 =	sadd.s32 $0x10, s8;
	[tilespmem:v2+s31+$0x0] =	vst.idx.msk $0xffff, v1  }
0x5d0: {  	_ =	swait.ge [sflag:s2], $0x2000  }
0x5d1: {  	s8 =	simm.s32 $0x2600;
	s9 =	simm.s32 $0x20;
	[sflag:s2] =	ssyncset.done $0x0  }
0x5d2: {  	s13 =	sadd.s32 $0x0, s17;
	s10 =	simm.s32 $0x2648;
	[sflag:s2] =	ssyncadd.s32 $0xFFFFE000  }
0x5d3: {  	[hbm4b:s16+s0] =	stream.strided.scatter [tilespmem:s26], [sflag:$0x1], $0x2000, s6, s0, $0x38;
	[tilespmem:$0x1B490] =	vst v63  }
.LBB2_20:
0x5d4: {  	[hbm4b:s13+s4] =	stream.linear.scatter [tilespmem:s8], [sflag:$0x1], $0x40, $0x38;
	[tilespmem:$0x1B490] =	vst v63  }
0x5d5: {  	s13 =	smov.u32 s9;
	s8 =	smov.u32 s10;
	p1 =	sne.s32 s9, $0xFE0  }
.Ltmp9:
0x5d6: {  	s9 =	sadd.s32 $0x20, s9;
	(pc) =	sbr.rel @p1 .LBB2_20-.Ltmp9, $2  }
0x5d7: {  	_ =	sdelay $0x2  }
0x5d8: {  	s10 =	sadd.s32 $0x48, s10;
	s13 =	sadd.s32 s13, s17  }
0x5d9: {  	[hbm4b:s13+s4] =	stream.linear.scatter [tilespmem:s8], [sflag:$0x1], $0x40, $0x38;
	[tilespmem:$0x1B490] =	vst v63  }
0x5da: {  	s8 =	simm.s32 $0x4A00  }
0x5db: {  	s9 =	simm.s32 $0x20;
	s13 =	sadd.s32 $0x0, s18;
	s10 =	simm.s32 $0x4A48  }
.LBB2_22:
0x5dc: {  	[hbm4b:s13+s4] =	stream.linear.scatter [tilespmem:s8], [sflag:$0x1], $0x40, $0x38;
	[tilespmem:$0x1B490] =	vst v63  }
0x5dd: {  	s13 =	smov.u32 s9;
	s8 =	smov.u32 s10;
	p1 =	sne.s32 s9, $0xFE0  }
.Ltmp10:
0x5de: {  	s9 =	sadd.s32 $0x20, s9;
	(pc) =	sbr.rel @p1 .LBB2_22-.Ltmp10, $2  }
0x5df: {  	_ =	sdelay $0x2  }
0x5e0: {  	s10 =	sadd.s32 $0x48, s10;
	s13 =	sadd.s32 s13, s18  }
0x5e1: {  	[hbm4b:s13+s4] =	stream.linear.scatter [tilespmem:s8], [sflag:$0x1], $0x40, $0x38;
	[tilespmem:$0x1B490] =	vst v63  }
0x5e2: {  	_ =	swait.ge [sflag:s2], $0x2000  }
0x5e3: {  	[sflag:s2] =	ssyncset.done $0x0  }
0x5e4: {  	[sflag:s2] =	ssyncadd.s32 $0xFFFFE000  }
0x5e5: {  	_ =	swait.ge [sflag:s2], $0x2000  }
0x5e6: {  	[sflag:s2] =	ssyncset.done $0x0  }
0x5e7: {  	[sflag:s2] =	ssyncadd.s32 $0xFFFFE000  }
0x5e8: {  	_ =	swait.ge [sflag:s2], $0x2000  }
0x5e9: {  	v13 =	vld [tilespmem:$0x1FC60]  }
0x5ea: {  	v14 =	vld [tilespmem:$0x1FC70]  }
0x5eb: {  	v15 =	vld [tilespmem:$0x1FC80]  }
0x5ec: {  	v16 =	vld [tilespmem:$0x1FC90]  }
0x5ed: {  	v17 =	vld [tilespmem:$0x1FCA0]  }
0x5ee: {  	v18 =	vld [tilespmem:$0x1FCB0]  }
0x5ef: {  	v19 =	vld [tilespmem:$0x1FCC0]  }
0x5f0: {  	v20 =	vld [tilespmem:$0x1FCD0]  }
0x5f1: {  	v21 =	vld [tilespmem:$0x1FCE0]  }
0x5f2: {  	v0 =	vld [tilespmem:$0x1FCF0]  }
0x5f3: {  	v22 =	vld [tilespmem:$0x1FD00]  }
0x5f4: {  	v23 =	vld [tilespmem:$0x1FD10]  }
0x5f5: {  	v24 =	vld [tilespmem:$0x1FD20]  }
0x5f6: {  	v25 =	vld [tilespmem:$0x1FD30]  }
0x5f7: {  	v26 =	vld [tilespmem:$0x1FD40]  }
0x5f8: {  	v27 =	vld [tilespmem:$0x1FD50]  }
0x5f9: {  	v28 =	vld [tilespmem:$0x1FD60]  }
0x5fa: {  	v29 =	vld [tilespmem:$0x1FD70]  }
0x5fb: {  	v30 =	vld [tilespmem:$0x1FD80]  }
0x5fc: {  	v31 =	vld [tilespmem:$0x1FD90]  }
0x5fd: {  	v32 =	vld [tilespmem:$0x1FDA0]  }
0x5fe: {  	v33 =	vld [tilespmem:$0x1FDB0]  }
0x5ff: {  	v34 =	vld [tilespmem:$0x1FDC0]  }
0x600: {  	v35 =	vld [tilespmem:$0x1FDD0]  }
0x601: {  	v36 =	vld [tilespmem:$0x1FDE0]  }
0x602: {  	v37 =	vld [tilespmem:$0x1FDF0]  }
0x603: {  	v38 =	vld [tilespmem:$0x1FE00]  }
0x604: {  	v39 =	vld [tilespmem:$0x1FE10]  }
0x605: {  	v40 =	vld [tilespmem:$0x1FE20]  }
0x606: {  	v41 =	vld [tilespmem:$0x1FE30]  }
0x607: {  	v42 =	vld [tilespmem:$0x1FE40]  }
0x608: {  	v43 =	vld [tilespmem:$0x1FE50]  }
0x609: {  	v44 =	vld [tilespmem:$0x1FE60]  }
0x60a: {  	v45 =	vld [tilespmem:$0x1FE70]  }
0x60b: {  	v46 =	vld [tilespmem:$0x1FE80]  }
0x60c: {  	v47 =	vld [tilespmem:$0x1FE90]  }
0x60d: {  	v48 =	vld [tilespmem:$0x1FEA0]  }
0x60e: {  	v49 =	vld [tilespmem:$0x1FEB0]  }
0x60f: {  	v50 =	vld [tilespmem:$0x1FEC0]  }
0x610: {  	v51 =	vld [tilespmem:$0x1FED0]  }
0x611: {  	v52 =	vld [tilespmem:$0x1FEE0]  }
0x612: {  	v53 =	vld [tilespmem:$0x1FEF0]  }
0x613: {  	v54 =	vld [tilespmem:$0x1FF00]  }
0x614: {  	v55 =	vld [tilespmem:$0x1FF10]  }
0x615: {  	v56 =	vld [tilespmem:$0x1FF20]  }
0x616: {  	v57 =	vld [tilespmem:$0x1FF30]  }
0x617: {  	v58 =	vld [tilespmem:$0x1FF40]  }
0x618: {  	v59 =	vld [tilespmem:$0x1FF50]  }
0x619: {  	v60 =	vld [tilespmem:$0x1FF60]  }
0x61a: {  	v61 =	vld [tilespmem:$0x1FF70]  }
0x61b: {  	v62 =	vld [tilespmem:$0x1FF80]  }
0x61c: {  	v63 =	vld [tilespmem:$0x1FF90]  }
0x61d: {  	v7 =	vld [tilespmem:$0x1FFA0]  }
0x61e: {  	v8 =	vld [tilespmem:$0x1FFB0]  }
0x61f: {  	v9 =	vld [tilespmem:$0x1FFC0]  }
0x620: {  	s13 =	simm.s32 $0x180;
	s8 =	simm.s32 $0x0;
	[sflag:s2] =	ssyncset.done $0x0;
	v10 =	vld [tilespmem:$0x1FFD0]  }
0x621: {  	s9 =	simm.s32 $0x580;
	s10 =	simm.s32 $0x380;
	v11 =	vld [tilespmem:$0x1FFE0];
	[sflag:s2] =	ssyncadd.s32 $0xFFFFE000  }
0x622: {  	v12 =	vld [tilespmem:$0x1FFF0];
	[tilespmem:s26], [sflag:$0x1] =	stream.indirect.gather [hbm4b:s5+s25], $0x40, s13, s25, $0xb8  }
.LBB2_24:
0x623: {  	v1 =	vld [tilespmem:s10+$0x0];
	_ =	sdelay $0x4  }
0x624: {  	v1 =	vmul.u32 $0x48, v1  }
0x625: {  	v3 =	vld [tilespmem:s9+$0x0];
	v2 =	vmov s8  }
0x626: {  	v2 =	vmul.u32 $0x48, v2;
	_ =	sdelay $0x1  }
0x627: {  	v2 =	vbroadcast v2, $0x0;
	_ =	sdelay $0x1  }
0x628: {  	v5 =	vadd.s32 v22, v2;
	v3 =	vmul.u32 $0x48, v3;
	v4 =	vld.idx.msk [tilespmem:v1+s28+$0x0], $0xffff;
	_ =	sdelay $0x4  }
0x629: {  	[tilespmem:v5+s29+$0x0] =	vst.idx.msk $0xffff, v4  }
0x62a: {  	v4 =	vld.idx.msk [tilespmem:v3+s30+$0x0], $0xffff;
	_ =	sdelay $0x4  }
0x62b: {  	v6 =	vor.u32 $0x1, v1;
	[tilespmem:v5+s31+$0x0] =	vst.idx.msk $0xffff, v4;
	v5 =	vld [tilespmem:$0x1FC00];
	_ =	sdelay $0x4  }
0x62c: {  	v4 =	vld.idx.msk [tilespmem:v6+s28+$0x0], $0xffff;
	v5 =	vadd.s32 v5, v2  }
0x62d: {  	v6 =	vor.u32 $0x1, v3;
	_ =	sdelay $0x3  }
0x62e: {  	[tilespmem:v5+s29+$0x0] =	vst.idx.msk $0xffff, v4  }
0x62f: {  	v4 =	vld.idx.msk [tilespmem:v6+s30+$0x0], $0xffff;
	_ =	sdelay $0x4  }
0x630: {  	v6 =	vor.u32 $0x2, v1;
	[tilespmem:v5+s31+$0x0] =	vst.idx.msk $0xffff, v4;
	v5 =	vld [tilespmem:$0x1FC10];
	_ =	sdelay $0x4  }
0x631: {  	v4 =	vld.idx.msk [tilespmem:v6+s28+$0x0], $0xffff;
	v5 =	vadd.s32 v5, v2  }
0x632: {  	v6 =	vor.u32 $0x2, v3;
	_ =	sdelay $0x3  }
0x633: {  	[tilespmem:v5+s29+$0x0] =	vst.idx.msk $0xffff, v4  }
0x634: {  	v4 =	vld.idx.msk [tilespmem:v6+s30+$0x0], $0xffff;
	_ =	sdelay $0x4  }
0x635: {  	v6 =	vor.u32 $0x3, v1;
	[tilespmem:v5+s31+$0x0] =	vst.idx.msk $0xffff, v4;
	v5 =	vld [tilespmem:$0x1FC20];
	_ =	sdelay $0x4  }
0x636: {  	v4 =	vld.idx.msk [tilespmem:v6+s28+$0x0], $0xffff;
	v5 =	vadd.s32 v5, v2  }
0x637: {  	v6 =	vor.u32 $0x3, v3;
	_ =	sdelay $0x3  }
0x638: {  	[tilespmem:v5+s29+$0x0] =	vst.idx.msk $0xffff, v4  }
0x639: {  	v4 =	vld.idx.msk [tilespmem:v6+s30+$0x0], $0xffff;
	_ =	sdelay $0x4  }
0x63a: {  	v6 =	vor.u32 $0x4, v1;
	[tilespmem:v5+s31+$0x0] =	vst.idx.msk $0xffff, v4;
	v5 =	vld [tilespmem:$0x1FC30];
	_ =	sdelay $0x4  }
0x63b: {  	v4 =	vld.idx.msk [tilespmem:v6+s28+$0x0], $0xffff;
	v5 =	vadd.s32 v5, v2  }
0x63c: {  	v6 =	vor.u32 $0x4, v3;
	_ =	sdelay $0x3  }
0x63d: {  	[tilespmem:v5+s29+$0x0] =	vst.idx.msk $0xffff, v4  }
0x63e: {  	v4 =	vld.idx.msk [tilespmem:v6+s30+$0x0], $0xffff;
	_ =	sdelay $0x4  }
0x63f: {  	v6 =	vor.u32 $0x5, v1;
	[tilespmem:v5+s31+$0x0] =	vst.idx.msk $0xffff, v4;
	v5 =	vld [tilespmem:$0x1FC40];
	_ =	sdelay $0x4  }
0x640: {  	v4 =	vld.idx.msk [tilespmem:v6+s28+$0x0], $0xffff;
	v5 =	vadd.s32 v5, v2  }
0x641: {  	v6 =	vor.u32 $0x5, v3;
	_ =	sdelay $0x3  }
0x642: {  	[tilespmem:v5+s29+$0x0] =	vst.idx.msk $0xffff, v4  }
0x643: {  	v4 =	vld.idx.msk [tilespmem:v6+s30+$0x0], $0xffff;
	_ =	sdelay $0x4  }
0x644: {  	v6 =	vor.u32 $0x6, v1;
	[tilespmem:v5+s31+$0x0] =	vst.idx.msk $0xffff, v4;
	v5 =	vld [tilespmem:$0x1FC50];
	_ =	sdelay $0x4  }
0x645: {  	v4 =	vld.idx.msk [tilespmem:v6+s28+$0x0], $0xffff;
	v5 =	vadd.s32 v5, v2  }
0x646: {  	v6 =	vor.u32 $0x6, v3;
	_ =	sdelay $0x3  }
0x647: {  	[tilespmem:v5+s29+$0x0] =	vst.idx.msk $0xffff, v4  }
0x648: {  	v4 =	vld.idx.msk [tilespmem:v6+s30+$0x0], $0xffff  }
0x649: {  	v6 =	vor.u32 $0x7, v1;
	_ =	sdelay $0x3  }
0x64a: {  	[tilespmem:v5+s31+$0x0] =	vst.idx.msk $0xffff, v4  }
0x64b: {  	v5 =	vadd.s32 v13, v2;
	v4 =	vld.idx.msk [tilespmem:v6+s28+$0x0], $0xffff  }
0x64c: {  	v6 =	vor.u32 $0x7, v3;
	_ =	sdelay $0x3  }
0x64d: {  	[tilespmem:v5+s29+$0x0] =	vst.idx.msk $0xffff, v4  }
0x64e: {  	v4 =	vld.idx.msk [tilespmem:v6+s30+$0x0], $0xffff  }
0x64f: {  	v6 =	vadd.s32 $0x8, v1;
	_ =	sdelay $0x3  }
0x650: {  	[tilespmem:v5+s31+$0x0] =	vst.idx.msk $0xffff, v4  }
0x651: {  	v5 =	vadd.s32 v14, v2;
	v4 =	vld.idx.msk [tilespmem:v6+s28+$0x0], $0xffff  }
0x652: {  	v6 =	vadd.s32 $0x8, v3;
	_ =	sdelay $0x3  }
0x653: {  	[tilespmem:v5+s29+$0x0] =	vst.idx.msk $0xffff, v4  }
0x654: {  	v4 =	vld.idx.msk [tilespmem:v6+s30+$0x0], $0xffff  }
0x655: {  	v6 =	vadd.s32 $0x9, v1;
	_ =	sdelay $0x3  }
0x656: {  	[tilespmem:v5+s31+$0x0] =	vst.idx.msk $0xffff, v4  }
0x657: {  	v5 =	vadd.s32 v15, v2;
	v4 =	vld.idx.msk [tilespmem:v6+s28+$0x0], $0xffff  }
0x658: {  	v6 =	vadd.s32 $0x9, v3;
	_ =	sdelay $0x3  }
0x659: {  	[tilespmem:v5+s29+$0x0] =	vst.idx.msk $0xffff, v4  }
0x65a: {  	v4 =	vld.idx.msk [tilespmem:v6+s30+$0x0], $0xffff  }
0x65b: {  	v6 =	vadd.s32 $0xA, v1;
	_ =	sdelay $0x3  }
0x65c: {  	[tilespmem:v5+s31+$0x0] =	vst.idx.msk $0xffff, v4  }
0x65d: {  	v5 =	vadd.s32 v16, v2;
	v4 =	vld.idx.msk [tilespmem:v6+s28+$0x0], $0xffff  }
0x65e: {  	v6 =	vadd.s32 $0xA, v3;
	_ =	sdelay $0x3  }
0x65f: {  	[tilespmem:v5+s29+$0x0] =	vst.idx.msk $0xffff, v4  }
0x660: {  	v4 =	vld.idx.msk [tilespmem:v6+s30+$0x0], $0xffff  }
0x661: {  	v6 =	vadd.s32 $0xB, v1;
	_ =	sdelay $0x3  }
0x662: {  	[tilespmem:v5+s31+$0x0] =	vst.idx.msk $0xffff, v4  }
0x663: {  	v5 =	vadd.s32 v17, v2;
	v4 =	vld.idx.msk [tilespmem:v6+s28+$0x0], $0xffff  }
0x664: {  	v6 =	vadd.s32 $0xB, v3;
	_ =	sdelay $0x3  }
0x665: {  	[tilespmem:v5+s29+$0x0] =	vst.idx.msk $0xffff, v4  }
0x666: {  	v4 =	vld.idx.msk [tilespmem:v6+s30+$0x0], $0xffff  }
0x667: {  	v6 =	vadd.s32 $0xC, v1;
	_ =	sdelay $0x3  }
0x668: {  	[tilespmem:v5+s31+$0x0] =	vst.idx.msk $0xffff, v4  }
0x669: {  	v5 =	vadd.s32 v18, v2;
	v4 =	vld.idx.msk [tilespmem:v6+s28+$0x0], $0xffff  }
0x66a: {  	v6 =	vadd.s32 $0xC, v3;
	_ =	sdelay $0x3  }
0x66b: {  	[tilespmem:v5+s29+$0x0] =	vst.idx.msk $0xffff, v4  }
0x66c: {  	v4 =	vld.idx.msk [tilespmem:v6+s30+$0x0], $0xffff  }
0x66d: {  	v6 =	vadd.s32 $0xD, v1;
	_ =	sdelay $0x3  }
0x66e: {  	[tilespmem:v5+s31+$0x0] =	vst.idx.msk $0xffff, v4  }
0x66f: {  	v5 =	vadd.s32 v19, v2;
	v4 =	vld.idx.msk [tilespmem:v6+s28+$0x0], $0xffff  }
0x670: {  	v6 =	vadd.s32 $0xD, v3;
	_ =	sdelay $0x3  }
0x671: {  	[tilespmem:v5+s29+$0x0] =	vst.idx.msk $0xffff, v4  }
0x672: {  	v4 =	vld.idx.msk [tilespmem:v6+s30+$0x0], $0xffff  }
0x673: {  	v6 =	vadd.s32 $0xE, v1;
	_ =	sdelay $0x3  }
0x674: {  	[tilespmem:v5+s31+$0x0] =	vst.idx.msk $0xffff, v4  }
0x675: {  	v5 =	vadd.s32 v20, v2;
	v4 =	vld.idx.msk [tilespmem:v6+s28+$0x0], $0xffff  }
0x676: {  	v6 =	vadd.s32 $0xE, v3;
	_ =	sdelay $0x3  }
0x677: {  	[tilespmem:v5+s29+$0x0] =	vst.idx.msk $0xffff, v4  }
0x678: {  	v4 =	vld.idx.msk [tilespmem:v6+s30+$0x0], $0xffff  }
0x679: {  	v6 =	vadd.s32 $0xF, v1;
	_ =	sdelay $0x3  }
0x67a: {  	[tilespmem:v5+s31+$0x0] =	vst.idx.msk $0xffff, v4  }
0x67b: {  	v5 =	vadd.s32 v21, v2;
	v4 =	vld.idx.msk [tilespmem:v6+s28+$0x0], $0xffff  }
0x67c: {  	v6 =	vadd.s32 $0xF, v3;
	_ =	sdelay $0x3  }
0x67d: {  	[tilespmem:v5+s29+$0x0] =	vst.idx.msk $0xffff, v4  }
0x67e: {  	v4 =	vld.idx.msk [tilespmem:v6+s30+$0x0], $0xffff  }
0x67f: {  	v6 =	vadd.s32 $0x10, v1;
	_ =	sdelay $0x3  }
0x680: {  	[tilespmem:v5+s31+$0x0] =	vst.idx.msk $0xffff, v4  }
0x681: {  	v5 =	vadd.s32 v0, v2;
	v4 =	vld.idx.msk [tilespmem:v6+s28+$0x0], $0xffff  }
0x682: {  	v6 =	vadd.s32 $0x10, v3;
	_ =	sdelay $0x3  }
0x683: {  	[tilespmem:v5+s29+$0x0] =	vst.idx.msk $0xffff, v4  }
0x684: {  	v4 =	vld.idx.msk [tilespmem:v6+s30+$0x0], $0xffff  }
0x685: {  	v6 =	vadd.s32 $0x11, v1;
	_ =	sdelay $0x3  }
0x686: {  	[tilespmem:v5+s31+$0x0] =	vst.idx.msk $0xffff, v4  }
0x687: {  	v5 =	vadd.s32 v23, v2;
	v4 =	vld.idx.msk [tilespmem:v6+s28+$0x0], $0xffff  }
0x688: {  	v6 =	vadd.s32 $0x11, v3;
	_ =	sdelay $0x3  }
0x689: {  	[tilespmem:v5+s29+$0x0] =	vst.idx.msk $0xffff, v4  }
0x68a: {  	v4 =	vld.idx.msk [tilespmem:v6+s30+$0x0], $0xffff  }
0x68b: {  	v6 =	vadd.s32 $0x12, v1;
	_ =	sdelay $0x3  }
0x68c: {  	[tilespmem:v5+s31+$0x0] =	vst.idx.msk $0xffff, v4  }
0x68d: {  	v5 =	vadd.s32 v24, v2;
	v4 =	vld.idx.msk [tilespmem:v6+s28+$0x0], $0xffff  }
0x68e: {  	v6 =	vadd.s32 $0x12, v3;
	_ =	sdelay $0x3  }
0x68f: {  	[tilespmem:v5+s29+$0x0] =	vst.idx.msk $0xffff, v4  }
0x690: {  	v4 =	vld.idx.msk [tilespmem:v6+s30+$0x0], $0xffff  }
0x691: {  	v6 =	vadd.s32 $0x13, v1;
	_ =	sdelay $0x3  }
0x692: {  	[tilespmem:v5+s31+$0x0] =	vst.idx.msk $0xffff, v4  }
0x693: {  	v5 =	vadd.s32 v25, v2;
	v4 =	vld.idx.msk [tilespmem:v6+s28+$0x0], $0xffff  }
0x694: {  	v6 =	vadd.s32 $0x13, v3;
	_ =	sdelay $0x3  }
0x695: {  	[tilespmem:v5+s29+$0x0] =	vst.idx.msk $0xffff, v4  }
0x696: {  	v4 =	vld.idx.msk [tilespmem:v6+s30+$0x0], $0xffff  }
0x697: {  	v6 =	vadd.s32 $0x14, v1;
	_ =	sdelay $0x3  }
0x698: {  	[tilespmem:v5+s31+$0x0] =	vst.idx.msk $0xffff, v4  }
0x699: {  	v5 =	vadd.s32 v26, v2;
	v4 =	vld.idx.msk [tilespmem:v6+s28+$0x0], $0xffff  }
0x69a: {  	v6 =	vadd.s32 $0x14, v3;
	_ =	sdelay $0x3  }
0x69b: {  	[tilespmem:v5+s29+$0x0] =	vst.idx.msk $0xffff, v4  }
0x69c: {  	v4 =	vld.idx.msk [tilespmem:v6+s30+$0x0], $0xffff  }
0x69d: {  	v6 =	vadd.s32 $0x15, v1;
	_ =	sdelay $0x3  }
0x69e: {  	[tilespmem:v5+s31+$0x0] =	vst.idx.msk $0xffff, v4  }
0x69f: {  	v5 =	vadd.s32 v27, v2;
	v4 =	vld.idx.msk [tilespmem:v6+s28+$0x0], $0xffff  }
0x6a0: {  	v6 =	vadd.s32 $0x15, v3;
	_ =	sdelay $0x3  }
0x6a1: {  	[tilespmem:v5+s29+$0x0] =	vst.idx.msk $0xffff, v4  }
0x6a2: {  	v4 =	vld.idx.msk [tilespmem:v6+s30+$0x0], $0xffff  }
0x6a3: {  	v6 =	vadd.s32 $0x16, v1;
	_ =	sdelay $0x3  }
0x6a4: {  	[tilespmem:v5+s31+$0x0] =	vst.idx.msk $0xffff, v4  }
0x6a5: {  	v5 =	vadd.s32 v28, v2;
	v4 =	vld.idx.msk [tilespmem:v6+s28+$0x0], $0xffff  }
0x6a6: {  	v6 =	vadd.s32 $0x16, v3;
	_ =	sdelay $0x3  }
0x6a7: {  	[tilespmem:v5+s29+$0x0] =	vst.idx.msk $0xffff, v4  }
0x6a8: {  	v4 =	vld.idx.msk [tilespmem:v6+s30+$0x0], $0xffff  }
0x6a9: {  	v6 =	vadd.s32 $0x17, v1;
	_ =	sdelay $0x3  }
0x6aa: {  	[tilespmem:v5+s31+$0x0] =	vst.idx.msk $0xffff, v4  }
0x6ab: {  	v5 =	vadd.s32 v29, v2;
	v4 =	vld.idx.msk [tilespmem:v6+s28+$0x0], $0xffff  }
0x6ac: {  	v6 =	vadd.s32 $0x17, v3;
	_ =	sdelay $0x3  }
0x6ad: {  	[tilespmem:v5+s29+$0x0] =	vst.idx.msk $0xffff, v4  }
0x6ae: {  	v4 =	vld.idx.msk [tilespmem:v6+s30+$0x0], $0xffff  }
0x6af: {  	v6 =	vadd.s32 $0x18, v1;
	_ =	sdelay $0x3  }
0x6b0: {  	[tilespmem:v5+s31+$0x0] =	vst.idx.msk $0xffff, v4  }
0x6b1: {  	v5 =	vadd.s32 v30, v2;
	v4 =	vld.idx.msk [tilespmem:v6+s28+$0x0], $0xffff  }
0x6b2: {  	v6 =	vadd.s32 $0x18, v3;
	_ =	sdelay $0x3  }
0x6b3: {  	[tilespmem:v5+s29+$0x0] =	vst.idx.msk $0xffff, v4  }
0x6b4: {  	v4 =	vld.idx.msk [tilespmem:v6+s30+$0x0], $0xffff  }
0x6b5: {  	v6 =	vadd.s32 $0x19, v1;
	_ =	sdelay $0x3  }
0x6b6: {  	[tilespmem:v5+s31+$0x0] =	vst.idx.msk $0xffff, v4  }
0x6b7: {  	v5 =	vadd.s32 v31, v2;
	v4 =	vld.idx.msk [tilespmem:v6+s28+$0x0], $0xffff  }
0x6b8: {  	v6 =	vadd.s32 $0x19, v3;
	_ =	sdelay $0x3  }
0x6b9: {  	[tilespmem:v5+s29+$0x0] =	vst.idx.msk $0xffff, v4  }
0x6ba: {  	v4 =	vld.idx.msk [tilespmem:v6+s30+$0x0], $0xffff  }
0x6bb: {  	v6 =	vadd.s32 $0x1A, v1;
	_ =	sdelay $0x3  }
0x6bc: {  	[tilespmem:v5+s31+$0x0] =	vst.idx.msk $0xffff, v4  }
0x6bd: {  	v5 =	vadd.s32 v32, v2;
	v4 =	vld.idx.msk [tilespmem:v6+s28+$0x0], $0xffff  }
0x6be: {  	v6 =	vadd.s32 $0x1A, v3;
	_ =	sdelay $0x3  }
0x6bf: {  	[tilespmem:v5+s29+$0x0] =	vst.idx.msk $0xffff, v4  }
0x6c0: {  	v4 =	vld.idx.msk [tilespmem:v6+s30+$0x0], $0xffff  }
0x6c1: {  	v6 =	vadd.s32 $0x1B, v1;
	_ =	sdelay $0x3  }
0x6c2: {  	[tilespmem:v5+s31+$0x0] =	vst.idx.msk $0xffff, v4  }
0x6c3: {  	v5 =	vadd.s32 v33, v2;
	v4 =	vld.idx.msk [tilespmem:v6+s28+$0x0], $0xffff  }
0x6c4: {  	v6 =	vadd.s32 $0x1B, v3;
	_ =	sdelay $0x3  }
0x6c5: {  	[tilespmem:v5+s29+$0x0] =	vst.idx.msk $0xffff, v4  }
0x6c6: {  	v4 =	vld.idx.msk [tilespmem:v6+s30+$0x0], $0xffff  }
0x6c7: {  	v6 =	vadd.s32 $0x1C, v1;
	_ =	sdelay $0x3  }
0x6c8: {  	[tilespmem:v5+s31+$0x0] =	vst.idx.msk $0xffff, v4  }
0x6c9: {  	v5 =	vadd.s32 v34, v2;
	v4 =	vld.idx.msk [tilespmem:v6+s28+$0x0], $0xffff  }
0x6ca: {  	v6 =	vadd.s32 $0x1C, v3;
	_ =	sdelay $0x3  }
0x6cb: {  	[tilespmem:v5+s29+$0x0] =	vst.idx.msk $0xffff, v4  }
0x6cc: {  	v4 =	vld.idx.msk [tilespmem:v6+s30+$0x0], $0xffff  }
0x6cd: {  	v6 =	vadd.s32 $0x1D, v1;
	_ =	sdelay $0x3  }
0x6ce: {  	[tilespmem:v5+s31+$0x0] =	vst.idx.msk $0xffff, v4  }
0x6cf: {  	v5 =	vadd.s32 v35, v2;
	v4 =	vld.idx.msk [tilespmem:v6+s28+$0x0], $0xffff  }
0x6d0: {  	v6 =	vadd.s32 $0x1D, v3;
	_ =	sdelay $0x3  }
0x6d1: {  	[tilespmem:v5+s29+$0x0] =	vst.idx.msk $0xffff, v4  }
0x6d2: {  	v4 =	vld.idx.msk [tilespmem:v6+s30+$0x0], $0xffff  }
0x6d3: {  	v6 =	vadd.s32 $0x1E, v1;
	_ =	sdelay $0x3  }
0x6d4: {  	[tilespmem:v5+s31+$0x0] =	vst.idx.msk $0xffff, v4  }
0x6d5: {  	v5 =	vadd.s32 v36, v2;
	v4 =	vld.idx.msk [tilespmem:v6+s28+$0x0], $0xffff  }
0x6d6: {  	v6 =	vadd.s32 $0x1E, v3;
	_ =	sdelay $0x3  }
0x6d7: {  	[tilespmem:v5+s29+$0x0] =	vst.idx.msk $0xffff, v4  }
0x6d8: {  	v4 =	vld.idx.msk [tilespmem:v6+s30+$0x0], $0xffff  }
0x6d9: {  	v6 =	vadd.s32 $0x1F, v1;
	_ =	sdelay $0x3  }
0x6da: {  	[tilespmem:v5+s31+$0x0] =	vst.idx.msk $0xffff, v4  }
0x6db: {  	v5 =	vadd.s32 v37, v2;
	v4 =	vld.idx.msk [tilespmem:v6+s28+$0x0], $0xffff  }
0x6dc: {  	v6 =	vadd.s32 $0x1F, v3;
	_ =	sdelay $0x3  }
0x6dd: {  	[tilespmem:v5+s29+$0x0] =	vst.idx.msk $0xffff, v4  }
0x6de: {  	v4 =	vld.idx.msk [tilespmem:v6+s30+$0x0], $0xffff  }
0x6df: {  	v6 =	vadd.s32 $0x20, v1;
	_ =	sdelay $0x3  }
0x6e0: {  	[tilespmem:v5+s31+$0x0] =	vst.idx.msk $0xffff, v4  }
0x6e1: {  	v5 =	vadd.s32 v38, v2;
	v4 =	vld.idx.msk [tilespmem:v6+s28+$0x0], $0xffff  }
0x6e2: {  	v6 =	vadd.s32 $0x20, v3;
	_ =	sdelay $0x3  }
0x6e3: {  	[tilespmem:v5+s29+$0x0] =	vst.idx.msk $0xffff, v4  }
0x6e4: {  	v4 =	vld.idx.msk [tilespmem:v6+s30+$0x0], $0xffff  }
0x6e5: {  	v6 =	vadd.s32 $0x21, v1;
	_ =	sdelay $0x3  }
0x6e6: {  	[tilespmem:v5+s31+$0x0] =	vst.idx.msk $0xffff, v4  }
0x6e7: {  	v5 =	vadd.s32 v39, v2;
	v4 =	vld.idx.msk [tilespmem:v6+s28+$0x0], $0xffff  }
0x6e8: {  	v6 =	vadd.s32 $0x21, v3;
	_ =	sdelay $0x3  }
0x6e9: {  	[tilespmem:v5+s29+$0x0] =	vst.idx.msk $0xffff, v4  }
0x6ea: {  	v4 =	vld.idx.msk [tilespmem:v6+s30+$0x0], $0xffff  }
0x6eb: {  	v6 =	vadd.s32 $0x22, v1;
	_ =	sdelay $0x3  }
0x6ec: {  	[tilespmem:v5+s31+$0x0] =	vst.idx.msk $0xffff, v4  }
0x6ed: {  	v5 =	vadd.s32 v40, v2;
	v4 =	vld.idx.msk [tilespmem:v6+s28+$0x0], $0xffff  }
0x6ee: {  	v6 =	vadd.s32 $0x22, v3;
	_ =	sdelay $0x3  }
0x6ef: {  	[tilespmem:v5+s29+$0x0] =	vst.idx.msk $0xffff, v4  }
0x6f0: {  	v4 =	vld.idx.msk [tilespmem:v6+s30+$0x0], $0xffff  }
0x6f1: {  	v6 =	vadd.s32 $0x23, v1;
	_ =	sdelay $0x3  }
0x6f2: {  	[tilespmem:v5+s31+$0x0] =	vst.idx.msk $0xffff, v4  }
0x6f3: {  	v5 =	vadd.s32 v41, v2;
	v4 =	vld.idx.msk [tilespmem:v6+s28+$0x0], $0xffff  }
0x6f4: {  	v6 =	vadd.s32 $0x23, v3;
	_ =	sdelay $0x3  }
0x6f5: {  	[tilespmem:v5+s29+$0x0] =	vst.idx.msk $0xffff, v4  }
0x6f6: {  	v4 =	vld.idx.msk [tilespmem:v6+s30+$0x0], $0xffff  }
0x6f7: {  	v6 =	vadd.s32 $0x24, v1;
	_ =	sdelay $0x3  }
0x6f8: {  	[tilespmem:v5+s31+$0x0] =	vst.idx.msk $0xffff, v4  }
0x6f9: {  	v5 =	vadd.s32 v42, v2;
	v4 =	vld.idx.msk [tilespmem:v6+s28+$0x0], $0xffff  }
0x6fa: {  	v6 =	vadd.s32 $0x24, v3;
	_ =	sdelay $0x3  }
0x6fb: {  	[tilespmem:v5+s29+$0x0] =	vst.idx.msk $0xffff, v4  }
0x6fc: {  	v4 =	vld.idx.msk [tilespmem:v6+s30+$0x0], $0xffff  }
0x6fd: {  	v6 =	vadd.s32 $0x25, v1;
	_ =	sdelay $0x3  }
0x6fe: {  	[tilespmem:v5+s31+$0x0] =	vst.idx.msk $0xffff, v4  }
0x6ff: {  	v5 =	vadd.s32 v44, v2;
	v4 =	vld.idx.msk [tilespmem:v6+s28+$0x0], $0xffff  }
0x700: {  	v6 =	vadd.s32 $0x25, v3;
	_ =	sdelay $0x3  }
0x701: {  	[tilespmem:v5+s29+$0x0] =	vst.idx.msk $0xffff, v4  }
0x702: {  	v4 =	vld.idx.msk [tilespmem:v6+s30+$0x0], $0xffff  }
0x703: {  	v6 =	vadd.s32 $0x26, v1;
	_ =	sdelay $0x3  }
0x704: {  	[tilespmem:v5+s31+$0x0] =	vst.idx.msk $0xffff, v4  }
0x705: {  	v5 =	vadd.s32 v43, v2;
	v4 =	vld.idx.msk [tilespmem:v6+s28+$0x0], $0xffff  }
0x706: {  	v6 =	vadd.s32 $0x26, v3;
	_ =	sdelay $0x3  }
0x707: {  	[tilespmem:v5+s29+$0x0] =	vst.idx.msk $0xffff, v4  }
0x708: {  	v4 =	vld.idx.msk [tilespmem:v6+s30+$0x0], $0xffff  }
0x709: {  	v6 =	vadd.s32 $0x27, v1;
	_ =	sdelay $0x3  }
0x70a: {  	[tilespmem:v5+s31+$0x0] =	vst.idx.msk $0xffff, v4  }
0x70b: {  	v5 =	vadd.s32 v45, v2;
	v4 =	vld.idx.msk [tilespmem:v6+s28+$0x0], $0xffff  }
0x70c: {  	v6 =	vadd.s32 $0x27, v3;
	_ =	sdelay $0x3  }
0x70d: {  	[tilespmem:v5+s29+$0x0] =	vst.idx.msk $0xffff, v4  }
0x70e: {  	v4 =	vld.idx.msk [tilespmem:v6+s30+$0x0], $0xffff  }
0x70f: {  	v6 =	vadd.s32 $0x28, v1;
	_ =	sdelay $0x3  }
0x710: {  	[tilespmem:v5+s31+$0x0] =	vst.idx.msk $0xffff, v4  }
0x711: {  	v5 =	vadd.s32 v46, v2;
	v4 =	vld.idx.msk [tilespmem:v6+s28+$0x0], $0xffff  }
0x712: {  	v6 =	vadd.s32 $0x28, v3;
	_ =	sdelay $0x3  }
0x713: {  	[tilespmem:v5+s29+$0x0] =	vst.idx.msk $0xffff, v4  }
0x714: {  	v4 =	vld.idx.msk [tilespmem:v6+s30+$0x0], $0xffff  }
0x715: {  	v6 =	vadd.s32 $0x29, v1;
	_ =	sdelay $0x3  }
0x716: {  	[tilespmem:v5+s31+$0x0] =	vst.idx.msk $0xffff, v4  }
0x717: {  	v5 =	vadd.s32 v48, v2;
	v4 =	vld.idx.msk [tilespmem:v6+s28+$0x0], $0xffff  }
0x718: {  	v6 =	vadd.s32 $0x29, v3;
	_ =	sdelay $0x3  }
0x719: {  	[tilespmem:v5+s29+$0x0] =	vst.idx.msk $0xffff, v4  }
0x71a: {  	v4 =	vld.idx.msk [tilespmem:v6+s30+$0x0], $0xffff  }
0x71b: {  	v6 =	vadd.s32 $0x2A, v1;
	_ =	sdelay $0x3  }
0x71c: {  	[tilespmem:v5+s31+$0x0] =	vst.idx.msk $0xffff, v4  }
0x71d: {  	v5 =	vadd.s32 v47, v2;
	v4 =	vld.idx.msk [tilespmem:v6+s28+$0x0], $0xffff  }
0x71e: {  	v6 =	vadd.s32 $0x2A, v3;
	_ =	sdelay $0x3  }
0x71f: {  	[tilespmem:v5+s29+$0x0] =	vst.idx.msk $0xffff, v4  }
0x720: {  	v4 =	vld.idx.msk [tilespmem:v6+s30+$0x0], $0xffff  }
0x721: {  	v6 =	vadd.s32 $0x2B, v1;
	_ =	sdelay $0x3  }
0x722: {  	[tilespmem:v5+s31+$0x0] =	vst.idx.msk $0xffff, v4  }
0x723: {  	v5 =	vadd.s32 v50, v2;
	v4 =	vld.idx.msk [tilespmem:v6+s28+$0x0], $0xffff  }
0x724: {  	v6 =	vadd.s32 $0x2B, v3;
	_ =	sdelay $0x3  }
0x725: {  	[tilespmem:v5+s29+$0x0] =	vst.idx.msk $0xffff, v4  }
0x726: {  	v4 =	vld.idx.msk [tilespmem:v6+s30+$0x0], $0xffff  }
0x727: {  	v6 =	vadd.s32 $0x2C, v1;
	_ =	sdelay $0x3  }
0x728: {  	[tilespmem:v5+s31+$0x0] =	vst.idx.msk $0xffff, v4  }
0x729: {  	v5 =	vadd.s32 v49, v2;
	v4 =	vld.idx.msk [tilespmem:v6+s28+$0x0], $0xffff  }
0x72a: {  	v6 =	vadd.s32 $0x2C, v3;
	_ =	sdelay $0x3  }
0x72b: {  	[tilespmem:v5+s29+$0x0] =	vst.idx.msk $0xffff, v4  }
0x72c: {  	v4 =	vld.idx.msk [tilespmem:v6+s30+$0x0], $0xffff  }
0x72d: {  	v6 =	vadd.s32 $0x2D, v1;
	_ =	sdelay $0x3  }
0x72e: {  	[tilespmem:v5+s31+$0x0] =	vst.idx.msk $0xffff, v4  }
0x72f: {  	v5 =	vadd.s32 v51, v2;
	v4 =	vld.idx.msk [tilespmem:v6+s28+$0x0], $0xffff  }
0x730: {  	v6 =	vadd.s32 $0x2D, v3;
	_ =	sdelay $0x3  }
0x731: {  	[tilespmem:v5+s29+$0x0] =	vst.idx.msk $0xffff, v4  }
0x732: {  	v4 =	vld.idx.msk [tilespmem:v6+s30+$0x0], $0xffff  }
0x733: {  	v6 =	vadd.s32 $0x2E, v1;
	_ =	sdelay $0x3  }
0x734: {  	[tilespmem:v5+s31+$0x0] =	vst.idx.msk $0xffff, v4  }
0x735: {  	v5 =	vadd.s32 v52, v2;
	v4 =	vld.idx.msk [tilespmem:v6+s28+$0x0], $0xffff  }
0x736: {  	v6 =	vadd.s32 $0x2E, v3;
	_ =	sdelay $0x3  }
0x737: {  	[tilespmem:v5+s29+$0x0] =	vst.idx.msk $0xffff, v4  }
0x738: {  	v4 =	vld.idx.msk [tilespmem:v6+s30+$0x0], $0xffff  }
0x739: {  	v6 =	vadd.s32 $0x2F, v1;
	_ =	sdelay $0x3  }
0x73a: {  	[tilespmem:v5+s31+$0x0] =	vst.idx.msk $0xffff, v4  }
0x73b: {  	v5 =	vadd.s32 v54, v2;
	v4 =	vld.idx.msk [tilespmem:v6+s28+$0x0], $0xffff  }
0x73c: {  	v6 =	vadd.s32 $0x2F, v3;
	_ =	sdelay $0x3  }
0x73d: {  	[tilespmem:v5+s29+$0x0] =	vst.idx.msk $0xffff, v4  }
0x73e: {  	v4 =	vld.idx.msk [tilespmem:v6+s30+$0x0], $0xffff  }
0x73f: {  	v6 =	vadd.s32 $0x30, v1;
	_ =	sdelay $0x3  }
0x740: {  	[tilespmem:v5+s31+$0x0] =	vst.idx.msk $0xffff, v4  }
0x741: {  	v5 =	vadd.s32 v53, v2;
	v4 =	vld.idx.msk [tilespmem:v6+s28+$0x0], $0xffff  }
0x742: {  	v6 =	vadd.s32 $0x30, v3;
	_ =	sdelay $0x3  }
0x743: {  	[tilespmem:v5+s29+$0x0] =	vst.idx.msk $0xffff, v4  }
0x744: {  	v4 =	vld.idx.msk [tilespmem:v6+s30+$0x0], $0xffff  }
0x745: {  	v6 =	vadd.s32 $0x31, v1;
	_ =	sdelay $0x3  }
0x746: {  	[tilespmem:v5+s31+$0x0] =	vst.idx.msk $0xffff, v4  }
0x747: {  	v5 =	vadd.s32 v56, v2;
	v4 =	vld.idx.msk [tilespmem:v6+s28+$0x0], $0xffff  }
0x748: {  	v6 =	vadd.s32 $0x31, v3;
	_ =	sdelay $0x3  }
0x749: {  	[tilespmem:v5+s29+$0x0] =	vst.idx.msk $0xffff, v4  }
0x74a: {  	v4 =	vld.idx.msk [tilespmem:v6+s30+$0x0], $0xffff  }
0x74b: {  	v6 =	vadd.s32 $0x32, v1;
	_ =	sdelay $0x3  }
0x74c: {  	[tilespmem:v5+s31+$0x0] =	vst.idx.msk $0xffff, v4  }
0x74d: {  	v5 =	vadd.s32 v55, v2;
	v4 =	vld.idx.msk [tilespmem:v6+s28+$0x0], $0xffff  }
0x74e: {  	v6 =	vadd.s32 $0x32, v3;
	_ =	sdelay $0x3  }
0x74f: {  	[tilespmem:v5+s29+$0x0] =	vst.idx.msk $0xffff, v4  }
0x750: {  	v4 =	vld.idx.msk [tilespmem:v6+s30+$0x0], $0xffff  }
0x751: {  	v6 =	vadd.s32 $0x33, v1;
	_ =	sdelay $0x3  }
0x752: {  	[tilespmem:v5+s31+$0x0] =	vst.idx.msk $0xffff, v4  }
0x753: {  	v5 =	vadd.s32 v57, v2;
	v4 =	vld.idx.msk [tilespmem:v6+s28+$0x0], $0xffff  }
0x754: {  	v6 =	vadd.s32 $0x33, v3;
	_ =	sdelay $0x3  }
0x755: {  	[tilespmem:v5+s29+$0x0] =	vst.idx.msk $0xffff, v4  }
0x756: {  	v4 =	vld.idx.msk [tilespmem:v6+s30+$0x0], $0xffff  }
0x757: {  	v6 =	vadd.s32 $0x34, v1;
	_ =	sdelay $0x3  }
0x758: {  	[tilespmem:v5+s31+$0x0] =	vst.idx.msk $0xffff, v4  }
0x759: {  	v5 =	vadd.s32 v58, v2;
	v4 =	vld.idx.msk [tilespmem:v6+s28+$0x0], $0xffff  }
0x75a: {  	v6 =	vadd.s32 $0x34, v3;
	_ =	sdelay $0x3  }
0x75b: {  	[tilespmem:v5+s29+$0x0] =	vst.idx.msk $0xffff, v4  }
0x75c: {  	v4 =	vld.idx.msk [tilespmem:v6+s30+$0x0], $0xffff  }
0x75d: {  	v6 =	vadd.s32 $0x35, v1;
	_ =	sdelay $0x3  }
0x75e: {  	[tilespmem:v5+s31+$0x0] =	vst.idx.msk $0xffff, v4  }
0x75f: {  	v5 =	vadd.s32 v60, v2;
	v4 =	vld.idx.msk [tilespmem:v6+s28+$0x0], $0xffff  }
0x760: {  	v6 =	vadd.s32 $0x35, v3;
	_ =	sdelay $0x3  }
0x761: {  	[tilespmem:v5+s29+$0x0] =	vst.idx.msk $0xffff, v4  }
0x762: {  	v4 =	vld.idx.msk [tilespmem:v6+s30+$0x0], $0xffff  }
0x763: {  	v6 =	vadd.s32 $0x36, v1;
	_ =	sdelay $0x3  }
0x764: {  	[tilespmem:v5+s31+$0x0] =	vst.idx.msk $0xffff, v4  }
0x765: {  	v5 =	vadd.s32 v59, v2;
	v4 =	vld.idx.msk [tilespmem:v6+s28+$0x0], $0xffff  }
0x766: {  	v6 =	vadd.s32 $0x36, v3;
	_ =	sdelay $0x3  }
0x767: {  	[tilespmem:v5+s29+$0x0] =	vst.idx.msk $0xffff, v4  }
0x768: {  	v4 =	vld.idx.msk [tilespmem:v6+s30+$0x0], $0xffff  }
0x769: {  	v6 =	vadd.s32 $0x37, v1;
	_ =	sdelay $0x3  }
0x76a: {  	[tilespmem:v5+s31+$0x0] =	vst.idx.msk $0xffff, v4  }
0x76b: {  	v5 =	vadd.s32 v62, v2;
	v4 =	vld.idx.msk [tilespmem:v6+s28+$0x0], $0xffff  }
0x76c: {  	v6 =	vadd.s32 $0x37, v3;
	_ =	sdelay $0x3  }
0x76d: {  	[tilespmem:v5+s29+$0x0] =	vst.idx.msk $0xffff, v4  }
0x76e: {  	v4 =	vld.idx.msk [tilespmem:v6+s30+$0x0], $0xffff  }
0x76f: {  	v6 =	vadd.s32 $0x38, v1;
	_ =	sdelay $0x3  }
0x770: {  	[tilespmem:v5+s31+$0x0] =	vst.idx.msk $0xffff, v4  }
0x771: {  	v5 =	vadd.s32 v61, v2;
	v4 =	vld.idx.msk [tilespmem:v6+s28+$0x0], $0xffff  }
0x772: {  	v6 =	vadd.s32 $0x38, v3;
	_ =	sdelay $0x3  }
0x773: {  	[tilespmem:v5+s29+$0x0] =	vst.idx.msk $0xffff, v4  }
0x774: {  	v4 =	vld.idx.msk [tilespmem:v6+s30+$0x0], $0xffff  }
0x775: {  	v6 =	vadd.s32 $0x39, v1;
	_ =	sdelay $0x3  }
0x776: {  	[tilespmem:v5+s31+$0x0] =	vst.idx.msk $0xffff, v4  }
0x777: {  	v5 =	vadd.s32 v63, v2;
	v4 =	vld.idx.msk [tilespmem:v6+s28+$0x0], $0xffff  }
0x778: {  	v6 =	vadd.s32 $0x39, v3;
	_ =	sdelay $0x3  }
0x779: {  	[tilespmem:v5+s29+$0x0] =	vst.idx.msk $0xffff, v4  }
0x77a: {  	v4 =	vld.idx.msk [tilespmem:v6+s30+$0x0], $0xffff  }
0x77b: {  	v6 =	vadd.s32 $0x3A, v1;
	_ =	sdelay $0x3  }
0x77c: {  	[tilespmem:v5+s31+$0x0] =	vst.idx.msk $0xffff, v4  }
0x77d: {  	v5 =	vadd.s32 v7, v2;
	v4 =	vld.idx.msk [tilespmem:v6+s28+$0x0], $0xffff  }
0x77e: {  	v6 =	vadd.s32 $0x3A, v3;
	_ =	sdelay $0x3  }
0x77f: {  	[tilespmem:v5+s29+$0x0] =	vst.idx.msk $0xffff, v4  }
0x780: {  	v4 =	vld.idx.msk [tilespmem:v6+s30+$0x0], $0xffff  }
0x781: {  	v6 =	vadd.s32 $0x3B, v1;
	_ =	sdelay $0x3  }
0x782: {  	[tilespmem:v5+s31+$0x0] =	vst.idx.msk $0xffff, v4  }
0x783: {  	v5 =	vadd.s32 v9, v2;
	v4 =	vld.idx.msk [tilespmem:v6+s28+$0x0], $0xffff  }
0x784: {  	v6 =	vadd.s32 $0x3B, v3;
	_ =	sdelay $0x3  }
0x785: {  	[tilespmem:v5+s29+$0x0] =	vst.idx.msk $0xffff, v4  }
0x786: {  	v4 =	vld.idx.msk [tilespmem:v6+s30+$0x0], $0xffff  }
0x787: {  	v6 =	vadd.s32 $0x3C, v1;
	_ =	sdelay $0x3  }
0x788: {  	[tilespmem:v5+s31+$0x0] =	vst.idx.msk $0xffff, v4  }
0x789: {  	v5 =	vadd.s32 v8, v2;
	v4 =	vld.idx.msk [tilespmem:v6+s28+$0x0], $0xffff  }
0x78a: {  	v6 =	vadd.s32 $0x3C, v3;
	_ =	sdelay $0x3  }
0x78b: {  	[tilespmem:v5+s29+$0x0] =	vst.idx.msk $0xffff, v4  }
0x78c: {  	v4 =	vld.idx.msk [tilespmem:v6+s30+$0x0], $0xffff  }
0x78d: {  	v6 =	vadd.s32 $0x3D, v1;
	_ =	sdelay $0x3  }
0x78e: {  	[tilespmem:v5+s31+$0x0] =	vst.idx.msk $0xffff, v4  }
0x78f: {  	v5 =	vadd.s32 v11, v2;
	v4 =	vld.idx.msk [tilespmem:v6+s28+$0x0], $0xffff  }
0x790: {  	v6 =	vadd.s32 $0x3D, v3;
	_ =	sdelay $0x3  }
0x791: {  	[tilespmem:v5+s29+$0x0] =	vst.idx.msk $0xffff, v4  }
0x792: {  	v4 =	vld.idx.msk [tilespmem:v6+s30+$0x0], $0xffff  }
0x793: {  	v6 =	vadd.s32 $0x3E, v1;
	_ =	sdelay $0x3  }
0x794: {  	[tilespmem:v5+s31+$0x0] =	vst.idx.msk $0xffff, v4  }
0x795: {  	v5 =	vadd.s32 v10, v2;
	v4 =	vld.idx.msk [tilespmem:v6+s28+$0x0], $0xffff  }
0x796: {  	v6 =	vadd.s32 $0x3E, v3;
	_ =	sdelay $0x3  }
0x797: {  	[tilespmem:v5+s29+$0x0] =	vst.idx.msk $0xffff, v4  }
0x798: {  	v4 =	vld.idx.msk [tilespmem:v6+s30+$0x0], $0xffff  }
0x799: {  	v1 =	vadd.s32 $0x3F, v1;
	_ =	sdelay $0x3  }
0x79a: {  	[tilespmem:v5+s31+$0x0] =	vst.idx.msk $0xffff, v4  }
0x79b: {  	v2 =	vadd.s32 v12, v2;
	v1 =	vld.idx.msk [tilespmem:v1+s28+$0x0], $0xffff  }
0x79c: {  	v3 =	vadd.s32 $0x3F, v3;
	_ =	sdelay $0x3  }
0x79d: {  	[tilespmem:v2+s29+$0x0] =	vst.idx.msk $0xffff, v1  }
0x79e: {  	p1 =	sne.s32 s8, $0x70;
	v1 =	vld.idx.msk [tilespmem:v3+s30+$0x0], $0xffff  }
.Ltmp11:
0x79f: {  	_ = 	snop;
	(pc) =	sbr.rel @p1 .LBB2_24-.Ltmp11, $2  }
0x7a0: {  	_ =	sdelay $0x2  }
0x7a1: {  	s9 =	sadd.s32 $0x10, s9;
	s10 =	sadd.s32 $0x10, s10;
	s8 =	sadd.s32 $0x10, s8;
	[tilespmem:v2+s31+$0x0] =	vst.idx.msk $0xffff, v1  }
0x7a2: {  	_ =	swait.ge [sflag:s2], $0x2000  }
0x7a3: {  	s8 =	simm.s32 $0x2600;
	s9 =	simm.s32 $0x20;
	[sflag:s2] =	ssyncset.done $0x0  }
0x7a4: {  	s13 =	sadd.s32 $0x0, s20;
	s10 =	simm.s32 $0x2648;
	[sflag:s2] =	ssyncadd.s32 $0xFFFFE000  }
0x7a5: {  	[hbm4b:s19+s0] =	stream.strided.scatter [tilespmem:s26], [sflag:$0x1], $0x2000, s6, s0, $0x38;
	[tilespmem:$0x1B490] =	vst v63  }
.LBB2_26:
0x7a6: {  	[hbm4b:s13+s4] =	stream.linear.scatter [tilespmem:s8], [sflag:$0x1], $0x40, $0x38;
	[tilespmem:$0x1B490] =	vst v63  }
0x7a7: {  	s13 =	smov.u32 s9;
	s8 =	smov.u32 s10;
	p1 =	sne.s32 s9, $0xFE0  }
.Ltmp12:
0x7a8: {  	s9 =	sadd.s32 $0x20, s9;
	(pc) =	sbr.rel @p1 .LBB2_26-.Ltmp12, $2  }
0x7a9: {  	_ =	sdelay $0x2  }
0x7aa: {  	s10 =	sadd.s32 $0x48, s10;
	s13 =	sadd.s32 s13, s20  }
0x7ab: {  	[hbm4b:s13+s4] =	stream.linear.scatter [tilespmem:s8], [sflag:$0x1], $0x40, $0x38;
	[tilespmem:$0x1B490] =	vst v63  }
0x7ac: {  	s8 =	simm.s32 $0x4A00  }
0x7ad: {  	s9 =	simm.s32 $0x20;
	s13 =	sadd.s32 $0x0, s21;
	s10 =	simm.s32 $0x4A48  }
.LBB2_28:
0x7ae: {  	[hbm4b:s13+s4] =	stream.linear.scatter [tilespmem:s8], [sflag:$0x1], $0x40, $0x38;
	[tilespmem:$0x1B490] =	vst v63  }
0x7af: {  	s13 =	smov.u32 s9;
	s8 =	smov.u32 s10;
	p1 =	sne.s32 s9, $0xFE0  }
.Ltmp13:
0x7b0: {  	s9 =	sadd.s32 $0x20, s9;
	(pc) =	sbr.rel @p1 .LBB2_28-.Ltmp13, $2  }
0x7b1: {  	_ =	sdelay $0x2  }
0x7b2: {  	s10 =	sadd.s32 $0x48, s10;
	s13 =	sadd.s32 s13, s21  }
0x7b3: {  	[hbm4b:s13+s4] =	stream.linear.scatter [tilespmem:s8], [sflag:$0x1], $0x40, $0x38;
	[tilespmem:$0x1B490] =	vst v63  }
0x7b4: {  	_ =	swait.ge [sflag:s2], $0x2000  }
0x7b5: {  	[sflag:s2] =	ssyncset.done $0x0  }
0x7b6: {  	s7 =	sadd.s32 $0x1, s7;
	[sflag:s2] =	ssyncadd.s32 $0xFFFFE000  }
0x7b7: {  	p1 =	sne.s32 s7, s22;
	_ =	swait.ge [sflag:s2], $0x2000  }
.Ltmp14:
0x7b8: {  	[sflag:s2] =	ssyncset.done $0x0;
	(pc) =	sbr.rel @p1 .LBB2_1-.Ltmp14, $4  }
0x7b9: {  	[sflag:s2] =	ssyncadd.s32 $0xFFFFE000  }
0x7ba: {  	_ =	swait.ge [sflag:s2], $0x2000  }
0x7bb: {  	[sflag:s2] =	ssyncset.done $0x0  }
0x7bc: {  	[sflag:s2] =	ssyncadd.s32 $0xFFFFE000  }
0x7bd: {  	_ =	sfence.sel $0x180000  }
0x7be: {  	[bflag:$0x0] =	sbarrier.arrive $0xFFFF  }
0x7bf: {  	_ =	strace $0x90000047  }
0x7c0: {  	[bflag:$0x2] =	sbarrier.arrive $0xFFFF  }
0x7c1: {  	s0 =	rddreg [dreg:$0x7]  }
0x7c2: {  	s0 =	sadd.s32 @!p0 $0x100000, s0  }
0x7c3: {  	[sflag:s0] =	ssyncadd.tile.s32 @!p0 $0x1;
	_ =	shalt  }
.Lfunc_end2:
_tile_overlayer_lowered:
.L_overlay_start_2:
0x7c4: {  	(tag) =	ssettag $0x2  }
0x7c5: {  	s0 =	rddreg [dreg:$0x0];
	s2 =	stileid.u32  }
0x7c6: {  	s1 =	rddreg [dreg:$0x1];
	p0 =	sne.s32 s2, $0x0  }
0x7c7: {  	s3 =	rddreg [dreg:$0x2];
	[bflag:$0x3] =	sbarrier.arrive $0xFFFF;
	s2 =	simm.s32 @!p0 $0x1C02  }
0x7c8: {  	[timem:s3], [sflag:s2] =	dma.local @!p0 [hbm:s0], s1  }
0x7c9: {  	s0 =	simm.s32 @!p0 $0x2  }
0x7ca: {  	_ =	swait.ge @!p0 [sflag:s0], s1  }
0x7cb: {  	s1 =	ssub.s32 @!p0 $0x0, s1;
	[sflag:s0] =	ssyncset.done @!p0 $0x0  }
0x7cc: {  	[sflag:s0] =	ssyncadd.s32 @!p0 s1  }
0x7cd: {  	[bflag:$0x3] =	sbarrier.arrive $0xFFFF  }
0x7ce: {  	_ =	shalt  }

</sc_bundles>
